<compile_context>
chip_gen: v7x
topology: tpu7x:2x2x1
jax: 0.10.2.dev20260603
libtpu: 0.0.44.dev20260713+nightly
codegen_flags: <defaults>
</compile_context>

<pallas_src>
import functools

import jax
import jax.numpy as jnp
from jax import lax
from jax.experimental import pallas as pl
from jax.experimental.pallas import tpu as pltpu
from jax.experimental.pallas import tpu_sc as plsc

_NC = 2
_NS = 16
_NW = _NC * _NS

_B = 1024
_L = 50
_M = 4
_D = 128
_NB = _B // _NW
_C8 = _D // 16
_LV = 4


def _softmax_l(vs, lane):
    neg = jnp.float32(-1e30)
    masked = []
    for k, v in enumerate(vs):
        n = _L - 16 * k
        if n >= 16:
            masked.append(v)
        else:
            masked.append(jnp.where(lane < n, v, jnp.full((16,), neg)))
    mx = masked[0]
    for v in masked[1:]:
        mx = jnp.maximum(mx, v)
    mb = jnp.full((16,), jnp.max(mx))
    es = [jnp.exp(v - mb) for v in masked]
    tot = es[0]
    for e in es[1:]:
        tot = tot + e
    sb = jnp.full((16,), jnp.sum(tot))
    inv = jnp.full((16,), jnp.float32(1.0)) / sb
    return [e * inv for e in es]


def _body(idx_hbm, c1_hbm, c2_hbm, c3_hbm, out_hbm,
          idx_v, e1_0, e1_1, e2_0, e2_1, e3_0, e3_1,
          prob_v, outbuf,
          s1, s2, s3):
    wid = lax.axis_index("s") * _NC + lax.axis_index("c")
    lane = lax.iota(jnp.int32, 16)
    zero = jnp.zeros((16,), jnp.float32)

    pltpu.sync_copy(idx_hbm.at[pl.ds(wid * (_M * _NB), _M * _NB)], idx_v)

    def start(tab, i, m, dst, sem, add):
        pltpu.async_copy(tab.at[idx_v.at[_M * i + m]], dst, sem, add=add)

    def wait(tab, dst, sem, times=1):
        for _ in range(times):
            pltpu.make_async_copy(tab.at[idx_v.at[0]], dst, sem).wait()

    def start_m0(i, b1, b2, b3):
        start(c1_hbm, i, 0, b1, s1, False)
        start(c2_hbm, i, 0, b2, s2, False)
        start(c3_hbm, i, 0, b3, s3, False)

    def start_madd(i, b1, b2, b3):
        for m in range(1, _M):
            start(c1_hbm, i, m, b1, s1, True)
            start(c2_hbm, i, m, b2, s2, True)
            start(c3_hbm, i, m, b3, s3, True)

    def wait3(b1, b2, b3, times=1):
        wait(c1_hbm, b1, s1, times)
        wait(c2_hbm, b2, s2, times)
        wait(c3_hbm, b3, s3, times)

    def row_sum(ebuf):
        def body(l, acc):
            return tuple(acc[c] + ebuf[l, pl.ds(16 * c, 16)]
                         for c in range(_C8))
        return lax.fori_loop(0, _L, body, (zero,) * _C8, unroll=4)

    def logits(ebuf, u):
        lks = [lane + 16 * k for k in range(_LV)]

        def body(l, acc):
            dot = ebuf[l, pl.ds(0, 16)] * u[0]
            for c in range(1, _C8):
                dot = dot + ebuf[l, pl.ds(16 * c, 16)] * u[c]
            sb = jnp.full((16,), jnp.sum(dot))
            lb = jnp.full((16,), l, jnp.int32)
            return tuple(jnp.where(lks[k] == lb, sb, acc[k])
                         for k in range(_LV))
        return lax.fori_loop(0, _L, body, (zero,) * _LV, unroll=2)

    def weighted(ebuf):
        def body(l, carry):
            acc, pb = carry[:_C8], carry[_C8]
            pnext = jnp.full((16,), prob_v[pl.ds(l + 1, 16)][0])
            out = [acc[c] + ebuf[l, pl.ds(16 * c, 16)] * pb
                   for c in range(_C8)]
            return tuple(out) + (pnext,)
        p0 = jnp.full((16,), prob_v[pl.ds(0, 16)][0])
        res = lax.fori_loop(0, _L, body, (zero,) * _C8 + (p0,), unroll=4)
        return res[:_C8]

    start_m0(0, e1_0, e2_0, e3_0)
    wait3(e1_0, e2_0, e3_0)
    start_madd(0, e1_0, e2_0, e3_0)

    def one_batch(i, ea1, ea2, ea3, eb1, eb2, eb3, fill_pred):
        def guarded(fn):
            if fill_pred is True:
                fn()
            else:
                pl.when(fill_pred)(fn)

        wait3(ea1, ea2, ea3, times=_M - 1)
        guarded(lambda: start_m0(i + 1, eb1, eb2, eb3))

        u_acc = row_sum(ea1)
        u1 = [a * jnp.float32(1.0 / _L) for a in u_acc]

        p1 = _softmax_l(logits(ea1, u1), lane)
        for k in range(_LV):
            prob_v[pl.ds(16 * k, 16)] = p1[k]

        guarded(lambda: wait3(eb1, eb2, eb3))
        guarded(lambda: start_madd(i + 1, eb1, eb2, eb3))

        o1 = weighted(ea2)
        u2 = [u1[c] + o1[c] for c in range(_C8)]

        p2 = _softmax_l(logits(ea2, u2), lane)
        for k in range(_LV):
            prob_v[pl.ds(16 * k, 16)] = p2[k]

        o2 = weighted(ea3)
        for c in range(_C8):
            outbuf[i, pl.ds(16 * c, 16)] = u2[c] + o2[c]

    def pair(j, carry):
        one_batch(2 * j, e1_0, e2_0, e3_0, e1_1, e2_1, e3_1, True)
        one_batch(2 * j + 1, e1_1, e2_1, e3_1, e1_0, e2_0, e3_0,
                  j < (_NB // 2 - 1))
        return carry

    lax.fori_loop(0, _NB // 2, pair, 0)
    pltpu.sync_copy(outbuf, out_hbm.at[pl.ds(wid * _NB, _NB)])


_run = functools.partial(
    pl.kernel,
    mesh=plsc.VectorSubcoreMesh(core_axis_name="c", subcore_axis_name="s"),
    out_type=jax.ShapeDtypeStruct((_B, _D), jnp.float32),
    compiler_params=pltpu.CompilerParams(needs_layout_passes=False),
    scratch_types=[
        pltpu.VMEM((_M * _NB, _L), jnp.int32),
        pltpu.VMEM((_L, _D), jnp.float32),
        pltpu.VMEM((_L, _D), jnp.float32),
        pltpu.VMEM((_L, _D), jnp.float32),
        pltpu.VMEM((_L, _D), jnp.float32),
        pltpu.VMEM((_L, _D), jnp.float32),
        pltpu.VMEM((_L, _D), jnp.float32),
        pltpu.VMEM((16 * _LV + 16,), jnp.float32),
        pltpu.VMEM((_NB, _D), jnp.float32),
        pltpu.SemaphoreType.DMA,
        pltpu.SemaphoreType.DMA,
        pltpu.SemaphoreType.DMA,
    ],
)(_body)


def kernel(story, C0, C1, C2, C3):
    del C0
    idx = jnp.transpose(story, (1, 2, 0)).reshape(_B * _M, _L)
    return _run(idx, C1, C2, C3)

# --- scband reference (transcript-rebuilt; emitter-appended) ---
"""Pipeline reference for scband-mem2-seq-42709154791870 (READ-ONLY COPY).

The authoritative reference and input builder live on the scoring server;
editing this copy changes nothing except your own understanding.
"""

import jax, jax.numpy as jnp
import numpy as np

VOCAB = 100000
D = 128
L = 50
B = 1024
M = 4
HOPS = 3


def setup_inputs(seed: int = 0) -> dict:
    key = jax.random.key(seed)
    ks = jax.random.split(key, 5)
    story = jax.random.randint(ks[0], (L, B, M), 0, VOCAB, dtype=jnp.int32)
    inp = {"story": story}
    for i in range(HOPS + 1):
        t = 0.1 * jax.random.normal(ks[i + 1], (VOCAB, D), dtype=jnp.float32)
        t = t.at[0].set(0.0)  # padding_idx=0
        inp["C{}".format(i)] = t
    return inp


def reference(story, C0, C1, C2, C3):
    # Faithful port of EncoderMemNN.forward (eval mode, unk_mask=False).
    Cs = [C0, C1, C2, C3]
    s = jnp.transpose(story, (1, 0, 2))  # [B, L, M]
    bsz = s.shape[0]
    u = jnp.zeros((bsz, Cs[0].shape[1]), dtype=jnp.float32)
    for hop in range(HOPS):
        # embedding lookup over flattened story tokens, then bag-sum over M
        embed_A = jnp.take(Cs[hop], s, axis=0)          # [B, L, M, D]
        m_A = jnp.sum(embed_A, axis=2)                  # [B, L, D]
        logits = jnp.sum(m_A * u[:, None, :], axis=2)   # [B, L]
        prob = jax.nn.softmax(logits, axis=1)           # softmax over memory slots
        embed_C = jnp.take(Cs[hop + 1], s, axis=0)      # [B, L, M, D]
        m_C = jnp.sum(embed_C, axis=2)                  # [B, L, D]
        o_k = jnp.sum(m_C * prob[:, :, None], axis=1)   # [B, D]
        u = u + o_k
    return u

if __name__ == "__main__":
    import jax
    _d = setup_inputs()
    print(jax.jit(kernel)(*tuple(_d.values())))

</pallas_src>

<mosaic_0001>
#map = affine_map<(d0, d1) -> (0, 0)>
module attributes {stable_mosaic.version = 14 : i64} {
  func.func @_body(%arg0: i32, %arg1: i32, %arg2: memref<4096x50xi32, #tpu.memory_space<hbm>>, %arg3: memref<100000x128xf32, #tpu.memory_space<hbm>>, %arg4: memref<100000x128xf32, #tpu.memory_space<hbm>>, %arg5: memref<100000x128xf32, #tpu.memory_space<hbm>>, %arg6: memref<1024x128xf32, #tpu.memory_space<hbm>>, %arg7: memref<128x50xi32, #tpu.memory_space<vmem>>, %arg8: memref<50x128xf32, #tpu.memory_space<vmem>>, %arg9: memref<50x128xf32, #tpu.memory_space<vmem>>, %arg10: memref<50x128xf32, #tpu.memory_space<vmem>>, %arg11: memref<50x128xf32, #tpu.memory_space<vmem>>, %arg12: memref<50x128xf32, #tpu.memory_space<vmem>>, %arg13: memref<50x128xf32, #tpu.memory_space<vmem>>, %arg14: memref<80xf32, #tpu.memory_space<vmem>>, %arg15: memref<32x128xf32, #tpu.memory_space<vmem>>, %arg16: memref<!tpu.dma_semaphore, #tpu.memory_space<semaphore_mem>>, %arg17: memref<!tpu.dma_semaphore, #tpu.memory_space<semaphore_mem>>, %arg18: memref<!tpu.dma_semaphore, #tpu.memory_space<semaphore_mem>>) attributes {dimension_semantics = [#tpu.dimension_semantics<core_parallel>, #tpu.dimension_semantics<subcore_parallel>], iteration_bounds = array<i64: 2, 16>, scalar_prefetch = 0 : i64, scratch_operands = 12 : i64, tpu.core_type = #tpu.core_type<sc_vector_subcore>, window_params = [{transform_indices = #map}, {transform_indices = #map}, {transform_indices = #map}, {transform_indices = #map}, {transform_indices = #map}]} {
    %mul3A = arith.constant 2 : i32
    %mul3A_0 = arith.muli %arg1, %mul3A : i32
    %add3A = arith.addi %mul3A_0, %arg0 : i32
    %iota3A = tpu.iota {dimensions = array<i32: 0>} : vector<16xi32>
    %broadcast_in_dim3A = arith.constant 0.000000e+00 : f32
    %broadcast_in_dim3A_1 = vector.broadcast %broadcast_in_dim3A : f32 to vector<16xf32>
    %mul3A_2 = arith.constant 128 : i32
    %mul3A_3 = arith.muli %add3A, %mul3A_2 : i32
    "tpu.region"() ({
      %run_scoped3A = tpu.sem_alloc : memref<!tpu.dma_semaphore, #tpu.memory_space<semaphore_mem>>
      %dma_start3A_114 = arith.constant 0 : i32
      %dma_start3A_115 = tpu.memref_slice %arg2[%mul3A_3, %dma_start3A_114] : memref<4096x50xi32, #tpu.memory_space<hbm>> -> memref<128x50xi32, #tpu.memory_space<hbm>>
      %dma_start3A_116 = arith.constant 0 : i32
      %dma_start3A_117 = tpu.memref_slice %arg2[%mul3A_3, %dma_start3A_116] : memref<4096x50xi32, #tpu.memory_space<hbm>> -> memref<128x50xi32, #tpu.memory_space<hbm>>
      tpu.enqueue_dma source(%dma_start3A_117 : memref<128x50xi32, #tpu.memory_space<hbm>>) target(%arg7 : memref<128x50xi32, #tpu.memory_space<vmem>>) target_semaphore(%run_scoped3A : memref<!tpu.dma_semaphore, #tpu.memory_space<semaphore_mem>>)
      %dma_wait3A_118 = arith.constant 0 : i32
      %dma_wait3A_119 = tpu.memref_slice %arg2[%mul3A_3, %dma_wait3A_118] : memref<4096x50xi32, #tpu.memory_space<hbm>> -> memref<128x50xi32, #tpu.memory_space<hbm>>
      %dma_wait3A_120 = arith.constant 0 : i32
      %dma_wait3A_121 = tpu.memref_slice %arg2[%mul3A_3, %dma_wait3A_120] : memref<4096x50xi32, #tpu.memory_space<hbm>> -> memref<128x50xi32, #tpu.memory_space<hbm>>
      tpu.wait_dma2 semaphore(%run_scoped3A : memref<!tpu.dma_semaphore, #tpu.memory_space<semaphore_mem>>) src(%dma_wait3A_121 : memref<128x50xi32, #tpu.memory_space<hbm>>) dst(%arg7 : memref<128x50xi32, #tpu.memory_space<vmem>>)
      tpu.yield
    }) : () -> ()
    %dma_start3A = arith.constant 0 : i32
    %dma_start3A_4 = arith.constant 0 : i32
    %dma_start3A_5 = tpu.memref_slice %arg7[%dma_start3A, %dma_start3A_4] : memref<128x50xi32, #tpu.memory_space<vmem>> -> memref<1x50xi32, #tpu.memory_space<vmem>>
    %dma_start3A_6 = tpu.memref_squeeze %dma_start3A_5 : memref<1x50xi32, #tpu.memory_space<vmem>> -> memref<50xi32, #tpu.memory_space<vmem>>
    %dma_start3A_7 = arith.constant 0 : i32
    %dma_start3A_8 = arith.constant 0 : i32
    %dma_start3A_9 = tpu.memref_slice %arg3[%dma_start3A_7, %dma_start3A_8] : memref<100000x128xf32, #tpu.memory_space<hbm>> -> memref<100000x128xf32, #tpu.memory_space<hbm>>
    tpu.enqueue_indirect_dma source(%dma_start3A_9 : memref<100000x128xf32, #tpu.memory_space<hbm>>) target(%arg8 : memref<50x128xf32, #tpu.memory_space<vmem>>) offsets(%dma_start3A_6 : memref<50xi32, #tpu.memory_space<vmem>>) semaphore(%arg16 : memref<!tpu.dma_semaphore, #tpu.memory_space<semaphore_mem>>)
    %dma_start3A_10 = arith.constant 0 : i32
    %dma_start3A_11 = arith.constant 0 : i32
    %dma_start3A_12 = tpu.memref_slice %arg7[%dma_start3A_10, %dma_start3A_11] : memref<128x50xi32, #tpu.memory_space<vmem>> -> memref<1x50xi32, #tpu.memory_space<vmem>>
    %dma_start3A_13 = tpu.memref_squeeze %dma_start3A_12 : memref<1x50xi32, #tpu.memory_space<vmem>> -> memref<50xi32, #tpu.memory_space<vmem>>
    %dma_start3A_14 = arith.constant 0 : i32
    %dma_start3A_15 = arith.constant 0 : i32
    %dma_start3A_16 = tpu.memref_slice %arg4[%dma_start3A_14, %dma_start3A_15] : memref<100000x128xf32, #tpu.memory_space<hbm>> -> memref<100000x128xf32, #tpu.memory_space<hbm>>
    tpu.enqueue_indirect_dma source(%dma_start3A_16 : memref<100000x128xf32, #tpu.memory_space<hbm>>) target(%arg10 : memref<50x128xf32, #tpu.memory_space<vmem>>) offsets(%dma_start3A_13 : memref<50xi32, #tpu.memory_space<vmem>>) semaphore(%arg17 : memref<!tpu.dma_semaphore, #tpu.memory_space<semaphore_mem>>)
    %dma_start3A_17 = arith.constant 0 : i32
    %dma_start3A_18 = arith.constant 0 : i32
    %dma_start3A_19 = tpu.memref_slice %arg7[%dma_start3A_17, %dma_start3A_18] : memref<128x50xi32, #tpu.memory_space<vmem>> -> memref<1x50xi32, #tpu.memory_space<vmem>>
    %dma_start3A_20 = tpu.memref_squeeze %dma_start3A_19 : memref<1x50xi32, #tpu.memory_space<vmem>> -> memref<50xi32, #tpu.memory_space<vmem>>
    %dma_start3A_21 = arith.constant 0 : i32
    %dma_start3A_22 = arith.constant 0 : i32
    %dma_start3A_23 = tpu.memref_slice %arg5[%dma_start3A_21, %dma_start3A_22] : memref<100000x128xf32, #tpu.memory_space<hbm>> -> memref<100000x128xf32, #tpu.memory_space<hbm>>
    tpu.enqueue_indirect_dma source(%dma_start3A_23 : memref<100000x128xf32, #tpu.memory_space<hbm>>) target(%arg12 : memref<50x128xf32, #tpu.memory_space<vmem>>) offsets(%dma_start3A_20 : memref<50xi32, #tpu.memory_space<vmem>>) semaphore(%arg18 : memref<!tpu.dma_semaphore, #tpu.memory_space<semaphore_mem>>)
    %dma_wait3A = arith.constant 0 : i32
    %dma_wait3A_24 = arith.constant 0 : i32
    %dma_wait3A_25 = tpu.memref_slice %arg7[%dma_wait3A, %dma_wait3A_24] : memref<128x50xi32, #tpu.memory_space<vmem>> -> memref<1x50xi32, #tpu.memory_space<vmem>>
    %dma_wait3A_26 = tpu.memref_squeeze %dma_wait3A_25 : memref<1x50xi32, #tpu.memory_space<vmem>> -> memref<50xi32, #tpu.memory_space<vmem>>
    %dma_wait3A_27 = arith.constant 0 : i32
    %dma_wait3A_28 = arith.constant 0 : i32
    %dma_wait3A_29 = tpu.memref_slice %arg3[%dma_wait3A_27, %dma_wait3A_28] : memref<100000x128xf32, #tpu.memory_space<hbm>> -> memref<100000x128xf32, #tpu.memory_space<hbm>>
    tpu.wait_indirect_dma semaphore(%arg16 : memref<!tpu.dma_semaphore, #tpu.memory_space<semaphore_mem>>) src(%dma_wait3A_29 : memref<100000x128xf32, #tpu.memory_space<hbm>>) dst(%arg8 : memref<50x128xf32, #tpu.memory_space<vmem>>)
    %dma_wait3A_30 = arith.constant 0 : i32
    %dma_wait3A_31 = arith.constant 0 : i32
    %dma_wait3A_32 = tpu.memref_slice %arg7[%dma_wait3A_30, %dma_wait3A_31] : memref<128x50xi32, #tpu.memory_space<vmem>> -> memref<1x50xi32, #tpu.memory_space<vmem>>
    %dma_wait3A_33 = tpu.memref_squeeze %dma_wait3A_32 : memref<1x50xi32, #tpu.memory_space<vmem>> -> memref<50xi32, #tpu.memory_space<vmem>>
    %dma_wait3A_34 = arith.constant 0 : i32
    %dma_wait3A_35 = arith.constant 0 : i32
    %dma_wait3A_36 = tpu.memref_slice %arg4[%dma_wait3A_34, %dma_wait3A_35] : memref<100000x128xf32, #tpu.memory_space<hbm>> -> memref<100000x128xf32, #tpu.memory_space<hbm>>
    tpu.wait_indirect_dma semaphore(%arg17 : memref<!tpu.dma_semaphore, #tpu.memory_space<semaphore_mem>>) src(%dma_wait3A_36 : memref<100000x128xf32, #tpu.memory_space<hbm>>) dst(%arg10 : memref<50x128xf32, #tpu.memory_space<vmem>>)
    %dma_wait3A_37 = arith.constant 0 : i32
    %dma_wait3A_38 = arith.constant 0 : i32
    %dma_wait3A_39 = tpu.memref_slice %arg7[%dma_wait3A_37, %dma_wait3A_38] : memref<128x50xi32, #tpu.memory_space<vmem>> -> memref<1x50xi32, #tpu.memory_space<vmem>>
    %dma_wait3A_40 = tpu.memref_squeeze %dma_wait3A_39 : memref<1x50xi32, #tpu.memory_space<vmem>> -> memref<50xi32, #tpu.memory_space<vmem>>
    %dma_wait3A_41 = arith.constant 0 : i32
    %dma_wait3A_42 = arith.constant 0 : i32
    %dma_wait3A_43 = tpu.memref_slice %arg5[%dma_wait3A_41, %dma_wait3A_42] : memref<100000x128xf32, #tpu.memory_space<hbm>> -> memref<100000x128xf32, #tpu.memory_space<hbm>>
    tpu.wait_indirect_dma semaphore(%arg18 : memref<!tpu.dma_semaphore, #tpu.memory_space<semaphore_mem>>) src(%dma_wait3A_43 : memref<100000x128xf32, #tpu.memory_space<hbm>>) dst(%arg12 : memref<50x128xf32, #tpu.memory_space<vmem>>)
    %dma_start3A_44 = arith.constant 1 : i32
    %dma_start3A_45 = arith.constant 0 : i32
    %dma_start3A_46 = tpu.memref_slice %arg7[%dma_start3A_44, %dma_start3A_45] : memref<128x50xi32, #tpu.memory_space<vmem>> -> memref<1x50xi32, #tpu.memory_space<vmem>>
    %dma_start3A_47 = tpu.memref_squeeze %dma_start3A_46 : memref<1x50xi32, #tpu.memory_space<vmem>> -> memref<50xi32, #tpu.memory_space<vmem>>
    %dma_start3A_48 = arith.constant 0 : i32
    %dma_start3A_49 = arith.constant 0 : i32
    %dma_start3A_50 = tpu.memref_slice %arg3[%dma_start3A_48, %dma_start3A_49] : memref<100000x128xf32, #tpu.memory_space<hbm>> -> memref<100000x128xf32, #tpu.memory_space<hbm>>
    tpu.enqueue_indirect_dma source(%dma_start3A_50 : memref<100000x128xf32, #tpu.memory_space<hbm>>) target(%arg8 : memref<50x128xf32, #tpu.memory_space<vmem>>) offsets(%dma_start3A_47 : memref<50xi32, #tpu.memory_space<vmem>>) semaphore(%arg16 : memref<!tpu.dma_semaphore, #tpu.memory_space<semaphore_mem>>) {add = true}
    %dma_start3A_51 = arith.constant 1 : i32
    %dma_start3A_52 = arith.constant 0 : i32
    %dma_start3A_53 = tpu.memref_slice %arg7[%dma_start3A_51, %dma_start3A_52] : memref<128x50xi32, #tpu.memory_space<vmem>> -> memref<1x50xi32, #tpu.memory_space<vmem>>
    %dma_start3A_54 = tpu.memref_squeeze %dma_start3A_53 : memref<1x50xi32, #tpu.memory_space<vmem>> -> memref<50xi32, #tpu.memory_space<vmem>>
    %dma_start3A_55 = arith.constant 0 : i32
    %dma_start3A_56 = arith.constant 0 : i32
    %dma_start3A_57 = tpu.memref_slice %arg4[%dma_start3A_55, %dma_start3A_56] : memref<100000x128xf32, #tpu.memory_space<hbm>> -> memref<100000x128xf32, #tpu.memory_space<hbm>>
    tpu.enqueue_indirect_dma source(%dma_start3A_57 : memref<100000x128xf32, #tpu.memory_space<hbm>>) target(%arg10 : memref<50x128xf32, #tpu.memory_space<vmem>>) offsets(%dma_start3A_54 : memref<50xi32, #tpu.memory_space<vmem>>) semaphore(%arg17 : memref<!tpu.dma_semaphore, #tpu.memory_space<semaphore_mem>>) {add = true}
    %dma_start3A_58 = arith.constant 1 : i32
    %dma_start3A_59 = arith.constant 0 : i32
    %dma_start3A_60 = tpu.memref_slice %arg7[%dma_start3A_58, %dma_start3A_59] : memref<128x50xi32, #tpu.memory_space<vmem>> -> memref<1x50xi32, #tpu.memory_space<vmem>>
    %dma_start3A_61 = tpu.memref_squeeze %dma_start3A_60 : memref<1x50xi32, #tpu.memory_space<vmem>> -> memref<50xi32, #tpu.memory_space<vmem>>
    %dma_start3A_62 = arith.constant 0 : i32
    %dma_start3A_63 = arith.constant 0 : i32
    %dma_start3A_64 = tpu.memref_slice %arg5[%dma_start3A_62, %dma_start3A_63] : memref<100000x128xf32, #tpu.memory_space<hbm>> -> memref<100000x128xf32, #tpu.memory_space<hbm>>
    tpu.enqueue_indirect_dma source(%dma_start3A_64 : memref<100000x128xf32, #tpu.memory_space<hbm>>) target(%arg12 : memref<50x128xf32, #tpu.memory_space<vmem>>) offsets(%dma_start3A_61 : memref<50xi32, #tpu.memory_space<vmem>>) semaphore(%arg18 : memref<!tpu.dma_semaphore, #tpu.memory_space<semaphore_mem>>) {add = true}
    %dma_start3A_65 = arith.constant 2 : i32
    %dma_start3A_66 = arith.constant 0 : i32
    %dma_start3A_67 = tpu.memref_slice %arg7[%dma_start3A_65, %dma_start3A_66] : memref<128x50xi32, #tpu.memory_space<vmem>> -> memref<1x50xi32, #tpu.memory_space<vmem>>
    %dma_start3A_68 = tpu.memref_squeeze %dma_start3A_67 : memref<1x50xi32, #tpu.memory_space<vmem>> -> memref<50xi32, #tpu.memory_space<vmem>>
    %dma_start3A_69 = arith.constant 0 : i32
    %dma_start3A_70 = arith.constant 0 : i32
    %dma_start3A_71 = tpu.memref_slice %arg3[%dma_start3A_69, %dma_start3A_70] : memref<100000x128xf32, #tpu.memory_space<hbm>> -> memref<100000x128xf32, #tpu.memory_space<hbm>>
    tpu.enqueue_indirect_dma source(%dma_start3A_71 : memref<100000x128xf32, #tpu.memory_space<hbm>>) target(%arg8 : memref<50x128xf32, #tpu.memory_space<vmem>>) offsets(%dma_start3A_68 : memref<50xi32, #tpu.memory_space<vmem>>) semaphore(%arg16 : memref<!tpu.dma_semaphore, #tpu.memory_space<semaphore_mem>>) {add = true}
    %dma_start3A_72 = arith.constant 2 : i32
    %dma_start3A_73 = arith.constant 0 : i32
    %dma_start3A_74 = tpu.memref_slice %arg7[%dma_start3A_72, %dma_start3A_73] : memref<128x50xi32, #tpu.memory_space<vmem>> -> memref<1x50xi32, #tpu.memory_space<vmem>>
    %dma_start3A_75 = tpu.memref_squeeze %dma_start3A_74 : memref<1x50xi32, #tpu.memory_space<vmem>> -> memref<50xi32, #tpu.memory_space<vmem>>
    %dma_start3A_76 = arith.constant 0 : i32
    %dma_start3A_77 = arith.constant 0 : i32
    %dma_start3A_78 = tpu.memref_slice %arg4[%dma_start3A_76, %dma_start3A_77] : memref<100000x128xf32, #tpu.memory_space<hbm>> -> memref<100000x128xf32, #tpu.memory_space<hbm>>
    tpu.enqueue_indirect_dma source(%dma_start3A_78 : memref<100000x128xf32, #tpu.memory_space<hbm>>) target(%arg10 : memref<50x128xf32, #tpu.memory_space<vmem>>) offsets(%dma_start3A_75 : memref<50xi32, #tpu.memory_space<vmem>>) semaphore(%arg17 : memref<!tpu.dma_semaphore, #tpu.memory_space<semaphore_mem>>) {add = true}
    %dma_start3A_79 = arith.constant 2 : i32
    %dma_start3A_80 = arith.constant 0 : i32
    %dma_start3A_81 = tpu.memref_slice %arg7[%dma_start3A_79, %dma_start3A_80] : memref<128x50xi32, #tpu.memory_space<vmem>> -> memref<1x50xi32, #tpu.memory_space<vmem>>
    %dma_start3A_82 = tpu.memref_squeeze %dma_start3A_81 : memref<1x50xi32, #tpu.memory_space<vmem>> -> memref<50xi32, #tpu.memory_space<vmem>>
    %dma_start3A_83 = arith.constant 0 : i32
    %dma_start3A_84 = arith.constant 0 : i32
    %dma_start3A_85 = tpu.memref_slice %arg5[%dma_start3A_83, %dma_start3A_84] : memref<100000x128xf32, #tpu.memory_space<hbm>> -> memref<100000x128xf32, #tpu.memory_space<hbm>>
    tpu.enqueue_indirect_dma source(%dma_start3A_85 : memref<100000x128xf32, #tpu.memory_space<hbm>>) target(%arg12 : memref<50x128xf32, #tpu.memory_space<vmem>>) offsets(%dma_start3A_82 : memref<50xi32, #tpu.memory_space<vmem>>) semaphore(%arg18 : memref<!tpu.dma_semaphore, #tpu.memory_space<semaphore_mem>>) {add = true}
    %dma_start3A_86 = arith.constant 3 : i32
    %dma_start3A_87 = arith.constant 0 : i32
    %dma_start3A_88 = tpu.memref_slice %arg7[%dma_start3A_86, %dma_start3A_87] : memref<128x50xi32, #tpu.memory_space<vmem>> -> memref<1x50xi32, #tpu.memory_space<vmem>>
    %dma_start3A_89 = tpu.memref_squeeze %dma_start3A_88 : memref<1x50xi32, #tpu.memory_space<vmem>> -> memref<50xi32, #tpu.memory_space<vmem>>
    %dma_start3A_90 = arith.constant 0 : i32
    %dma_start3A_91 = arith.constant 0 : i32
    %dma_start3A_92 = tpu.memref_slice %arg3[%dma_start3A_90, %dma_start3A_91] : memref<100000x128xf32, #tpu.memory_space<hbm>> -> memref<100000x128xf32, #tpu.memory_space<hbm>>
    tpu.enqueue_indirect_dma source(%dma_start3A_92 : memref<100000x128xf32, #tpu.memory_space<hbm>>) target(%arg8 : memref<50x128xf32, #tpu.memory_space<vmem>>) offsets(%dma_start3A_89 : memref<50xi32, #tpu.memory_space<vmem>>) semaphore(%arg16 : memref<!tpu.dma_semaphore, #tpu.memory_space<semaphore_mem>>) {add = true}
    %dma_start3A_93 = arith.constant 3 : i32
    %dma_start3A_94 = arith.constant 0 : i32
    %dma_start3A_95 = tpu.memref_slice %arg7[%dma_start3A_93, %dma_start3A_94] : memref<128x50xi32, #tpu.memory_space<vmem>> -> memref<1x50xi32, #tpu.memory_space<vmem>>
    %dma_start3A_96 = tpu.memref_squeeze %dma_start3A_95 : memref<1x50xi32, #tpu.memory_space<vmem>> -> memref<50xi32, #tpu.memory_space<vmem>>
    %dma_start3A_97 = arith.constant 0 : i32
    %dma_start3A_98 = arith.constant 0 : i32
    %dma_start3A_99 = tpu.memref_slice %arg4[%dma_start3A_97, %dma_start3A_98] : memref<100000x128xf32, #tpu.memory_space<hbm>> -> memref<100000x128xf32, #tpu.memory_space<hbm>>
    tpu.enqueue_indirect_dma source(%dma_start3A_99 : memref<100000x128xf32, #tpu.memory_space<hbm>>) target(%arg10 : memref<50x128xf32, #tpu.memory_space<vmem>>) offsets(%dma_start3A_96 : memref<50xi32, #tpu.memory_space<vmem>>) semaphore(%arg17 : memref<!tpu.dma_semaphore, #tpu.memory_space<semaphore_mem>>) {add = true}
    %dma_start3A_100 = arith.constant 3 : i32
    %dma_start3A_101 = arith.constant 0 : i32
    %dma_start3A_102 = tpu.memref_slice %arg7[%dma_start3A_100, %dma_start3A_101] : memref<128x50xi32, #tpu.memory_space<vmem>> -> memref<1x50xi32, #tpu.memory_space<vmem>>
    %dma_start3A_103 = tpu.memref_squeeze %dma_start3A_102 : memref<1x50xi32, #tpu.memory_space<vmem>> -> memref<50xi32, #tpu.memory_space<vmem>>
    %dma_start3A_104 = arith.constant 0 : i32
    %dma_start3A_105 = arith.constant 0 : i32
    %dma_start3A_106 = tpu.memref_slice %arg5[%dma_start3A_104, %dma_start3A_105] : memref<100000x128xf32, #tpu.memory_space<hbm>> -> memref<100000x128xf32, #tpu.memory_space<hbm>>
    tpu.enqueue_indirect_dma source(%dma_start3A_106 : memref<100000x128xf32, #tpu.memory_space<hbm>>) target(%arg12 : memref<50x128xf32, #tpu.memory_space<vmem>>) offsets(%dma_start3A_103 : memref<50xi32, #tpu.memory_space<vmem>>) semaphore(%arg18 : memref<!tpu.dma_semaphore, #tpu.memory_space<semaphore_mem>>) {add = true}
    %scan3A = arith.constant 0 : i32
    %scan3A_107 = arith.constant 0 : i32
    %scan3A_108 = arith.constant 16 : i32
    %scan3A_109 = arith.addi %scan3A_107, %scan3A_108 : i32
    %scan3A_110 = arith.constant 1 : i32
    scf.for %scan3A_114 = %scan3A_107 to %scan3A_109 step %scan3A_110  : i32 {
      %mul3A_115 = arith.constant 2 : i32
      %mul3A_116 = arith.muli %mul3A_115, %scan3A_114 : i32
      %dma_wait3A_117 = arith.constant 0 : i32
      %dma_wait3A_118 = arith.constant 0 : i32
      %dma_wait3A_119 = tpu.memref_slice %arg7[%dma_wait3A_117, %dma_wait3A_118] : memref<128x50xi32, #tpu.memory_space<vmem>> -> memref<1x50xi32, #tpu.memory_space<vmem>>
      %dma_wait3A_120 = tpu.memref_squeeze %dma_wait3A_119 : memref<1x50xi32, #tpu.memory_space<vmem>> -> memref<50xi32, #tpu.memory_space<vmem>>
      %dma_wait3A_121 = arith.constant 0 : i32
      %dma_wait3A_122 = arith.constant 0 : i32
      %dma_wait3A_123 = tpu.memref_slice %arg3[%dma_wait3A_121, %dma_wait3A_122] : memref<100000x128xf32, #tpu.memory_space<hbm>> -> memref<100000x128xf32, #tpu.memory_space<hbm>>
      tpu.wait_indirect_dma semaphore(%arg16 : memref<!tpu.dma_semaphore, #tpu.memory_space<semaphore_mem>>) src(%dma_wait3A_123 : memref<100000x128xf32, #tpu.memory_space<hbm>>) dst(%arg8 : memref<50x128xf32, #tpu.memory_space<vmem>>)
      %dma_wait3A_124 = arith.constant 0 : i32
      %dma_wait3A_125 = arith.constant 0 : i32
      %dma_wait3A_126 = tpu.memref_slice %arg7[%dma_wait3A_124, %dma_wait3A_125] : memref<128x50xi32, #tpu.memory_space<vmem>> -> memref<1x50xi32, #tpu.memory_space<vmem>>
      %dma_wait3A_127 = tpu.memref_squeeze %dma_wait3A_126 : memref<1x50xi32, #tpu.memory_space<vmem>> -> memref<50xi32, #tpu.memory_space<vmem>>
      %dma_wait3A_128 = arith.constant 0 : i32
      %dma_wait3A_129 = arith.constant 0 : i32
      %dma_wait3A_130 = tpu.memref_slice %arg3[%dma_wait3A_128, %dma_wait3A_129] : memref<100000x128xf32, #tpu.memory_space<hbm>> -> memref<100000x128xf32, #tpu.memory_space<hbm>>
      tpu.wait_indirect_dma semaphore(%arg16 : memref<!tpu.dma_semaphore, #tpu.memory_space<semaphore_mem>>) src(%dma_wait3A_130 : memref<100000x128xf32, #tpu.memory_space<hbm>>) dst(%arg8 : memref<50x128xf32, #tpu.memory_space<vmem>>)
      %dma_wait3A_131 = arith.constant 0 : i32
      %dma_wait3A_132 = arith.constant 0 : i32
      %dma_wait3A_133 = tpu.memref_slice %arg7[%dma_wait3A_131, %dma_wait3A_132] : memref<128x50xi32, #tpu.memory_space<vmem>> -> memref<1x50xi32, #tpu.memory_space<vmem>>
      %dma_wait3A_134 = tpu.memref_squeeze %dma_wait3A_133 : memref<1x50xi32, #tpu.memory_space<vmem>> -> memref<50xi32, #tpu.memory_space<vmem>>
      %dma_wait3A_135 = arith.constant 0 : i32
      %dma_wait3A_136 = arith.constant 0 : i32
      %dma_wait3A_137 = tpu.memref_slice %arg3[%dma_wait3A_135, %dma_wait3A_136] : memref<100000x128xf32, #tpu.memory_space<hbm>> -> memref<100000x128xf32, #tpu.memory_space<hbm>>
      tpu.wait_indirect_dma semaphore(%arg16 : memref<!tpu.dma_semaphore, #tpu.memory_space<semaphore_mem>>) src(%dma_wait3A_137 : memref<100000x128xf32, #tpu.memory_space<hbm>>) dst(%arg8 : memref<50x128xf32, #tpu.memory_space<vmem>>)
      %dma_wait3A_138 = arith.constant 0 : i32
      %dma_wait3A_139 = arith.constant 0 : i32
      %dma_wait3A_140 = tpu.memref_slice %arg7[%dma_wait3A_138, %dma_wait3A_139] : memref<128x50xi32, #tpu.memory_space<vmem>> -> memref<1x50xi32, #tpu.memory_space<vmem>>
      %dma_wait3A_141 = tpu.memref_squeeze %dma_wait3A_140 : memref<1x50xi32, #tpu.memory_space<vmem>> -> memref<50xi32, #tpu.memory_space<vmem>>
      %dma_wait3A_142 = arith.constant 0 : i32
      %dma_wait3A_143 = arith.constant 0 : i32
      %dma_wait3A_144 = tpu.memref_slice %arg4[%dma_wait3A_142, %dma_wait3A_143] : memref<100000x128xf32, #tpu.memory_space<hbm>> -> memref<100000x128xf32, #tpu.memory_space<hbm>>
      tpu.wait_indirect_dma semaphore(%arg17 : memref<!tpu.dma_semaphore, #tpu.memory_space<semaphore_mem>>) src(%dma_wait3A_144 : memref<100000x128xf32, #tpu.memory_space<hbm>>) dst(%arg10 : memref<50x128xf32, #tpu.memory_space<vmem>>)
      %dma_wait3A_145 = arith.constant 0 : i32
      %dma_wait3A_146 = arith.constant 0 : i32
      %dma_wait3A_147 = tpu.memref_slice %arg7[%dma_wait3A_145, %dma_wait3A_146] : memref<128x50xi32, #tpu.memory_space<vmem>> -> memref<1x50xi32, #tpu.memory_space<vmem>>
      %dma_wait3A_148 = tpu.memref_squeeze %dma_wait3A_147 : memref<1x50xi32, #tpu.memory_space<vmem>> -> memref<50xi32, #tpu.memory_space<vmem>>
      %dma_wait3A_149 = arith.constant 0 : i32
      %dma_wait3A_150 = arith.constant 0 : i32
      %dma_wait3A_151 = tpu.memref_slice %arg4[%dma_wait3A_149, %dma_wait3A_150] : memref<100000x128xf32, #tpu.memory_space<hbm>> -> memref<100000x128xf32, #tpu.memory_space<hbm>>
      tpu.wait_indirect_dma semaphore(%arg17 : memref<!tpu.dma_semaphore, #tpu.memory_space<semaphore_mem>>) src(%dma_wait3A_151 : memref<100000x128xf32, #tpu.memory_space<hbm>>) dst(%arg10 : memref<50x128xf32, #tpu.memory_space<vmem>>)
      %dma_wait3A_152 = arith.constant 0 : i32
      %dma_wait3A_153 = arith.constant 0 : i32
      %dma_wait3A_154 = tpu.memref_slice %arg7[%dma_wait3A_152, %dma_wait3A_153] : memref<128x50xi32, #tpu.memory_space<vmem>> -> memref<1x50xi32, #tpu.memory_space<vmem>>
      %dma_wait3A_155 = tpu.memref_squeeze %dma_wait3A_154 : memref<1x50xi32, #tpu.memory_space<vmem>> -> memref<50xi32, #tpu.memory_space<vmem>>
      %dma_wait3A_156 = arith.constant 0 : i32
      %dma_wait3A_157 = arith.constant 0 : i32
      %dma_wait3A_158 = tpu.memref_slice %arg4[%dma_wait3A_156, %dma_wait3A_157] : memref<100000x128xf32, #tpu.memory_space<hbm>> -> memref<100000x128xf32, #tpu.memory_space<hbm>>
      tpu.wait_indirect_dma semaphore(%arg17 : memref<!tpu.dma_semaphore, #tpu.memory_space<semaphore_mem>>) src(%dma_wait3A_158 : memref<100000x128xf32, #tpu.memory_space<hbm>>) dst(%arg10 : memref<50x128xf32, #tpu.memory_space<vmem>>)
      %dma_wait3A_159 = arith.constant 0 : i32
      %dma_wait3A_160 = arith.constant 0 : i32
      %dma_wait3A_161 = tpu.memref_slice %arg7[%dma_wait3A_159, %dma_wait3A_160] : memref<128x50xi32, #tpu.memory_space<vmem>> -> memref<1x50xi32, #tpu.memory_space<vmem>>
      %dma_wait3A_162 = tpu.memref_squeeze %dma_wait3A_161 : memref<1x50xi32, #tpu.memory_space<vmem>> -> memref<50xi32, #tpu.memory_space<vmem>>
      %dma_wait3A_163 = arith.constant 0 : i32
      %dma_wait3A_164 = arith.constant 0 : i32
      %dma_wait3A_165 = tpu.memref_slice %arg5[%dma_wait3A_163, %dma_wait3A_164] : memref<100000x128xf32, #tpu.memory_space<hbm>> -> memref<100000x128xf32, #tpu.memory_space<hbm>>
      tpu.wait_indirect_dma semaphore(%arg18 : memref<!tpu.dma_semaphore, #tpu.memory_space<semaphore_mem>>) src(%dma_wait3A_165 : memref<100000x128xf32, #tpu.memory_space<hbm>>) dst(%arg12 : memref<50x128xf32, #tpu.memory_space<vmem>>)
      %dma_wait3A_166 = arith.constant 0 : i32
      %dma_wait3A_167 = arith.constant 0 : i32
      %dma_wait3A_168 = tpu.memref_slice %arg7[%dma_wait3A_166, %dma_wait3A_167] : memref<128x50xi32, #tpu.memory_space<vmem>> -> memref<1x50xi32, #tpu.memory_space<vmem>>
      %dma_wait3A_169 = tpu.memref_squeeze %dma_wait3A_168 : memref<1x50xi32, #tpu.memory_space<vmem>> -> memref<50xi32, #tpu.memory_space<vmem>>
      %dma_wait3A_170 = arith.constant 0 : i32
      %dma_wait3A_171 = arith.constant 0 : i32
      %dma_wait3A_172 = tpu.memref_slice %arg5[%dma_wait3A_170, %dma_wait3A_171] : memref<100000x128xf32, #tpu.memory_space<hbm>> -> memref<100000x128xf32, #tpu.memory_space<hbm>>
      tpu.wait_indirect_dma semaphore(%arg18 : memref<!tpu.dma_semaphore, #tpu.memory_space<semaphore_mem>>) src(%dma_wait3A_172 : memref<100000x128xf32, #tpu.memory_space<hbm>>) dst(%arg12 : memref<50x128xf32, #tpu.memory_space<vmem>>)
      %dma_wait3A_173 = arith.constant 0 : i32
      %dma_wait3A_174 = arith.constant 0 : i32
      %dma_wait3A_175 = tpu.memref_slice %arg7[%dma_wait3A_173, %dma_wait3A_174] : memref<128x50xi32, #tpu.memory_space<vmem>> -> memref<1x50xi32, #tpu.memory_space<vmem>>
      %dma_wait3A_176 = tpu.memref_squeeze %dma_wait3A_175 : memref<1x50xi32, #tpu.memory_space<vmem>> -> memref<50xi32, #tpu.memory_space<vmem>>
      %dma_wait3A_177 = arith.constant 0 : i32
      %dma_wait3A_178 = arith.constant 0 : i32
      %dma_wait3A_179 = tpu.memref_slice %arg5[%dma_wait3A_177, %dma_wait3A_178] : memref<100000x128xf32, #tpu.memory_space<hbm>> -> memref<100000x128xf32, #tpu.memory_space<hbm>>
      tpu.wait_indirect_dma semaphore(%arg18 : memref<!tpu.dma_semaphore, #tpu.memory_space<semaphore_mem>>) src(%dma_wait3A_179 : memref<100000x128xf32, #tpu.memory_space<hbm>>) dst(%arg12 : memref<50x128xf32, #tpu.memory_space<vmem>>)
      %add3A_180 = arith.constant 1 : i32
      %add3A_181 = arith.addi %mul3A_116, %add3A_180 : i32
      %mul3A_182 = arith.constant 4 : i32
      %mul3A_183 = arith.muli %mul3A_182, %add3A_181 : i32
      %add3A_184 = arith.constant 0 : i32
      %add3A_185 = arith.addi %mul3A_183, %add3A_184 : i32
      %dma_start3A_186 = arith.constant 0 : i32
      %dma_start3A_187 = tpu.memref_slice %arg7[%add3A_185, %dma_start3A_186] : memref<128x50xi32, #tpu.memory_space<vmem>> -> memref<1x50xi32, #tpu.memory_space<vmem>>
      %dma_start3A_188 = tpu.memref_squeeze %dma_start3A_187 : memref<1x50xi32, #tpu.memory_space<vmem>> -> memref<50xi32, #tpu.memory_space<vmem>>
      %dma_start3A_189 = arith.constant 0 : i32
      %dma_start3A_190 = arith.constant 0 : i32
      %dma_start3A_191 = tpu.memref_slice %arg3[%dma_start3A_189, %dma_start3A_190] : memref<100000x128xf32, #tpu.memory_space<hbm>> -> memref<100000x128xf32, #tpu.memory_space<hbm>>
      tpu.enqueue_indirect_dma source(%dma_start3A_191 : memref<100000x128xf32, #tpu.memory_space<hbm>>) target(%arg9 : memref<50x128xf32, #tpu.memory_space<vmem>>) offsets(%dma_start3A_188 : memref<50xi32, #tpu.memory_space<vmem>>) semaphore(%arg16 : memref<!tpu.dma_semaphore, #tpu.memory_space<semaphore_mem>>)
      %mul3A_192 = arith.constant 4 : i32
      %mul3A_193 = arith.muli %mul3A_192, %add3A_181 : i32
      %add3A_194 = arith.constant 0 : i32
      %add3A_195 = arith.addi %mul3A_193, %add3A_194 : i32
      %dma_start3A_196 = arith.constant 0 : i32
      %dma_start3A_197 = tpu.memref_slice %arg7[%add3A_195, %dma_start3A_196] : memref<128x50xi32, #tpu.memory_space<vmem>> -> memref<1x50xi32, #tpu.memory_space<vmem>>
      %dma_start3A_198 = tpu.memref_squeeze %dma_start3A_197 : memref<1x50xi32, #tpu.memory_space<vmem>> -> memref<50xi32, #tpu.memory_space<vmem>>
      %dma_start3A_199 = arith.constant 0 : i32
      %dma_start3A_200 = arith.constant 0 : i32
      %dma_start3A_201 = tpu.memref_slice %arg4[%dma_start3A_199, %dma_start3A_200] : memref<100000x128xf32, #tpu.memory_space<hbm>> -> memref<100000x128xf32, #tpu.memory_space<hbm>>
      tpu.enqueue_indirect_dma source(%dma_start3A_201 : memref<100000x128xf32, #tpu.memory_space<hbm>>) target(%arg11 : memref<50x128xf32, #tpu.memory_space<vmem>>) offsets(%dma_start3A_198 : memref<50xi32, #tpu.memory_space<vmem>>) semaphore(%arg17 : memref<!tpu.dma_semaphore, #tpu.memory_space<semaphore_mem>>)
      %mul3A_202 = arith.constant 4 : i32
      %mul3A_203 = arith.muli %mul3A_202, %add3A_181 : i32
      %add3A_204 = arith.constant 0 : i32
      %add3A_205 = arith.addi %mul3A_203, %add3A_204 : i32
      %dma_start3A_206 = arith.constant 0 : i32
      %dma_start3A_207 = tpu.memref_slice %arg7[%add3A_205, %dma_start3A_206] : memref<128x50xi32, #tpu.memory_space<vmem>> -> memref<1x50xi32, #tpu.memory_space<vmem>>
      %dma_start3A_208 = tpu.memref_squeeze %dma_start3A_207 : memref<1x50xi32, #tpu.memory_space<vmem>> -> memref<50xi32, #tpu.memory_space<vmem>>
      %dma_start3A_209 = arith.constant 0 : i32
      %dma_start3A_210 = arith.constant 0 : i32
      %dma_start3A_211 = tpu.memref_slice %arg5[%dma_start3A_209, %dma_start3A_210] : memref<100000x128xf32, #tpu.memory_space<hbm>> -> memref<100000x128xf32, #tpu.memory_space<hbm>>
      tpu.enqueue_indirect_dma source(%dma_start3A_211 : memref<100000x128xf32, #tpu.memory_space<hbm>>) target(%arg13 : memref<50x128xf32, #tpu.memory_space<vmem>>) offsets(%dma_start3A_208 : memref<50xi32, #tpu.memory_space<vmem>>) semaphore(%arg18 : memref<!tpu.dma_semaphore, #tpu.memory_space<semaphore_mem>>)
      %scan3A_212 = arith.constant 0 : i32
      %scan3A_213 = arith.constant 48 : i32
      %scan3A_214 = arith.addi %scan3A_212, %scan3A_213 : i32
      %scan3A_215 = arith.constant 4 : i32
      %scan3A_216:8 = scf.for %scan3A_1353 = %scan3A_212 to %scan3A_214 step %scan3A_215 iter_args(%scan3A_1354 = %broadcast_in_dim3A_1, %scan3A_1355 = %broadcast_in_dim3A_1, %scan3A_1356 = %broadcast_in_dim3A_1, %scan3A_1357 = %broadcast_in_dim3A_1, %scan3A_1358 = %broadcast_in_dim3A_1, %scan3A_1359 = %broadcast_in_dim3A_1, %scan3A_1360 = %broadcast_in_dim3A_1, %scan3A_1361 = %broadcast_in_dim3A_1) -> (vector<16xf32>, vector<16xf32>, vector<16xf32>, vector<16xf32>, vector<16xf32>, vector<16xf32>, vector<16xf32>, vector<16xf32>)  : i32 {
        %get3A_1362 = arith.index_cast %scan3A_1353 : i32 to index
        %get3A_1363 = arith.constant 0 : index
        %get3A_1364 = tpu.vector_load %arg8[%get3A_1362, %get3A_1363] {strides = array<i32>} : memref<50x128xf32, #tpu.memory_space<vmem>>, vector<16xf32>,
        %add3A_1365 = arith.addf %scan3A_1354, %get3A_1364 : vector<16xf32>
        %get3A_1366 = arith.index_cast %scan3A_1353 : i32 to index
        %get3A_1367 = arith.constant 16 : index
        %get3A_1368 = tpu.vector_load %arg8[%get3A_1366, %get3A_1367] {strides = array<i32>} : memref<50x128xf32, #tpu.memory_space<vmem>>, vector<16xf32>,
        %add3A_1369 = arith.addf %scan3A_1355, %get3A_1368 : vector<16xf32>
        %get3A_1370 = arith.index_cast %scan3A_1353 : i32 to index
        %get3A_1371 = arith.constant 32 : index
        %get3A_1372 = tpu.vector_load %arg8[%get3A_1370, %get3A_1371] {strides = array<i32>} : memref<50x128xf32, #tpu.memory_space<vmem>>, vector<16xf32>,
        %add3A_1373 = arith.addf %scan3A_1356, %get3A_1372 : vector<16xf32>
        %get3A_1374 = arith.index_cast %scan3A_1353 : i32 to index
        %get3A_1375 = arith.constant 48 : index
        %get3A_1376 = tpu.vector_load %arg8[%get3A_1374, %get3A_1375] {strides = array<i32>} : memref<50x128xf32, #tpu.memory_space<vmem>>, vector<16xf32>,
        %add3A_1377 = arith.addf %scan3A_1357, %get3A_1376 : vector<16xf32>
        %get3A_1378 = arith.index_cast %scan3A_1353 : i32 to index
        %get3A_1379 = arith.constant 64 : index
        %get3A_1380 = tpu.vector_load %arg8[%get3A_1378, %get3A_1379] {strides = array<i32>} : memref<50x128xf32, #tpu.memory_space<vmem>>, vector<16xf32>,
        %add3A_1381 = arith.addf %scan3A_1358, %get3A_1380 : vector<16xf32>
        %get3A_1382 = arith.index_cast %scan3A_1353 : i32 to index
        %get3A_1383 = arith.constant 80 : index
        %get3A_1384 = tpu.vector_load %arg8[%get3A_1382, %get3A_1383] {strides = array<i32>} : memref<50x128xf32, #tpu.memory_space<vmem>>, vector<16xf32>,
        %add3A_1385 = arith.addf %scan3A_1359, %get3A_1384 : vector<16xf32>
        %get3A_1386 = arith.index_cast %scan3A_1353 : i32 to index
        %get3A_1387 = arith.constant 96 : index
        %get3A_1388 = tpu.vector_load %arg8[%get3A_1386, %get3A_1387] {strides = array<i32>} : memref<50x128xf32, #tpu.memory_space<vmem>>, vector<16xf32>,
        %add3A_1389 = arith.addf %scan3A_1360, %get3A_1388 : vector<16xf32>
        %get3A_1390 = arith.index_cast %scan3A_1353 : i32 to index
        %get3A_1391 = arith.constant 112 : index
        %get3A_1392 = tpu.vector_load %arg8[%get3A_1390, %get3A_1391] {strides = array<i32>} : memref<50x128xf32, #tpu.memory_space<vmem>>, vector<16xf32>,
        %add3A_1393 = arith.addf %scan3A_1361, %get3A_1392 : vector<16xf32>
        %scan3A_1394 = arith.constant 1 : i32
        %scan3A_1395 = arith.addi %scan3A_1353, %scan3A_1394 : i32
        %get3A_1396 = arith.index_cast %scan3A_1395 : i32 to index
        %get3A_1397 = arith.constant 0 : index
        %get3A_1398 = tpu.vector_load %arg8[%get3A_1396, %get3A_1397] {strides = array<i32>} : memref<50x128xf32, #tpu.memory_space<vmem>>, vector<16xf32>,
        %add3A_1399 = arith.addf %add3A_1365, %get3A_1398 : vector<16xf32>
        %get3A_1400 = arith.index_cast %scan3A_1395 : i32 to index
        %get3A_1401 = arith.constant 16 : index
        %get3A_1402 = tpu.vector_load %arg8[%get3A_1400, %get3A_1401] {strides = array<i32>} : memref<50x128xf32, #tpu.memory_space<vmem>>, vector<16xf32>,
        %add3A_1403 = arith.addf %add3A_1369, %get3A_1402 : vector<16xf32>
        %get3A_1404 = arith.index_cast %scan3A_1395 : i32 to index
        %get3A_1405 = arith.constant 32 : index
        %get3A_1406 = tpu.vector_load %arg8[%get3A_1404, %get3A_1405] {strides = array<i32>} : memref<50x128xf32, #tpu.memory_space<vmem>>, vector<16xf32>,
        %add3A_1407 = arith.addf %add3A_1373, %get3A_1406 : vector<16xf32>
        %get3A_1408 = arith.index_cast %scan3A_1395 : i32 to index
        %get3A_1409 = arith.constant 48 : index
        %get3A_1410 = tpu.vector_load %arg8[%get3A_1408, %get3A_1409] {strides = array<i32>} : memref<50x128xf32, #tpu.memory_space<vmem>>, vector<16xf32>,
        %add3A_1411 = arith.addf %add3A_1377, %get3A_1410 : vector<16xf32>
        %get3A_1412 = arith.index_cast %scan3A_1395 : i32 to index
        %get3A_1413 = arith.constant 64 : index
        %get3A_1414 = tpu.vector_load %arg8[%get3A_1412, %get3A_1413] {strides = array<i32>} : memref<50x128xf32, #tpu.memory_space<vmem>>, vector<16xf32>,
        %add3A_1415 = arith.addf %add3A_1381, %get3A_1414 : vector<16xf32>
        %get3A_1416 = arith.index_cast %scan3A_1395 : i32 to index
        %get3A_1417 = arith.constant 80 : index
        %get3A_1418 = tpu.vector_load %arg8[%get3A_1416, %get3A_1417] {strides = array<i32>} : memref<50x128xf32, #tpu.memory_space<vmem>>, vector<16xf32>,
        %add3A_1419 = arith.addf %add3A_1385, %get3A_1418 : vector<16xf32>
        %get3A_1420 = arith.index_cast %scan3A_1395 : i32 to index
        %get3A_1421 = arith.constant 96 : index
        %get3A_1422 = tpu.vector_load %arg8[%get3A_1420, %get3A_1421] {strides = array<i32>} : memref<50x128xf32, #tpu.memory_space<vmem>>, vector<16xf32>,
        %add3A_1423 = arith.addf %add3A_1389, %get3A_1422 : vector<16xf32>
        %get3A_1424 = arith.index_cast %scan3A_1395 : i32 to index
        %get3A_1425 = arith.constant 112 : index
        %get3A_1426 = tpu.vector_load %arg8[%get3A_1424, %get3A_1425] {strides = array<i32>} : memref<50x128xf32, #tpu.memory_space<vmem>>, vector<16xf32>,
        %add3A_1427 = arith.addf %add3A_1393, %get3A_1426 : vector<16xf32>
        %scan3A_1428 = arith.constant 2 : i32
        %scan3A_1429 = arith.addi %scan3A_1353, %scan3A_1428 : i32
        %get3A_1430 = arith.index_cast %scan3A_1429 : i32 to index
        %get3A_1431 = arith.constant 0 : index
        %get3A_1432 = tpu.vector_load %arg8[%get3A_1430, %get3A_1431] {strides = array<i32>} : memref<50x128xf32, #tpu.memory_space<vmem>>, vector<16xf32>,
        %add3A_1433 = arith.addf %add3A_1399, %get3A_1432 : vector<16xf32>
        %get3A_1434 = arith.index_cast %scan3A_1429 : i32 to index
        %get3A_1435 = arith.constant 16 : index
        %get3A_1436 = tpu.vector_load %arg8[%get3A_1434, %get3A_1435] {strides = array<i32>} : memref<50x128xf32, #tpu.memory_space<vmem>>, vector<16xf32>,
        %add3A_1437 = arith.addf %add3A_1403, %get3A_1436 : vector<16xf32>
        %get3A_1438 = arith.index_cast %scan3A_1429 : i32 to index
        %get3A_1439 = arith.constant 32 : index
        %get3A_1440 = tpu.vector_load %arg8[%get3A_1438, %get3A_1439] {strides = array<i32>} : memref<50x128xf32, #tpu.memory_space<vmem>>, vector<16xf32>,
        %add3A_1441 = arith.addf %add3A_1407, %get3A_1440 : vector<16xf32>
        %get3A_1442 = arith.index_cast %scan3A_1429 : i32 to index
        %get3A_1443 = arith.constant 48 : index
        %get3A_1444 = tpu.vector_load %arg8[%get3A_1442, %get3A_1443] {strides = array<i32>} : memref<50x128xf32, #tpu.memory_space<vmem>>, vector<16xf32>,
        %add3A_1445 = arith.addf %add3A_1411, %get3A_1444 : vector<16xf32>
        %get3A_1446 = arith.index_cast %scan3A_1429 : i32 to index
        %get3A_1447 = arith.constant 64 : index
        %get3A_1448 = tpu.vector_load %arg8[%get3A_1446, %get3A_1447] {strides = array<i32>} : memref<50x128xf32, #tpu.memory_space<vmem>>, vector<16xf32>,
        %add3A_1449 = arith.addf %add3A_1415, %get3A_1448 : vector<16xf32>
        %get3A_1450 = arith.index_cast %scan3A_1429 : i32 to index
        %get3A_1451 = arith.constant 80 : index
        %get3A_1452 = tpu.vector_load %arg8[%get3A_1450, %get3A_1451] {strides = array<i32>} : memref<50x128xf32, #tpu.memory_space<vmem>>, vector<16xf32>,
        %add3A_1453 = arith.addf %add3A_1419, %get3A_1452 : vector<16xf32>
        %get3A_1454 = arith.index_cast %scan3A_1429 : i32 to index
        %get3A_1455 = arith.constant 96 : index
        %get3A_1456 = tpu.vector_load %arg8[%get3A_1454, %get3A_1455] {strides = array<i32>} : memref<50x128xf32, #tpu.memory_space<vmem>>, vector<16xf32>,
        %add3A_1457 = arith.addf %add3A_1423, %get3A_1456 : vector<16xf32>
        %get3A_1458 = arith.index_cast %scan3A_1429 : i32 to index
        %get3A_1459 = arith.constant 112 : index
        %get3A_1460 = tpu.vector_load %arg8[%get3A_1458, %get3A_1459] {strides = array<i32>} : memref<50x128xf32, #tpu.memory_space<vmem>>, vector<16xf32>,
        %add3A_1461 = arith.addf %add3A_1427, %get3A_1460 : vector<16xf32>
        %scan3A_1462 = arith.constant 3 : i32
        %scan3A_1463 = arith.addi %scan3A_1353, %scan3A_1462 : i32
        %get3A_1464 = arith.index_cast %scan3A_1463 : i32 to index
        %get3A_1465 = arith.constant 0 : index
        %get3A_1466 = tpu.vector_load %arg8[%get3A_1464, %get3A_1465] {strides = array<i32>} : memref<50x128xf32, #tpu.memory_space<vmem>>, vector<16xf32>,
        %add3A_1467 = arith.addf %add3A_1433, %get3A_1466 : vector<16xf32>
        %get3A_1468 = arith.index_cast %scan3A_1463 : i32 to index
        %get3A_1469 = arith.constant 16 : index
        %get3A_1470 = tpu.vector_load %arg8[%get3A_1468, %get3A_1469] {strides = array<i32>} : memref<50x128xf32, #tpu.memory_space<vmem>>, vector<16xf32>,
        %add3A_1471 = arith.addf %add3A_1437, %get3A_1470 : vector<16xf32>
        %get3A_1472 = arith.index_cast %scan3A_1463 : i32 to index
        %get3A_1473 = arith.constant 32 : index
        %get3A_1474 = tpu.vector_load %arg8[%get3A_1472, %get3A_1473] {strides = array<i32>} : memref<50x128xf32, #tpu.memory_space<vmem>>, vector<16xf32>,
        %add3A_1475 = arith.addf %add3A_1441, %get3A_1474 : vector<16xf32>
        %get3A_1476 = arith.index_cast %scan3A_1463 : i32 to index
        %get3A_1477 = arith.constant 48 : index
        %get3A_1478 = tpu.vector_load %arg8[%get3A_1476, %get3A_1477] {strides = array<i32>} : memref<50x128xf32, #tpu.memory_space<vmem>>, vector<16xf32>,
        %add3A_1479 = arith.addf %add3A_1445, %get3A_1478 : vector<16xf32>
        %get3A_1480 = arith.index_cast %scan3A_1463 : i32 to index
        %get3A_1481 = arith.constant 64 : index
        %get3A_1482 = tpu.vector_load %arg8[%get3A_1480, %get3A_1481] {strides = array<i32>} : memref<50x128xf32, #tpu.memory_space<vmem>>, vector<16xf32>,
        %add3A_1483 = arith.addf %add3A_1449, %get3A_1482 : vector<16xf32>
        %get3A_1484 = arith.index_cast %scan3A_1463 : i32 to index
        %get3A_1485 = arith.constant 80 : index
        %get3A_1486 = tpu.vector_load %arg8[%get3A_1484, %get3A_1485] {strides = array<i32>} : memref<50x128xf32, #tpu.memory_space<vmem>>, vector<16xf32>,
        %add3A_1487 = arith.addf %add3A_1453, %get3A_1486 : vector<16xf32>
        %get3A_1488 = arith.index_cast %scan3A_1463 : i32 to index
        %get3A_1489 = arith.constant 96 : index
        %get3A_1490 = tpu.vector_load %arg8[%get3A_1488, %get3A_1489] {strides = array<i32>} : memref<50x128xf32, #tpu.memory_space<vmem>>, vector<16xf32>,
        %add3A_1491 = arith.addf %add3A_1457, %get3A_1490 : vector<16xf32>
        %get3A_1492 = arith.index_cast %scan3A_1463 : i32 to index
        %get3A_1493 = arith.constant 112 : index
        %get3A_1494 = tpu.vector_load %arg8[%get3A_1492, %get3A_1493] {strides = array<i32>} : memref<50x128xf32, #tpu.memory_space<vmem>>, vector<16xf32>,
        %add3A_1495 = arith.addf %add3A_1461, %get3A_1494 : vector<16xf32>
        scf.yield %add3A_1467, %add3A_1471, %add3A_1475, %add3A_1479, %add3A_1483, %add3A_1487, %add3A_1491, %add3A_1495 : vector<16xf32>, vector<16xf32>, vector<16xf32>, vector<16xf32>, vector<16xf32>, vector<16xf32>, vector<16xf32>, vector<16xf32>
      }
      %scan3A_217 = arith.constant 48 : i32
      %scan3A_218 = arith.addi %scan3A_212, %scan3A_217 : i32
      %get3A = arith.index_cast %scan3A_218 : i32 to index
      %get3A_219 = arith.constant 0 : index
      %get3A_220 = tpu.vector_load %arg8[%get3A, %get3A_219] {strides = array<i32>} : memref<50x128xf32, #tpu.memory_space<vmem>>, vector<16xf32>,
      %add3A_221 = arith.addf %scan3A_216#0, %get3A_220 : vector<16xf32>
      %get3A_222 = arith.index_cast %scan3A_218 : i32 to index
      %get3A_223 = arith.constant 16 : index
      %get3A_224 = tpu.vector_load %arg8[%get3A_222, %get3A_223] {strides = array<i32>} : memref<50x128xf32, #tpu.memory_space<vmem>>, vector<16xf32>,
      %add3A_225 = arith.addf %scan3A_216#1, %get3A_224 : vector<16xf32>
      %get3A_226 = arith.index_cast %scan3A_218 : i32 to index
      %get3A_227 = arith.constant 32 : index
      %get3A_228 = tpu.vector_load %arg8[%get3A_226, %get3A_227] {strides = array<i32>} : memref<50x128xf32, #tpu.memory_space<vmem>>, vector<16xf32>,
      %add3A_229 = arith.addf %scan3A_216#2, %get3A_228 : vector<16xf32>
      %get3A_230 = arith.index_cast %scan3A_218 : i32 to index
      %get3A_231 = arith.constant 48 : index
      %get3A_232 = tpu.vector_load %arg8[%get3A_230, %get3A_231] {strides = array<i32>} : memref<50x128xf32, #tpu.memory_space<vmem>>, vector<16xf32>,
      %add3A_233 = arith.addf %scan3A_216#3, %get3A_232 : vector<16xf32>
      %get3A_234 = arith.index_cast %scan3A_218 : i32 to index
      %get3A_235 = arith.constant 64 : index
      %get3A_236 = tpu.vector_load %arg8[%get3A_234, %get3A_235] {strides = array<i32>} : memref<50x128xf32, #tpu.memory_space<vmem>>, vector<16xf32>,
      %add3A_237 = arith.addf %scan3A_216#4, %get3A_236 : vector<16xf32>
      %get3A_238 = arith.index_cast %scan3A_218 : i32 to index
      %get3A_239 = arith.constant 80 : index
      %get3A_240 = tpu.vector_load %arg8[%get3A_238, %get3A_239] {strides = array<i32>} : memref<50x128xf32, #tpu.memory_space<vmem>>, vector<16xf32>,
      %add3A_241 = arith.addf %scan3A_216#5, %get3A_240 : vector<16xf32>
      %get3A_242 = arith.index_cast %scan3A_218 : i32 to index
      %get3A_243 = arith.constant 96 : index
      %get3A_244 = tpu.vector_load %arg8[%get3A_242, %get3A_243] {strides = array<i32>} : memref<50x128xf32, #tpu.memory_space<vmem>>, vector<16xf32>,
      %add3A_245 = arith.addf %scan3A_216#6, %get3A_244 : vector<16xf32>
      %get3A_246 = arith.index_cast %scan3A_218 : i32 to index
      %get3A_247 = arith.constant 112 : index
      %get3A_248 = tpu.vector_load %arg8[%get3A_246, %get3A_247] {strides = array<i32>} : memref<50x128xf32, #tpu.memory_space<vmem>>, vector<16xf32>,
      %add3A_249 = arith.addf %scan3A_216#7, %get3A_248 : vector<16xf32>
      %scan3A_250 = arith.constant 49 : i32
      %scan3A_251 = arith.addi %scan3A_212, %scan3A_250 : i32
      %get3A_252 = arith.index_cast %scan3A_251 : i32 to index
      %get3A_253 = arith.constant 0 : index
      %get3A_254 = tpu.vector_load %arg8[%get3A_252, %get3A_253] {strides = array<i32>} : memref<50x128xf32, #tpu.memory_space<vmem>>, vector<16xf32>,
      %add3A_255 = arith.addf %add3A_221, %get3A_254 : vector<16xf32>
      %get3A_256 = arith.index_cast %scan3A_251 : i32 to index
      %get3A_257 = arith.constant 16 : index
      %get3A_258 = tpu.vector_load %arg8[%get3A_256, %get3A_257] {strides = array<i32>} : memref<50x128xf32, #tpu.memory_space<vmem>>, vector<16xf32>,
      %add3A_259 = arith.addf %add3A_225, %get3A_258 : vector<16xf32>
      %get3A_260 = arith.index_cast %scan3A_251 : i32 to index
      %get3A_261 = arith.constant 32 : index
      %get3A_262 = tpu.vector_load %arg8[%get3A_260, %get3A_261] {strides = array<i32>} : memref<50x128xf32, #tpu.memory_space<vmem>>, vector<16xf32>,
      %add3A_263 = arith.addf %add3A_229, %get3A_262 : vector<16xf32>
      %get3A_264 = arith.index_cast %scan3A_251 : i32 to index
      %get3A_265 = arith.constant 48 : index
      %get3A_266 = tpu.vector_load %arg8[%get3A_264, %get3A_265] {strides = array<i32>} : memref<50x128xf32, #tpu.memory_space<vmem>>, vector<16xf32>,
      %add3A_267 = arith.addf %add3A_233, %get3A_266 : vector<16xf32>
      %get3A_268 = arith.index_cast %scan3A_251 : i32 to index
      %get3A_269 = arith.constant 64 : index
      %get3A_270 = tpu.vector_load %arg8[%get3A_268, %get3A_269] {strides = array<i32>} : memref<50x128xf32, #tpu.memory_space<vmem>>, vector<16xf32>,
      %add3A_271 = arith.addf %add3A_237, %get3A_270 : vector<16xf32>
      %get3A_272 = arith.index_cast %scan3A_251 : i32 to index
      %get3A_273 = arith.constant 80 : index
      %get3A_274 = tpu.vector_load %arg8[%get3A_272, %get3A_273] {strides = array<i32>} : memref<50x128xf32, #tpu.memory_space<vmem>>, vector<16xf32>,
      %add3A_275 = arith.addf %add3A_241, %get3A_274 : vector<16xf32>
      %get3A_276 = arith.index_cast %scan3A_251 : i32 to index
      %get3A_277 = arith.constant 96 : index
      %get3A_278 = tpu.vector_load %arg8[%get3A_276, %get3A_277] {strides = array<i32>} : memref<50x128xf32, #tpu.memory_space<vmem>>, vector<16xf32>,
      %add3A_279 = arith.addf %add3A_245, %get3A_278 : vector<16xf32>
      %get3A_280 = arith.index_cast %scan3A_251 : i32 to index
      %get3A_281 = arith.constant 112 : index
      %get3A_282 = tpu.vector_load %arg8[%get3A_280, %get3A_281] {strides = array<i32>} : memref<50x128xf32, #tpu.memory_space<vmem>>, vector<16xf32>,
      %add3A_283 = arith.addf %add3A_249, %get3A_282 : vector<16xf32>
      %scan3A_284 = arith.constant 50 : i32
      %mul3A_285 = arith.constant 2.000000e-02 : f32
      %mul3A_286 = vector.broadcast %mul3A_285 : f32 to vector<16xf32>
      %mul3A_287 = arith.mulf %add3A_255, %mul3A_286 : vector<16xf32>
      %mul3A_288 = arith.constant 2.000000e-02 : f32
      %mul3A_289 = vector.broadcast %mul3A_288 : f32 to vector<16xf32>
      %mul3A_290 = arith.mulf %add3A_259, %mul3A_289 : vector<16xf32>
      %mul3A_291 = arith.constant 2.000000e-02 : f32
      %mul3A_292 = vector.broadcast %mul3A_291 : f32 to vector<16xf32>
      %mul3A_293 = arith.mulf %add3A_263, %mul3A_292 : vector<16xf32>
      %mul3A_294 = arith.constant 2.000000e-02 : f32
      %mul3A_295 = vector.broadcast %mul3A_294 : f32 to vector<16xf32>
      %mul3A_296 = arith.mulf %add3A_267, %mul3A_295 : vector<16xf32>
      %mul3A_297 = arith.constant 2.000000e-02 : f32
      %mul3A_298 = vector.broadcast %mul3A_297 : f32 to vector<16xf32>
      %mul3A_299 = arith.mulf %add3A_271, %mul3A_298 : vector<16xf32>
      %mul3A_300 = arith.constant 2.000000e-02 : f32
      %mul3A_301 = vector.broadcast %mul3A_300 : f32 to vector<16xf32>
      %mul3A_302 = arith.mulf %add3A_275, %mul3A_301 : vector<16xf32>
      %mul3A_303 = arith.constant 2.000000e-02 : f32
      %mul3A_304 = vector.broadcast %mul3A_303 : f32 to vector<16xf32>
      %mul3A_305 = arith.mulf %add3A_279, %mul3A_304 : vector<16xf32>
      %mul3A_306 = arith.constant 2.000000e-02 : f32
      %mul3A_307 = vector.broadcast %mul3A_306 : f32 to vector<16xf32>
      %mul3A_308 = arith.mulf %add3A_283, %mul3A_307 : vector<16xf32>
      %add3A_309 = arith.constant 0 : i32
      %add3A_310 = vector.broadcast %add3A_309 : i32 to vector<16xi32>
      %add3A_311 = arith.addi %iota3A, %add3A_310 : vector<16xi32>
      %add3A_312 = arith.constant 16 : i32
      %add3A_313 = vector.broadcast %add3A_312 : i32 to vector<16xi32>
      %add3A_314 = arith.addi %iota3A, %add3A_313 : vector<16xi32>
      %add3A_315 = arith.constant 32 : i32
      %add3A_316 = vector.broadcast %add3A_315 : i32 to vector<16xi32>
      %add3A_317 = arith.addi %iota3A, %add3A_316 : vector<16xi32>
      %add3A_318 = arith.constant 48 : i32
      %add3A_319 = vector.broadcast %add3A_318 : i32 to vector<16xi32>
      %add3A_320 = arith.addi %iota3A, %add3A_319 : vector<16xi32>
      %scan3A_321 = arith.constant 0 : i32
      %scan3A_322 = arith.constant 50 : i32
      %scan3A_323 = arith.addi %scan3A_321, %scan3A_322 : i32
      %scan3A_324 = arith.constant 2 : i32
      %scan3A_325:4 = scf.for %scan3A_1353 = %scan3A_321 to %scan3A_323 step %scan3A_324 iter_args(%scan3A_1354 = %broadcast_in_dim3A_1, %scan3A_1355 = %broadcast_in_dim3A_1, %scan3A_1356 = %broadcast_in_dim3A_1, %scan3A_1357 = %broadcast_in_dim3A_1) -> (vector<16xf32>, vector<16xf32>, vector<16xf32>, vector<16xf32>)  : i32 {
        %get3A_1358 = arith.index_cast %scan3A_1353 : i32 to index
        %get3A_1359 = arith.constant 0 : index
        %get3A_1360 = tpu.vector_load %arg8[%get3A_1358, %get3A_1359] {strides = array<i32>} : memref<50x128xf32, #tpu.memory_space<vmem>>, vector<16xf32>,
        %mul3A_1361 = arith.mulf %get3A_1360, %mul3A_287 : vector<16xf32>
        %get3A_1362 = arith.index_cast %scan3A_1353 : i32 to index
        %get3A_1363 = arith.constant 16 : index
        %get3A_1364 = tpu.vector_load %arg8[%get3A_1362, %get3A_1363] {strides = array<i32>} : memref<50x128xf32, #tpu.memory_space<vmem>>, vector<16xf32>,
        %mul3A_1365 = arith.mulf %get3A_1364, %mul3A_290 : vector<16xf32>
        %add3A_1366 = arith.addf %mul3A_1361, %mul3A_1365 : vector<16xf32>
        %get3A_1367 = arith.index_cast %scan3A_1353 : i32 to index
        %get3A_1368 = arith.constant 32 : index
        %get3A_1369 = tpu.vector_load %arg8[%get3A_1367, %get3A_1368] {strides = array<i32>} : memref<50x128xf32, #tpu.memory_space<vmem>>, vector<16xf32>,
        %mul3A_1370 = arith.mulf %get3A_1369, %mul3A_293 : vector<16xf32>
        %add3A_1371 = arith.addf %add3A_1366, %mul3A_1370 : vector<16xf32>
        %get3A_1372 = arith.index_cast %scan3A_1353 : i32 to index
        %get3A_1373 = arith.constant 48 : index
        %get3A_1374 = tpu.vector_load %arg8[%get3A_1372, %get3A_1373] {strides = array<i32>} : memref<50x128xf32, #tpu.memory_space<vmem>>, vector<16xf32>,
        %mul3A_1375 = arith.mulf %get3A_1374, %mul3A_296 : vector<16xf32>
        %add3A_1376 = arith.addf %add3A_1371, %mul3A_1375 : vector<16xf32>
        %get3A_1377 = arith.index_cast %scan3A_1353 : i32 to index
        %get3A_1378 = arith.constant 64 : index
        %get3A_1379 = tpu.vector_load %arg8[%get3A_1377, %get3A_1378] {strides = array<i32>} : memref<50x128xf32, #tpu.memory_space<vmem>>, vector<16xf32>,
        %mul3A_1380 = arith.mulf %get3A_1379, %mul3A_299 : vector<16xf32>
        %add3A_1381 = arith.addf %add3A_1376, %mul3A_1380 : vector<16xf32>
        %get3A_1382 = arith.index_cast %scan3A_1353 : i32 to index
        %get3A_1383 = arith.constant 80 : index
        %get3A_1384 = tpu.vector_load %arg8[%get3A_1382, %get3A_1383] {strides = array<i32>} : memref<50x128xf32, #tpu.memory_space<vmem>>, vector<16xf32>,
        %mul3A_1385 = arith.mulf %get3A_1384, %mul3A_302 : vector<16xf32>
        %add3A_1386 = arith.addf %add3A_1381, %mul3A_1385 : vector<16xf32>
        %get3A_1387 = arith.index_cast %scan3A_1353 : i32 to index
        %get3A_1388 = arith.constant 96 : index
        %get3A_1389 = tpu.vector_load %arg8[%get3A_1387, %get3A_1388] {strides = array<i32>} : memref<50x128xf32, #tpu.memory_space<vmem>>, vector<16xf32>,
        %mul3A_1390 = arith.mulf %get3A_1389, %mul3A_305 : vector<16xf32>
        %add3A_1391 = arith.addf %add3A_1386, %mul3A_1390 : vector<16xf32>
        %get3A_1392 = arith.index_cast %scan3A_1353 : i32 to index
        %get3A_1393 = arith.constant 112 : index
        %get3A_1394 = tpu.vector_load %arg8[%get3A_1392, %get3A_1393] {strides = array<i32>} : memref<50x128xf32, #tpu.memory_space<vmem>>, vector<16xf32>,
        %mul3A_1395 = arith.mulf %get3A_1394, %mul3A_308 : vector<16xf32>
        %add3A_1396 = arith.addf %add3A_1391, %mul3A_1395 : vector<16xf32>
        %reduce_sum3A_1397 = arith.constant true
        %reduce_sum3A_1398 = vector.broadcast %reduce_sum3A_1397 : i1 to vector<16xi1>
        %reduce_sum3A_1399 = tpu.scan <sum>, %add3A_1396 masked %reduce_sum3A_1398 : vector<16xf32>, vector<16xi1> -> vector<16xf32>
        %reduce_sum3A_1400 = vector.extract %reduce_sum3A_1399[15] : f32 from vector<16xf32>
        %broadcast_in_dim3A_1401 = vector.broadcast %reduce_sum3A_1400 : f32 to vector<16xf32>
        %broadcast_in_dim3A_1402 = vector.broadcast %scan3A_1353 : i32 to vector<16xi32>
        %eq3A = arith.cmpi eq, %add3A_311, %broadcast_in_dim3A_1402 : vector<16xi32>
        %select_n3A_1403 = arith.select %eq3A, %broadcast_in_dim3A_1401, %scan3A_1354 : vector<16xi1>, vector<16xf32>
        %eq3A_1404 = arith.cmpi eq, %add3A_314, %broadcast_in_dim3A_1402 : vector<16xi32>
        %select_n3A_1405 = arith.select %eq3A_1404, %broadcast_in_dim3A_1401, %scan3A_1355 : vector<16xi1>, vector<16xf32>
        %eq3A_1406 = arith.cmpi eq, %add3A_317, %broadcast_in_dim3A_1402 : vector<16xi32>
        %select_n3A_1407 = arith.select %eq3A_1406, %broadcast_in_dim3A_1401, %scan3A_1356 : vector<16xi1>, vector<16xf32>
        %eq3A_1408 = arith.cmpi eq, %add3A_320, %broadcast_in_dim3A_1402 : vector<16xi32>
        %select_n3A_1409 = arith.select %eq3A_1408, %broadcast_in_dim3A_1401, %scan3A_1357 : vector<16xi1>, vector<16xf32>
        %scan3A_1410 = arith.constant 1 : i32
        %scan3A_1411 = arith.addi %scan3A_1353, %scan3A_1410 : i32
        %get3A_1412 = arith.index_cast %scan3A_1411 : i32 to index
        %get3A_1413 = arith.constant 0 : index
        %get3A_1414 = tpu.vector_load %arg8[%get3A_1412, %get3A_1413] {strides = array<i32>} : memref<50x128xf32, #tpu.memory_space<vmem>>, vector<16xf32>,
        %mul3A_1415 = arith.mulf %get3A_1414, %mul3A_287 : vector<16xf32>
        %get3A_1416 = arith.index_cast %scan3A_1411 : i32 to index
        %get3A_1417 = arith.constant 16 : index
        %get3A_1418 = tpu.vector_load %arg8[%get3A_1416, %get3A_1417] {strides = array<i32>} : memref<50x128xf32, #tpu.memory_space<vmem>>, vector<16xf32>,
        %mul3A_1419 = arith.mulf %get3A_1418, %mul3A_290 : vector<16xf32>
        %add3A_1420 = arith.addf %mul3A_1415, %mul3A_1419 : vector<16xf32>
        %get3A_1421 = arith.index_cast %scan3A_1411 : i32 to index
        %get3A_1422 = arith.constant 32 : index
        %get3A_1423 = tpu.vector_load %arg8[%get3A_1421, %get3A_1422] {strides = array<i32>} : memref<50x128xf32, #tpu.memory_space<vmem>>, vector<16xf32>,
        %mul3A_1424 = arith.mulf %get3A_1423, %mul3A_293 : vector<16xf32>
        %add3A_1425 = arith.addf %add3A_1420, %mul3A_1424 : vector<16xf32>
        %get3A_1426 = arith.index_cast %scan3A_1411 : i32 to index
        %get3A_1427 = arith.constant 48 : index
        %get3A_1428 = tpu.vector_load %arg8[%get3A_1426, %get3A_1427] {strides = array<i32>} : memref<50x128xf32, #tpu.memory_space<vmem>>, vector<16xf32>,
        %mul3A_1429 = arith.mulf %get3A_1428, %mul3A_296 : vector<16xf32>
        %add3A_1430 = arith.addf %add3A_1425, %mul3A_1429 : vector<16xf32>
        %get3A_1431 = arith.index_cast %scan3A_1411 : i32 to index
        %get3A_1432 = arith.constant 64 : index
        %get3A_1433 = tpu.vector_load %arg8[%get3A_1431, %get3A_1432] {strides = array<i32>} : memref<50x128xf32, #tpu.memory_space<vmem>>, vector<16xf32>,
        %mul3A_1434 = arith.mulf %get3A_1433, %mul3A_299 : vector<16xf32>
        %add3A_1435 = arith.addf %add3A_1430, %mul3A_1434 : vector<16xf32>
        %get3A_1436 = arith.index_cast %scan3A_1411 : i32 to index
        %get3A_1437 = arith.constant 80 : index
        %get3A_1438 = tpu.vector_load %arg8[%get3A_1436, %get3A_1437] {strides = array<i32>} : memref<50x128xf32, #tpu.memory_space<vmem>>, vector<16xf32>,
        %mul3A_1439 = arith.mulf %get3A_1438, %mul3A_302 : vector<16xf32>
        %add3A_1440 = arith.addf %add3A_1435, %mul3A_1439 : vector<16xf32>
        %get3A_1441 = arith.index_cast %scan3A_1411 : i32 to index
        %get3A_1442 = arith.constant 96 : index
        %get3A_1443 = tpu.vector_load %arg8[%get3A_1441, %get3A_1442] {strides = array<i32>} : memref<50x128xf32, #tpu.memory_space<vmem>>, vector<16xf32>,
        %mul3A_1444 = arith.mulf %get3A_1443, %mul3A_305 : vector<16xf32>
        %add3A_1445 = arith.addf %add3A_1440, %mul3A_1444 : vector<16xf32>
        %get3A_1446 = arith.index_cast %scan3A_1411 : i32 to index
        %get3A_1447 = arith.constant 112 : index
        %get3A_1448 = tpu.vector_load %arg8[%get3A_1446, %get3A_1447] {strides = array<i32>} : memref<50x128xf32, #tpu.memory_space<vmem>>, vector<16xf32>,
        %mul3A_1449 = arith.mulf %get3A_1448, %mul3A_308 : vector<16xf32>
        %add3A_1450 = arith.addf %add3A_1445, %mul3A_1449 : vector<16xf32>
        %reduce_sum3A_1451 = arith.constant true
        %reduce_sum3A_1452 = vector.broadcast %reduce_sum3A_1451 : i1 to vector<16xi1>
        %reduce_sum3A_1453 = tpu.scan <sum>, %add3A_1450 masked %reduce_sum3A_1452 : vector<16xf32>, vector<16xi1> -> vector<16xf32>
        %reduce_sum3A_1454 = vector.extract %reduce_sum3A_1453[15] : f32 from vector<16xf32>
        %broadcast_in_dim3A_1455 = vector.broadcast %reduce_sum3A_1454 : f32 to vector<16xf32>
        %broadcast_in_dim3A_1456 = vector.broadcast %scan3A_1411 : i32 to vector<16xi32>
        %eq3A_1457 = arith.cmpi eq, %add3A_311, %broadcast_in_dim3A_1456 : vector<16xi32>
        %select_n3A_1458 = arith.select %eq3A_1457, %broadcast_in_dim3A_1455, %select_n3A_1403 : vector<16xi1>, vector<16xf32>
        %eq3A_1459 = arith.cmpi eq, %add3A_314, %broadcast_in_dim3A_1456 : vector<16xi32>
        %select_n3A_1460 = arith.select %eq3A_1459, %broadcast_in_dim3A_1455, %select_n3A_1405 : vector<16xi1>, vector<16xf32>
        %eq3A_1461 = arith.cmpi eq, %add3A_317, %broadcast_in_dim3A_1456 : vector<16xi32>
        %select_n3A_1462 = arith.select %eq3A_1461, %broadcast_in_dim3A_1455, %select_n3A_1407 : vector<16xi1>, vector<16xf32>
        %eq3A_1463 = arith.cmpi eq, %add3A_320, %broadcast_in_dim3A_1456 : vector<16xi32>
        %select_n3A_1464 = arith.select %eq3A_1463, %broadcast_in_dim3A_1455, %select_n3A_1409 : vector<16xi1>, vector<16xf32>
        scf.yield %select_n3A_1458, %select_n3A_1460, %select_n3A_1462, %select_n3A_1464 : vector<16xf32>, vector<16xf32>, vector<16xf32>, vector<16xf32>
      }
      %scan3A_326 = arith.constant 50 : i32
      %lt3A = arith.constant 2 : i32
      %lt3A_327 = vector.broadcast %lt3A : i32 to vector<16xi32>
      %lt3A_328 = arith.cmpi slt, %iota3A, %lt3A_327 : vector<16xi32>
      %broadcast_in_dim3A_329 = arith.constant -1.000000e+30 : f32
      %broadcast_in_dim3A_330 = vector.broadcast %broadcast_in_dim3A_329 : f32 to vector<16xf32>
      %select_n3A = arith.select %lt3A_328, %scan3A_325#3, %broadcast_in_dim3A_330 : vector<16xi1>, vector<16xf32>
      %max3A = arith.maximumf %scan3A_325#0, %scan3A_325#1 : vector<16xf32>
      %max3A_331 = arith.maximumf %max3A, %scan3A_325#2 : vector<16xf32>
      %max3A_332 = arith.maximumf %max3A_331, %select_n3A : vector<16xf32>
      %reduce_max3A = arith.constant true
      %reduce_max3A_333 = vector.broadcast %reduce_max3A : i1 to vector<16xi1>
      %reduce_max3A_334 = tpu.scan <max>, %max3A_332 masked %reduce_max3A_333 : vector<16xf32>, vector<16xi1> -> vector<16xf32>
      %reduce_max3A_335 = vector.extract %reduce_max3A_334[15] : f32 from vector<16xf32>
      %broadcast_in_dim3A_336 = vector.broadcast %reduce_max3A_335 : f32 to vector<16xf32>
      %sub3A = arith.subf %scan3A_325#0, %broadcast_in_dim3A_336 : vector<16xf32>
      %exp3A = math.exp %sub3A : vector<16xf32>
      %sub3A_337 = arith.subf %scan3A_325#1, %broadcast_in_dim3A_336 : vector<16xf32>
      %exp3A_338 = math.exp %sub3A_337 : vector<16xf32>
      %sub3A_339 = arith.subf %scan3A_325#2, %broadcast_in_dim3A_336 : vector<16xf32>
      %exp3A_340 = math.exp %sub3A_339 : vector<16xf32>
      %sub3A_341 = arith.subf %select_n3A, %broadcast_in_dim3A_336 : vector<16xf32>
      %exp3A_342 = math.exp %sub3A_341 : vector<16xf32>
      %add3A_343 = arith.addf %exp3A, %exp3A_338 : vector<16xf32>
      %add3A_344 = arith.addf %add3A_343, %exp3A_340 : vector<16xf32>
      %add3A_345 = arith.addf %add3A_344, %exp3A_342 : vector<16xf32>
      %reduce_sum3A = arith.constant true
      %reduce_sum3A_346 = vector.broadcast %reduce_sum3A : i1 to vector<16xi1>
      %reduce_sum3A_347 = tpu.scan <sum>, %add3A_345 masked %reduce_sum3A_346 : vector<16xf32>, vector<16xi1> -> vector<16xf32>
      %reduce_sum3A_348 = vector.extract %reduce_sum3A_347[15] : f32 from vector<16xf32>
      %broadcast_in_dim3A_349 = vector.broadcast %reduce_sum3A_348 : f32 to vector<16xf32>
      %broadcast_in_dim3A_350 = arith.constant 1.000000e+00 : f32
      %broadcast_in_dim3A_351 = vector.broadcast %broadcast_in_dim3A_350 : f32 to vector<16xf32>
      %div3A = arith.divf %broadcast_in_dim3A_351, %broadcast_in_dim3A_349 : vector<16xf32>
      %mul3A_352 = arith.mulf %exp3A, %div3A : vector<16xf32>
      %mul3A_353 = arith.mulf %exp3A_338, %div3A : vector<16xf32>
      %mul3A_354 = arith.mulf %exp3A_340, %div3A : vector<16xf32>
      %mul3A_355 = arith.mulf %exp3A_342, %div3A : vector<16xf32>
      %swap3A = arith.constant 0 : index
      %swap3A_356 = tpu.vector_load %arg14[%swap3A] {strides = array<i32>} : memref<80xf32, #tpu.memory_space<vmem>>, vector<16xf32>,
      tpu.vector_store %arg14[%swap3A], %mul3A_352 {strides = array<i32>} : memref<80xf32, #tpu.memory_space<vmem>>, vector<16xf32>,
      %swap3A_357 = arith.constant 16 : index
      %swap3A_358 = tpu.vector_load %arg14[%swap3A_357] {strides = array<i32>} : memref<80xf32, #tpu.memory_space<vmem>>, vector<16xf32>,
      tpu.vector_store %arg14[%swap3A_357], %mul3A_353 {strides = array<i32>} : memref<80xf32, #tpu.memory_space<vmem>>, vector<16xf32>,
      %swap3A_359 = arith.constant 32 : index
      %swap3A_360 = tpu.vector_load %arg14[%swap3A_359] {strides = array<i32>} : memref<80xf32, #tpu.memory_space<vmem>>, vector<16xf32>,
      tpu.vector_store %arg14[%swap3A_359], %mul3A_354 {strides = array<i32>} : memref<80xf32, #tpu.memory_space<vmem>>, vector<16xf32>,
      %swap3A_361 = arith.constant 48 : index
      %swap3A_362 = tpu.vector_load %arg14[%swap3A_361] {strides = array<i32>} : memref<80xf32, #tpu.memory_space<vmem>>, vector<16xf32>,
      tpu.vector_store %arg14[%swap3A_361], %mul3A_355 {strides = array<i32>} : memref<80xf32, #tpu.memory_space<vmem>>, vector<16xf32>,
      %dma_wait3A_363 = arith.constant 0 : i32
      %dma_wait3A_364 = arith.constant 0 : i32
      %dma_wait3A_365 = tpu.memref_slice %arg7[%dma_wait3A_363, %dma_wait3A_364] : memref<128x50xi32, #tpu.memory_space<vmem>> -> memref<1x50xi32, #tpu.memory_space<vmem>>
      %dma_wait3A_366 = tpu.memref_squeeze %dma_wait3A_365 : memref<1x50xi32, #tpu.memory_space<vmem>> -> memref<50xi32, #tpu.memory_space<vmem>>
      %dma_wait3A_367 = arith.constant 0 : i32
      %dma_wait3A_368 = arith.constant 0 : i32
      %dma_wait3A_369 = tpu.memref_slice %arg3[%dma_wait3A_367, %dma_wait3A_368] : memref<100000x128xf32, #tpu.memory_space<hbm>> -> memref<100000x128xf32, #tpu.memory_space<hbm>>
      tpu.wait_indirect_dma semaphore(%arg16 : memref<!tpu.dma_semaphore, #tpu.memory_space<semaphore_mem>>) src(%dma_wait3A_369 : memref<100000x128xf32, #tpu.memory_space<hbm>>) dst(%arg9 : memref<50x128xf32, #tpu.memory_space<vmem>>)
      %dma_wait3A_370 = arith.constant 0 : i32
      %dma_wait3A_371 = arith.constant 0 : i32
      %dma_wait3A_372 = tpu.memref_slice %arg7[%dma_wait3A_370, %dma_wait3A_371] : memref<128x50xi32, #tpu.memory_space<vmem>> -> memref<1x50xi32, #tpu.memory_space<vmem>>
      %dma_wait3A_373 = tpu.memref_squeeze %dma_wait3A_372 : memref<1x50xi32, #tpu.memory_space<vmem>> -> memref<50xi32, #tpu.memory_space<vmem>>
      %dma_wait3A_374 = arith.constant 0 : i32
      %dma_wait3A_375 = arith.constant 0 : i32
      %dma_wait3A_376 = tpu.memref_slice %arg4[%dma_wait3A_374, %dma_wait3A_375] : memref<100000x128xf32, #tpu.memory_space<hbm>> -> memref<100000x128xf32, #tpu.memory_space<hbm>>
      tpu.wait_indirect_dma semaphore(%arg17 : memref<!tpu.dma_semaphore, #tpu.memory_space<semaphore_mem>>) src(%dma_wait3A_376 : memref<100000x128xf32, #tpu.memory_space<hbm>>) dst(%arg11 : memref<50x128xf32, #tpu.memory_space<vmem>>)
      %dma_wait3A_377 = arith.constant 0 : i32
      %dma_wait3A_378 = arith.constant 0 : i32
      %dma_wait3A_379 = tpu.memref_slice %arg7[%dma_wait3A_377, %dma_wait3A_378] : memref<128x50xi32, #tpu.memory_space<vmem>> -> memref<1x50xi32, #tpu.memory_space<vmem>>
      %dma_wait3A_380 = tpu.memref_squeeze %dma_wait3A_379 : memref<1x50xi32, #tpu.memory_space<vmem>> -> memref<50xi32, #tpu.memory_space<vmem>>
      %dma_wait3A_381 = arith.constant 0 : i32
      %dma_wait3A_382 = arith.constant 0 : i32
      %dma_wait3A_383 = tpu.memref_slice %arg5[%dma_wait3A_381, %dma_wait3A_382] : memref<100000x128xf32, #tpu.memory_space<hbm>> -> memref<100000x128xf32, #tpu.memory_space<hbm>>
      tpu.wait_indirect_dma semaphore(%arg18 : memref<!tpu.dma_semaphore, #tpu.memory_space<semaphore_mem>>) src(%dma_wait3A_383 : memref<100000x128xf32, #tpu.memory_space<hbm>>) dst(%arg13 : memref<50x128xf32, #tpu.memory_space<vmem>>)
      %add3A_384 = arith.constant 1 : i32
      %add3A_385 = arith.addi %mul3A_116, %add3A_384 : i32
      %mul3A_386 = arith.constant 4 : i32
      %mul3A_387 = arith.muli %mul3A_386, %add3A_385 : i32
      %add3A_388 = arith.constant 1 : i32
      %add3A_389 = arith.addi %mul3A_387, %add3A_388 : i32
      %dma_start3A_390 = arith.constant 0 : i32
      %dma_start3A_391 = tpu.memref_slice %arg7[%add3A_389, %dma_start3A_390] : memref<128x50xi32, #tpu.memory_space<vmem>> -> memref<1x50xi32, #tpu.memory_space<vmem>>
      %dma_start3A_392 = tpu.memref_squeeze %dma_start3A_391 : memref<1x50xi32, #tpu.memory_space<vmem>> -> memref<50xi32, #tpu.memory_space<vmem>>
      %dma_start3A_393 = arith.constant 0 : i32
      %dma_start3A_394 = arith.constant 0 : i32
      %dma_start3A_395 = tpu.memref_slice %arg3[%dma_start3A_393, %dma_start3A_394] : memref<100000x128xf32, #tpu.memory_space<hbm>> -> memref<100000x128xf32, #tpu.memory_space<hbm>>
      tpu.enqueue_indirect_dma source(%dma_start3A_395 : memref<100000x128xf32, #tpu.memory_space<hbm>>) target(%arg9 : memref<50x128xf32, #tpu.memory_space<vmem>>) offsets(%dma_start3A_392 : memref<50xi32, #tpu.memory_space<vmem>>) semaphore(%arg16 : memref<!tpu.dma_semaphore, #tpu.memory_space<semaphore_mem>>) {add = true}
      %mul3A_396 = arith.constant 4 : i32
      %mul3A_397 = arith.muli %mul3A_396, %add3A_385 : i32
      %add3A_398 = arith.constant 1 : i32
      %add3A_399 = arith.addi %mul3A_397, %add3A_398 : i32
      %dma_start3A_400 = arith.constant 0 : i32
      %dma_start3A_401 = tpu.memref_slice %arg7[%add3A_399, %dma_start3A_400] : memref<128x50xi32, #tpu.memory_space<vmem>> -> memref<1x50xi32, #tpu.memory_space<vmem>>
      %dma_start3A_402 = tpu.memref_squeeze %dma_start3A_401 : memref<1x50xi32, #tpu.memory_space<vmem>> -> memref<50xi32, #tpu.memory_space<vmem>>
      %dma_start3A_403 = arith.constant 0 : i32
      %dma_start3A_404 = arith.constant 0 : i32
      %dma_start3A_405 = tpu.memref_slice %arg4[%dma_start3A_403, %dma_start3A_404] : memref<100000x128xf32, #tpu.memory_space<hbm>> -> memref<100000x128xf32, #tpu.memory_space<hbm>>
      tpu.enqueue_indirect_dma source(%dma_start3A_405 : memref<100000x128xf32, #tpu.memory_space<hbm>>) target(%arg11 : memref<50x128xf32, #tpu.memory_space<vmem>>) offsets(%dma_start3A_402 : memref<50xi32, #tpu.memory_space<vmem>>) semaphore(%arg17 : memref<!tpu.dma_semaphore, #tpu.memory_space<semaphore_mem>>) {add = true}
      %mul3A_406 = arith.constant 4 : i32
      %mul3A_407 = arith.muli %mul3A_406, %add3A_385 : i32
      %add3A_408 = arith.constant 1 : i32
      %add3A_409 = arith.addi %mul3A_407, %add3A_408 : i32
      %dma_start3A_410 = arith.constant 0 : i32
      %dma_start3A_411 = tpu.memref_slice %arg7[%add3A_409, %dma_start3A_410] : memref<128x50xi32, #tpu.memory_space<vmem>> -> memref<1x50xi32, #tpu.memory_space<vmem>>
      %dma_start3A_412 = tpu.memref_squeeze %dma_start3A_411 : memref<1x50xi32, #tpu.memory_space<vmem>> -> memref<50xi32, #tpu.memory_space<vmem>>
      %dma_start3A_413 = arith.constant 0 : i32
      %dma_start3A_414 = arith.constant 0 : i32
      %dma_start3A_415 = tpu.memref_slice %arg5[%dma_start3A_413, %dma_start3A_414] : memref<100000x128xf32, #tpu.memory_space<hbm>> -> memref<100000x128xf32, #tpu.memory_space<hbm>>
      tpu.enqueue_indirect_dma source(%dma_start3A_415 : memref<100000x128xf32, #tpu.memory_space<hbm>>) target(%arg13 : memref<50x128xf32, #tpu.memory_space<vmem>>) offsets(%dma_start3A_412 : memref<50xi32, #tpu.memory_space<vmem>>) semaphore(%arg18 : memref<!tpu.dma_semaphore, #tpu.memory_space<semaphore_mem>>) {add = true}
      %mul3A_416 = arith.constant 4 : i32
      %mul3A_417 = arith.muli %mul3A_416, %add3A_385 : i32
      %add3A_418 = arith.constant 2 : i32
      %add3A_419 = arith.addi %mul3A_417, %add3A_418 : i32
      %dma_start3A_420 = arith.constant 0 : i32
      %dma_start3A_421 = tpu.memref_slice %arg7[%add3A_419, %dma_start3A_420] : memref<128x50xi32, #tpu.memory_space<vmem>> -> memref<1x50xi32, #tpu.memory_space<vmem>>
      %dma_start3A_422 = tpu.memref_squeeze %dma_start3A_421 : memref<1x50xi32, #tpu.memory_space<vmem>> -> memref<50xi32, #tpu.memory_space<vmem>>
      %dma_start3A_423 = arith.constant 0 : i32
      %dma_start3A_424 = arith.constant 0 : i32
      %dma_start3A_425 = tpu.memref_slice %arg3[%dma_start3A_423, %dma_start3A_424] : memref<100000x128xf32, #tpu.memory_space<hbm>> -> memref<100000x128xf32, #tpu.memory_space<hbm>>
      tpu.enqueue_indirect_dma source(%dma_start3A_425 : memref<100000x128xf32, #tpu.memory_space<hbm>>) target(%arg9 : memref<50x128xf32, #tpu.memory_space<vmem>>) offsets(%dma_start3A_422 : memref<50xi32, #tpu.memory_space<vmem>>) semaphore(%arg16 : memref<!tpu.dma_semaphore, #tpu.memory_space<semaphore_mem>>) {add = true}
      %mul3A_426 = arith.constant 4 : i32
      %mul3A_427 = arith.muli %mul3A_426, %add3A_385 : i32
      %add3A_428 = arith.constant 2 : i32
      %add3A_429 = arith.addi %mul3A_427, %add3A_428 : i32
      %dma_start3A_430 = arith.constant 0 : i32
      %dma_start3A_431 = tpu.memref_slice %arg7[%add3A_429, %dma_start3A_430] : memref<128x50xi32, #tpu.memory_space<vmem>> -> memref<1x50xi32, #tpu.memory_space<vmem>>
      %dma_start3A_432 = tpu.memref_squeeze %dma_start3A_431 : memref<1x50xi32, #tpu.memory_space<vmem>> -> memref<50xi32, #tpu.memory_space<vmem>>
      %dma_start3A_433 = arith.constant 0 : i32
      %dma_start3A_434 = arith.constant 0 : i32
      %dma_start3A_435 = tpu.memref_slice %arg4[%dma_start3A_433, %dma_start3A_434] : memref<100000x128xf32, #tpu.memory_space<hbm>> -> memref<100000x128xf32, #tpu.memory_space<hbm>>
      tpu.enqueue_indirect_dma source(%dma_start3A_435 : memref<100000x128xf32, #tpu.memory_space<hbm>>) target(%arg11 : memref<50x128xf32, #tpu.memory_space<vmem>>) offsets(%dma_start3A_432 : memref<50xi32, #tpu.memory_space<vmem>>) semaphore(%arg17 : memref<!tpu.dma_semaphore, #tpu.memory_space<semaphore_mem>>) {add = true}
      %mul3A_436 = arith.constant 4 : i32
      %mul3A_437 = arith.muli %mul3A_436, %add3A_385 : i32
      %add3A_438 = arith.constant 2 : i32
      %add3A_439 = arith.addi %mul3A_437, %add3A_438 : i32
      %dma_start3A_440 = arith.constant 0 : i32
      %dma_start3A_441 = tpu.memref_slice %arg7[%add3A_439, %dma_start3A_440] : memref<128x50xi32, #tpu.memory_space<vmem>> -> memref<1x50xi32, #tpu.memory_space<vmem>>
      %dma_start3A_442 = tpu.memref_squeeze %dma_start3A_441 : memref<1x50xi32, #tpu.memory_space<vmem>> -> memref<50xi32, #tpu.memory_space<vmem>>
      %dma_start3A_443 = arith.constant 0 : i32
      %dma_start3A_444 = arith.constant 0 : i32
      %dma_start3A_445 = tpu.memref_slice %arg5[%dma_start3A_443, %dma_start3A_444] : memref<100000x128xf32, #tpu.memory_space<hbm>> -> memref<100000x128xf32, #tpu.memory_space<hbm>>
      tpu.enqueue_indirect_dma source(%dma_start3A_445 : memref<100000x128xf32, #tpu.memory_space<hbm>>) target(%arg13 : memref<50x128xf32, #tpu.memory_space<vmem>>) offsets(%dma_start3A_442 : memref<50xi32, #tpu.memory_space<vmem>>) semaphore(%arg18 : memref<!tpu.dma_semaphore, #tpu.memory_space<semaphore_mem>>) {add = true}
      %mul3A_446 = arith.constant 4 : i32
      %mul3A_447 = arith.muli %mul3A_446, %add3A_385 : i32
      %add3A_448 = arith.constant 3 : i32
      %add3A_449 = arith.addi %mul3A_447, %add3A_448 : i32
      %dma_start3A_450 = arith.constant 0 : i32
      %dma_start3A_451 = tpu.memref_slice %arg7[%add3A_449, %dma_start3A_450] : memref<128x50xi32, #tpu.memory_space<vmem>> -> memref<1x50xi32, #tpu.memory_space<vmem>>
      %dma_start3A_452 = tpu.memref_squeeze %dma_start3A_451 : memref<1x50xi32, #tpu.memory_space<vmem>> -> memref<50xi32, #tpu.memory_space<vmem>>
      %dma_start3A_453 = arith.constant 0 : i32
      %dma_start3A_454 = arith.constant 0 : i32
      %dma_start3A_455 = tpu.memref_slice %arg3[%dma_start3A_453, %dma_start3A_454] : memref<100000x128xf32, #tpu.memory_space<hbm>> -> memref<100000x128xf32, #tpu.memory_space<hbm>>
      tpu.enqueue_indirect_dma source(%dma_start3A_455 : memref<100000x128xf32, #tpu.memory_space<hbm>>) target(%arg9 : memref<50x128xf32, #tpu.memory_space<vmem>>) offsets(%dma_start3A_452 : memref<50xi32, #tpu.memory_space<vmem>>) semaphore(%arg16 : memref<!tpu.dma_semaphore, #tpu.memory_space<semaphore_mem>>) {add = true}
      %mul3A_456 = arith.constant 4 : i32
      %mul3A_457 = arith.muli %mul3A_456, %add3A_385 : i32
      %add3A_458 = arith.constant 3 : i32
      %add3A_459 = arith.addi %mul3A_457, %add3A_458 : i32
      %dma_start3A_460 = arith.constant 0 : i32
      %dma_start3A_461 = tpu.memref_slice %arg7[%add3A_459, %dma_start3A_460] : memref<128x50xi32, #tpu.memory_space<vmem>> -> memref<1x50xi32, #tpu.memory_space<vmem>>
      %dma_start3A_462 = tpu.memref_squeeze %dma_start3A_461 : memref<1x50xi32, #tpu.memory_space<vmem>> -> memref<50xi32, #tpu.memory_space<vmem>>
      %dma_start3A_463 = arith.constant 0 : i32
      %dma_start3A_464 = arith.constant 0 : i32
      %dma_start3A_465 = tpu.memref_slice %arg4[%dma_start3A_463, %dma_start3A_464] : memref<100000x128xf32, #tpu.memory_space<hbm>> -> memref<100000x128xf32, #tpu.memory_space<hbm>>
      tpu.enqueue_indirect_dma source(%dma_start3A_465 : memref<100000x128xf32, #tpu.memory_space<hbm>>) target(%arg11 : memref<50x128xf32, #tpu.memory_space<vmem>>) offsets(%dma_start3A_462 : memref<50xi32, #tpu.memory_space<vmem>>) semaphore(%arg17 : memref<!tpu.dma_semaphore, #tpu.memory_space<semaphore_mem>>) {add = true}
      %mul3A_466 = arith.constant 4 : i32
      %mul3A_467 = arith.muli %mul3A_466, %add3A_385 : i32
      %add3A_468 = arith.constant 3 : i32
      %add3A_469 = arith.addi %mul3A_467, %add3A_468 : i32
      %dma_start3A_470 = arith.constant 0 : i32
      %dma_start3A_471 = tpu.memref_slice %arg7[%add3A_469, %dma_start3A_470] : memref<128x50xi32, #tpu.memory_space<vmem>> -> memref<1x50xi32, #tpu.memory_space<vmem>>
      %dma_start3A_472 = tpu.memref_squeeze %dma_start3A_471 : memref<1x50xi32, #tpu.memory_space<vmem>> -> memref<50xi32, #tpu.memory_space<vmem>>
      %dma_start3A_473 = arith.constant 0 : i32
      %dma_start3A_474 = arith.constant 0 : i32
      %dma_start3A_475 = tpu.memref_slice %arg5[%dma_start3A_473, %dma_start3A_474] : memref<100000x128xf32, #tpu.memory_space<hbm>> -> memref<100000x128xf32, #tpu.memory_space<hbm>>
      tpu.enqueue_indirect_dma source(%dma_start3A_475 : memref<100000x128xf32, #tpu.memory_space<hbm>>) target(%arg13 : memref<50x128xf32, #tpu.memory_space<vmem>>) offsets(%dma_start3A_472 : memref<50xi32, #tpu.memory_space<vmem>>) semaphore(%arg18 : memref<!tpu.dma_semaphore, #tpu.memory_space<semaphore_mem>>) {add = true}
      %get3A_476 = arith.constant 0 : index
      %get3A_477 = tpu.vector_load %arg14[%get3A_476] {strides = array<i32>} : memref<80xf32, #tpu.memory_space<vmem>>, vector<16xf32>,
      %slice3A = vector.extract_strided_slice %get3A_477 {offsets = [0], sizes = [1], strides = [1]} : vector<16xf32> to vector<1xf32>
      %squeeze3A = vector.extract %slice3A[0] : f32 from vector<1xf32>
      %broadcast_in_dim3A_478 = vector.broadcast %squeeze3A : f32 to vector<16xf32>
      %scan3A_479 = arith.constant 0 : i32
      %scan3A_480 = arith.constant 48 : i32
      %scan3A_481 = arith.addi %scan3A_479, %scan3A_480 : i32
      %scan3A_482 = arith.constant 4 : i32
      %scan3A_483:9 = scf.for %scan3A_1353 = %scan3A_479 to %scan3A_481 step %scan3A_482 iter_args(%scan3A_1354 = %broadcast_in_dim3A_1, %scan3A_1355 = %broadcast_in_dim3A_1, %scan3A_1356 = %broadcast_in_dim3A_1, %scan3A_1357 = %broadcast_in_dim3A_1, %scan3A_1358 = %broadcast_in_dim3A_1, %scan3A_1359 = %broadcast_in_dim3A_1, %scan3A_1360 = %broadcast_in_dim3A_1, %scan3A_1361 = %broadcast_in_dim3A_1, %scan3A_1362 = %broadcast_in_dim3A_478) -> (vector<16xf32>, vector<16xf32>, vector<16xf32>, vector<16xf32>, vector<16xf32>, vector<16xf32>, vector<16xf32>, vector<16xf32>, vector<16xf32>)  : i32 {
        %add3A_1363 = arith.constant 1 : i32
        %add3A_1364 = arith.addi %scan3A_1353, %add3A_1363 : i32
        %get3A_1365 = arith.index_cast %add3A_1364 : i32 to index
        %get3A_1366 = tpu.vector_load %arg14[%get3A_1365] {strides = array<i32>} : memref<80xf32, #tpu.memory_space<vmem>>, vector<16xf32>,
        %slice3A_1367 = vector.extract_strided_slice %get3A_1366 {offsets = [0], sizes = [1], strides = [1]} : vector<16xf32> to vector<1xf32>
        %squeeze3A_1368 = vector.extract %slice3A_1367[0] : f32 from vector<1xf32>
        %broadcast_in_dim3A_1369 = vector.broadcast %squeeze3A_1368 : f32 to vector<16xf32>
        %get3A_1370 = arith.index_cast %scan3A_1353 : i32 to index
        %get3A_1371 = arith.constant 0 : index
        %get3A_1372 = tpu.vector_load %arg10[%get3A_1370, %get3A_1371] {strides = array<i32>} : memref<50x128xf32, #tpu.memory_space<vmem>>, vector<16xf32>,
        %mul3A_1373 = arith.mulf %get3A_1372, %scan3A_1362 : vector<16xf32>
        %add3A_1374 = arith.addf %scan3A_1354, %mul3A_1373 : vector<16xf32>
        %get3A_1375 = arith.index_cast %scan3A_1353 : i32 to index
        %get3A_1376 = arith.constant 16 : index
        %get3A_1377 = tpu.vector_load %arg10[%get3A_1375, %get3A_1376] {strides = array<i32>} : memref<50x128xf32, #tpu.memory_space<vmem>>, vector<16xf32>,
        %mul3A_1378 = arith.mulf %get3A_1377, %scan3A_1362 : vector<16xf32>
        %add3A_1379 = arith.addf %scan3A_1355, %mul3A_1378 : vector<16xf32>
        %get3A_1380 = arith.index_cast %scan3A_1353 : i32 to index
        %get3A_1381 = arith.constant 32 : index
        %get3A_1382 = tpu.vector_load %arg10[%get3A_1380, %get3A_1381] {strides = array<i32>} : memref<50x128xf32, #tpu.memory_space<vmem>>, vector<16xf32>,
        %mul3A_1383 = arith.mulf %get3A_1382, %scan3A_1362 : vector<16xf32>
        %add3A_1384 = arith.addf %scan3A_1356, %mul3A_1383 : vector<16xf32>
        %get3A_1385 = arith.index_cast %scan3A_1353 : i32 to index
        %get3A_1386 = arith.constant 48 : index
        %get3A_1387 = tpu.vector_load %arg10[%get3A_1385, %get3A_1386] {strides = array<i32>} : memref<50x128xf32, #tpu.memory_space<vmem>>, vector<16xf32>,
        %mul3A_1388 = arith.mulf %get3A_1387, %scan3A_1362 : vector<16xf32>
        %add3A_1389 = arith.addf %scan3A_1357, %mul3A_1388 : vector<16xf32>
        %get3A_1390 = arith.index_cast %scan3A_1353 : i32 to index
        %get3A_1391 = arith.constant 64 : index
        %get3A_1392 = tpu.vector_load %arg10[%get3A_1390, %get3A_1391] {strides = array<i32>} : memref<50x128xf32, #tpu.memory_space<vmem>>, vector<16xf32>,
        %mul3A_1393 = arith.mulf %get3A_1392, %scan3A_1362 : vector<16xf32>
        %add3A_1394 = arith.addf %scan3A_1358, %mul3A_1393 : vector<16xf32>
        %get3A_1395 = arith.index_cast %scan3A_1353 : i32 to index
        %get3A_1396 = arith.constant 80 : index
        %get3A_1397 = tpu.vector_load %arg10[%get3A_1395, %get3A_1396] {strides = array<i32>} : memref<50x128xf32, #tpu.memory_space<vmem>>, vector<16xf32>,
        %mul3A_1398 = arith.mulf %get3A_1397, %scan3A_1362 : vector<16xf32>
        %add3A_1399 = arith.addf %scan3A_1359, %mul3A_1398 : vector<16xf32>
        %get3A_1400 = arith.index_cast %scan3A_1353 : i32 to index
        %get3A_1401 = arith.constant 96 : index
        %get3A_1402 = tpu.vector_load %arg10[%get3A_1400, %get3A_1401] {strides = array<i32>} : memref<50x128xf32, #tpu.memory_space<vmem>>, vector<16xf32>,
        %mul3A_1403 = arith.mulf %get3A_1402, %scan3A_1362 : vector<16xf32>
        %add3A_1404 = arith.addf %scan3A_1360, %mul3A_1403 : vector<16xf32>
        %get3A_1405 = arith.index_cast %scan3A_1353 : i32 to index
        %get3A_1406 = arith.constant 112 : index
        %get3A_1407 = tpu.vector_load %arg10[%get3A_1405, %get3A_1406] {strides = array<i32>} : memref<50x128xf32, #tpu.memory_space<vmem>>, vector<16xf32>,
        %mul3A_1408 = arith.mulf %get3A_1407, %scan3A_1362 : vector<16xf32>
        %add3A_1409 = arith.addf %scan3A_1361, %mul3A_1408 : vector<16xf32>
        %scan3A_1410 = arith.constant 1 : i32
        %scan3A_1411 = arith.addi %scan3A_1353, %scan3A_1410 : i32
        %add3A_1412 = arith.constant 1 : i32
        %add3A_1413 = arith.addi %scan3A_1411, %add3A_1412 : i32
        %get3A_1414 = arith.index_cast %add3A_1413 : i32 to index
        %get3A_1415 = tpu.vector_load %arg14[%get3A_1414] {strides = array<i32>} : memref<80xf32, #tpu.memory_space<vmem>>, vector<16xf32>,
        %slice3A_1416 = vector.extract_strided_slice %get3A_1415 {offsets = [0], sizes = [1], strides = [1]} : vector<16xf32> to vector<1xf32>
        %squeeze3A_1417 = vector.extract %slice3A_1416[0] : f32 from vector<1xf32>
        %broadcast_in_dim3A_1418 = vector.broadcast %squeeze3A_1417 : f32 to vector<16xf32>
        %get3A_1419 = arith.index_cast %scan3A_1411 : i32 to index
        %get3A_1420 = arith.constant 0 : index
        %get3A_1421 = tpu.vector_load %arg10[%get3A_1419, %get3A_1420] {strides = array<i32>} : memref<50x128xf32, #tpu.memory_space<vmem>>, vector<16xf32>,
        %mul3A_1422 = arith.mulf %get3A_1421, %broadcast_in_dim3A_1369 : vector<16xf32>
        %add3A_1423 = arith.addf %add3A_1374, %mul3A_1422 : vector<16xf32>
        %get3A_1424 = arith.index_cast %scan3A_1411 : i32 to index
        %get3A_1425 = arith.constant 16 : index
        %get3A_1426 = tpu.vector_load %arg10[%get3A_1424, %get3A_1425] {strides = array<i32>} : memref<50x128xf32, #tpu.memory_space<vmem>>, vector<16xf32>,
        %mul3A_1427 = arith.mulf %get3A_1426, %broadcast_in_dim3A_1369 : vector<16xf32>
        %add3A_1428 = arith.addf %add3A_1379, %mul3A_1427 : vector<16xf32>
        %get3A_1429 = arith.index_cast %scan3A_1411 : i32 to index
        %get3A_1430 = arith.constant 32 : index
        %get3A_1431 = tpu.vector_load %arg10[%get3A_1429, %get3A_1430] {strides = array<i32>} : memref<50x128xf32, #tpu.memory_space<vmem>>, vector<16xf32>,
        %mul3A_1432 = arith.mulf %get3A_1431, %broadcast_in_dim3A_1369 : vector<16xf32>
        %add3A_1433 = arith.addf %add3A_1384, %mul3A_1432 : vector<16xf32>
        %get3A_1434 = arith.index_cast %scan3A_1411 : i32 to index
        %get3A_1435 = arith.constant 48 : index
        %get3A_1436 = tpu.vector_load %arg10[%get3A_1434, %get3A_1435] {strides = array<i32>} : memref<50x128xf32, #tpu.memory_space<vmem>>, vector<16xf32>,
        %mul3A_1437 = arith.mulf %get3A_1436, %broadcast_in_dim3A_1369 : vector<16xf32>
        %add3A_1438 = arith.addf %add3A_1389, %mul3A_1437 : vector<16xf32>
        %get3A_1439 = arith.index_cast %scan3A_1411 : i32 to index
        %get3A_1440 = arith.constant 64 : index
        %get3A_1441 = tpu.vector_load %arg10[%get3A_1439, %get3A_1440] {strides = array<i32>} : memref<50x128xf32, #tpu.memory_space<vmem>>, vector<16xf32>,
        %mul3A_1442 = arith.mulf %get3A_1441, %broadcast_in_dim3A_1369 : vector<16xf32>
        %add3A_1443 = arith.addf %add3A_1394, %mul3A_1442 : vector<16xf32>
        %get3A_1444 = arith.index_cast %scan3A_1411 : i32 to index
        %get3A_1445 = arith.constant 80 : index
        %get3A_1446 = tpu.vector_load %arg10[%get3A_1444, %get3A_1445] {strides = array<i32>} : memref<50x128xf32, #tpu.memory_space<vmem>>, vector<16xf32>,
        %mul3A_1447 = arith.mulf %get3A_1446, %broadcast_in_dim3A_1369 : vector<16xf32>
        %add3A_1448 = arith.addf %add3A_1399, %mul3A_1447 : vector<16xf32>
        %get3A_1449 = arith.index_cast %scan3A_1411 : i32 to index
        %get3A_1450 = arith.constant 96 : index
        %get3A_1451 = tpu.vector_load %arg10[%get3A_1449, %get3A_1450] {strides = array<i32>} : memref<50x128xf32, #tpu.memory_space<vmem>>, vector<16xf32>,
        %mul3A_1452 = arith.mulf %get3A_1451, %broadcast_in_dim3A_1369 : vector<16xf32>
        %add3A_1453 = arith.addf %add3A_1404, %mul3A_1452 : vector<16xf32>
        %get3A_1454 = arith.index_cast %scan3A_1411 : i32 to index
        %get3A_1455 = arith.constant 112 : index
        %get3A_1456 = tpu.vector_load %arg10[%get3A_1454, %get3A_1455] {strides = array<i32>} : memref<50x128xf32, #tpu.memory_space<vmem>>, vector<16xf32>,
        %mul3A_1457 = arith.mulf %get3A_1456, %broadcast_in_dim3A_1369 : vector<16xf32>
        %add3A_1458 = arith.addf %add3A_1409, %mul3A_1457 : vector<16xf32>
        %scan3A_1459 = arith.constant 2 : i32
        %scan3A_1460 = arith.addi %scan3A_1353, %scan3A_1459 : i32
        %add3A_1461 = arith.constant 1 : i32
        %add3A_1462 = arith.addi %scan3A_1460, %add3A_1461 : i32
        %get3A_1463 = arith.index_cast %add3A_1462 : i32 to index
        %get3A_1464 = tpu.vector_load %arg14[%get3A_1463] {strides = array<i32>} : memref<80xf32, #tpu.memory_space<vmem>>, vector<16xf32>,
        %slice3A_1465 = vector.extract_strided_slice %get3A_1464 {offsets = [0], sizes = [1], strides = [1]} : vector<16xf32> to vector<1xf32>
        %squeeze3A_1466 = vector.extract %slice3A_1465[0] : f32 from vector<1xf32>
        %broadcast_in_dim3A_1467 = vector.broadcast %squeeze3A_1466 : f32 to vector<16xf32>
        %get3A_1468 = arith.index_cast %scan3A_1460 : i32 to index
        %get3A_1469 = arith.constant 0 : index
        %get3A_1470 = tpu.vector_load %arg10[%get3A_1468, %get3A_1469] {strides = array<i32>} : memref<50x128xf32, #tpu.memory_space<vmem>>, vector<16xf32>,
        %mul3A_1471 = arith.mulf %get3A_1470, %broadcast_in_dim3A_1418 : vector<16xf32>
        %add3A_1472 = arith.addf %add3A_1423, %mul3A_1471 : vector<16xf32>
        %get3A_1473 = arith.index_cast %scan3A_1460 : i32 to index
        %get3A_1474 = arith.constant 16 : index
        %get3A_1475 = tpu.vector_load %arg10[%get3A_1473, %get3A_1474] {strides = array<i32>} : memref<50x128xf32, #tpu.memory_space<vmem>>, vector<16xf32>,
        %mul3A_1476 = arith.mulf %get3A_1475, %broadcast_in_dim3A_1418 : vector<16xf32>
        %add3A_1477 = arith.addf %add3A_1428, %mul3A_1476 : vector<16xf32>
        %get3A_1478 = arith.index_cast %scan3A_1460 : i32 to index
        %get3A_1479 = arith.constant 32 : index
        %get3A_1480 = tpu.vector_load %arg10[%get3A_1478, %get3A_1479] {strides = array<i32>} : memref<50x128xf32, #tpu.memory_space<vmem>>, vector<16xf32>,
        %mul3A_1481 = arith.mulf %get3A_1480, %broadcast_in_dim3A_1418 : vector<16xf32>
        %add3A_1482 = arith.addf %add3A_1433, %mul3A_1481 : vector<16xf32>
        %get3A_1483 = arith.index_cast %scan3A_1460 : i32 to index
        %get3A_1484 = arith.constant 48 : index
        %get3A_1485 = tpu.vector_load %arg10[%get3A_1483, %get3A_1484] {strides = array<i32>} : memref<50x128xf32, #tpu.memory_space<vmem>>, vector<16xf32>,
        %mul3A_1486 = arith.mulf %get3A_1485, %broadcast_in_dim3A_1418 : vector<16xf32>
        %add3A_1487 = arith.addf %add3A_1438, %mul3A_1486 : vector<16xf32>
        %get3A_1488 = arith.index_cast %scan3A_1460 : i32 to index
        %get3A_1489 = arith.constant 64 : index
        %get3A_1490 = tpu.vector_load %arg10[%get3A_1488, %get3A_1489] {strides = array<i32>} : memref<50x128xf32, #tpu.memory_space<vmem>>, vector<16xf32>,
        %mul3A_1491 = arith.mulf %get3A_1490, %broadcast_in_dim3A_1418 : vector<16xf32>
        %add3A_1492 = arith.addf %add3A_1443, %mul3A_1491 : vector<16xf32>
        %get3A_1493 = arith.index_cast %scan3A_1460 : i32 to index
        %get3A_1494 = arith.constant 80 : index
        %get3A_1495 = tpu.vector_load %arg10[%get3A_1493, %get3A_1494] {strides = array<i32>} : memref<50x128xf32, #tpu.memory_space<vmem>>, vector<16xf32>,
        %mul3A_1496 = arith.mulf %get3A_1495, %broadcast_in_dim3A_1418 : vector<16xf32>
        %add3A_1497 = arith.addf %add3A_1448, %mul3A_1496 : vector<16xf32>
        %get3A_1498 = arith.index_cast %scan3A_1460 : i32 to index
        %get3A_1499 = arith.constant 96 : index
        %get3A_1500 = tpu.vector_load %arg10[%get3A_1498, %get3A_1499] {strides = array<i32>} : memref<50x128xf32, #tpu.memory_space<vmem>>, vector<16xf32>,
        %mul3A_1501 = arith.mulf %get3A_1500, %broadcast_in_dim3A_1418 : vector<16xf32>
        %add3A_1502 = arith.addf %add3A_1453, %mul3A_1501 : vector<16xf32>
        %get3A_1503 = arith.index_cast %scan3A_1460 : i32 to index
        %get3A_1504 = arith.constant 112 : index
        %get3A_1505 = tpu.vector_load %arg10[%get3A_1503, %get3A_1504] {strides = array<i32>} : memref<50x128xf32, #tpu.memory_space<vmem>>, vector<16xf32>,
        %mul3A_1506 = arith.mulf %get3A_1505, %broadcast_in_dim3A_1418 : vector<16xf32>
        %add3A_1507 = arith.addf %add3A_1458, %mul3A_1506 : vector<16xf32>
        %scan3A_1508 = arith.constant 3 : i32
        %scan3A_1509 = arith.addi %scan3A_1353, %scan3A_1508 : i32
        %add3A_1510 = arith.constant 1 : i32
        %add3A_1511 = arith.addi %scan3A_1509, %add3A_1510 : i32
        %get3A_1512 = arith.index_cast %add3A_1511 : i32 to index
        %get3A_1513 = tpu.vector_load %arg14[%get3A_1512] {strides = array<i32>} : memref<80xf32, #tpu.memory_space<vmem>>, vector<16xf32>,
        %slice3A_1514 = vector.extract_strided_slice %get3A_1513 {offsets = [0], sizes = [1], strides = [1]} : vector<16xf32> to vector<1xf32>
        %squeeze3A_1515 = vector.extract %slice3A_1514[0] : f32 from vector<1xf32>
        %broadcast_in_dim3A_1516 = vector.broadcast %squeeze3A_1515 : f32 to vector<16xf32>
        %get3A_1517 = arith.index_cast %scan3A_1509 : i32 to index
        %get3A_1518 = arith.constant 0 : index
        %get3A_1519 = tpu.vector_load %arg10[%get3A_1517, %get3A_1518] {strides = array<i32>} : memref<50x128xf32, #tpu.memory_space<vmem>>, vector<16xf32>,
        %mul3A_1520 = arith.mulf %get3A_1519, %broadcast_in_dim3A_1467 : vector<16xf32>
        %add3A_1521 = arith.addf %add3A_1472, %mul3A_1520 : vector<16xf32>
        %get3A_1522 = arith.index_cast %scan3A_1509 : i32 to index
        %get3A_1523 = arith.constant 16 : index
        %get3A_1524 = tpu.vector_load %arg10[%get3A_1522, %get3A_1523] {strides = array<i32>} : memref<50x128xf32, #tpu.memory_space<vmem>>, vector<16xf32>,
        %mul3A_1525 = arith.mulf %get3A_1524, %broadcast_in_dim3A_1467 : vector<16xf32>
        %add3A_1526 = arith.addf %add3A_1477, %mul3A_1525 : vector<16xf32>
        %get3A_1527 = arith.index_cast %scan3A_1509 : i32 to index
        %get3A_1528 = arith.constant 32 : index
        %get3A_1529 = tpu.vector_load %arg10[%get3A_1527, %get3A_1528] {strides = array<i32>} : memref<50x128xf32, #tpu.memory_space<vmem>>, vector<16xf32>,
        %mul3A_1530 = arith.mulf %get3A_1529, %broadcast_in_dim3A_1467 : vector<16xf32>
        %add3A_1531 = arith.addf %add3A_1482, %mul3A_1530 : vector<16xf32>
        %get3A_1532 = arith.index_cast %scan3A_1509 : i32 to index
        %get3A_1533 = arith.constant 48 : index
        %get3A_1534 = tpu.vector_load %arg10[%get3A_1532, %get3A_1533] {strides = array<i32>} : memref<50x128xf32, #tpu.memory_space<vmem>>, vector<16xf32>,
        %mul3A_1535 = arith.mulf %get3A_1534, %broadcast_in_dim3A_1467 : vector<16xf32>
        %add3A_1536 = arith.addf %add3A_1487, %mul3A_1535 : vector<16xf32>
        %get3A_1537 = arith.index_cast %scan3A_1509 : i32 to index
        %get3A_1538 = arith.constant 64 : index
        %get3A_1539 = tpu.vector_load %arg10[%get3A_1537, %get3A_1538] {strides = array<i32>} : memref<50x128xf32, #tpu.memory_space<vmem>>, vector<16xf32>,
        %mul3A_1540 = arith.mulf %get3A_1539, %broadcast_in_dim3A_1467 : vector<16xf32>
        %add3A_1541 = arith.addf %add3A_1492, %mul3A_1540 : vector<16xf32>
        %get3A_1542 = arith.index_cast %scan3A_1509 : i32 to index
        %get3A_1543 = arith.constant 80 : index
        %get3A_1544 = tpu.vector_load %arg10[%get3A_1542, %get3A_1543] {strides = array<i32>} : memref<50x128xf32, #tpu.memory_space<vmem>>, vector<16xf32>,
        %mul3A_1545 = arith.mulf %get3A_1544, %broadcast_in_dim3A_1467 : vector<16xf32>
        %add3A_1546 = arith.addf %add3A_1497, %mul3A_1545 : vector<16xf32>
        %get3A_1547 = arith.index_cast %scan3A_1509 : i32 to index
        %get3A_1548 = arith.constant 96 : index
        %get3A_1549 = tpu.vector_load %arg10[%get3A_1547, %get3A_1548] {strides = array<i32>} : memref<50x128xf32, #tpu.memory_space<vmem>>, vector<16xf32>,
        %mul3A_1550 = arith.mulf %get3A_1549, %broadcast_in_dim3A_1467 : vector<16xf32>
        %add3A_1551 = arith.addf %add3A_1502, %mul3A_1550 : vector<16xf32>
        %get3A_1552 = arith.index_cast %scan3A_1509 : i32 to index
        %get3A_1553 = arith.constant 112 : index
        %get3A_1554 = tpu.vector_load %arg10[%get3A_1552, %get3A_1553] {strides = array<i32>} : memref<50x128xf32, #tpu.memory_space<vmem>>, vector<16xf32>,
        %mul3A_1555 = arith.mulf %get3A_1554, %broadcast_in_dim3A_1467 : vector<16xf32>
        %add3A_1556 = arith.addf %add3A_1507, %mul3A_1555 : vector<16xf32>
        scf.yield %add3A_1521, %add3A_1526, %add3A_1531, %add3A_1536, %add3A_1541, %add3A_1546, %add3A_1551, %add3A_1556, %broadcast_in_dim3A_1516 : vector<16xf32>, vector<16xf32>, vector<16xf32>, vector<16xf32>, vector<16xf32>, vector<16xf32>, vector<16xf32>, vector<16xf32>, vector<16xf32>
      }
      %scan3A_484 = arith.constant 48 : i32
      %scan3A_485 = arith.addi %scan3A_479, %scan3A_484 : i32
      %add3A_486 = arith.constant 1 : i32
      %add3A_487 = arith.addi %scan3A_485, %add3A_486 : i32
      %get3A_488 = arith.index_cast %add3A_487 : i32 to index
      %get3A_489 = tpu.vector_load %arg14[%get3A_488] {strides = array<i32>} : memref<80xf32, #tpu.memory_space<vmem>>, vector<16xf32>,
      %slice3A_490 = vector.extract_strided_slice %get3A_489 {offsets = [0], sizes = [1], strides = [1]} : vector<16xf32> to vector<1xf32>
      %squeeze3A_491 = vector.extract %slice3A_490[0] : f32 from vector<1xf32>
      %broadcast_in_dim3A_492 = vector.broadcast %squeeze3A_491 : f32 to vector<16xf32>
      %get3A_493 = arith.index_cast %scan3A_485 : i32 to index
      %get3A_494 = arith.constant 0 : index
      %get3A_495 = tpu.vector_load %arg10[%get3A_493, %get3A_494] {strides = array<i32>} : memref<50x128xf32, #tpu.memory_space<vmem>>, vector<16xf32>,
      %mul3A_496 = arith.mulf %get3A_495, %scan3A_483#8 : vector<16xf32>
      %add3A_497 = arith.addf %scan3A_483#0, %mul3A_496 : vector<16xf32>
      %get3A_498 = arith.index_cast %scan3A_485 : i32 to index
      %get3A_499 = arith.constant 16 : index
      %get3A_500 = tpu.vector_load %arg10[%get3A_498, %get3A_499] {strides = array<i32>} : memref<50x128xf32, #tpu.memory_space<vmem>>, vector<16xf32>,
      %mul3A_501 = arith.mulf %get3A_500, %scan3A_483#8 : vector<16xf32>
      %add3A_502 = arith.addf %scan3A_483#1, %mul3A_501 : vector<16xf32>
      %get3A_503 = arith.index_cast %scan3A_485 : i32 to index
      %get3A_504 = arith.constant 32 : index
      %get3A_505 = tpu.vector_load %arg10[%get3A_503, %get3A_504] {strides = array<i32>} : memref<50x128xf32, #tpu.memory_space<vmem>>, vector<16xf32>,
      %mul3A_506 = arith.mulf %get3A_505, %scan3A_483#8 : vector<16xf32>
      %add3A_507 = arith.addf %scan3A_483#2, %mul3A_506 : vector<16xf32>
      %get3A_508 = arith.index_cast %scan3A_485 : i32 to index
      %get3A_509 = arith.constant 48 : index
      %get3A_510 = tpu.vector_load %arg10[%get3A_508, %get3A_509] {strides = array<i32>} : memref<50x128xf32, #tpu.memory_space<vmem>>, vector<16xf32>,
      %mul3A_511 = arith.mulf %get3A_510, %scan3A_483#8 : vector<16xf32>
      %add3A_512 = arith.addf %scan3A_483#3, %mul3A_511 : vector<16xf32>
      %get3A_513 = arith.index_cast %scan3A_485 : i32 to index
      %get3A_514 = arith.constant 64 : index
      %get3A_515 = tpu.vector_load %arg10[%get3A_513, %get3A_514] {strides = array<i32>} : memref<50x128xf32, #tpu.memory_space<vmem>>, vector<16xf32>,
      %mul3A_516 = arith.mulf %get3A_515, %scan3A_483#8 : vector<16xf32>
      %add3A_517 = arith.addf %scan3A_483#4, %mul3A_516 : vector<16xf32>
      %get3A_518 = arith.index_cast %scan3A_485 : i32 to index
      %get3A_519 = arith.constant 80 : index
      %get3A_520 = tpu.vector_load %arg10[%get3A_518, %get3A_519] {strides = array<i32>} : memref<50x128xf32, #tpu.memory_space<vmem>>, vector<16xf32>,
      %mul3A_521 = arith.mulf %get3A_520, %scan3A_483#8 : vector<16xf32>
      %add3A_522 = arith.addf %scan3A_483#5, %mul3A_521 : vector<16xf32>
      %get3A_523 = arith.index_cast %scan3A_485 : i32 to index
      %get3A_524 = arith.constant 96 : index
      %get3A_525 = tpu.vector_load %arg10[%get3A_523, %get3A_524] {strides = array<i32>} : memref<50x128xf32, #tpu.memory_space<vmem>>, vector<16xf32>,
      %mul3A_526 = arith.mulf %get3A_525, %scan3A_483#8 : vector<16xf32>
      %add3A_527 = arith.addf %scan3A_483#6, %mul3A_526 : vector<16xf32>
      %get3A_528 = arith.index_cast %scan3A_485 : i32 to index
      %get3A_529 = arith.constant 112 : index
      %get3A_530 = tpu.vector_load %arg10[%get3A_528, %get3A_529] {strides = array<i32>} : memref<50x128xf32, #tpu.memory_space<vmem>>, vector<16xf32>,
      %mul3A_531 = arith.mulf %get3A_530, %scan3A_483#8 : vector<16xf32>
      %add3A_532 = arith.addf %scan3A_483#7, %mul3A_531 : vector<16xf32>
      %scan3A_533 = arith.constant 49 : i32
      %scan3A_534 = arith.addi %scan3A_479, %scan3A_533 : i32
      %add3A_535 = arith.constant 1 : i32
      %add3A_536 = arith.addi %scan3A_534, %add3A_535 : i32
      %get3A_537 = arith.index_cast %add3A_536 : i32 to index
      %get3A_538 = tpu.vector_load %arg14[%get3A_537] {strides = array<i32>} : memref<80xf32, #tpu.memory_space<vmem>>, vector<16xf32>,
      %slice3A_539 = vector.extract_strided_slice %get3A_538 {offsets = [0], sizes = [1], strides = [1]} : vector<16xf32> to vector<1xf32>
      %squeeze3A_540 = vector.extract %slice3A_539[0] : f32 from vector<1xf32>
      %broadcast_in_dim3A_541 = vector.broadcast %squeeze3A_540 : f32 to vector<16xf32>
      %get3A_542 = arith.index_cast %scan3A_534 : i32 to index
      %get3A_543 = arith.constant 0 : index
      %get3A_544 = tpu.vector_load %arg10[%get3A_542, %get3A_543] {strides = array<i32>} : memref<50x128xf32, #tpu.memory_space<vmem>>, vector<16xf32>,
      %mul3A_545 = arith.mulf %get3A_544, %broadcast_in_dim3A_492 : vector<16xf32>
      %add3A_546 = arith.addf %add3A_497, %mul3A_545 : vector<16xf32>
      %get3A_547 = arith.index_cast %scan3A_534 : i32 to index
      %get3A_548 = arith.constant 16 : index
      %get3A_549 = tpu.vector_load %arg10[%get3A_547, %get3A_548] {strides = array<i32>} : memref<50x128xf32, #tpu.memory_space<vmem>>, vector<16xf32>,
      %mul3A_550 = arith.mulf %get3A_549, %broadcast_in_dim3A_492 : vector<16xf32>
      %add3A_551 = arith.addf %add3A_502, %mul3A_550 : vector<16xf32>
      %get3A_552 = arith.index_cast %scan3A_534 : i32 to index
      %get3A_553 = arith.constant 32 : index
      %get3A_554 = tpu.vector_load %arg10[%get3A_552, %get3A_553] {strides = array<i32>} : memref<50x128xf32, #tpu.memory_space<vmem>>, vector<16xf32>,
      %mul3A_555 = arith.mulf %get3A_554, %broadcast_in_dim3A_492 : vector<16xf32>
      %add3A_556 = arith.addf %add3A_507, %mul3A_555 : vector<16xf32>
      %get3A_557 = arith.index_cast %scan3A_534 : i32 to index
      %get3A_558 = arith.constant 48 : index
      %get3A_559 = tpu.vector_load %arg10[%get3A_557, %get3A_558] {strides = array<i32>} : memref<50x128xf32, #tpu.memory_space<vmem>>, vector<16xf32>,
      %mul3A_560 = arith.mulf %get3A_559, %broadcast_in_dim3A_492 : vector<16xf32>
      %add3A_561 = arith.addf %add3A_512, %mul3A_560 : vector<16xf32>
      %get3A_562 = arith.index_cast %scan3A_534 : i32 to index
      %get3A_563 = arith.constant 64 : index
      %get3A_564 = tpu.vector_load %arg10[%get3A_562, %get3A_563] {strides = array<i32>} : memref<50x128xf32, #tpu.memory_space<vmem>>, vector<16xf32>,
      %mul3A_565 = arith.mulf %get3A_564, %broadcast_in_dim3A_492 : vector<16xf32>
      %add3A_566 = arith.addf %add3A_517, %mul3A_565 : vector<16xf32>
      %get3A_567 = arith.index_cast %scan3A_534 : i32 to index
      %get3A_568 = arith.constant 80 : index
      %get3A_569 = tpu.vector_load %arg10[%get3A_567, %get3A_568] {strides = array<i32>} : memref<50x128xf32, #tpu.memory_space<vmem>>, vector<16xf32>,
      %mul3A_570 = arith.mulf %get3A_569, %broadcast_in_dim3A_492 : vector<16xf32>
      %add3A_571 = arith.addf %add3A_522, %mul3A_570 : vector<16xf32>
      %get3A_572 = arith.index_cast %scan3A_534 : i32 to index
      %get3A_573 = arith.constant 96 : index
      %get3A_574 = tpu.vector_load %arg10[%get3A_572, %get3A_573] {strides = array<i32>} : memref<50x128xf32, #tpu.memory_space<vmem>>, vector<16xf32>,
      %mul3A_575 = arith.mulf %get3A_574, %broadcast_in_dim3A_492 : vector<16xf32>
      %add3A_576 = arith.addf %add3A_527, %mul3A_575 : vector<16xf32>
      %get3A_577 = arith.index_cast %scan3A_534 : i32 to index
      %get3A_578 = arith.constant 112 : index
      %get3A_579 = tpu.vector_load %arg10[%get3A_577, %get3A_578] {strides = array<i32>} : memref<50x128xf32, #tpu.memory_space<vmem>>, vector<16xf32>,
      %mul3A_580 = arith.mulf %get3A_579, %broadcast_in_dim3A_492 : vector<16xf32>
      %add3A_581 = arith.addf %add3A_532, %mul3A_580 : vector<16xf32>
      %scan3A_582 = arith.constant 50 : i32
      %add3A_583 = arith.addf %mul3A_287, %add3A_546 : vector<16xf32>
      %add3A_584 = arith.addf %mul3A_290, %add3A_551 : vector<16xf32>
      %add3A_585 = arith.addf %mul3A_293, %add3A_556 : vector<16xf32>
      %add3A_586 = arith.addf %mul3A_296, %add3A_561 : vector<16xf32>
      %add3A_587 = arith.addf %mul3A_299, %add3A_566 : vector<16xf32>
      %add3A_588 = arith.addf %mul3A_302, %add3A_571 : vector<16xf32>
      %add3A_589 = arith.addf %mul3A_305, %add3A_576 : vector<16xf32>
      %add3A_590 = arith.addf %mul3A_308, %add3A_581 : vector<16xf32>
      %add3A_591 = arith.constant 0 : i32
      %add3A_592 = vector.broadcast %add3A_591 : i32 to vector<16xi32>
      %add3A_593 = arith.addi %iota3A, %add3A_592 : vector<16xi32>
      %add3A_594 = arith.constant 16 : i32
      %add3A_595 = vector.broadcast %add3A_594 : i32 to vector<16xi32>
      %add3A_596 = arith.addi %iota3A, %add3A_595 : vector<16xi32>
      %add3A_597 = arith.constant 32 : i32
      %add3A_598 = vector.broadcast %add3A_597 : i32 to vector<16xi32>
      %add3A_599 = arith.addi %iota3A, %add3A_598 : vector<16xi32>
      %add3A_600 = arith.constant 48 : i32
      %add3A_601 = vector.broadcast %add3A_600 : i32 to vector<16xi32>
      %add3A_602 = arith.addi %iota3A, %add3A_601 : vector<16xi32>
      %scan3A_603 = arith.constant 0 : i32
      %scan3A_604 = arith.constant 50 : i32
      %scan3A_605 = arith.addi %scan3A_603, %scan3A_604 : i32
      %scan3A_606 = arith.constant 2 : i32
      %scan3A_607:4 = scf.for %scan3A_1353 = %scan3A_603 to %scan3A_605 step %scan3A_606 iter_args(%scan3A_1354 = %broadcast_in_dim3A_1, %scan3A_1355 = %broadcast_in_dim3A_1, %scan3A_1356 = %broadcast_in_dim3A_1, %scan3A_1357 = %broadcast_in_dim3A_1) -> (vector<16xf32>, vector<16xf32>, vector<16xf32>, vector<16xf32>)  : i32 {
        %get3A_1358 = arith.index_cast %scan3A_1353 : i32 to index
        %get3A_1359 = arith.constant 0 : index
        %get3A_1360 = tpu.vector_load %arg10[%get3A_1358, %get3A_1359] {strides = array<i32>} : memref<50x128xf32, #tpu.memory_space<vmem>>, vector<16xf32>,
        %mul3A_1361 = arith.mulf %get3A_1360, %add3A_583 : vector<16xf32>
        %get3A_1362 = arith.index_cast %scan3A_1353 : i32 to index
        %get3A_1363 = arith.constant 16 : index
        %get3A_1364 = tpu.vector_load %arg10[%get3A_1362, %get3A_1363] {strides = array<i32>} : memref<50x128xf32, #tpu.memory_space<vmem>>, vector<16xf32>,
        %mul3A_1365 = arith.mulf %get3A_1364, %add3A_584 : vector<16xf32>
        %add3A_1366 = arith.addf %mul3A_1361, %mul3A_1365 : vector<16xf32>
        %get3A_1367 = arith.index_cast %scan3A_1353 : i32 to index
        %get3A_1368 = arith.constant 32 : index
        %get3A_1369 = tpu.vector_load %arg10[%get3A_1367, %get3A_1368] {strides = array<i32>} : memref<50x128xf32, #tpu.memory_space<vmem>>, vector<16xf32>,
        %mul3A_1370 = arith.mulf %get3A_1369, %add3A_585 : vector<16xf32>
        %add3A_1371 = arith.addf %add3A_1366, %mul3A_1370 : vector<16xf32>
        %get3A_1372 = arith.index_cast %scan3A_1353 : i32 to index
        %get3A_1373 = arith.constant 48 : index
        %get3A_1374 = tpu.vector_load %arg10[%get3A_1372, %get3A_1373] {strides = array<i32>} : memref<50x128xf32, #tpu.memory_space<vmem>>, vector<16xf32>,
        %mul3A_1375 = arith.mulf %get3A_1374, %add3A_586 : vector<16xf32>
        %add3A_1376 = arith.addf %add3A_1371, %mul3A_1375 : vector<16xf32>
        %get3A_1377 = arith.index_cast %scan3A_1353 : i32 to index
        %get3A_1378 = arith.constant 64 : index
        %get3A_1379 = tpu.vector_load %arg10[%get3A_1377, %get3A_1378] {strides = array<i32>} : memref<50x128xf32, #tpu.memory_space<vmem>>, vector<16xf32>,
        %mul3A_1380 = arith.mulf %get3A_1379, %add3A_587 : vector<16xf32>
        %add3A_1381 = arith.addf %add3A_1376, %mul3A_1380 : vector<16xf32>
        %get3A_1382 = arith.index_cast %scan3A_1353 : i32 to index
        %get3A_1383 = arith.constant 80 : index
        %get3A_1384 = tpu.vector_load %arg10[%get3A_1382, %get3A_1383] {strides = array<i32>} : memref<50x128xf32, #tpu.memory_space<vmem>>, vector<16xf32>,
        %mul3A_1385 = arith.mulf %get3A_1384, %add3A_588 : vector<16xf32>
        %add3A_1386 = arith.addf %add3A_1381, %mul3A_1385 : vector<16xf32>
        %get3A_1387 = arith.index_cast %scan3A_1353 : i32 to index
        %get3A_1388 = arith.constant 96 : index
        %get3A_1389 = tpu.vector_load %arg10[%get3A_1387, %get3A_1388] {strides = array<i32>} : memref<50x128xf32, #tpu.memory_space<vmem>>, vector<16xf32>,
        %mul3A_1390 = arith.mulf %get3A_1389, %add3A_589 : vector<16xf32>
        %add3A_1391 = arith.addf %add3A_1386, %mul3A_1390 : vector<16xf32>
        %get3A_1392 = arith.index_cast %scan3A_1353 : i32 to index
        %get3A_1393 = arith.constant 112 : index
        %get3A_1394 = tpu.vector_load %arg10[%get3A_1392, %get3A_1393] {strides = array<i32>} : memref<50x128xf32, #tpu.memory_space<vmem>>, vector<16xf32>,
        %mul3A_1395 = arith.mulf %get3A_1394, %add3A_590 : vector<16xf32>
        %add3A_1396 = arith.addf %add3A_1391, %mul3A_1395 : vector<16xf32>
        %reduce_sum3A_1397 = arith.constant true
        %reduce_sum3A_1398 = vector.broadcast %reduce_sum3A_1397 : i1 to vector<16xi1>
        %reduce_sum3A_1399 = tpu.scan <sum>, %add3A_1396 masked %reduce_sum3A_1398 : vector<16xf32>, vector<16xi1> -> vector<16xf32>
        %reduce_sum3A_1400 = vector.extract %reduce_sum3A_1399[15] : f32 from vector<16xf32>
        %broadcast_in_dim3A_1401 = vector.broadcast %reduce_sum3A_1400 : f32 to vector<16xf32>
        %broadcast_in_dim3A_1402 = vector.broadcast %scan3A_1353 : i32 to vector<16xi32>
        %eq3A = arith.cmpi eq, %add3A_593, %broadcast_in_dim3A_1402 : vector<16xi32>
        %select_n3A_1403 = arith.select %eq3A, %broadcast_in_dim3A_1401, %scan3A_1354 : vector<16xi1>, vector<16xf32>
        %eq3A_1404 = arith.cmpi eq, %add3A_596, %broadcast_in_dim3A_1402 : vector<16xi32>
        %select_n3A_1405 = arith.select %eq3A_1404, %broadcast_in_dim3A_1401, %scan3A_1355 : vector<16xi1>, vector<16xf32>
        %eq3A_1406 = arith.cmpi eq, %add3A_599, %broadcast_in_dim3A_1402 : vector<16xi32>
        %select_n3A_1407 = arith.select %eq3A_1406, %broadcast_in_dim3A_1401, %scan3A_1356 : vector<16xi1>, vector<16xf32>
        %eq3A_1408 = arith.cmpi eq, %add3A_602, %broadcast_in_dim3A_1402 : vector<16xi32>
        %select_n3A_1409 = arith.select %eq3A_1408, %broadcast_in_dim3A_1401, %scan3A_1357 : vector<16xi1>, vector<16xf32>
        %scan3A_1410 = arith.constant 1 : i32
        %scan3A_1411 = arith.addi %scan3A_1353, %scan3A_1410 : i32
        %get3A_1412 = arith.index_cast %scan3A_1411 : i32 to index
        %get3A_1413 = arith.constant 0 : index
        %get3A_1414 = tpu.vector_load %arg10[%get3A_1412, %get3A_1413] {strides = array<i32>} : memref<50x128xf32, #tpu.memory_space<vmem>>, vector<16xf32>,
        %mul3A_1415 = arith.mulf %get3A_1414, %add3A_583 : vector<16xf32>
        %get3A_1416 = arith.index_cast %scan3A_1411 : i32 to index
        %get3A_1417 = arith.constant 16 : index
        %get3A_1418 = tpu.vector_load %arg10[%get3A_1416, %get3A_1417] {strides = array<i32>} : memref<50x128xf32, #tpu.memory_space<vmem>>, vector<16xf32>,
        %mul3A_1419 = arith.mulf %get3A_1418, %add3A_584 : vector<16xf32>
        %add3A_1420 = arith.addf %mul3A_1415, %mul3A_1419 : vector<16xf32>
        %get3A_1421 = arith.index_cast %scan3A_1411 : i32 to index
        %get3A_1422 = arith.constant 32 : index
        %get3A_1423 = tpu.vector_load %arg10[%get3A_1421, %get3A_1422] {strides = array<i32>} : memref<50x128xf32, #tpu.memory_space<vmem>>, vector<16xf32>,
        %mul3A_1424 = arith.mulf %get3A_1423, %add3A_585 : vector<16xf32>
        %add3A_1425 = arith.addf %add3A_1420, %mul3A_1424 : vector<16xf32>
        %get3A_1426 = arith.index_cast %scan3A_1411 : i32 to index
        %get3A_1427 = arith.constant 48 : index
        %get3A_1428 = tpu.vector_load %arg10[%get3A_1426, %get3A_1427] {strides = array<i32>} : memref<50x128xf32, #tpu.memory_space<vmem>>, vector<16xf32>,
        %mul3A_1429 = arith.mulf %get3A_1428, %add3A_586 : vector<16xf32>
        %add3A_1430 = arith.addf %add3A_1425, %mul3A_1429 : vector<16xf32>
        %get3A_1431 = arith.index_cast %scan3A_1411 : i32 to index
        %get3A_1432 = arith.constant 64 : index
        %get3A_1433 = tpu.vector_load %arg10[%get3A_1431, %get3A_1432] {strides = array<i32>} : memref<50x128xf32, #tpu.memory_space<vmem>>, vector<16xf32>,
        %mul3A_1434 = arith.mulf %get3A_1433, %add3A_587 : vector<16xf32>
        %add3A_1435 = arith.addf %add3A_1430, %mul3A_1434 : vector<16xf32>
        %get3A_1436 = arith.index_cast %scan3A_1411 : i32 to index
        %get3A_1437 = arith.constant 80 : index
        %get3A_1438 = tpu.vector_load %arg10[%get3A_1436, %get3A_1437] {strides = array<i32>} : memref<50x128xf32, #tpu.memory_space<vmem>>, vector<16xf32>,
        %mul3A_1439 = arith.mulf %get3A_1438, %add3A_588 : vector<16xf32>
        %add3A_1440 = arith.addf %add3A_1435, %mul3A_1439 : vector<16xf32>
        %get3A_1441 = arith.index_cast %scan3A_1411 : i32 to index
        %get3A_1442 = arith.constant 96 : index
        %get3A_1443 = tpu.vector_load %arg10[%get3A_1441, %get3A_1442] {strides = array<i32>} : memref<50x128xf32, #tpu.memory_space<vmem>>, vector<16xf32>,
        %mul3A_1444 = arith.mulf %get3A_1443, %add3A_589 : vector<16xf32>
        %add3A_1445 = arith.addf %add3A_1440, %mul3A_1444 : vector<16xf32>
        %get3A_1446 = arith.index_cast %scan3A_1411 : i32 to index
        %get3A_1447 = arith.constant 112 : index
        %get3A_1448 = tpu.vector_load %arg10[%get3A_1446, %get3A_1447] {strides = array<i32>} : memref<50x128xf32, #tpu.memory_space<vmem>>, vector<16xf32>,
        %mul3A_1449 = arith.mulf %get3A_1448, %add3A_590 : vector<16xf32>
        %add3A_1450 = arith.addf %add3A_1445, %mul3A_1449 : vector<16xf32>
        %reduce_sum3A_1451 = arith.constant true
        %reduce_sum3A_1452 = vector.broadcast %reduce_sum3A_1451 : i1 to vector<16xi1>
        %reduce_sum3A_1453 = tpu.scan <sum>, %add3A_1450 masked %reduce_sum3A_1452 : vector<16xf32>, vector<16xi1> -> vector<16xf32>
        %reduce_sum3A_1454 = vector.extract %reduce_sum3A_1453[15] : f32 from vector<16xf32>
        %broadcast_in_dim3A_1455 = vector.broadcast %reduce_sum3A_1454 : f32 to vector<16xf32>
        %broadcast_in_dim3A_1456 = vector.broadcast %scan3A_1411 : i32 to vector<16xi32>
        %eq3A_1457 = arith.cmpi eq, %add3A_593, %broadcast_in_dim3A_1456 : vector<16xi32>
        %select_n3A_1458 = arith.select %eq3A_1457, %broadcast_in_dim3A_1455, %select_n3A_1403 : vector<16xi1>, vector<16xf32>
        %eq3A_1459 = arith.cmpi eq, %add3A_596, %broadcast_in_dim3A_1456 : vector<16xi32>
        %select_n3A_1460 = arith.select %eq3A_1459, %broadcast_in_dim3A_1455, %select_n3A_1405 : vector<16xi1>, vector<16xf32>
        %eq3A_1461 = arith.cmpi eq, %add3A_599, %broadcast_in_dim3A_1456 : vector<16xi32>
        %select_n3A_1462 = arith.select %eq3A_1461, %broadcast_in_dim3A_1455, %select_n3A_1407 : vector<16xi1>, vector<16xf32>
        %eq3A_1463 = arith.cmpi eq, %add3A_602, %broadcast_in_dim3A_1456 : vector<16xi32>
        %select_n3A_1464 = arith.select %eq3A_1463, %broadcast_in_dim3A_1455, %select_n3A_1409 : vector<16xi1>, vector<16xf32>
        scf.yield %select_n3A_1458, %select_n3A_1460, %select_n3A_1462, %select_n3A_1464 : vector<16xf32>, vector<16xf32>, vector<16xf32>, vector<16xf32>
      }
      %scan3A_608 = arith.constant 50 : i32
      %lt3A_609 = arith.constant 2 : i32
      %lt3A_610 = vector.broadcast %lt3A_609 : i32 to vector<16xi32>
      %lt3A_611 = arith.cmpi slt, %iota3A, %lt3A_610 : vector<16xi32>
      %broadcast_in_dim3A_612 = arith.constant -1.000000e+30 : f32
      %broadcast_in_dim3A_613 = vector.broadcast %broadcast_in_dim3A_612 : f32 to vector<16xf32>
      %select_n3A_614 = arith.select %lt3A_611, %scan3A_607#3, %broadcast_in_dim3A_613 : vector<16xi1>, vector<16xf32>
      %max3A_615 = arith.maximumf %scan3A_607#0, %scan3A_607#1 : vector<16xf32>
      %max3A_616 = arith.maximumf %max3A_615, %scan3A_607#2 : vector<16xf32>
      %max3A_617 = arith.maximumf %max3A_616, %select_n3A_614 : vector<16xf32>
      %reduce_max3A_618 = arith.constant true
      %reduce_max3A_619 = vector.broadcast %reduce_max3A_618 : i1 to vector<16xi1>
      %reduce_max3A_620 = tpu.scan <max>, %max3A_617 masked %reduce_max3A_619 : vector<16xf32>, vector<16xi1> -> vector<16xf32>
      %reduce_max3A_621 = vector.extract %reduce_max3A_620[15] : f32 from vector<16xf32>
      %broadcast_in_dim3A_622 = vector.broadcast %reduce_max3A_621 : f32 to vector<16xf32>
      %sub3A_623 = arith.subf %scan3A_607#0, %broadcast_in_dim3A_622 : vector<16xf32>
      %exp3A_624 = math.exp %sub3A_623 : vector<16xf32>
      %sub3A_625 = arith.subf %scan3A_607#1, %broadcast_in_dim3A_622 : vector<16xf32>
      %exp3A_626 = math.exp %sub3A_625 : vector<16xf32>
      %sub3A_627 = arith.subf %scan3A_607#2, %broadcast_in_dim3A_622 : vector<16xf32>
      %exp3A_628 = math.exp %sub3A_627 : vector<16xf32>
      %sub3A_629 = arith.subf %select_n3A_614, %broadcast_in_dim3A_622 : vector<16xf32>
      %exp3A_630 = math.exp %sub3A_629 : vector<16xf32>
      %add3A_631 = arith.addf %exp3A_624, %exp3A_626 : vector<16xf32>
      %add3A_632 = arith.addf %add3A_631, %exp3A_628 : vector<16xf32>
      %add3A_633 = arith.addf %add3A_632, %exp3A_630 : vector<16xf32>
      %reduce_sum3A_634 = arith.constant true
      %reduce_sum3A_635 = vector.broadcast %reduce_sum3A_634 : i1 to vector<16xi1>
      %reduce_sum3A_636 = tpu.scan <sum>, %add3A_633 masked %reduce_sum3A_635 : vector<16xf32>, vector<16xi1> -> vector<16xf32>
      %reduce_sum3A_637 = vector.extract %reduce_sum3A_636[15] : f32 from vector<16xf32>
      %broadcast_in_dim3A_638 = vector.broadcast %reduce_sum3A_637 : f32 to vector<16xf32>
      %broadcast_in_dim3A_639 = arith.constant 1.000000e+00 : f32
      %broadcast_in_dim3A_640 = vector.broadcast %broadcast_in_dim3A_639 : f32 to vector<16xf32>
      %div3A_641 = arith.divf %broadcast_in_dim3A_640, %broadcast_in_dim3A_638 : vector<16xf32>
      %mul3A_642 = arith.mulf %exp3A_624, %div3A_641 : vector<16xf32>
      %mul3A_643 = arith.mulf %exp3A_626, %div3A_641 : vector<16xf32>
      %mul3A_644 = arith.mulf %exp3A_628, %div3A_641 : vector<16xf32>
      %mul3A_645 = arith.mulf %exp3A_630, %div3A_641 : vector<16xf32>
      %swap3A_646 = arith.constant 0 : index
      %swap3A_647 = tpu.vector_load %arg14[%swap3A_646] {strides = array<i32>} : memref<80xf32, #tpu.memory_space<vmem>>, vector<16xf32>,
      tpu.vector_store %arg14[%swap3A_646], %mul3A_642 {strides = array<i32>} : memref<80xf32, #tpu.memory_space<vmem>>, vector<16xf32>,
      %swap3A_648 = arith.constant 16 : index
      %swap3A_649 = tpu.vector_load %arg14[%swap3A_648] {strides = array<i32>} : memref<80xf32, #tpu.memory_space<vmem>>, vector<16xf32>,
      tpu.vector_store %arg14[%swap3A_648], %mul3A_643 {strides = array<i32>} : memref<80xf32, #tpu.memory_space<vmem>>, vector<16xf32>,
      %swap3A_650 = arith.constant 32 : index
      %swap3A_651 = tpu.vector_load %arg14[%swap3A_650] {strides = array<i32>} : memref<80xf32, #tpu.memory_space<vmem>>, vector<16xf32>,
      tpu.vector_store %arg14[%swap3A_650], %mul3A_644 {strides = array<i32>} : memref<80xf32, #tpu.memory_space<vmem>>, vector<16xf32>,
      %swap3A_652 = arith.constant 48 : index
      %swap3A_653 = tpu.vector_load %arg14[%swap3A_652] {strides = array<i32>} : memref<80xf32, #tpu.memory_space<vmem>>, vector<16xf32>,
      tpu.vector_store %arg14[%swap3A_652], %mul3A_645 {strides = array<i32>} : memref<80xf32, #tpu.memory_space<vmem>>, vector<16xf32>,
      %get3A_654 = arith.constant 0 : index
      %get3A_655 = tpu.vector_load %arg14[%get3A_654] {strides = array<i32>} : memref<80xf32, #tpu.memory_space<vmem>>, vector<16xf32>,
      %slice3A_656 = vector.extract_strided_slice %get3A_655 {offsets = [0], sizes = [1], strides = [1]} : vector<16xf32> to vector<1xf32>
      %squeeze3A_657 = vector.extract %slice3A_656[0] : f32 from vector<1xf32>
      %broadcast_in_dim3A_658 = vector.broadcast %squeeze3A_657 : f32 to vector<16xf32>
      %scan3A_659 = arith.constant 0 : i32
      %scan3A_660 = arith.constant 48 : i32
      %scan3A_661 = arith.addi %scan3A_659, %scan3A_660 : i32
      %scan3A_662 = arith.constant 4 : i32
      %scan3A_663:9 = scf.for %scan3A_1353 = %scan3A_659 to %scan3A_661 step %scan3A_662 iter_args(%scan3A_1354 = %broadcast_in_dim3A_1, %scan3A_1355 = %broadcast_in_dim3A_1, %scan3A_1356 = %broadcast_in_dim3A_1, %scan3A_1357 = %broadcast_in_dim3A_1, %scan3A_1358 = %broadcast_in_dim3A_1, %scan3A_1359 = %broadcast_in_dim3A_1, %scan3A_1360 = %broadcast_in_dim3A_1, %scan3A_1361 = %broadcast_in_dim3A_1, %scan3A_1362 = %broadcast_in_dim3A_658) -> (vector<16xf32>, vector<16xf32>, vector<16xf32>, vector<16xf32>, vector<16xf32>, vector<16xf32>, vector<16xf32>, vector<16xf32>, vector<16xf32>)  : i32 {
        %add3A_1363 = arith.constant 1 : i32
        %add3A_1364 = arith.addi %scan3A_1353, %add3A_1363 : i32
        %get3A_1365 = arith.index_cast %add3A_1364 : i32 to index
        %get3A_1366 = tpu.vector_load %arg14[%get3A_1365] {strides = array<i32>} : memref<80xf32, #tpu.memory_space<vmem>>, vector<16xf32>,
        %slice3A_1367 = vector.extract_strided_slice %get3A_1366 {offsets = [0], sizes = [1], strides = [1]} : vector<16xf32> to vector<1xf32>
        %squeeze3A_1368 = vector.extract %slice3A_1367[0] : f32 from vector<1xf32>
        %broadcast_in_dim3A_1369 = vector.broadcast %squeeze3A_1368 : f32 to vector<16xf32>
        %get3A_1370 = arith.index_cast %scan3A_1353 : i32 to index
        %get3A_1371 = arith.constant 0 : index
        %get3A_1372 = tpu.vector_load %arg12[%get3A_1370, %get3A_1371] {strides = array<i32>} : memref<50x128xf32, #tpu.memory_space<vmem>>, vector<16xf32>,
        %mul3A_1373 = arith.mulf %get3A_1372, %scan3A_1362 : vector<16xf32>
        %add3A_1374 = arith.addf %scan3A_1354, %mul3A_1373 : vector<16xf32>
        %get3A_1375 = arith.index_cast %scan3A_1353 : i32 to index
        %get3A_1376 = arith.constant 16 : index
        %get3A_1377 = tpu.vector_load %arg12[%get3A_1375, %get3A_1376] {strides = array<i32>} : memref<50x128xf32, #tpu.memory_space<vmem>>, vector<16xf32>,
        %mul3A_1378 = arith.mulf %get3A_1377, %scan3A_1362 : vector<16xf32>
        %add3A_1379 = arith.addf %scan3A_1355, %mul3A_1378 : vector<16xf32>
        %get3A_1380 = arith.index_cast %scan3A_1353 : i32 to index
        %get3A_1381 = arith.constant 32 : index
        %get3A_1382 = tpu.vector_load %arg12[%get3A_1380, %get3A_1381] {strides = array<i32>} : memref<50x128xf32, #tpu.memory_space<vmem>>, vector<16xf32>,
        %mul3A_1383 = arith.mulf %get3A_1382, %scan3A_1362 : vector<16xf32>
        %add3A_1384 = arith.addf %scan3A_1356, %mul3A_1383 : vector<16xf32>
        %get3A_1385 = arith.index_cast %scan3A_1353 : i32 to index
        %get3A_1386 = arith.constant 48 : index
        %get3A_1387 = tpu.vector_load %arg12[%get3A_1385, %get3A_1386] {strides = array<i32>} : memref<50x128xf32, #tpu.memory_space<vmem>>, vector<16xf32>,
        %mul3A_1388 = arith.mulf %get3A_1387, %scan3A_1362 : vector<16xf32>
        %add3A_1389 = arith.addf %scan3A_1357, %mul3A_1388 : vector<16xf32>
        %get3A_1390 = arith.index_cast %scan3A_1353 : i32 to index
        %get3A_1391 = arith.constant 64 : index
        %get3A_1392 = tpu.vector_load %arg12[%get3A_1390, %get3A_1391] {strides = array<i32>} : memref<50x128xf32, #tpu.memory_space<vmem>>, vector<16xf32>,
        %mul3A_1393 = arith.mulf %get3A_1392, %scan3A_1362 : vector<16xf32>
        %add3A_1394 = arith.addf %scan3A_1358, %mul3A_1393 : vector<16xf32>
        %get3A_1395 = arith.index_cast %scan3A_1353 : i32 to index
        %get3A_1396 = arith.constant 80 : index
        %get3A_1397 = tpu.vector_load %arg12[%get3A_1395, %get3A_1396] {strides = array<i32>} : memref<50x128xf32, #tpu.memory_space<vmem>>, vector<16xf32>,
        %mul3A_1398 = arith.mulf %get3A_1397, %scan3A_1362 : vector<16xf32>
        %add3A_1399 = arith.addf %scan3A_1359, %mul3A_1398 : vector<16xf32>
        %get3A_1400 = arith.index_cast %scan3A_1353 : i32 to index
        %get3A_1401 = arith.constant 96 : index
        %get3A_1402 = tpu.vector_load %arg12[%get3A_1400, %get3A_1401] {strides = array<i32>} : memref<50x128xf32, #tpu.memory_space<vmem>>, vector<16xf32>,
        %mul3A_1403 = arith.mulf %get3A_1402, %scan3A_1362 : vector<16xf32>
        %add3A_1404 = arith.addf %scan3A_1360, %mul3A_1403 : vector<16xf32>
        %get3A_1405 = arith.index_cast %scan3A_1353 : i32 to index
        %get3A_1406 = arith.constant 112 : index
        %get3A_1407 = tpu.vector_load %arg12[%get3A_1405, %get3A_1406] {strides = array<i32>} : memref<50x128xf32, #tpu.memory_space<vmem>>, vector<16xf32>,
        %mul3A_1408 = arith.mulf %get3A_1407, %scan3A_1362 : vector<16xf32>
        %add3A_1409 = arith.addf %scan3A_1361, %mul3A_1408 : vector<16xf32>
        %scan3A_1410 = arith.constant 1 : i32
        %scan3A_1411 = arith.addi %scan3A_1353, %scan3A_1410 : i32
        %add3A_1412 = arith.constant 1 : i32
        %add3A_1413 = arith.addi %scan3A_1411, %add3A_1412 : i32
        %get3A_1414 = arith.index_cast %add3A_1413 : i32 to index
        %get3A_1415 = tpu.vector_load %arg14[%get3A_1414] {strides = array<i32>} : memref<80xf32, #tpu.memory_space<vmem>>, vector<16xf32>,
        %slice3A_1416 = vector.extract_strided_slice %get3A_1415 {offsets = [0], sizes = [1], strides = [1]} : vector<16xf32> to vector<1xf32>
        %squeeze3A_1417 = vector.extract %slice3A_1416[0] : f32 from vector<1xf32>
        %broadcast_in_dim3A_1418 = vector.broadcast %squeeze3A_1417 : f32 to vector<16xf32>
        %get3A_1419 = arith.index_cast %scan3A_1411 : i32 to index
        %get3A_1420 = arith.constant 0 : index
        %get3A_1421 = tpu.vector_load %arg12[%get3A_1419, %get3A_1420] {strides = array<i32>} : memref<50x128xf32, #tpu.memory_space<vmem>>, vector<16xf32>,
        %mul3A_1422 = arith.mulf %get3A_1421, %broadcast_in_dim3A_1369 : vector<16xf32>
        %add3A_1423 = arith.addf %add3A_1374, %mul3A_1422 : vector<16xf32>
        %get3A_1424 = arith.index_cast %scan3A_1411 : i32 to index
        %get3A_1425 = arith.constant 16 : index
        %get3A_1426 = tpu.vector_load %arg12[%get3A_1424, %get3A_1425] {strides = array<i32>} : memref<50x128xf32, #tpu.memory_space<vmem>>, vector<16xf32>,
        %mul3A_1427 = arith.mulf %get3A_1426, %broadcast_in_dim3A_1369 : vector<16xf32>
        %add3A_1428 = arith.addf %add3A_1379, %mul3A_1427 : vector<16xf32>
        %get3A_1429 = arith.index_cast %scan3A_1411 : i32 to index
        %get3A_1430 = arith.constant 32 : index
        %get3A_1431 = tpu.vector_load %arg12[%get3A_1429, %get3A_1430] {strides = array<i32>} : memref<50x128xf32, #tpu.memory_space<vmem>>, vector<16xf32>,
        %mul3A_1432 = arith.mulf %get3A_1431, %broadcast_in_dim3A_1369 : vector<16xf32>
        %add3A_1433 = arith.addf %add3A_1384, %mul3A_1432 : vector<16xf32>
        %get3A_1434 = arith.index_cast %scan3A_1411 : i32 to index
        %get3A_1435 = arith.constant 48 : index
        %get3A_1436 = tpu.vector_load %arg12[%get3A_1434, %get3A_1435] {strides = array<i32>} : memref<50x128xf32, #tpu.memory_space<vmem>>, vector<16xf32>,
        %mul3A_1437 = arith.mulf %get3A_1436, %broadcast_in_dim3A_1369 : vector<16xf32>
        %add3A_1438 = arith.addf %add3A_1389, %mul3A_1437 : vector<16xf32>
        %get3A_1439 = arith.index_cast %scan3A_1411 : i32 to index
        %get3A_1440 = arith.constant 64 : index
        %get3A_1441 = tpu.vector_load %arg12[%get3A_1439, %get3A_1440] {strides = array<i32>} : memref<50x128xf32, #tpu.memory_space<vmem>>, vector<16xf32>,
        %mul3A_1442 = arith.mulf %get3A_1441, %broadcast_in_dim3A_1369 : vector<16xf32>
        %add3A_1443 = arith.addf %add3A_1394, %mul3A_1442 : vector<16xf32>
        %get3A_1444 = arith.index_cast %scan3A_1411 : i32 to index
        %get3A_1445 = arith.constant 80 : index
        %get3A_1446 = tpu.vector_load %arg12[%get3A_1444, %get3A_1445] {strides = array<i32>} : memref<50x128xf32, #tpu.memory_space<vmem>>, vector<16xf32>,
        %mul3A_1447 = arith.mulf %get3A_1446, %broadcast_in_dim3A_1369 : vector<16xf32>
        %add3A_1448 = arith.addf %add3A_1399, %mul3A_1447 : vector<16xf32>
        %get3A_1449 = arith.index_cast %scan3A_1411 : i32 to index
        %get3A_1450 = arith.constant 96 : index
        %get3A_1451 = tpu.vector_load %arg12[%get3A_1449, %get3A_1450] {strides = array<i32>} : memref<50x128xf32, #tpu.memory_space<vmem>>, vector<16xf32>,
        %mul3A_1452 = arith.mulf %get3A_1451, %broadcast_in_dim3A_1369 : vector<16xf32>
        %add3A_1453 = arith.addf %add3A_1404, %mul3A_1452 : vector<16xf32>
        %get3A_1454 = arith.index_cast %scan3A_1411 : i32 to index
        %get3A_1455 = arith.constant 112 : index
        %get3A_1456 = tpu.vector_load %arg12[%get3A_1454, %get3A_1455] {strides = array<i32>} : memref<50x128xf32, #tpu.memory_space<vmem>>, vector<16xf32>,
        %mul3A_1457 = arith.mulf %get3A_1456, %broadcast_in_dim3A_1369 : vector<16xf32>
        %add3A_1458 = arith.addf %add3A_1409, %mul3A_1457 : vector<16xf32>
        %scan3A_1459 = arith.constant 2 : i32
        %scan3A_1460 = arith.addi %scan3A_1353, %scan3A_1459 : i32
        %add3A_1461 = arith.constant 1 : i32
        %add3A_1462 = arith.addi %scan3A_1460, %add3A_1461 : i32
        %get3A_1463 = arith.index_cast %add3A_1462 : i32 to index
        %get3A_1464 = tpu.vector_load %arg14[%get3A_1463] {strides = array<i32>} : memref<80xf32, #tpu.memory_space<vmem>>, vector<16xf32>,
        %slice3A_1465 = vector.extract_strided_slice %get3A_1464 {offsets = [0], sizes = [1], strides = [1]} : vector<16xf32> to vector<1xf32>
        %squeeze3A_1466 = vector.extract %slice3A_1465[0] : f32 from vector<1xf32>
        %broadcast_in_dim3A_1467 = vector.broadcast %squeeze3A_1466 : f32 to vector<16xf32>
        %get3A_1468 = arith.index_cast %scan3A_1460 : i32 to index
        %get3A_1469 = arith.constant 0 : index
        %get3A_1470 = tpu.vector_load %arg12[%get3A_1468, %get3A_1469] {strides = array<i32>} : memref<50x128xf32, #tpu.memory_space<vmem>>, vector<16xf32>,
        %mul3A_1471 = arith.mulf %get3A_1470, %broadcast_in_dim3A_1418 : vector<16xf32>
        %add3A_1472 = arith.addf %add3A_1423, %mul3A_1471 : vector<16xf32>
        %get3A_1473 = arith.index_cast %scan3A_1460 : i32 to index
        %get3A_1474 = arith.constant 16 : index
        %get3A_1475 = tpu.vector_load %arg12[%get3A_1473, %get3A_1474] {strides = array<i32>} : memref<50x128xf32, #tpu.memory_space<vmem>>, vector<16xf32>,
        %mul3A_1476 = arith.mulf %get3A_1475, %broadcast_in_dim3A_1418 : vector<16xf32>
        %add3A_1477 = arith.addf %add3A_1428, %mul3A_1476 : vector<16xf32>
        %get3A_1478 = arith.index_cast %scan3A_1460 : i32 to index
        %get3A_1479 = arith.constant 32 : index
        %get3A_1480 = tpu.vector_load %arg12[%get3A_1478, %get3A_1479] {strides = array<i32>} : memref<50x128xf32, #tpu.memory_space<vmem>>, vector<16xf32>,
        %mul3A_1481 = arith.mulf %get3A_1480, %broadcast_in_dim3A_1418 : vector<16xf32>
        %add3A_1482 = arith.addf %add3A_1433, %mul3A_1481 : vector<16xf32>
        %get3A_1483 = arith.index_cast %scan3A_1460 : i32 to index
        %get3A_1484 = arith.constant 48 : index
        %get3A_1485 = tpu.vector_load %arg12[%get3A_1483, %get3A_1484] {strides = array<i32>} : memref<50x128xf32, #tpu.memory_space<vmem>>, vector<16xf32>,
        %mul3A_1486 = arith.mulf %get3A_1485, %broadcast_in_dim3A_1418 : vector<16xf32>
        %add3A_1487 = arith.addf %add3A_1438, %mul3A_1486 : vector<16xf32>
        %get3A_1488 = arith.index_cast %scan3A_1460 : i32 to index
        %get3A_1489 = arith.constant 64 : index
        %get3A_1490 = tpu.vector_load %arg12[%get3A_1488, %get3A_1489] {strides = array<i32>} : memref<50x128xf32, #tpu.memory_space<vmem>>, vector<16xf32>,
        %mul3A_1491 = arith.mulf %get3A_1490, %broadcast_in_dim3A_1418 : vector<16xf32>
        %add3A_1492 = arith.addf %add3A_1443, %mul3A_1491 : vector<16xf32>
        %get3A_1493 = arith.index_cast %scan3A_1460 : i32 to index
        %get3A_1494 = arith.constant 80 : index
        %get3A_1495 = tpu.vector_load %arg12[%get3A_1493, %get3A_1494] {strides = array<i32>} : memref<50x128xf32, #tpu.memory_space<vmem>>, vector<16xf32>,
        %mul3A_1496 = arith.mulf %get3A_1495, %broadcast_in_dim3A_1418 : vector<16xf32>
        %add3A_1497 = arith.addf %add3A_1448, %mul3A_1496 : vector<16xf32>
        %get3A_1498 = arith.index_cast %scan3A_1460 : i32 to index
        %get3A_1499 = arith.constant 96 : index
        %get3A_1500 = tpu.vector_load %arg12[%get3A_1498, %get3A_1499] {strides = array<i32>} : memref<50x128xf32, #tpu.memory_space<vmem>>, vector<16xf32>,
        %mul3A_1501 = arith.mulf %get3A_1500, %broadcast_in_dim3A_1418 : vector<16xf32>
        %add3A_1502 = arith.addf %add3A_1453, %mul3A_1501 : vector<16xf32>
        %get3A_1503 = arith.index_cast %scan3A_1460 : i32 to index
        %get3A_1504 = arith.constant 112 : index
        %get3A_1505 = tpu.vector_load %arg12[%get3A_1503, %get3A_1504] {strides = array<i32>} : memref<50x128xf32, #tpu.memory_space<vmem>>, vector<16xf32>,
        %mul3A_1506 = arith.mulf %get3A_1505, %broadcast_in_dim3A_1418 : vector<16xf32>
        %add3A_1507 = arith.addf %add3A_1458, %mul3A_1506 : vector<16xf32>
        %scan3A_1508 = arith.constant 3 : i32
        %scan3A_1509 = arith.addi %scan3A_1353, %scan3A_1508 : i32
        %add3A_1510 = arith.constant 1 : i32
        %add3A_1511 = arith.addi %scan3A_1509, %add3A_1510 : i32
        %get3A_1512 = arith.index_cast %add3A_1511 : i32 to index
        %get3A_1513 = tpu.vector_load %arg14[%get3A_1512] {strides = array<i32>} : memref<80xf32, #tpu.memory_space<vmem>>, vector<16xf32>,
        %slice3A_1514 = vector.extract_strided_slice %get3A_1513 {offsets = [0], sizes = [1], strides = [1]} : vector<16xf32> to vector<1xf32>
        %squeeze3A_1515 = vector.extract %slice3A_1514[0] : f32 from vector<1xf32>
        %broadcast_in_dim3A_1516 = vector.broadcast %squeeze3A_1515 : f32 to vector<16xf32>
        %get3A_1517 = arith.index_cast %scan3A_1509 : i32 to index
        %get3A_1518 = arith.constant 0 : index
        %get3A_1519 = tpu.vector_load %arg12[%get3A_1517, %get3A_1518] {strides = array<i32>} : memref<50x128xf32, #tpu.memory_space<vmem>>, vector<16xf32>,
        %mul3A_1520 = arith.mulf %get3A_1519, %broadcast_in_dim3A_1467 : vector<16xf32>
        %add3A_1521 = arith.addf %add3A_1472, %mul3A_1520 : vector<16xf32>
        %get3A_1522 = arith.index_cast %scan3A_1509 : i32 to index
        %get3A_1523 = arith.constant 16 : index
        %get3A_1524 = tpu.vector_load %arg12[%get3A_1522, %get3A_1523] {strides = array<i32>} : memref<50x128xf32, #tpu.memory_space<vmem>>, vector<16xf32>,
        %mul3A_1525 = arith.mulf %get3A_1524, %broadcast_in_dim3A_1467 : vector<16xf32>
        %add3A_1526 = arith.addf %add3A_1477, %mul3A_1525 : vector<16xf32>
        %get3A_1527 = arith.index_cast %scan3A_1509 : i32 to index
        %get3A_1528 = arith.constant 32 : index
        %get3A_1529 = tpu.vector_load %arg12[%get3A_1527, %get3A_1528] {strides = array<i32>} : memref<50x128xf32, #tpu.memory_space<vmem>>, vector<16xf32>,
        %mul3A_1530 = arith.mulf %get3A_1529, %broadcast_in_dim3A_1467 : vector<16xf32>
        %add3A_1531 = arith.addf %add3A_1482, %mul3A_1530 : vector<16xf32>
        %get3A_1532 = arith.index_cast %scan3A_1509 : i32 to index
        %get3A_1533 = arith.constant 48 : index
        %get3A_1534 = tpu.vector_load %arg12[%get3A_1532, %get3A_1533] {strides = array<i32>} : memref<50x128xf32, #tpu.memory_space<vmem>>, vector<16xf32>,
        %mul3A_1535 = arith.mulf %get3A_1534, %broadcast_in_dim3A_1467 : vector<16xf32>
        %add3A_1536 = arith.addf %add3A_1487, %mul3A_1535 : vector<16xf32>
        %get3A_1537 = arith.index_cast %scan3A_1509 : i32 to index
        %get3A_1538 = arith.constant 64 : index
        %get3A_1539 = tpu.vector_load %arg12[%get3A_1537, %get3A_1538] {strides = array<i32>} : memref<50x128xf32, #tpu.memory_space<vmem>>, vector<16xf32>,
        %mul3A_1540 = arith.mulf %get3A_1539, %broadcast_in_dim3A_1467 : vector<16xf32>
        %add3A_1541 = arith.addf %add3A_1492, %mul3A_1540 : vector<16xf32>
        %get3A_1542 = arith.index_cast %scan3A_1509 : i32 to index
        %get3A_1543 = arith.constant 80 : index
        %get3A_1544 = tpu.vector_load %arg12[%get3A_1542, %get3A_1543] {strides = array<i32>} : memref<50x128xf32, #tpu.memory_space<vmem>>, vector<16xf32>,
        %mul3A_1545 = arith.mulf %get3A_1544, %broadcast_in_dim3A_1467 : vector<16xf32>
        %add3A_1546 = arith.addf %add3A_1497, %mul3A_1545 : vector<16xf32>
        %get3A_1547 = arith.index_cast %scan3A_1509 : i32 to index
        %get3A_1548 = arith.constant 96 : index
        %get3A_1549 = tpu.vector_load %arg12[%get3A_1547, %get3A_1548] {strides = array<i32>} : memref<50x128xf32, #tpu.memory_space<vmem>>, vector<16xf32>,
        %mul3A_1550 = arith.mulf %get3A_1549, %broadcast_in_dim3A_1467 : vector<16xf32>
        %add3A_1551 = arith.addf %add3A_1502, %mul3A_1550 : vector<16xf32>
        %get3A_1552 = arith.index_cast %scan3A_1509 : i32 to index
        %get3A_1553 = arith.constant 112 : index
        %get3A_1554 = tpu.vector_load %arg12[%get3A_1552, %get3A_1553] {strides = array<i32>} : memref<50x128xf32, #tpu.memory_space<vmem>>, vector<16xf32>,
        %mul3A_1555 = arith.mulf %get3A_1554, %broadcast_in_dim3A_1467 : vector<16xf32>
        %add3A_1556 = arith.addf %add3A_1507, %mul3A_1555 : vector<16xf32>
        scf.yield %add3A_1521, %add3A_1526, %add3A_1531, %add3A_1536, %add3A_1541, %add3A_1546, %add3A_1551, %add3A_1556, %broadcast_in_dim3A_1516 : vector<16xf32>, vector<16xf32>, vector<16xf32>, vector<16xf32>, vector<16xf32>, vector<16xf32>, vector<16xf32>, vector<16xf32>, vector<16xf32>
      }
      %scan3A_664 = arith.constant 48 : i32
      %scan3A_665 = arith.addi %scan3A_659, %scan3A_664 : i32
      %add3A_666 = arith.constant 1 : i32
      %add3A_667 = arith.addi %scan3A_665, %add3A_666 : i32
      %get3A_668 = arith.index_cast %add3A_667 : i32 to index
      %get3A_669 = tpu.vector_load %arg14[%get3A_668] {strides = array<i32>} : memref<80xf32, #tpu.memory_space<vmem>>, vector<16xf32>,
      %slice3A_670 = vector.extract_strided_slice %get3A_669 {offsets = [0], sizes = [1], strides = [1]} : vector<16xf32> to vector<1xf32>
      %squeeze3A_671 = vector.extract %slice3A_670[0] : f32 from vector<1xf32>
      %broadcast_in_dim3A_672 = vector.broadcast %squeeze3A_671 : f32 to vector<16xf32>
      %get3A_673 = arith.index_cast %scan3A_665 : i32 to index
      %get3A_674 = arith.constant 0 : index
      %get3A_675 = tpu.vector_load %arg12[%get3A_673, %get3A_674] {strides = array<i32>} : memref<50x128xf32, #tpu.memory_space<vmem>>, vector<16xf32>,
      %mul3A_676 = arith.mulf %get3A_675, %scan3A_663#8 : vector<16xf32>
      %add3A_677 = arith.addf %scan3A_663#0, %mul3A_676 : vector<16xf32>
      %get3A_678 = arith.index_cast %scan3A_665 : i32 to index
      %get3A_679 = arith.constant 16 : index
      %get3A_680 = tpu.vector_load %arg12[%get3A_678, %get3A_679] {strides = array<i32>} : memref<50x128xf32, #tpu.memory_space<vmem>>, vector<16xf32>,
      %mul3A_681 = arith.mulf %get3A_680, %scan3A_663#8 : vector<16xf32>
      %add3A_682 = arith.addf %scan3A_663#1, %mul3A_681 : vector<16xf32>
      %get3A_683 = arith.index_cast %scan3A_665 : i32 to index
      %get3A_684 = arith.constant 32 : index
      %get3A_685 = tpu.vector_load %arg12[%get3A_683, %get3A_684] {strides = array<i32>} : memref<50x128xf32, #tpu.memory_space<vmem>>, vector<16xf32>,
      %mul3A_686 = arith.mulf %get3A_685, %scan3A_663#8 : vector<16xf32>
      %add3A_687 = arith.addf %scan3A_663#2, %mul3A_686 : vector<16xf32>
      %get3A_688 = arith.index_cast %scan3A_665 : i32 to index
      %get3A_689 = arith.constant 48 : index
      %get3A_690 = tpu.vector_load %arg12[%get3A_688, %get3A_689] {strides = array<i32>} : memref<50x128xf32, #tpu.memory_space<vmem>>, vector<16xf32>,
      %mul3A_691 = arith.mulf %get3A_690, %scan3A_663#8 : vector<16xf32>
      %add3A_692 = arith.addf %scan3A_663#3, %mul3A_691 : vector<16xf32>
      %get3A_693 = arith.index_cast %scan3A_665 : i32 to index
      %get3A_694 = arith.constant 64 : index
      %get3A_695 = tpu.vector_load %arg12[%get3A_693, %get3A_694] {strides = array<i32>} : memref<50x128xf32, #tpu.memory_space<vmem>>, vector<16xf32>,
      %mul3A_696 = arith.mulf %get3A_695, %scan3A_663#8 : vector<16xf32>
      %add3A_697 = arith.addf %scan3A_663#4, %mul3A_696 : vector<16xf32>
      %get3A_698 = arith.index_cast %scan3A_665 : i32 to index
      %get3A_699 = arith.constant 80 : index
      %get3A_700 = tpu.vector_load %arg12[%get3A_698, %get3A_699] {strides = array<i32>} : memref<50x128xf32, #tpu.memory_space<vmem>>, vector<16xf32>,
      %mul3A_701 = arith.mulf %get3A_700, %scan3A_663#8 : vector<16xf32>
      %add3A_702 = arith.addf %scan3A_663#5, %mul3A_701 : vector<16xf32>
      %get3A_703 = arith.index_cast %scan3A_665 : i32 to index
      %get3A_704 = arith.constant 96 : index
      %get3A_705 = tpu.vector_load %arg12[%get3A_703, %get3A_704] {strides = array<i32>} : memref<50x128xf32, #tpu.memory_space<vmem>>, vector<16xf32>,
      %mul3A_706 = arith.mulf %get3A_705, %scan3A_663#8 : vector<16xf32>
      %add3A_707 = arith.addf %scan3A_663#6, %mul3A_706 : vector<16xf32>
      %get3A_708 = arith.index_cast %scan3A_665 : i32 to index
      %get3A_709 = arith.constant 112 : index
      %get3A_710 = tpu.vector_load %arg12[%get3A_708, %get3A_709] {strides = array<i32>} : memref<50x128xf32, #tpu.memory_space<vmem>>, vector<16xf32>,
      %mul3A_711 = arith.mulf %get3A_710, %scan3A_663#8 : vector<16xf32>
      %add3A_712 = arith.addf %scan3A_663#7, %mul3A_711 : vector<16xf32>
      %scan3A_713 = arith.constant 49 : i32
      %scan3A_714 = arith.addi %scan3A_659, %scan3A_713 : i32
      %add3A_715 = arith.constant 1 : i32
      %add3A_716 = arith.addi %scan3A_714, %add3A_715 : i32
      %get3A_717 = arith.index_cast %add3A_716 : i32 to index
      %get3A_718 = tpu.vector_load %arg14[%get3A_717] {strides = array<i32>} : memref<80xf32, #tpu.memory_space<vmem>>, vector<16xf32>,
      %slice3A_719 = vector.extract_strided_slice %get3A_718 {offsets = [0], sizes = [1], strides = [1]} : vector<16xf32> to vector<1xf32>
      %squeeze3A_720 = vector.extract %slice3A_719[0] : f32 from vector<1xf32>
      %broadcast_in_dim3A_721 = vector.broadcast %squeeze3A_720 : f32 to vector<16xf32>
      %get3A_722 = arith.index_cast %scan3A_714 : i32 to index
      %get3A_723 = arith.constant 0 : index
      %get3A_724 = tpu.vector_load %arg12[%get3A_722, %get3A_723] {strides = array<i32>} : memref<50x128xf32, #tpu.memory_space<vmem>>, vector<16xf32>,
      %mul3A_725 = arith.mulf %get3A_724, %broadcast_in_dim3A_672 : vector<16xf32>
      %add3A_726 = arith.addf %add3A_677, %mul3A_725 : vector<16xf32>
      %get3A_727 = arith.index_cast %scan3A_714 : i32 to index
      %get3A_728 = arith.constant 16 : index
      %get3A_729 = tpu.vector_load %arg12[%get3A_727, %get3A_728] {strides = array<i32>} : memref<50x128xf32, #tpu.memory_space<vmem>>, vector<16xf32>,
      %mul3A_730 = arith.mulf %get3A_729, %broadcast_in_dim3A_672 : vector<16xf32>
      %add3A_731 = arith.addf %add3A_682, %mul3A_730 : vector<16xf32>
      %get3A_732 = arith.index_cast %scan3A_714 : i32 to index
      %get3A_733 = arith.constant 32 : index
      %get3A_734 = tpu.vector_load %arg12[%get3A_732, %get3A_733] {strides = array<i32>} : memref<50x128xf32, #tpu.memory_space<vmem>>, vector<16xf32>,
      %mul3A_735 = arith.mulf %get3A_734, %broadcast_in_dim3A_672 : vector<16xf32>
      %add3A_736 = arith.addf %add3A_687, %mul3A_735 : vector<16xf32>
      %get3A_737 = arith.index_cast %scan3A_714 : i32 to index
      %get3A_738 = arith.constant 48 : index
      %get3A_739 = tpu.vector_load %arg12[%get3A_737, %get3A_738] {strides = array<i32>} : memref<50x128xf32, #tpu.memory_space<vmem>>, vector<16xf32>,
      %mul3A_740 = arith.mulf %get3A_739, %broadcast_in_dim3A_672 : vector<16xf32>
      %add3A_741 = arith.addf %add3A_692, %mul3A_740 : vector<16xf32>
      %get3A_742 = arith.index_cast %scan3A_714 : i32 to index
      %get3A_743 = arith.constant 64 : index
      %get3A_744 = tpu.vector_load %arg12[%get3A_742, %get3A_743] {strides = array<i32>} : memref<50x128xf32, #tpu.memory_space<vmem>>, vector<16xf32>,
      %mul3A_745 = arith.mulf %get3A_744, %broadcast_in_dim3A_672 : vector<16xf32>
      %add3A_746 = arith.addf %add3A_697, %mul3A_745 : vector<16xf32>
      %get3A_747 = arith.index_cast %scan3A_714 : i32 to index
      %get3A_748 = arith.constant 80 : index
      %get3A_749 = tpu.vector_load %arg12[%get3A_747, %get3A_748] {strides = array<i32>} : memref<50x128xf32, #tpu.memory_space<vmem>>, vector<16xf32>,
      %mul3A_750 = arith.mulf %get3A_749, %broadcast_in_dim3A_672 : vector<16xf32>
      %add3A_751 = arith.addf %add3A_702, %mul3A_750 : vector<16xf32>
      %get3A_752 = arith.index_cast %scan3A_714 : i32 to index
      %get3A_753 = arith.constant 96 : index
      %get3A_754 = tpu.vector_load %arg12[%get3A_752, %get3A_753] {strides = array<i32>} : memref<50x128xf32, #tpu.memory_space<vmem>>, vector<16xf32>,
      %mul3A_755 = arith.mulf %get3A_754, %broadcast_in_dim3A_672 : vector<16xf32>
      %add3A_756 = arith.addf %add3A_707, %mul3A_755 : vector<16xf32>
      %get3A_757 = arith.index_cast %scan3A_714 : i32 to index
      %get3A_758 = arith.constant 112 : index
      %get3A_759 = tpu.vector_load %arg12[%get3A_757, %get3A_758] {strides = array<i32>} : memref<50x128xf32, #tpu.memory_space<vmem>>, vector<16xf32>,
      %mul3A_760 = arith.mulf %get3A_759, %broadcast_in_dim3A_672 : vector<16xf32>
      %add3A_761 = arith.addf %add3A_712, %mul3A_760 : vector<16xf32>
      %scan3A_762 = arith.constant 50 : i32
      %add3A_763 = arith.addf %add3A_583, %add3A_726 : vector<16xf32>
      %swap3A_764 = arith.index_cast %mul3A_116 : i32 to index
      %swap3A_765 = arith.constant 0 : index
      %swap3A_766 = tpu.vector_load %arg15[%swap3A_764, %swap3A_765] {strides = array<i32>} : memref<32x128xf32, #tpu.memory_space<vmem>>, vector<16xf32>,
      tpu.vector_store %arg15[%swap3A_764, %swap3A_765], %add3A_763 {strides = array<i32>} : memref<32x128xf32, #tpu.memory_space<vmem>>, vector<16xf32>,
      %add3A_767 = arith.addf %add3A_584, %add3A_731 : vector<16xf32>
      %swap3A_768 = arith.index_cast %mul3A_116 : i32 to index
      %swap3A_769 = arith.constant 16 : index
      %swap3A_770 = tpu.vector_load %arg15[%swap3A_768, %swap3A_769] {strides = array<i32>} : memref<32x128xf32, #tpu.memory_space<vmem>>, vector<16xf32>,
      tpu.vector_store %arg15[%swap3A_768, %swap3A_769], %add3A_767 {strides = array<i32>} : memref<32x128xf32, #tpu.memory_space<vmem>>, vector<16xf32>,
      %add3A_771 = arith.addf %add3A_585, %add3A_736 : vector<16xf32>
      %swap3A_772 = arith.index_cast %mul3A_116 : i32 to index
      %swap3A_773 = arith.constant 32 : index
      %swap3A_774 = tpu.vector_load %arg15[%swap3A_772, %swap3A_773] {strides = array<i32>} : memref<32x128xf32, #tpu.memory_space<vmem>>, vector<16xf32>,
      tpu.vector_store %arg15[%swap3A_772, %swap3A_773], %add3A_771 {strides = array<i32>} : memref<32x128xf32, #tpu.memory_space<vmem>>, vector<16xf32>,
      %add3A_775 = arith.addf %add3A_586, %add3A_741 : vector<16xf32>
      %swap3A_776 = arith.index_cast %mul3A_116 : i32 to index
      %swap3A_777 = arith.constant 48 : index
      %swap3A_778 = tpu.vector_load %arg15[%swap3A_776, %swap3A_777] {strides = array<i32>} : memref<32x128xf32, #tpu.memory_space<vmem>>, vector<16xf32>,
      tpu.vector_store %arg15[%swap3A_776, %swap3A_777], %add3A_775 {strides = array<i32>} : memref<32x128xf32, #tpu.memory_space<vmem>>, vector<16xf32>,
      %add3A_779 = arith.addf %add3A_587, %add3A_746 : vector<16xf32>
      %swap3A_780 = arith.index_cast %mul3A_116 : i32 to index
      %swap3A_781 = arith.constant 64 : index
      %swap3A_782 = tpu.vector_load %arg15[%swap3A_780, %swap3A_781] {strides = array<i32>} : memref<32x128xf32, #tpu.memory_space<vmem>>, vector<16xf32>,
      tpu.vector_store %arg15[%swap3A_780, %swap3A_781], %add3A_779 {strides = array<i32>} : memref<32x128xf32, #tpu.memory_space<vmem>>, vector<16xf32>,
      %add3A_783 = arith.addf %add3A_588, %add3A_751 : vector<16xf32>
      %swap3A_784 = arith.index_cast %mul3A_116 : i32 to index
      %swap3A_785 = arith.constant 80 : index
      %swap3A_786 = tpu.vector_load %arg15[%swap3A_784, %swap3A_785] {strides = array<i32>} : memref<32x128xf32, #tpu.memory_space<vmem>>, vector<16xf32>,
      tpu.vector_store %arg15[%swap3A_784, %swap3A_785], %add3A_783 {strides = array<i32>} : memref<32x128xf32, #tpu.memory_space<vmem>>, vector<16xf32>,
      %add3A_787 = arith.addf %add3A_589, %add3A_756 : vector<16xf32>
      %swap3A_788 = arith.index_cast %mul3A_116 : i32 to index
      %swap3A_789 = arith.constant 96 : index
      %swap3A_790 = tpu.vector_load %arg15[%swap3A_788, %swap3A_789] {strides = array<i32>} : memref<32x128xf32, #tpu.memory_space<vmem>>, vector<16xf32>,
      tpu.vector_store %arg15[%swap3A_788, %swap3A_789], %add3A_787 {strides = array<i32>} : memref<32x128xf32, #tpu.memory_space<vmem>>, vector<16xf32>,
      %add3A_791 = arith.addf %add3A_590, %add3A_761 : vector<16xf32>
      %swap3A_792 = arith.index_cast %mul3A_116 : i32 to index
      %swap3A_793 = arith.constant 112 : index
      %swap3A_794 = tpu.vector_load %arg15[%swap3A_792, %swap3A_793] {strides = array<i32>} : memref<32x128xf32, #tpu.memory_space<vmem>>, vector<16xf32>,
      tpu.vector_store %arg15[%swap3A_792, %swap3A_793], %add3A_791 {strides = array<i32>} : memref<32x128xf32, #tpu.memory_space<vmem>>, vector<16xf32>,
      %mul3A_795 = arith.constant 2 : i32
      %mul3A_796 = arith.muli %mul3A_795, %scan3A_114 : i32
      %add3A_797 = arith.constant 1 : i32
      %add3A_798 = arith.addi %mul3A_796, %add3A_797 : i32
      %lt3A_799 = arith.constant 15 : i32
      %lt3A_800 = arith.cmpi slt, %scan3A_114, %lt3A_799 : i32
      %dma_wait3A_801 = arith.constant 0 : i32
      %dma_wait3A_802 = arith.constant 0 : i32
      %dma_wait3A_803 = tpu.memref_slice %arg7[%dma_wait3A_801, %dma_wait3A_802] : memref<128x50xi32, #tpu.memory_space<vmem>> -> memref<1x50xi32, #tpu.memory_space<vmem>>
      %dma_wait3A_804 = tpu.memref_squeeze %dma_wait3A_803 : memref<1x50xi32, #tpu.memory_space<vmem>> -> memref<50xi32, #tpu.memory_space<vmem>>
      %dma_wait3A_805 = arith.constant 0 : i32
      %dma_wait3A_806 = arith.constant 0 : i32
      %dma_wait3A_807 = tpu.memref_slice %arg3[%dma_wait3A_805, %dma_wait3A_806] : memref<100000x128xf32, #tpu.memory_space<hbm>> -> memref<100000x128xf32, #tpu.memory_space<hbm>>
      tpu.wait_indirect_dma semaphore(%arg16 : memref<!tpu.dma_semaphore, #tpu.memory_space<semaphore_mem>>) src(%dma_wait3A_807 : memref<100000x128xf32, #tpu.memory_space<hbm>>) dst(%arg9 : memref<50x128xf32, #tpu.memory_space<vmem>>)
      %dma_wait3A_808 = arith.constant 0 : i32
      %dma_wait3A_809 = arith.constant 0 : i32
      %dma_wait3A_810 = tpu.memref_slice %arg7[%dma_wait3A_808, %dma_wait3A_809] : memref<128x50xi32, #tpu.memory_space<vmem>> -> memref<1x50xi32, #tpu.memory_space<vmem>>
      %dma_wait3A_811 = tpu.memref_squeeze %dma_wait3A_810 : memref<1x50xi32, #tpu.memory_space<vmem>> -> memref<50xi32, #tpu.memory_space<vmem>>
      %dma_wait3A_812 = arith.constant 0 : i32
      %dma_wait3A_813 = arith.constant 0 : i32
      %dma_wait3A_814 = tpu.memref_slice %arg3[%dma_wait3A_812, %dma_wait3A_813] : memref<100000x128xf32, #tpu.memory_space<hbm>> -> memref<100000x128xf32, #tpu.memory_space<hbm>>
      tpu.wait_indirect_dma semaphore(%arg16 : memref<!tpu.dma_semaphore, #tpu.memory_space<semaphore_mem>>) src(%dma_wait3A_814 : memref<100000x128xf32, #tpu.memory_space<hbm>>) dst(%arg9 : memref<50x128xf32, #tpu.memory_space<vmem>>)
      %dma_wait3A_815 = arith.constant 0 : i32
      %dma_wait3A_816 = arith.constant 0 : i32
      %dma_wait3A_817 = tpu.memref_slice %arg7[%dma_wait3A_815, %dma_wait3A_816] : memref<128x50xi32, #tpu.memory_space<vmem>> -> memref<1x50xi32, #tpu.memory_space<vmem>>
      %dma_wait3A_818 = tpu.memref_squeeze %dma_wait3A_817 : memref<1x50xi32, #tpu.memory_space<vmem>> -> memref<50xi32, #tpu.memory_space<vmem>>
      %dma_wait3A_819 = arith.constant 0 : i32
      %dma_wait3A_820 = arith.constant 0 : i32
      %dma_wait3A_821 = tpu.memref_slice %arg3[%dma_wait3A_819, %dma_wait3A_820] : memref<100000x128xf32, #tpu.memory_space<hbm>> -> memref<100000x128xf32, #tpu.memory_space<hbm>>
      tpu.wait_indirect_dma semaphore(%arg16 : memref<!tpu.dma_semaphore, #tpu.memory_space<semaphore_mem>>) src(%dma_wait3A_821 : memref<100000x128xf32, #tpu.memory_space<hbm>>) dst(%arg9 : memref<50x128xf32, #tpu.memory_space<vmem>>)
      %dma_wait3A_822 = arith.constant 0 : i32
      %dma_wait3A_823 = arith.constant 0 : i32
      %dma_wait3A_824 = tpu.memref_slice %arg7[%dma_wait3A_822, %dma_wait3A_823] : memref<128x50xi32, #tpu.memory_space<vmem>> -> memref<1x50xi32, #tpu.memory_space<vmem>>
      %dma_wait3A_825 = tpu.memref_squeeze %dma_wait3A_824 : memref<1x50xi32, #tpu.memory_space<vmem>> -> memref<50xi32, #tpu.memory_space<vmem>>
      %dma_wait3A_826 = arith.constant 0 : i32
      %dma_wait3A_827 = arith.constant 0 : i32
      %dma_wait3A_828 = tpu.memref_slice %arg4[%dma_wait3A_826, %dma_wait3A_827] : memref<100000x128xf32, #tpu.memory_space<hbm>> -> memref<100000x128xf32, #tpu.memory_space<hbm>>
      tpu.wait_indirect_dma semaphore(%arg17 : memref<!tpu.dma_semaphore, #tpu.memory_space<semaphore_mem>>) src(%dma_wait3A_828 : memref<100000x128xf32, #tpu.memory_space<hbm>>) dst(%arg11 : memref<50x128xf32, #tpu.memory_space<vmem>>)
      %dma_wait3A_829 = arith.constant 0 : i32
      %dma_wait3A_830 = arith.constant 0 : i32
      %dma_wait3A_831 = tpu.memref_slice %arg7[%dma_wait3A_829, %dma_wait3A_830] : memref<128x50xi32, #tpu.memory_space<vmem>> -> memref<1x50xi32, #tpu.memory_space<vmem>>
      %dma_wait3A_832 = tpu.memref_squeeze %dma_wait3A_831 : memref<1x50xi32, #tpu.memory_space<vmem>> -> memref<50xi32, #tpu.memory_space<vmem>>
      %dma_wait3A_833 = arith.constant 0 : i32
      %dma_wait3A_834 = arith.constant 0 : i32
      %dma_wait3A_835 = tpu.memref_slice %arg4[%dma_wait3A_833, %dma_wait3A_834] : memref<100000x128xf32, #tpu.memory_space<hbm>> -> memref<100000x128xf32, #tpu.memory_space<hbm>>
      tpu.wait_indirect_dma semaphore(%arg17 : memref<!tpu.dma_semaphore, #tpu.memory_space<semaphore_mem>>) src(%dma_wait3A_835 : memref<100000x128xf32, #tpu.memory_space<hbm>>) dst(%arg11 : memref<50x128xf32, #tpu.memory_space<vmem>>)
      %dma_wait3A_836 = arith.constant 0 : i32
      %dma_wait3A_837 = arith.constant 0 : i32
      %dma_wait3A_838 = tpu.memref_slice %arg7[%dma_wait3A_836, %dma_wait3A_837] : memref<128x50xi32, #tpu.memory_space<vmem>> -> memref<1x50xi32, #tpu.memory_space<vmem>>
      %dma_wait3A_839 = tpu.memref_squeeze %dma_wait3A_838 : memref<1x50xi32, #tpu.memory_space<vmem>> -> memref<50xi32, #tpu.memory_space<vmem>>
      %dma_wait3A_840 = arith.constant 0 : i32
      %dma_wait3A_841 = arith.constant 0 : i32
      %dma_wait3A_842 = tpu.memref_slice %arg4[%dma_wait3A_840, %dma_wait3A_841] : memref<100000x128xf32, #tpu.memory_space<hbm>> -> memref<100000x128xf32, #tpu.memory_space<hbm>>
      tpu.wait_indirect_dma semaphore(%arg17 : memref<!tpu.dma_semaphore, #tpu.memory_space<semaphore_mem>>) src(%dma_wait3A_842 : memref<100000x128xf32, #tpu.memory_space<hbm>>) dst(%arg11 : memref<50x128xf32, #tpu.memory_space<vmem>>)
      %dma_wait3A_843 = arith.constant 0 : i32
      %dma_wait3A_844 = arith.constant 0 : i32
      %dma_wait3A_845 = tpu.memref_slice %arg7[%dma_wait3A_843, %dma_wait3A_844] : memref<128x50xi32, #tpu.memory_space<vmem>> -> memref<1x50xi32, #tpu.memory_space<vmem>>
      %dma_wait3A_846 = tpu.memref_squeeze %dma_wait3A_845 : memref<1x50xi32, #tpu.memory_space<vmem>> -> memref<50xi32, #tpu.memory_space<vmem>>
      %dma_wait3A_847 = arith.constant 0 : i32
      %dma_wait3A_848 = arith.constant 0 : i32
      %dma_wait3A_849 = tpu.memref_slice %arg5[%dma_wait3A_847, %dma_wait3A_848] : memref<100000x128xf32, #tpu.memory_space<hbm>> -> memref<100000x128xf32, #tpu.memory_space<hbm>>
      tpu.wait_indirect_dma semaphore(%arg18 : memref<!tpu.dma_semaphore, #tpu.memory_space<semaphore_mem>>) src(%dma_wait3A_849 : memref<100000x128xf32, #tpu.memory_space<hbm>>) dst(%arg13 : memref<50x128xf32, #tpu.memory_space<vmem>>)
      %dma_wait3A_850 = arith.constant 0 : i32
      %dma_wait3A_851 = arith.constant 0 : i32
      %dma_wait3A_852 = tpu.memref_slice %arg7[%dma_wait3A_850, %dma_wait3A_851] : memref<128x50xi32, #tpu.memory_space<vmem>> -> memref<1x50xi32, #tpu.memory_space<vmem>>
      %dma_wait3A_853 = tpu.memref_squeeze %dma_wait3A_852 : memref<1x50xi32, #tpu.memory_space<vmem>> -> memref<50xi32, #tpu.memory_space<vmem>>
      %dma_wait3A_854 = arith.constant 0 : i32
      %dma_wait3A_855 = arith.constant 0 : i32
      %dma_wait3A_856 = tpu.memref_slice %arg5[%dma_wait3A_854, %dma_wait3A_855] : memref<100000x128xf32, #tpu.memory_space<hbm>> -> memref<100000x128xf32, #tpu.memory_space<hbm>>
      tpu.wait_indirect_dma semaphore(%arg18 : memref<!tpu.dma_semaphore, #tpu.memory_space<semaphore_mem>>) src(%dma_wait3A_856 : memref<100000x128xf32, #tpu.memory_space<hbm>>) dst(%arg13 : memref<50x128xf32, #tpu.memory_space<vmem>>)
      %dma_wait3A_857 = arith.constant 0 : i32
      %dma_wait3A_858 = arith.constant 0 : i32
      %dma_wait3A_859 = tpu.memref_slice %arg7[%dma_wait3A_857, %dma_wait3A_858] : memref<128x50xi32, #tpu.memory_space<vmem>> -> memref<1x50xi32, #tpu.memory_space<vmem>>
      %dma_wait3A_860 = tpu.memref_squeeze %dma_wait3A_859 : memref<1x50xi32, #tpu.memory_space<vmem>> -> memref<50xi32, #tpu.memory_space<vmem>>
      %dma_wait3A_861 = arith.constant 0 : i32
      %dma_wait3A_862 = arith.constant 0 : i32
      %dma_wait3A_863 = tpu.memref_slice %arg5[%dma_wait3A_861, %dma_wait3A_862] : memref<100000x128xf32, #tpu.memory_space<hbm>> -> memref<100000x128xf32, #tpu.memory_space<hbm>>
      tpu.wait_indirect_dma semaphore(%arg18 : memref<!tpu.dma_semaphore, #tpu.memory_space<semaphore_mem>>) src(%dma_wait3A_863 : memref<100000x128xf32, #tpu.memory_space<hbm>>) dst(%arg13 : memref<50x128xf32, #tpu.memory_space<vmem>>)
      %convert_element_type3A = arith.extui %lt3A_800 : i1 to i32
      %cond3A = arith.constant 0 : i32
      %cond3A_864 = arith.cmpi ne, %convert_element_type3A, %cond3A : i32
      scf.if %cond3A_864 {
        %add3A_1353 = arith.constant 1 : i32
        %add3A_1354 = arith.addi %add3A_798, %add3A_1353 : i32
        %mul3A_1355 = arith.constant 4 : i32
        %mul3A_1356 = arith.muli %mul3A_1355, %add3A_1354 : i32
        %add3A_1357 = arith.constant 0 : i32
        %add3A_1358 = arith.addi %mul3A_1356, %add3A_1357 : i32
        %dma_start3A_1359 = arith.constant 0 : i32
        %dma_start3A_1360 = tpu.memref_slice %arg7[%add3A_1358, %dma_start3A_1359] : memref<128x50xi32, #tpu.memory_space<vmem>> -> memref<1x50xi32, #tpu.memory_space<vmem>>
        %dma_start3A_1361 = tpu.memref_squeeze %dma_start3A_1360 : memref<1x50xi32, #tpu.memory_space<vmem>> -> memref<50xi32, #tpu.memory_space<vmem>>
        %dma_start3A_1362 = arith.constant 0 : i32
        %dma_start3A_1363 = arith.constant 0 : i32
        %dma_start3A_1364 = tpu.memref_slice %arg3[%dma_start3A_1362, %dma_start3A_1363] : memref<100000x128xf32, #tpu.memory_space<hbm>> -> memref<100000x128xf32, #tpu.memory_space<hbm>>
        tpu.enqueue_indirect_dma source(%dma_start3A_1364 : memref<100000x128xf32, #tpu.memory_space<hbm>>) target(%arg8 : memref<50x128xf32, #tpu.memory_space<vmem>>) offsets(%dma_start3A_1361 : memref<50xi32, #tpu.memory_space<vmem>>) semaphore(%arg16 : memref<!tpu.dma_semaphore, #tpu.memory_space<semaphore_mem>>)
        %mul3A_1365 = arith.constant 4 : i32
        %mul3A_1366 = arith.muli %mul3A_1365, %add3A_1354 : i32
        %add3A_1367 = arith.constant 0 : i32
        %add3A_1368 = arith.addi %mul3A_1366, %add3A_1367 : i32
        %dma_start3A_1369 = arith.constant 0 : i32
        %dma_start3A_1370 = tpu.memref_slice %arg7[%add3A_1368, %dma_start3A_1369] : memref<128x50xi32, #tpu.memory_space<vmem>> -> memref<1x50xi32, #tpu.memory_space<vmem>>
        %dma_start3A_1371 = tpu.memref_squeeze %dma_start3A_1370 : memref<1x50xi32, #tpu.memory_space<vmem>> -> memref<50xi32, #tpu.memory_space<vmem>>
        %dma_start3A_1372 = arith.constant 0 : i32
        %dma_start3A_1373 = arith.constant 0 : i32
        %dma_start3A_1374 = tpu.memref_slice %arg4[%dma_start3A_1372, %dma_start3A_1373] : memref<100000x128xf32, #tpu.memory_space<hbm>> -> memref<100000x128xf32, #tpu.memory_space<hbm>>
        tpu.enqueue_indirect_dma source(%dma_start3A_1374 : memref<100000x128xf32, #tpu.memory_space<hbm>>) target(%arg10 : memref<50x128xf32, #tpu.memory_space<vmem>>) offsets(%dma_start3A_1371 : memref<50xi32, #tpu.memory_space<vmem>>) semaphore(%arg17 : memref<!tpu.dma_semaphore, #tpu.memory_space<semaphore_mem>>)
        %mul3A_1375 = arith.constant 4 : i32
        %mul3A_1376 = arith.muli %mul3A_1375, %add3A_1354 : i32
        %add3A_1377 = arith.constant 0 : i32
        %add3A_1378 = arith.addi %mul3A_1376, %add3A_1377 : i32
        %dma_start3A_1379 = arith.constant 0 : i32
        %dma_start3A_1380 = tpu.memref_slice %arg7[%add3A_1378, %dma_start3A_1379] : memref<128x50xi32, #tpu.memory_space<vmem>> -> memref<1x50xi32, #tpu.memory_space<vmem>>
        %dma_start3A_1381 = tpu.memref_squeeze %dma_start3A_1380 : memref<1x50xi32, #tpu.memory_space<vmem>> -> memref<50xi32, #tpu.memory_space<vmem>>
        %dma_start3A_1382 = arith.constant 0 : i32
        %dma_start3A_1383 = arith.constant 0 : i32
        %dma_start3A_1384 = tpu.memref_slice %arg5[%dma_start3A_1382, %dma_start3A_1383] : memref<100000x128xf32, #tpu.memory_space<hbm>> -> memref<100000x128xf32, #tpu.memory_space<hbm>>
        tpu.enqueue_indirect_dma source(%dma_start3A_1384 : memref<100000x128xf32, #tpu.memory_space<hbm>>) target(%arg12 : memref<50x128xf32, #tpu.memory_space<vmem>>) offsets(%dma_start3A_1381 : memref<50xi32, #tpu.memory_space<vmem>>) semaphore(%arg18 : memref<!tpu.dma_semaphore, #tpu.memory_space<semaphore_mem>>)
      } else {
      }
      %scan3A_865 = arith.constant 0 : i32
      %scan3A_866 = arith.constant 48 : i32
      %scan3A_867 = arith.addi %scan3A_865, %scan3A_866 : i32
      %scan3A_868 = arith.constant 4 : i32
      %scan3A_869:8 = scf.for %scan3A_1353 = %scan3A_865 to %scan3A_867 step %scan3A_868 iter_args(%scan3A_1354 = %broadcast_in_dim3A_1, %scan3A_1355 = %broadcast_in_dim3A_1, %scan3A_1356 = %broadcast_in_dim3A_1, %scan3A_1357 = %broadcast_in_dim3A_1, %scan3A_1358 = %broadcast_in_dim3A_1, %scan3A_1359 = %broadcast_in_dim3A_1, %scan3A_1360 = %broadcast_in_dim3A_1, %scan3A_1361 = %broadcast_in_dim3A_1) -> (vector<16xf32>, vector<16xf32>, vector<16xf32>, vector<16xf32>, vector<16xf32>, vector<16xf32>, vector<16xf32>, vector<16xf32>)  : i32 {
        %get3A_1362 = arith.index_cast %scan3A_1353 : i32 to index
        %get3A_1363 = arith.constant 0 : index
        %get3A_1364 = tpu.vector_load %arg9[%get3A_1362, %get3A_1363] {strides = array<i32>} : memref<50x128xf32, #tpu.memory_space<vmem>>, vector<16xf32>,
        %add3A_1365 = arith.addf %scan3A_1354, %get3A_1364 : vector<16xf32>
        %get3A_1366 = arith.index_cast %scan3A_1353 : i32 to index
        %get3A_1367 = arith.constant 16 : index
        %get3A_1368 = tpu.vector_load %arg9[%get3A_1366, %get3A_1367] {strides = array<i32>} : memref<50x128xf32, #tpu.memory_space<vmem>>, vector<16xf32>,
        %add3A_1369 = arith.addf %scan3A_1355, %get3A_1368 : vector<16xf32>
        %get3A_1370 = arith.index_cast %scan3A_1353 : i32 to index
        %get3A_1371 = arith.constant 32 : index
        %get3A_1372 = tpu.vector_load %arg9[%get3A_1370, %get3A_1371] {strides = array<i32>} : memref<50x128xf32, #tpu.memory_space<vmem>>, vector<16xf32>,
        %add3A_1373 = arith.addf %scan3A_1356, %get3A_1372 : vector<16xf32>
        %get3A_1374 = arith.index_cast %scan3A_1353 : i32 to index
        %get3A_1375 = arith.constant 48 : index
        %get3A_1376 = tpu.vector_load %arg9[%get3A_1374, %get3A_1375] {strides = array<i32>} : memref<50x128xf32, #tpu.memory_space<vmem>>, vector<16xf32>,
        %add3A_1377 = arith.addf %scan3A_1357, %get3A_1376 : vector<16xf32>
        %get3A_1378 = arith.index_cast %scan3A_1353 : i32 to index
        %get3A_1379 = arith.constant 64 : index
        %get3A_1380 = tpu.vector_load %arg9[%get3A_1378, %get3A_1379] {strides = array<i32>} : memref<50x128xf32, #tpu.memory_space<vmem>>, vector<16xf32>,
        %add3A_1381 = arith.addf %scan3A_1358, %get3A_1380 : vector<16xf32>
        %get3A_1382 = arith.index_cast %scan3A_1353 : i32 to index
        %get3A_1383 = arith.constant 80 : index
        %get3A_1384 = tpu.vector_load %arg9[%get3A_1382, %get3A_1383] {strides = array<i32>} : memref<50x128xf32, #tpu.memory_space<vmem>>, vector<16xf32>,
        %add3A_1385 = arith.addf %scan3A_1359, %get3A_1384 : vector<16xf32>
        %get3A_1386 = arith.index_cast %scan3A_1353 : i32 to index
        %get3A_1387 = arith.constant 96 : index
        %get3A_1388 = tpu.vector_load %arg9[%get3A_1386, %get3A_1387] {strides = array<i32>} : memref<50x128xf32, #tpu.memory_space<vmem>>, vector<16xf32>,
        %add3A_1389 = arith.addf %scan3A_1360, %get3A_1388 : vector<16xf32>
        %get3A_1390 = arith.index_cast %scan3A_1353 : i32 to index
        %get3A_1391 = arith.constant 112 : index
        %get3A_1392 = tpu.vector_load %arg9[%get3A_1390, %get3A_1391] {strides = array<i32>} : memref<50x128xf32, #tpu.memory_space<vmem>>, vector<16xf32>,
        %add3A_1393 = arith.addf %scan3A_1361, %get3A_1392 : vector<16xf32>
        %scan3A_1394 = arith.constant 1 : i32
        %scan3A_1395 = arith.addi %scan3A_1353, %scan3A_1394 : i32
        %get3A_1396 = arith.index_cast %scan3A_1395 : i32 to index
        %get3A_1397 = arith.constant 0 : index
        %get3A_1398 = tpu.vector_load %arg9[%get3A_1396, %get3A_1397] {strides = array<i32>} : memref<50x128xf32, #tpu.memory_space<vmem>>, vector<16xf32>,
        %add3A_1399 = arith.addf %add3A_1365, %get3A_1398 : vector<16xf32>
        %get3A_1400 = arith.index_cast %scan3A_1395 : i32 to index
        %get3A_1401 = arith.constant 16 : index
        %get3A_1402 = tpu.vector_load %arg9[%get3A_1400, %get3A_1401] {strides = array<i32>} : memref<50x128xf32, #tpu.memory_space<vmem>>, vector<16xf32>,
        %add3A_1403 = arith.addf %add3A_1369, %get3A_1402 : vector<16xf32>
        %get3A_1404 = arith.index_cast %scan3A_1395 : i32 to index
        %get3A_1405 = arith.constant 32 : index
        %get3A_1406 = tpu.vector_load %arg9[%get3A_1404, %get3A_1405] {strides = array<i32>} : memref<50x128xf32, #tpu.memory_space<vmem>>, vector<16xf32>,
        %add3A_1407 = arith.addf %add3A_1373, %get3A_1406 : vector<16xf32>
        %get3A_1408 = arith.index_cast %scan3A_1395 : i32 to index
        %get3A_1409 = arith.constant 48 : index
        %get3A_1410 = tpu.vector_load %arg9[%get3A_1408, %get3A_1409] {strides = array<i32>} : memref<50x128xf32, #tpu.memory_space<vmem>>, vector<16xf32>,
        %add3A_1411 = arith.addf %add3A_1377, %get3A_1410 : vector<16xf32>
        %get3A_1412 = arith.index_cast %scan3A_1395 : i32 to index
        %get3A_1413 = arith.constant 64 : index
        %get3A_1414 = tpu.vector_load %arg9[%get3A_1412, %get3A_1413] {strides = array<i32>} : memref<50x128xf32, #tpu.memory_space<vmem>>, vector<16xf32>,
        %add3A_1415 = arith.addf %add3A_1381, %get3A_1414 : vector<16xf32>
        %get3A_1416 = arith.index_cast %scan3A_1395 : i32 to index
        %get3A_1417 = arith.constant 80 : index
        %get3A_1418 = tpu.vector_load %arg9[%get3A_1416, %get3A_1417] {strides = array<i32>} : memref<50x128xf32, #tpu.memory_space<vmem>>, vector<16xf32>,
        %add3A_1419 = arith.addf %add3A_1385, %get3A_1418 : vector<16xf32>
        %get3A_1420 = arith.index_cast %scan3A_1395 : i32 to index
        %get3A_1421 = arith.constant 96 : index
        %get3A_1422 = tpu.vector_load %arg9[%get3A_1420, %get3A_1421] {strides = array<i32>} : memref<50x128xf32, #tpu.memory_space<vmem>>, vector<16xf32>,
        %add3A_1423 = arith.addf %add3A_1389, %get3A_1422 : vector<16xf32>
        %get3A_1424 = arith.index_cast %scan3A_1395 : i32 to index
        %get3A_1425 = arith.constant 112 : index
        %get3A_1426 = tpu.vector_load %arg9[%get3A_1424, %get3A_1425] {strides = array<i32>} : memref<50x128xf32, #tpu.memory_space<vmem>>, vector<16xf32>,
        %add3A_1427 = arith.addf %add3A_1393, %get3A_1426 : vector<16xf32>
        %scan3A_1428 = arith.constant 2 : i32
        %scan3A_1429 = arith.addi %scan3A_1353, %scan3A_1428 : i32
        %get3A_1430 = arith.index_cast %scan3A_1429 : i32 to index
        %get3A_1431 = arith.constant 0 : index
        %get3A_1432 = tpu.vector_load %arg9[%get3A_1430, %get3A_1431] {strides = array<i32>} : memref<50x128xf32, #tpu.memory_space<vmem>>, vector<16xf32>,
        %add3A_1433 = arith.addf %add3A_1399, %get3A_1432 : vector<16xf32>
        %get3A_1434 = arith.index_cast %scan3A_1429 : i32 to index
        %get3A_1435 = arith.constant 16 : index
        %get3A_1436 = tpu.vector_load %arg9[%get3A_1434, %get3A_1435] {strides = array<i32>} : memref<50x128xf32, #tpu.memory_space<vmem>>, vector<16xf32>,
        %add3A_1437 = arith.addf %add3A_1403, %get3A_1436 : vector<16xf32>
        %get3A_1438 = arith.index_cast %scan3A_1429 : i32 to index
        %get3A_1439 = arith.constant 32 : index
        %get3A_1440 = tpu.vector_load %arg9[%get3A_1438, %get3A_1439] {strides = array<i32>} : memref<50x128xf32, #tpu.memory_space<vmem>>, vector<16xf32>,
        %add3A_1441 = arith.addf %add3A_1407, %get3A_1440 : vector<16xf32>
        %get3A_1442 = arith.index_cast %scan3A_1429 : i32 to index
        %get3A_1443 = arith.constant 48 : index
        %get3A_1444 = tpu.vector_load %arg9[%get3A_1442, %get3A_1443] {strides = array<i32>} : memref<50x128xf32, #tpu.memory_space<vmem>>, vector<16xf32>,
        %add3A_1445 = arith.addf %add3A_1411, %get3A_1444 : vector<16xf32>
        %get3A_1446 = arith.index_cast %scan3A_1429 : i32 to index
        %get3A_1447 = arith.constant 64 : index
        %get3A_1448 = tpu.vector_load %arg9[%get3A_1446, %get3A_1447] {strides = array<i32>} : memref<50x128xf32, #tpu.memory_space<vmem>>, vector<16xf32>,
        %add3A_1449 = arith.addf %add3A_1415, %get3A_1448 : vector<16xf32>
        %get3A_1450 = arith.index_cast %scan3A_1429 : i32 to index
        %get3A_1451 = arith.constant 80 : index
        %get3A_1452 = tpu.vector_load %arg9[%get3A_1450, %get3A_1451] {strides = array<i32>} : memref<50x128xf32, #tpu.memory_space<vmem>>, vector<16xf32>,
        %add3A_1453 = arith.addf %add3A_1419, %get3A_1452 : vector<16xf32>
        %get3A_1454 = arith.index_cast %scan3A_1429 : i32 to index
        %get3A_1455 = arith.constant 96 : index
        %get3A_1456 = tpu.vector_load %arg9[%get3A_1454, %get3A_1455] {strides = array<i32>} : memref<50x128xf32, #tpu.memory_space<vmem>>, vector<16xf32>,
        %add3A_1457 = arith.addf %add3A_1423, %get3A_1456 : vector<16xf32>
        %get3A_1458 = arith.index_cast %scan3A_1429 : i32 to index
        %get3A_1459 = arith.constant 112 : index
        %get3A_1460 = tpu.vector_load %arg9[%get3A_1458, %get3A_1459] {strides = array<i32>} : memref<50x128xf32, #tpu.memory_space<vmem>>, vector<16xf32>,
        %add3A_1461 = arith.addf %add3A_1427, %get3A_1460 : vector<16xf32>
        %scan3A_1462 = arith.constant 3 : i32
        %scan3A_1463 = arith.addi %scan3A_1353, %scan3A_1462 : i32
        %get3A_1464 = arith.index_cast %scan3A_1463 : i32 to index
        %get3A_1465 = arith.constant 0 : index
        %get3A_1466 = tpu.vector_load %arg9[%get3A_1464, %get3A_1465] {strides = array<i32>} : memref<50x128xf32, #tpu.memory_space<vmem>>, vector<16xf32>,
        %add3A_1467 = arith.addf %add3A_1433, %get3A_1466 : vector<16xf32>
        %get3A_1468 = arith.index_cast %scan3A_1463 : i32 to index
        %get3A_1469 = arith.constant 16 : index
        %get3A_1470 = tpu.vector_load %arg9[%get3A_1468, %get3A_1469] {strides = array<i32>} : memref<50x128xf32, #tpu.memory_space<vmem>>, vector<16xf32>,
        %add3A_1471 = arith.addf %add3A_1437, %get3A_1470 : vector<16xf32>
        %get3A_1472 = arith.index_cast %scan3A_1463 : i32 to index
        %get3A_1473 = arith.constant 32 : index
        %get3A_1474 = tpu.vector_load %arg9[%get3A_1472, %get3A_1473] {strides = array<i32>} : memref<50x128xf32, #tpu.memory_space<vmem>>, vector<16xf32>,
        %add3A_1475 = arith.addf %add3A_1441, %get3A_1474 : vector<16xf32>
        %get3A_1476 = arith.index_cast %scan3A_1463 : i32 to index
        %get3A_1477 = arith.constant 48 : index
        %get3A_1478 = tpu.vector_load %arg9[%get3A_1476, %get3A_1477] {strides = array<i32>} : memref<50x128xf32, #tpu.memory_space<vmem>>, vector<16xf32>,
        %add3A_1479 = arith.addf %add3A_1445, %get3A_1478 : vector<16xf32>
        %get3A_1480 = arith.index_cast %scan3A_1463 : i32 to index
        %get3A_1481 = arith.constant 64 : index
        %get3A_1482 = tpu.vector_load %arg9[%get3A_1480, %get3A_1481] {strides = array<i32>} : memref<50x128xf32, #tpu.memory_space<vmem>>, vector<16xf32>,
        %add3A_1483 = arith.addf %add3A_1449, %get3A_1482 : vector<16xf32>
        %get3A_1484 = arith.index_cast %scan3A_1463 : i32 to index
        %get3A_1485 = arith.constant 80 : index
        %get3A_1486 = tpu.vector_load %arg9[%get3A_1484, %get3A_1485] {strides = array<i32>} : memref<50x128xf32, #tpu.memory_space<vmem>>, vector<16xf32>,
        %add3A_1487 = arith.addf %add3A_1453, %get3A_1486 : vector<16xf32>
        %get3A_1488 = arith.index_cast %scan3A_1463 : i32 to index
        %get3A_1489 = arith.constant 96 : index
        %get3A_1490 = tpu.vector_load %arg9[%get3A_1488, %get3A_1489] {strides = array<i32>} : memref<50x128xf32, #tpu.memory_space<vmem>>, vector<16xf32>,
        %add3A_1491 = arith.addf %add3A_1457, %get3A_1490 : vector<16xf32>
        %get3A_1492 = arith.index_cast %scan3A_1463 : i32 to index
        %get3A_1493 = arith.constant 112 : index
        %get3A_1494 = tpu.vector_load %arg9[%get3A_1492, %get3A_1493] {strides = array<i32>} : memref<50x128xf32, #tpu.memory_space<vmem>>, vector<16xf32>,
        %add3A_1495 = arith.addf %add3A_1461, %get3A_1494 : vector<16xf32>
        scf.yield %add3A_1467, %add3A_1471, %add3A_1475, %add3A_1479, %add3A_1483, %add3A_1487, %add3A_1491, %add3A_1495 : vector<16xf32>, vector<16xf32>, vector<16xf32>, vector<16xf32>, vector<16xf32>, vector<16xf32>, vector<16xf32>, vector<16xf32>
      }
      %scan3A_870 = arith.constant 48 : i32
      %scan3A_871 = arith.addi %scan3A_865, %scan3A_870 : i32
      %get3A_872 = arith.index_cast %scan3A_871 : i32 to index
      %get3A_873 = arith.constant 0 : index
      %get3A_874 = tpu.vector_load %arg9[%get3A_872, %get3A_873] {strides = array<i32>} : memref<50x128xf32, #tpu.memory_space<vmem>>, vector<16xf32>,
      %add3A_875 = arith.addf %scan3A_869#0, %get3A_874 : vector<16xf32>
      %get3A_876 = arith.index_cast %scan3A_871 : i32 to index
      %get3A_877 = arith.constant 16 : index
      %get3A_878 = tpu.vector_load %arg9[%get3A_876, %get3A_877] {strides = array<i32>} : memref<50x128xf32, #tpu.memory_space<vmem>>, vector<16xf32>,
      %add3A_879 = arith.addf %scan3A_869#1, %get3A_878 : vector<16xf32>
      %get3A_880 = arith.index_cast %scan3A_871 : i32 to index
      %get3A_881 = arith.constant 32 : index
      %get3A_882 = tpu.vector_load %arg9[%get3A_880, %get3A_881] {strides = array<i32>} : memref<50x128xf32, #tpu.memory_space<vmem>>, vector<16xf32>,
      %add3A_883 = arith.addf %scan3A_869#2, %get3A_882 : vector<16xf32>
      %get3A_884 = arith.index_cast %scan3A_871 : i32 to index
      %get3A_885 = arith.constant 48 : index
      %get3A_886 = tpu.vector_load %arg9[%get3A_884, %get3A_885] {strides = array<i32>} : memref<50x128xf32, #tpu.memory_space<vmem>>, vector<16xf32>,
      %add3A_887 = arith.addf %scan3A_869#3, %get3A_886 : vector<16xf32>
      %get3A_888 = arith.index_cast %scan3A_871 : i32 to index
      %get3A_889 = arith.constant 64 : index
      %get3A_890 = tpu.vector_load %arg9[%get3A_888, %get3A_889] {strides = array<i32>} : memref<50x128xf32, #tpu.memory_space<vmem>>, vector<16xf32>,
      %add3A_891 = arith.addf %scan3A_869#4, %get3A_890 : vector<16xf32>
      %get3A_892 = arith.index_cast %scan3A_871 : i32 to index
      %get3A_893 = arith.constant 80 : index
      %get3A_894 = tpu.vector_load %arg9[%get3A_892, %get3A_893] {strides = array<i32>} : memref<50x128xf32, #tpu.memory_space<vmem>>, vector<16xf32>,
      %add3A_895 = arith.addf %scan3A_869#5, %get3A_894 : vector<16xf32>
      %get3A_896 = arith.index_cast %scan3A_871 : i32 to index
      %get3A_897 = arith.constant 96 : index
      %get3A_898 = tpu.vector_load %arg9[%get3A_896, %get3A_897] {strides = array<i32>} : memref<50x128xf32, #tpu.memory_space<vmem>>, vector<16xf32>,
      %add3A_899 = arith.addf %scan3A_869#6, %get3A_898 : vector<16xf32>
      %get3A_900 = arith.index_cast %scan3A_871 : i32 to index
      %get3A_901 = arith.constant 112 : index
      %get3A_902 = tpu.vector_load %arg9[%get3A_900, %get3A_901] {strides = array<i32>} : memref<50x128xf32, #tpu.memory_space<vmem>>, vector<16xf32>,
      %add3A_903 = arith.addf %scan3A_869#7, %get3A_902 : vector<16xf32>
      %scan3A_904 = arith.constant 49 : i32
      %scan3A_905 = arith.addi %scan3A_865, %scan3A_904 : i32
      %get3A_906 = arith.index_cast %scan3A_905 : i32 to index
      %get3A_907 = arith.constant 0 : index
      %get3A_908 = tpu.vector_load %arg9[%get3A_906, %get3A_907] {strides = array<i32>} : memref<50x128xf32, #tpu.memory_space<vmem>>, vector<16xf32>,
      %add3A_909 = arith.addf %add3A_875, %get3A_908 : vector<16xf32>
      %get3A_910 = arith.index_cast %scan3A_905 : i32 to index
      %get3A_911 = arith.constant 16 : index
      %get3A_912 = tpu.vector_load %arg9[%get3A_910, %get3A_911] {strides = array<i32>} : memref<50x128xf32, #tpu.memory_space<vmem>>, vector<16xf32>,
      %add3A_913 = arith.addf %add3A_879, %get3A_912 : vector<16xf32>
      %get3A_914 = arith.index_cast %scan3A_905 : i32 to index
      %get3A_915 = arith.constant 32 : index
      %get3A_916 = tpu.vector_load %arg9[%get3A_914, %get3A_915] {strides = array<i32>} : memref<50x128xf32, #tpu.memory_space<vmem>>, vector<16xf32>,
      %add3A_917 = arith.addf %add3A_883, %get3A_916 : vector<16xf32>
      %get3A_918 = arith.index_cast %scan3A_905 : i32 to index
      %get3A_919 = arith.constant 48 : index
      %get3A_920 = tpu.vector_load %arg9[%get3A_918, %get3A_919] {strides = array<i32>} : memref<50x128xf32, #tpu.memory_space<vmem>>, vector<16xf32>,
      %add3A_921 = arith.addf %add3A_887, %get3A_920 : vector<16xf32>
      %get3A_922 = arith.index_cast %scan3A_905 : i32 to index
      %get3A_923 = arith.constant 64 : index
      %get3A_924 = tpu.vector_load %arg9[%get3A_922, %get3A_923] {strides = array<i32>} : memref<50x128xf32, #tpu.memory_space<vmem>>, vector<16xf32>,
      %add3A_925 = arith.addf %add3A_891, %get3A_924 : vector<16xf32>
      %get3A_926 = arith.index_cast %scan3A_905 : i32 to index
      %get3A_927 = arith.constant 80 : index
      %get3A_928 = tpu.vector_load %arg9[%get3A_926, %get3A_927] {strides = array<i32>} : memref<50x128xf32, #tpu.memory_space<vmem>>, vector<16xf32>,
      %add3A_929 = arith.addf %add3A_895, %get3A_928 : vector<16xf32>
      %get3A_930 = arith.index_cast %scan3A_905 : i32 to index
      %get3A_931 = arith.constant 96 : index
      %get3A_932 = tpu.vector_load %arg9[%get3A_930, %get3A_931] {strides = array<i32>} : memref<50x128xf32, #tpu.memory_space<vmem>>, vector<16xf32>,
      %add3A_933 = arith.addf %add3A_899, %get3A_932 : vector<16xf32>
      %get3A_934 = arith.index_cast %scan3A_905 : i32 to index
      %get3A_935 = arith.constant 112 : index
      %get3A_936 = tpu.vector_load %arg9[%get3A_934, %get3A_935] {strides = array<i32>} : memref<50x128xf32, #tpu.memory_space<vmem>>, vector<16xf32>,
      %add3A_937 = arith.addf %add3A_903, %get3A_936 : vector<16xf32>
      %scan3A_938 = arith.constant 50 : i32
      %mul3A_939 = arith.constant 2.000000e-02 : f32
      %mul3A_940 = vector.broadcast %mul3A_939 : f32 to vector<16xf32>
      %mul3A_941 = arith.mulf %add3A_909, %mul3A_940 : vector<16xf32>
      %mul3A_942 = arith.constant 2.000000e-02 : f32
      %mul3A_943 = vector.broadcast %mul3A_942 : f32 to vector<16xf32>
      %mul3A_944 = arith.mulf %add3A_913, %mul3A_943 : vector<16xf32>
      %mul3A_945 = arith.constant 2.000000e-02 : f32
      %mul3A_946 = vector.broadcast %mul3A_945 : f32 to vector<16xf32>
      %mul3A_947 = arith.mulf %add3A_917, %mul3A_946 : vector<16xf32>
      %mul3A_948 = arith.constant 2.000000e-02 : f32
      %mul3A_949 = vector.broadcast %mul3A_948 : f32 to vector<16xf32>
      %mul3A_950 = arith.mulf %add3A_921, %mul3A_949 : vector<16xf32>
      %mul3A_951 = arith.constant 2.000000e-02 : f32
      %mul3A_952 = vector.broadcast %mul3A_951 : f32 to vector<16xf32>
      %mul3A_953 = arith.mulf %add3A_925, %mul3A_952 : vector<16xf32>
      %mul3A_954 = arith.constant 2.000000e-02 : f32
      %mul3A_955 = vector.broadcast %mul3A_954 : f32 to vector<16xf32>
      %mul3A_956 = arith.mulf %add3A_929, %mul3A_955 : vector<16xf32>
      %mul3A_957 = arith.constant 2.000000e-02 : f32
      %mul3A_958 = vector.broadcast %mul3A_957 : f32 to vector<16xf32>
      %mul3A_959 = arith.mulf %add3A_933, %mul3A_958 : vector<16xf32>
      %mul3A_960 = arith.constant 2.000000e-02 : f32
      %mul3A_961 = vector.broadcast %mul3A_960 : f32 to vector<16xf32>
      %mul3A_962 = arith.mulf %add3A_937, %mul3A_961 : vector<16xf32>
      %add3A_963 = arith.constant 0 : i32
      %add3A_964 = vector.broadcast %add3A_963 : i32 to vector<16xi32>
      %add3A_965 = arith.addi %iota3A, %add3A_964 : vector<16xi32>
      %add3A_966 = arith.constant 16 : i32
      %add3A_967 = vector.broadcast %add3A_966 : i32 to vector<16xi32>
      %add3A_968 = arith.addi %iota3A, %add3A_967 : vector<16xi32>
      %add3A_969 = arith.constant 32 : i32
      %add3A_970 = vector.broadcast %add3A_969 : i32 to vector<16xi32>
      %add3A_971 = arith.addi %iota3A, %add3A_970 : vector<16xi32>
      %add3A_972 = arith.constant 48 : i32
      %add3A_973 = vector.broadcast %add3A_972 : i32 to vector<16xi32>
      %add3A_974 = arith.addi %iota3A, %add3A_973 : vector<16xi32>
      %scan3A_975 = arith.constant 0 : i32
      %scan3A_976 = arith.constant 50 : i32
      %scan3A_977 = arith.addi %scan3A_975, %scan3A_976 : i32
      %scan3A_978 = arith.constant 2 : i32
      %scan3A_979:4 = scf.for %scan3A_1353 = %scan3A_975 to %scan3A_977 step %scan3A_978 iter_args(%scan3A_1354 = %broadcast_in_dim3A_1, %scan3A_1355 = %broadcast_in_dim3A_1, %scan3A_1356 = %broadcast_in_dim3A_1, %scan3A_1357 = %broadcast_in_dim3A_1) -> (vector<16xf32>, vector<16xf32>, vector<16xf32>, vector<16xf32>)  : i32 {
        %get3A_1358 = arith.index_cast %scan3A_1353 : i32 to index
        %get3A_1359 = arith.constant 0 : index
        %get3A_1360 = tpu.vector_load %arg9[%get3A_1358, %get3A_1359] {strides = array<i32>} : memref<50x128xf32, #tpu.memory_space<vmem>>, vector<16xf32>,
        %mul3A_1361 = arith.mulf %get3A_1360, %mul3A_941 : vector<16xf32>
        %get3A_1362 = arith.index_cast %scan3A_1353 : i32 to index
        %get3A_1363 = arith.constant 16 : index
        %get3A_1364 = tpu.vector_load %arg9[%get3A_1362, %get3A_1363] {strides = array<i32>} : memref<50x128xf32, #tpu.memory_space<vmem>>, vector<16xf32>,
        %mul3A_1365 = arith.mulf %get3A_1364, %mul3A_944 : vector<16xf32>
        %add3A_1366 = arith.addf %mul3A_1361, %mul3A_1365 : vector<16xf32>
        %get3A_1367 = arith.index_cast %scan3A_1353 : i32 to index
        %get3A_1368 = arith.constant 32 : index
        %get3A_1369 = tpu.vector_load %arg9[%get3A_1367, %get3A_1368] {strides = array<i32>} : memref<50x128xf32, #tpu.memory_space<vmem>>, vector<16xf32>,
        %mul3A_1370 = arith.mulf %get3A_1369, %mul3A_947 : vector<16xf32>
        %add3A_1371 = arith.addf %add3A_1366, %mul3A_1370 : vector<16xf32>
        %get3A_1372 = arith.index_cast %scan3A_1353 : i32 to index
        %get3A_1373 = arith.constant 48 : index
        %get3A_1374 = tpu.vector_load %arg9[%get3A_1372, %get3A_1373] {strides = array<i32>} : memref<50x128xf32, #tpu.memory_space<vmem>>, vector<16xf32>,
        %mul3A_1375 = arith.mulf %get3A_1374, %mul3A_950 : vector<16xf32>
        %add3A_1376 = arith.addf %add3A_1371, %mul3A_1375 : vector<16xf32>
        %get3A_1377 = arith.index_cast %scan3A_1353 : i32 to index
        %get3A_1378 = arith.constant 64 : index
        %get3A_1379 = tpu.vector_load %arg9[%get3A_1377, %get3A_1378] {strides = array<i32>} : memref<50x128xf32, #tpu.memory_space<vmem>>, vector<16xf32>,
        %mul3A_1380 = arith.mulf %get3A_1379, %mul3A_953 : vector<16xf32>
        %add3A_1381 = arith.addf %add3A_1376, %mul3A_1380 : vector<16xf32>
        %get3A_1382 = arith.index_cast %scan3A_1353 : i32 to index
        %get3A_1383 = arith.constant 80 : index
        %get3A_1384 = tpu.vector_load %arg9[%get3A_1382, %get3A_1383] {strides = array<i32>} : memref<50x128xf32, #tpu.memory_space<vmem>>, vector<16xf32>,
        %mul3A_1385 = arith.mulf %get3A_1384, %mul3A_956 : vector<16xf32>
        %add3A_1386 = arith.addf %add3A_1381, %mul3A_1385 : vector<16xf32>
        %get3A_1387 = arith.index_cast %scan3A_1353 : i32 to index
        %get3A_1388 = arith.constant 96 : index
        %get3A_1389 = tpu.vector_load %arg9[%get3A_1387, %get3A_1388] {strides = array<i32>} : memref<50x128xf32, #tpu.memory_space<vmem>>, vector<16xf32>,
        %mul3A_1390 = arith.mulf %get3A_1389, %mul3A_959 : vector<16xf32>
        %add3A_1391 = arith.addf %add3A_1386, %mul3A_1390 : vector<16xf32>
        %get3A_1392 = arith.index_cast %scan3A_1353 : i32 to index
        %get3A_1393 = arith.constant 112 : index
        %get3A_1394 = tpu.vector_load %arg9[%get3A_1392, %get3A_1393] {strides = array<i32>} : memref<50x128xf32, #tpu.memory_space<vmem>>, vector<16xf32>,
        %mul3A_1395 = arith.mulf %get3A_1394, %mul3A_962 : vector<16xf32>
        %add3A_1396 = arith.addf %add3A_1391, %mul3A_1395 : vector<16xf32>
        %reduce_sum3A_1397 = arith.constant true
        %reduce_sum3A_1398 = vector.broadcast %reduce_sum3A_1397 : i1 to vector<16xi1>
        %reduce_sum3A_1399 = tpu.scan <sum>, %add3A_1396 masked %reduce_sum3A_1398 : vector<16xf32>, vector<16xi1> -> vector<16xf32>
        %reduce_sum3A_1400 = vector.extract %reduce_sum3A_1399[15] : f32 from vector<16xf32>
        %broadcast_in_dim3A_1401 = vector.broadcast %reduce_sum3A_1400 : f32 to vector<16xf32>
        %broadcast_in_dim3A_1402 = vector.broadcast %scan3A_1353 : i32 to vector<16xi32>
        %eq3A = arith.cmpi eq, %add3A_965, %broadcast_in_dim3A_1402 : vector<16xi32>
        %select_n3A_1403 = arith.select %eq3A, %broadcast_in_dim3A_1401, %scan3A_1354 : vector<16xi1>, vector<16xf32>
        %eq3A_1404 = arith.cmpi eq, %add3A_968, %broadcast_in_dim3A_1402 : vector<16xi32>
        %select_n3A_1405 = arith.select %eq3A_1404, %broadcast_in_dim3A_1401, %scan3A_1355 : vector<16xi1>, vector<16xf32>
        %eq3A_1406 = arith.cmpi eq, %add3A_971, %broadcast_in_dim3A_1402 : vector<16xi32>
        %select_n3A_1407 = arith.select %eq3A_1406, %broadcast_in_dim3A_1401, %scan3A_1356 : vector<16xi1>, vector<16xf32>
        %eq3A_1408 = arith.cmpi eq, %add3A_974, %broadcast_in_dim3A_1402 : vector<16xi32>
        %select_n3A_1409 = arith.select %eq3A_1408, %broadcast_in_dim3A_1401, %scan3A_1357 : vector<16xi1>, vector<16xf32>
        %scan3A_1410 = arith.constant 1 : i32
        %scan3A_1411 = arith.addi %scan3A_1353, %scan3A_1410 : i32
        %get3A_1412 = arith.index_cast %scan3A_1411 : i32 to index
        %get3A_1413 = arith.constant 0 : index
        %get3A_1414 = tpu.vector_load %arg9[%get3A_1412, %get3A_1413] {strides = array<i32>} : memref<50x128xf32, #tpu.memory_space<vmem>>, vector<16xf32>,
        %mul3A_1415 = arith.mulf %get3A_1414, %mul3A_941 : vector<16xf32>
        %get3A_1416 = arith.index_cast %scan3A_1411 : i32 to index
        %get3A_1417 = arith.constant 16 : index
        %get3A_1418 = tpu.vector_load %arg9[%get3A_1416, %get3A_1417] {strides = array<i32>} : memref<50x128xf32, #tpu.memory_space<vmem>>, vector<16xf32>,
        %mul3A_1419 = arith.mulf %get3A_1418, %mul3A_944 : vector<16xf32>
        %add3A_1420 = arith.addf %mul3A_1415, %mul3A_1419 : vector<16xf32>
        %get3A_1421 = arith.index_cast %scan3A_1411 : i32 to index
        %get3A_1422 = arith.constant 32 : index
        %get3A_1423 = tpu.vector_load %arg9[%get3A_1421, %get3A_1422] {strides = array<i32>} : memref<50x128xf32, #tpu.memory_space<vmem>>, vector<16xf32>,
        %mul3A_1424 = arith.mulf %get3A_1423, %mul3A_947 : vector<16xf32>
        %add3A_1425 = arith.addf %add3A_1420, %mul3A_1424 : vector<16xf32>
        %get3A_1426 = arith.index_cast %scan3A_1411 : i32 to index
        %get3A_1427 = arith.constant 48 : index
        %get3A_1428 = tpu.vector_load %arg9[%get3A_1426, %get3A_1427] {strides = array<i32>} : memref<50x128xf32, #tpu.memory_space<vmem>>, vector<16xf32>,
        %mul3A_1429 = arith.mulf %get3A_1428, %mul3A_950 : vector<16xf32>
        %add3A_1430 = arith.addf %add3A_1425, %mul3A_1429 : vector<16xf32>
        %get3A_1431 = arith.index_cast %scan3A_1411 : i32 to index
        %get3A_1432 = arith.constant 64 : index
        %get3A_1433 = tpu.vector_load %arg9[%get3A_1431, %get3A_1432] {strides = array<i32>} : memref<50x128xf32, #tpu.memory_space<vmem>>, vector<16xf32>,
        %mul3A_1434 = arith.mulf %get3A_1433, %mul3A_953 : vector<16xf32>
        %add3A_1435 = arith.addf %add3A_1430, %mul3A_1434 : vector<16xf32>
        %get3A_1436 = arith.index_cast %scan3A_1411 : i32 to index
        %get3A_1437 = arith.constant 80 : index
        %get3A_1438 = tpu.vector_load %arg9[%get3A_1436, %get3A_1437] {strides = array<i32>} : memref<50x128xf32, #tpu.memory_space<vmem>>, vector<16xf32>,
        %mul3A_1439 = arith.mulf %get3A_1438, %mul3A_956 : vector<16xf32>
        %add3A_1440 = arith.addf %add3A_1435, %mul3A_1439 : vector<16xf32>
        %get3A_1441 = arith.index_cast %scan3A_1411 : i32 to index
        %get3A_1442 = arith.constant 96 : index
        %get3A_1443 = tpu.vector_load %arg9[%get3A_1441, %get3A_1442] {strides = array<i32>} : memref<50x128xf32, #tpu.memory_space<vmem>>, vector<16xf32>,
        %mul3A_1444 = arith.mulf %get3A_1443, %mul3A_959 : vector<16xf32>
        %add3A_1445 = arith.addf %add3A_1440, %mul3A_1444 : vector<16xf32>
        %get3A_1446 = arith.index_cast %scan3A_1411 : i32 to index
        %get3A_1447 = arith.constant 112 : index
        %get3A_1448 = tpu.vector_load %arg9[%get3A_1446, %get3A_1447] {strides = array<i32>} : memref<50x128xf32, #tpu.memory_space<vmem>>, vector<16xf32>,
        %mul3A_1449 = arith.mulf %get3A_1448, %mul3A_962 : vector<16xf32>
        %add3A_1450 = arith.addf %add3A_1445, %mul3A_1449 : vector<16xf32>
        %reduce_sum3A_1451 = arith.constant true
        %reduce_sum3A_1452 = vector.broadcast %reduce_sum3A_1451 : i1 to vector<16xi1>
        %reduce_sum3A_1453 = tpu.scan <sum>, %add3A_1450 masked %reduce_sum3A_1452 : vector<16xf32>, vector<16xi1> -> vector<16xf32>
        %reduce_sum3A_1454 = vector.extract %reduce_sum3A_1453[15] : f32 from vector<16xf32>
        %broadcast_in_dim3A_1455 = vector.broadcast %reduce_sum3A_1454 : f32 to vector<16xf32>
        %broadcast_in_dim3A_1456 = vector.broadcast %scan3A_1411 : i32 to vector<16xi32>
        %eq3A_1457 = arith.cmpi eq, %add3A_965, %broadcast_in_dim3A_1456 : vector<16xi32>
        %select_n3A_1458 = arith.select %eq3A_1457, %broadcast_in_dim3A_1455, %select_n3A_1403 : vector<16xi1>, vector<16xf32>
        %eq3A_1459 = arith.cmpi eq, %add3A_968, %broadcast_in_dim3A_1456 : vector<16xi32>
        %select_n3A_1460 = arith.select %eq3A_1459, %broadcast_in_dim3A_1455, %select_n3A_1405 : vector<16xi1>, vector<16xf32>
        %eq3A_1461 = arith.cmpi eq, %add3A_971, %broadcast_in_dim3A_1456 : vector<16xi32>
        %select_n3A_1462 = arith.select %eq3A_1461, %broadcast_in_dim3A_1455, %select_n3A_1407 : vector<16xi1>, vector<16xf32>
        %eq3A_1463 = arith.cmpi eq, %add3A_974, %broadcast_in_dim3A_1456 : vector<16xi32>
        %select_n3A_1464 = arith.select %eq3A_1463, %broadcast_in_dim3A_1455, %select_n3A_1409 : vector<16xi1>, vector<16xf32>
        scf.yield %select_n3A_1458, %select_n3A_1460, %select_n3A_1462, %select_n3A_1464 : vector<16xf32>, vector<16xf32>, vector<16xf32>, vector<16xf32>
      }
      %scan3A_980 = arith.constant 50 : i32
      %lt3A_981 = arith.constant 2 : i32
      %lt3A_982 = vector.broadcast %lt3A_981 : i32 to vector<16xi32>
      %lt3A_983 = arith.cmpi slt, %iota3A, %lt3A_982 : vector<16xi32>
      %broadcast_in_dim3A_984 = arith.constant -1.000000e+30 : f32
      %broadcast_in_dim3A_985 = vector.broadcast %broadcast_in_dim3A_984 : f32 to vector<16xf32>
      %select_n3A_986 = arith.select %lt3A_983, %scan3A_979#3, %broadcast_in_dim3A_985 : vector<16xi1>, vector<16xf32>
      %max3A_987 = arith.maximumf %scan3A_979#0, %scan3A_979#1 : vector<16xf32>
      %max3A_988 = arith.maximumf %max3A_987, %scan3A_979#2 : vector<16xf32>
      %max3A_989 = arith.maximumf %max3A_988, %select_n3A_986 : vector<16xf32>
      %reduce_max3A_990 = arith.constant true
      %reduce_max3A_991 = vector.broadcast %reduce_max3A_990 : i1 to vector<16xi1>
      %reduce_max3A_992 = tpu.scan <max>, %max3A_989 masked %reduce_max3A_991 : vector<16xf32>, vector<16xi1> -> vector<16xf32>
      %reduce_max3A_993 = vector.extract %reduce_max3A_992[15] : f32 from vector<16xf32>
      %broadcast_in_dim3A_994 = vector.broadcast %reduce_max3A_993 : f32 to vector<16xf32>
      %sub3A_995 = arith.subf %scan3A_979#0, %broadcast_in_dim3A_994 : vector<16xf32>
      %exp3A_996 = math.exp %sub3A_995 : vector<16xf32>
      %sub3A_997 = arith.subf %scan3A_979#1, %broadcast_in_dim3A_994 : vector<16xf32>
      %exp3A_998 = math.exp %sub3A_997 : vector<16xf32>
      %sub3A_999 = arith.subf %scan3A_979#2, %broadcast_in_dim3A_994 : vector<16xf32>
      %exp3A_1000 = math.exp %sub3A_999 : vector<16xf32>
      %sub3A_1001 = arith.subf %select_n3A_986, %broadcast_in_dim3A_994 : vector<16xf32>
      %exp3A_1002 = math.exp %sub3A_1001 : vector<16xf32>
      %add3A_1003 = arith.addf %exp3A_996, %exp3A_998 : vector<16xf32>
      %add3A_1004 = arith.addf %add3A_1003, %exp3A_1000 : vector<16xf32>
      %add3A_1005 = arith.addf %add3A_1004, %exp3A_1002 : vector<16xf32>
      %reduce_sum3A_1006 = arith.constant true
      %reduce_sum3A_1007 = vector.broadcast %reduce_sum3A_1006 : i1 to vector<16xi1>
      %reduce_sum3A_1008 = tpu.scan <sum>, %add3A_1005 masked %reduce_sum3A_1007 : vector<16xf32>, vector<16xi1> -> vector<16xf32>
      %reduce_sum3A_1009 = vector.extract %reduce_sum3A_1008[15] : f32 from vector<16xf32>
      %broadcast_in_dim3A_1010 = vector.broadcast %reduce_sum3A_1009 : f32 to vector<16xf32>
      %broadcast_in_dim3A_1011 = arith.constant 1.000000e+00 : f32
      %broadcast_in_dim3A_1012 = vector.broadcast %broadcast_in_dim3A_1011 : f32 to vector<16xf32>
      %div3A_1013 = arith.divf %broadcast_in_dim3A_1012, %broadcast_in_dim3A_1010 : vector<16xf32>
      %mul3A_1014 = arith.mulf %exp3A_996, %div3A_1013 : vector<16xf32>
      %mul3A_1015 = arith.mulf %exp3A_998, %div3A_1013 : vector<16xf32>
      %mul3A_1016 = arith.mulf %exp3A_1000, %div3A_1013 : vector<16xf32>
      %mul3A_1017 = arith.mulf %exp3A_1002, %div3A_1013 : vector<16xf32>
      %swap3A_1018 = arith.constant 0 : index
      %swap3A_1019 = tpu.vector_load %arg14[%swap3A_1018] {strides = array<i32>} : memref<80xf32, #tpu.memory_space<vmem>>, vector<16xf32>,
      tpu.vector_store %arg14[%swap3A_1018], %mul3A_1014 {strides = array<i32>} : memref<80xf32, #tpu.memory_space<vmem>>, vector<16xf32>,
      %swap3A_1020 = arith.constant 16 : index
      %swap3A_1021 = tpu.vector_load %arg14[%swap3A_1020] {strides = array<i32>} : memref<80xf32, #tpu.memory_space<vmem>>, vector<16xf32>,
      tpu.vector_store %arg14[%swap3A_1020], %mul3A_1015 {strides = array<i32>} : memref<80xf32, #tpu.memory_space<vmem>>, vector<16xf32>,
      %swap3A_1022 = arith.constant 32 : index
      %swap3A_1023 = tpu.vector_load %arg14[%swap3A_1022] {strides = array<i32>} : memref<80xf32, #tpu.memory_space<vmem>>, vector<16xf32>,
      tpu.vector_store %arg14[%swap3A_1022], %mul3A_1016 {strides = array<i32>} : memref<80xf32, #tpu.memory_space<vmem>>, vector<16xf32>,
      %swap3A_1024 = arith.constant 48 : index
      %swap3A_1025 = tpu.vector_load %arg14[%swap3A_1024] {strides = array<i32>} : memref<80xf32, #tpu.memory_space<vmem>>, vector<16xf32>,
      tpu.vector_store %arg14[%swap3A_1024], %mul3A_1017 {strides = array<i32>} : memref<80xf32, #tpu.memory_space<vmem>>, vector<16xf32>,
      %convert_element_type3A_1026 = arith.extui %lt3A_800 : i1 to i32
      %cond3A_1027 = arith.constant 0 : i32
      %cond3A_1028 = arith.cmpi ne, %convert_element_type3A_1026, %cond3A_1027 : i32
      scf.if %cond3A_1028 {
        %dma_wait3A_1353 = arith.constant 0 : i32
        %dma_wait3A_1354 = arith.constant 0 : i32
        %dma_wait3A_1355 = tpu.memref_slice %arg7[%dma_wait3A_1353, %dma_wait3A_1354] : memref<128x50xi32, #tpu.memory_space<vmem>> -> memref<1x50xi32, #tpu.memory_space<vmem>>
        %dma_wait3A_1356 = tpu.memref_squeeze %dma_wait3A_1355 : memref<1x50xi32, #tpu.memory_space<vmem>> -> memref<50xi32, #tpu.memory_space<vmem>>
        %dma_wait3A_1357 = arith.constant 0 : i32
        %dma_wait3A_1358 = arith.constant 0 : i32
        %dma_wait3A_1359 = tpu.memref_slice %arg3[%dma_wait3A_1357, %dma_wait3A_1358] : memref<100000x128xf32, #tpu.memory_space<hbm>> -> memref<100000x128xf32, #tpu.memory_space<hbm>>
        tpu.wait_indirect_dma semaphore(%arg16 : memref<!tpu.dma_semaphore, #tpu.memory_space<semaphore_mem>>) src(%dma_wait3A_1359 : memref<100000x128xf32, #tpu.memory_space<hbm>>) dst(%arg8 : memref<50x128xf32, #tpu.memory_space<vmem>>)
        %dma_wait3A_1360 = arith.constant 0 : i32
        %dma_wait3A_1361 = arith.constant 0 : i32
        %dma_wait3A_1362 = tpu.memref_slice %arg7[%dma_wait3A_1360, %dma_wait3A_1361] : memref<128x50xi32, #tpu.memory_space<vmem>> -> memref<1x50xi32, #tpu.memory_space<vmem>>
        %dma_wait3A_1363 = tpu.memref_squeeze %dma_wait3A_1362 : memref<1x50xi32, #tpu.memory_space<vmem>> -> memref<50xi32, #tpu.memory_space<vmem>>
        %dma_wait3A_1364 = arith.constant 0 : i32
        %dma_wait3A_1365 = arith.constant 0 : i32
        %dma_wait3A_1366 = tpu.memref_slice %arg4[%dma_wait3A_1364, %dma_wait3A_1365] : memref<100000x128xf32, #tpu.memory_space<hbm>> -> memref<100000x128xf32, #tpu.memory_space<hbm>>
        tpu.wait_indirect_dma semaphore(%arg17 : memref<!tpu.dma_semaphore, #tpu.memory_space<semaphore_mem>>) src(%dma_wait3A_1366 : memref<100000x128xf32, #tpu.memory_space<hbm>>) dst(%arg10 : memref<50x128xf32, #tpu.memory_space<vmem>>)
        %dma_wait3A_1367 = arith.constant 0 : i32
        %dma_wait3A_1368 = arith.constant 0 : i32
        %dma_wait3A_1369 = tpu.memref_slice %arg7[%dma_wait3A_1367, %dma_wait3A_1368] : memref<128x50xi32, #tpu.memory_space<vmem>> -> memref<1x50xi32, #tpu.memory_space<vmem>>
        %dma_wait3A_1370 = tpu.memref_squeeze %dma_wait3A_1369 : memref<1x50xi32, #tpu.memory_space<vmem>> -> memref<50xi32, #tpu.memory_space<vmem>>
        %dma_wait3A_1371 = arith.constant 0 : i32
        %dma_wait3A_1372 = arith.constant 0 : i32
        %dma_wait3A_1373 = tpu.memref_slice %arg5[%dma_wait3A_1371, %dma_wait3A_1372] : memref<100000x128xf32, #tpu.memory_space<hbm>> -> memref<100000x128xf32, #tpu.memory_space<hbm>>
        tpu.wait_indirect_dma semaphore(%arg18 : memref<!tpu.dma_semaphore, #tpu.memory_space<semaphore_mem>>) src(%dma_wait3A_1373 : memref<100000x128xf32, #tpu.memory_space<hbm>>) dst(%arg12 : memref<50x128xf32, #tpu.memory_space<vmem>>)
      } else {
      }
      %convert_element_type3A_1029 = arith.extui %lt3A_800 : i1 to i32
      %cond3A_1030 = arith.constant 0 : i32
      %cond3A_1031 = arith.cmpi ne, %convert_element_type3A_1029, %cond3A_1030 : i32
      scf.if %cond3A_1031 {
        %add3A_1353 = arith.constant 1 : i32
        %add3A_1354 = arith.addi %add3A_798, %add3A_1353 : i32
        %mul3A_1355 = arith.constant 4 : i32
        %mul3A_1356 = arith.muli %mul3A_1355, %add3A_1354 : i32
        %add3A_1357 = arith.constant 1 : i32
        %add3A_1358 = arith.addi %mul3A_1356, %add3A_1357 : i32
        %dma_start3A_1359 = arith.constant 0 : i32
        %dma_start3A_1360 = tpu.memref_slice %arg7[%add3A_1358, %dma_start3A_1359] : memref<128x50xi32, #tpu.memory_space<vmem>> -> memref<1x50xi32, #tpu.memory_space<vmem>>
        %dma_start3A_1361 = tpu.memref_squeeze %dma_start3A_1360 : memref<1x50xi32, #tpu.memory_space<vmem>> -> memref<50xi32, #tpu.memory_space<vmem>>
        %dma_start3A_1362 = arith.constant 0 : i32
        %dma_start3A_1363 = arith.constant 0 : i32
        %dma_start3A_1364 = tpu.memref_slice %arg3[%dma_start3A_1362, %dma_start3A_1363] : memref<100000x128xf32, #tpu.memory_space<hbm>> -> memref<100000x128xf32, #tpu.memory_space<hbm>>
        tpu.enqueue_indirect_dma source(%dma_start3A_1364 : memref<100000x128xf32, #tpu.memory_space<hbm>>) target(%arg8 : memref<50x128xf32, #tpu.memory_space<vmem>>) offsets(%dma_start3A_1361 : memref<50xi32, #tpu.memory_space<vmem>>) semaphore(%arg16 : memref<!tpu.dma_semaphore, #tpu.memory_space<semaphore_mem>>) {add = true}
        %mul3A_1365 = arith.constant 4 : i32
        %mul3A_1366 = arith.muli %mul3A_1365, %add3A_1354 : i32
        %add3A_1367 = arith.constant 1 : i32
        %add3A_1368 = arith.addi %mul3A_1366, %add3A_1367 : i32
        %dma_start3A_1369 = arith.constant 0 : i32
        %dma_start3A_1370 = tpu.memref_slice %arg7[%add3A_1368, %dma_start3A_1369] : memref<128x50xi32, #tpu.memory_space<vmem>> -> memref<1x50xi32, #tpu.memory_space<vmem>>
        %dma_start3A_1371 = tpu.memref_squeeze %dma_start3A_1370 : memref<1x50xi32, #tpu.memory_space<vmem>> -> memref<50xi32, #tpu.memory_space<vmem>>
        %dma_start3A_1372 = arith.constant 0 : i32
        %dma_start3A_1373 = arith.constant 0 : i32
        %dma_start3A_1374 = tpu.memref_slice %arg4[%dma_start3A_1372, %dma_start3A_1373] : memref<100000x128xf32, #tpu.memory_space<hbm>> -> memref<100000x128xf32, #tpu.memory_space<hbm>>
        tpu.enqueue_indirect_dma source(%dma_start3A_1374 : memref<100000x128xf32, #tpu.memory_space<hbm>>) target(%arg10 : memref<50x128xf32, #tpu.memory_space<vmem>>) offsets(%dma_start3A_1371 : memref<50xi32, #tpu.memory_space<vmem>>) semaphore(%arg17 : memref<!tpu.dma_semaphore, #tpu.memory_space<semaphore_mem>>) {add = true}
        %mul3A_1375 = arith.constant 4 : i32
        %mul3A_1376 = arith.muli %mul3A_1375, %add3A_1354 : i32
        %add3A_1377 = arith.constant 1 : i32
        %add3A_1378 = arith.addi %mul3A_1376, %add3A_1377 : i32
        %dma_start3A_1379 = arith.constant 0 : i32
        %dma_start3A_1380 = tpu.memref_slice %arg7[%add3A_1378, %dma_start3A_1379] : memref<128x50xi32, #tpu.memory_space<vmem>> -> memref<1x50xi32, #tpu.memory_space<vmem>>
        %dma_start3A_1381 = tpu.memref_squeeze %dma_start3A_1380 : memref<1x50xi32, #tpu.memory_space<vmem>> -> memref<50xi32, #tpu.memory_space<vmem>>
        %dma_start3A_1382 = arith.constant 0 : i32
        %dma_start3A_1383 = arith.constant 0 : i32
        %dma_start3A_1384 = tpu.memref_slice %arg5[%dma_start3A_1382, %dma_start3A_1383] : memref<100000x128xf32, #tpu.memory_space<hbm>> -> memref<100000x128xf32, #tpu.memory_space<hbm>>
        tpu.enqueue_indirect_dma source(%dma_start3A_1384 : memref<100000x128xf32, #tpu.memory_space<hbm>>) target(%arg12 : memref<50x128xf32, #tpu.memory_space<vmem>>) offsets(%dma_start3A_1381 : memref<50xi32, #tpu.memory_space<vmem>>) semaphore(%arg18 : memref<!tpu.dma_semaphore, #tpu.memory_space<semaphore_mem>>) {add = true}
        %mul3A_1385 = arith.constant 4 : i32
        %mul3A_1386 = arith.muli %mul3A_1385, %add3A_1354 : i32
        %add3A_1387 = arith.constant 2 : i32
        %add3A_1388 = arith.addi %mul3A_1386, %add3A_1387 : i32
        %dma_start3A_1389 = arith.constant 0 : i32
        %dma_start3A_1390 = tpu.memref_slice %arg7[%add3A_1388, %dma_start3A_1389] : memref<128x50xi32, #tpu.memory_space<vmem>> -> memref<1x50xi32, #tpu.memory_space<vmem>>
        %dma_start3A_1391 = tpu.memref_squeeze %dma_start3A_1390 : memref<1x50xi32, #tpu.memory_space<vmem>> -> memref<50xi32, #tpu.memory_space<vmem>>
        %dma_start3A_1392 = arith.constant 0 : i32
        %dma_start3A_1393 = arith.constant 0 : i32
        %dma_start3A_1394 = tpu.memref_slice %arg3[%dma_start3A_1392, %dma_start3A_1393] : memref<100000x128xf32, #tpu.memory_space<hbm>> -> memref<100000x128xf32, #tpu.memory_space<hbm>>
        tpu.enqueue_indirect_dma source(%dma_start3A_1394 : memref<100000x128xf32, #tpu.memory_space<hbm>>) target(%arg8 : memref<50x128xf32, #tpu.memory_space<vmem>>) offsets(%dma_start3A_1391 : memref<50xi32, #tpu.memory_space<vmem>>) semaphore(%arg16 : memref<!tpu.dma_semaphore, #tpu.memory_space<semaphore_mem>>) {add = true}
        %mul3A_1395 = arith.constant 4 : i32
        %mul3A_1396 = arith.muli %mul3A_1395, %add3A_1354 : i32
        %add3A_1397 = arith.constant 2 : i32
        %add3A_1398 = arith.addi %mul3A_1396, %add3A_1397 : i32
        %dma_start3A_1399 = arith.constant 0 : i32
        %dma_start3A_1400 = tpu.memref_slice %arg7[%add3A_1398, %dma_start3A_1399] : memref<128x50xi32, #tpu.memory_space<vmem>> -> memref<1x50xi32, #tpu.memory_space<vmem>>
        %dma_start3A_1401 = tpu.memref_squeeze %dma_start3A_1400 : memref<1x50xi32, #tpu.memory_space<vmem>> -> memref<50xi32, #tpu.memory_space<vmem>>
        %dma_start3A_1402 = arith.constant 0 : i32
        %dma_start3A_1403 = arith.constant 0 : i32
        %dma_start3A_1404 = tpu.memref_slice %arg4[%dma_start3A_1402, %dma_start3A_1403] : memref<100000x128xf32, #tpu.memory_space<hbm>> -> memref<100000x128xf32, #tpu.memory_space<hbm>>
        tpu.enqueue_indirect_dma source(%dma_start3A_1404 : memref<100000x128xf32, #tpu.memory_space<hbm>>) target(%arg10 : memref<50x128xf32, #tpu.memory_space<vmem>>) offsets(%dma_start3A_1401 : memref<50xi32, #tpu.memory_space<vmem>>) semaphore(%arg17 : memref<!tpu.dma_semaphore, #tpu.memory_space<semaphore_mem>>) {add = true}
        %mul3A_1405 = arith.constant 4 : i32
        %mul3A_1406 = arith.muli %mul3A_1405, %add3A_1354 : i32
        %add3A_1407 = arith.constant 2 : i32
        %add3A_1408 = arith.addi %mul3A_1406, %add3A_1407 : i32
        %dma_start3A_1409 = arith.constant 0 : i32
        %dma_start3A_1410 = tpu.memref_slice %arg7[%add3A_1408, %dma_start3A_1409] : memref<128x50xi32, #tpu.memory_space<vmem>> -> memref<1x50xi32, #tpu.memory_space<vmem>>
        %dma_start3A_1411 = tpu.memref_squeeze %dma_start3A_1410 : memref<1x50xi32, #tpu.memory_space<vmem>> -> memref<50xi32, #tpu.memory_space<vmem>>
        %dma_start3A_1412 = arith.constant 0 : i32
        %dma_start3A_1413 = arith.constant 0 : i32
        %dma_start3A_1414 = tpu.memref_slice %arg5[%dma_start3A_1412, %dma_start3A_1413] : memref<100000x128xf32, #tpu.memory_space<hbm>> -> memref<100000x128xf32, #tpu.memory_space<hbm>>
        tpu.enqueue_indirect_dma source(%dma_start3A_1414 : memref<100000x128xf32, #tpu.memory_space<hbm>>) target(%arg12 : memref<50x128xf32, #tpu.memory_space<vmem>>) offsets(%dma_start3A_1411 : memref<50xi32, #tpu.memory_space<vmem>>) semaphore(%arg18 : memref<!tpu.dma_semaphore, #tpu.memory_space<semaphore_mem>>) {add = true}
        %mul3A_1415 = arith.constant 4 : i32
        %mul3A_1416 = arith.muli %mul3A_1415, %add3A_1354 : i32
        %add3A_1417 = arith.constant 3 : i32
        %add3A_1418 = arith.addi %mul3A_1416, %add3A_1417 : i32
        %dma_start3A_1419 = arith.constant 0 : i32
        %dma_start3A_1420 = tpu.memref_slice %arg7[%add3A_1418, %dma_start3A_1419] : memref<128x50xi32, #tpu.memory_space<vmem>> -> memref<1x50xi32, #tpu.memory_space<vmem>>
        %dma_start3A_1421 = tpu.memref_squeeze %dma_start3A_1420 : memref<1x50xi32, #tpu.memory_space<vmem>> -> memref<50xi32, #tpu.memory_space<vmem>>
        %dma_start3A_1422 = arith.constant 0 : i32
        %dma_start3A_1423 = arith.constant 0 : i32
        %dma_start3A_1424 = tpu.memref_slice %arg3[%dma_start3A_1422, %dma_start3A_1423] : memref<100000x128xf32, #tpu.memory_space<hbm>> -> memref<100000x128xf32, #tpu.memory_space<hbm>>
        tpu.enqueue_indirect_dma source(%dma_start3A_1424 : memref<100000x128xf32, #tpu.memory_space<hbm>>) target(%arg8 : memref<50x128xf32, #tpu.memory_space<vmem>>) offsets(%dma_start3A_1421 : memref<50xi32, #tpu.memory_space<vmem>>) semaphore(%arg16 : memref<!tpu.dma_semaphore, #tpu.memory_space<semaphore_mem>>) {add = true}
        %mul3A_1425 = arith.constant 4 : i32
        %mul3A_1426 = arith.muli %mul3A_1425, %add3A_1354 : i32
        %add3A_1427 = arith.constant 3 : i32
        %add3A_1428 = arith.addi %mul3A_1426, %add3A_1427 : i32
        %dma_start3A_1429 = arith.constant 0 : i32
        %dma_start3A_1430 = tpu.memref_slice %arg7[%add3A_1428, %dma_start3A_1429] : memref<128x50xi32, #tpu.memory_space<vmem>> -> memref<1x50xi32, #tpu.memory_space<vmem>>
        %dma_start3A_1431 = tpu.memref_squeeze %dma_start3A_1430 : memref<1x50xi32, #tpu.memory_space<vmem>> -> memref<50xi32, #tpu.memory_space<vmem>>
        %dma_start3A_1432 = arith.constant 0 : i32
        %dma_start3A_1433 = arith.constant 0 : i32
        %dma_start3A_1434 = tpu.memref_slice %arg4[%dma_start3A_1432, %dma_start3A_1433] : memref<100000x128xf32, #tpu.memory_space<hbm>> -> memref<100000x128xf32, #tpu.memory_space<hbm>>
        tpu.enqueue_indirect_dma source(%dma_start3A_1434 : memref<100000x128xf32, #tpu.memory_space<hbm>>) target(%arg10 : memref<50x128xf32, #tpu.memory_space<vmem>>) offsets(%dma_start3A_1431 : memref<50xi32, #tpu.memory_space<vmem>>) semaphore(%arg17 : memref<!tpu.dma_semaphore, #tpu.memory_space<semaphore_mem>>) {add = true}
        %mul3A_1435 = arith.constant 4 : i32
        %mul3A_1436 = arith.muli %mul3A_1435, %add3A_1354 : i32
        %add3A_1437 = arith.constant 3 : i32
        %add3A_1438 = arith.addi %mul3A_1436, %add3A_1437 : i32
        %dma_start3A_1439 = arith.constant 0 : i32
        %dma_start3A_1440 = tpu.memref_slice %arg7[%add3A_1438, %dma_start3A_1439] : memref<128x50xi32, #tpu.memory_space<vmem>> -> memref<1x50xi32, #tpu.memory_space<vmem>>
        %dma_start3A_1441 = tpu.memref_squeeze %dma_start3A_1440 : memref<1x50xi32, #tpu.memory_space<vmem>> -> memref<50xi32, #tpu.memory_space<vmem>>
        %dma_start3A_1442 = arith.constant 0 : i32
        %dma_start3A_1443 = arith.constant 0 : i32
        %dma_start3A_1444 = tpu.memref_slice %arg5[%dma_start3A_1442, %dma_start3A_1443] : memref<100000x128xf32, #tpu.memory_space<hbm>> -> memref<100000x128xf32, #tpu.memory_space<hbm>>
        tpu.enqueue_indirect_dma source(%dma_start3A_1444 : memref<100000x128xf32, #tpu.memory_space<hbm>>) target(%arg12 : memref<50x128xf32, #tpu.memory_space<vmem>>) offsets(%dma_start3A_1441 : memref<50xi32, #tpu.memory_space<vmem>>) semaphore(%arg18 : memref<!tpu.dma_semaphore, #tpu.memory_space<semaphore_mem>>) {add = true}
      } else {
      }
      %get3A_1032 = arith.constant 0 : index
      %get3A_1033 = tpu.vector_load %arg14[%get3A_1032] {strides = array<i32>} : memref<80xf32, #tpu.memory_space<vmem>>, vector<16xf32>,
      %slice3A_1034 = vector.extract_strided_slice %get3A_1033 {offsets = [0], sizes = [1], strides = [1]} : vector<16xf32> to vector<1xf32>
      %squeeze3A_1035 = vector.extract %slice3A_1034[0] : f32 from vector<1xf32>
      %broadcast_in_dim3A_1036 = vector.broadcast %squeeze3A_1035 : f32 to vector<16xf32>
      %scan3A_1037 = arith.constant 0 : i32
      %scan3A_1038 = arith.constant 48 : i32
      %scan3A_1039 = arith.addi %scan3A_1037, %scan3A_1038 : i32
      %scan3A_1040 = arith.constant 4 : i32
      %scan3A_1041:9 = scf.for %scan3A_1353 = %scan3A_1037 to %scan3A_1039 step %scan3A_1040 iter_args(%scan3A_1354 = %broadcast_in_dim3A_1, %scan3A_1355 = %broadcast_in_dim3A_1, %scan3A_1356 = %broadcast_in_dim3A_1, %scan3A_1357 = %broadcast_in_dim3A_1, %scan3A_1358 = %broadcast_in_dim3A_1, %scan3A_1359 = %broadcast_in_dim3A_1, %scan3A_1360 = %broadcast_in_dim3A_1, %scan3A_1361 = %broadcast_in_dim3A_1, %scan3A_1362 = %broadcast_in_dim3A_1036) -> (vector<16xf32>, vector<16xf32>, vector<16xf32>, vector<16xf32>, vector<16xf32>, vector<16xf32>, vector<16xf32>, vector<16xf32>, vector<16xf32>)  : i32 {
        %add3A_1363 = arith.constant 1 : i32
        %add3A_1364 = arith.addi %scan3A_1353, %add3A_1363 : i32
        %get3A_1365 = arith.index_cast %add3A_1364 : i32 to index
        %get3A_1366 = tpu.vector_load %arg14[%get3A_1365] {strides = array<i32>} : memref<80xf32, #tpu.memory_space<vmem>>, vector<16xf32>,
        %slice3A_1367 = vector.extract_strided_slice %get3A_1366 {offsets = [0], sizes = [1], strides = [1]} : vector<16xf32> to vector<1xf32>
        %squeeze3A_1368 = vector.extract %slice3A_1367[0] : f32 from vector<1xf32>
        %broadcast_in_dim3A_1369 = vector.broadcast %squeeze3A_1368 : f32 to vector<16xf32>
        %get3A_1370 = arith.index_cast %scan3A_1353 : i32 to index
        %get3A_1371 = arith.constant 0 : index
        %get3A_1372 = tpu.vector_load %arg11[%get3A_1370, %get3A_1371] {strides = array<i32>} : memref<50x128xf32, #tpu.memory_space<vmem>>, vector<16xf32>,
        %mul3A_1373 = arith.mulf %get3A_1372, %scan3A_1362 : vector<16xf32>
        %add3A_1374 = arith.addf %scan3A_1354, %mul3A_1373 : vector<16xf32>
        %get3A_1375 = arith.index_cast %scan3A_1353 : i32 to index
        %get3A_1376 = arith.constant 16 : index
        %get3A_1377 = tpu.vector_load %arg11[%get3A_1375, %get3A_1376] {strides = array<i32>} : memref<50x128xf32, #tpu.memory_space<vmem>>, vector<16xf32>,
        %mul3A_1378 = arith.mulf %get3A_1377, %scan3A_1362 : vector<16xf32>
        %add3A_1379 = arith.addf %scan3A_1355, %mul3A_1378 : vector<16xf32>
        %get3A_1380 = arith.index_cast %scan3A_1353 : i32 to index
        %get3A_1381 = arith.constant 32 : index
        %get3A_1382 = tpu.vector_load %arg11[%get3A_1380, %get3A_1381] {strides = array<i32>} : memref<50x128xf32, #tpu.memory_space<vmem>>, vector<16xf32>,
        %mul3A_1383 = arith.mulf %get3A_1382, %scan3A_1362 : vector<16xf32>
        %add3A_1384 = arith.addf %scan3A_1356, %mul3A_1383 : vector<16xf32>
        %get3A_1385 = arith.index_cast %scan3A_1353 : i32 to index
        %get3A_1386 = arith.constant 48 : index
        %get3A_1387 = tpu.vector_load %arg11[%get3A_1385, %get3A_1386] {strides = array<i32>} : memref<50x128xf32, #tpu.memory_space<vmem>>, vector<16xf32>,
        %mul3A_1388 = arith.mulf %get3A_1387, %scan3A_1362 : vector<16xf32>
        %add3A_1389 = arith.addf %scan3A_1357, %mul3A_1388 : vector<16xf32>
        %get3A_1390 = arith.index_cast %scan3A_1353 : i32 to index
        %get3A_1391 = arith.constant 64 : index
        %get3A_1392 = tpu.vector_load %arg11[%get3A_1390, %get3A_1391] {strides = array<i32>} : memref<50x128xf32, #tpu.memory_space<vmem>>, vector<16xf32>,
        %mul3A_1393 = arith.mulf %get3A_1392, %scan3A_1362 : vector<16xf32>
        %add3A_1394 = arith.addf %scan3A_1358, %mul3A_1393 : vector<16xf32>
        %get3A_1395 = arith.index_cast %scan3A_1353 : i32 to index
        %get3A_1396 = arith.constant 80 : index
        %get3A_1397 = tpu.vector_load %arg11[%get3A_1395, %get3A_1396] {strides = array<i32>} : memref<50x128xf32, #tpu.memory_space<vmem>>, vector<16xf32>,
        %mul3A_1398 = arith.mulf %get3A_1397, %scan3A_1362 : vector<16xf32>
        %add3A_1399 = arith.addf %scan3A_1359, %mul3A_1398 : vector<16xf32>
        %get3A_1400 = arith.index_cast %scan3A_1353 : i32 to index
        %get3A_1401 = arith.constant 96 : index
        %get3A_1402 = tpu.vector_load %arg11[%get3A_1400, %get3A_1401] {strides = array<i32>} : memref<50x128xf32, #tpu.memory_space<vmem>>, vector<16xf32>,
        %mul3A_1403 = arith.mulf %get3A_1402, %scan3A_1362 : vector<16xf32>
        %add3A_1404 = arith.addf %scan3A_1360, %mul3A_1403 : vector<16xf32>
        %get3A_1405 = arith.index_cast %scan3A_1353 : i32 to index
        %get3A_1406 = arith.constant 112 : index
        %get3A_1407 = tpu.vector_load %arg11[%get3A_1405, %get3A_1406] {strides = array<i32>} : memref<50x128xf32, #tpu.memory_space<vmem>>, vector<16xf32>,
        %mul3A_1408 = arith.mulf %get3A_1407, %scan3A_1362 : vector<16xf32>
        %add3A_1409 = arith.addf %scan3A_1361, %mul3A_1408 : vector<16xf32>
        %scan3A_1410 = arith.constant 1 : i32
        %scan3A_1411 = arith.addi %scan3A_1353, %scan3A_1410 : i32
        %add3A_1412 = arith.constant 1 : i32
        %add3A_1413 = arith.addi %scan3A_1411, %add3A_1412 : i32
        %get3A_1414 = arith.index_cast %add3A_1413 : i32 to index
        %get3A_1415 = tpu.vector_load %arg14[%get3A_1414] {strides = array<i32>} : memref<80xf32, #tpu.memory_space<vmem>>, vector<16xf32>,
        %slice3A_1416 = vector.extract_strided_slice %get3A_1415 {offsets = [0], sizes = [1], strides = [1]} : vector<16xf32> to vector<1xf32>
        %squeeze3A_1417 = vector.extract %slice3A_1416[0] : f32 from vector<1xf32>
        %broadcast_in_dim3A_1418 = vector.broadcast %squeeze3A_1417 : f32 to vector<16xf32>
        %get3A_1419 = arith.index_cast %scan3A_1411 : i32 to index
        %get3A_1420 = arith.constant 0 : index
        %get3A_1421 = tpu.vector_load %arg11[%get3A_1419, %get3A_1420] {strides = array<i32>} : memref<50x128xf32, #tpu.memory_space<vmem>>, vector<16xf32>,
        %mul3A_1422 = arith.mulf %get3A_1421, %broadcast_in_dim3A_1369 : vector<16xf32>
        %add3A_1423 = arith.addf %add3A_1374, %mul3A_1422 : vector<16xf32>
        %get3A_1424 = arith.index_cast %scan3A_1411 : i32 to index
        %get3A_1425 = arith.constant 16 : index
        %get3A_1426 = tpu.vector_load %arg11[%get3A_1424, %get3A_1425] {strides = array<i32>} : memref<50x128xf32, #tpu.memory_space<vmem>>, vector<16xf32>,
        %mul3A_1427 = arith.mulf %get3A_1426, %broadcast_in_dim3A_1369 : vector<16xf32>
        %add3A_1428 = arith.addf %add3A_1379, %mul3A_1427 : vector<16xf32>
        %get3A_1429 = arith.index_cast %scan3A_1411 : i32 to index
        %get3A_1430 = arith.constant 32 : index
        %get3A_1431 = tpu.vector_load %arg11[%get3A_1429, %get3A_1430] {strides = array<i32>} : memref<50x128xf32, #tpu.memory_space<vmem>>, vector<16xf32>,
        %mul3A_1432 = arith.mulf %get3A_1431, %broadcast_in_dim3A_1369 : vector<16xf32>
        %add3A_1433 = arith.addf %add3A_1384, %mul3A_1432 : vector<16xf32>
        %get3A_1434 = arith.index_cast %scan3A_1411 : i32 to index
        %get3A_1435 = arith.constant 48 : index
        %get3A_1436 = tpu.vector_load %arg11[%get3A_1434, %get3A_1435] {strides = array<i32>} : memref<50x128xf32, #tpu.memory_space<vmem>>, vector<16xf32>,
        %mul3A_1437 = arith.mulf %get3A_1436, %broadcast_in_dim3A_1369 : vector<16xf32>
        %add3A_1438 = arith.addf %add3A_1389, %mul3A_1437 : vector<16xf32>
        %get3A_1439 = arith.index_cast %scan3A_1411 : i32 to index
        %get3A_1440 = arith.constant 64 : index
        %get3A_1441 = tpu.vector_load %arg11[%get3A_1439, %get3A_1440] {strides = array<i32>} : memref<50x128xf32, #tpu.memory_space<vmem>>, vector<16xf32>,
        %mul3A_1442 = arith.mulf %get3A_1441, %broadcast_in_dim3A_1369 : vector<16xf32>
        %add3A_1443 = arith.addf %add3A_1394, %mul3A_1442 : vector<16xf32>
        %get3A_1444 = arith.index_cast %scan3A_1411 : i32 to index
        %get3A_1445 = arith.constant 80 : index
        %get3A_1446 = tpu.vector_load %arg11[%get3A_1444, %get3A_1445] {strides = array<i32>} : memref<50x128xf32, #tpu.memory_space<vmem>>, vector<16xf32>,
        %mul3A_1447 = arith.mulf %get3A_1446, %broadcast_in_dim3A_1369 : vector<16xf32>
        %add3A_1448 = arith.addf %add3A_1399, %mul3A_1447 : vector<16xf32>
        %get3A_1449 = arith.index_cast %scan3A_1411 : i32 to index
        %get3A_1450 = arith.constant 96 : index
        %get3A_1451 = tpu.vector_load %arg11[%get3A_1449, %get3A_1450] {strides = array<i32>} : memref<50x128xf32, #tpu.memory_space<vmem>>, vector<16xf32>,
        %mul3A_1452 = arith.mulf %get3A_1451, %broadcast_in_dim3A_1369 : vector<16xf32>
        %add3A_1453 = arith.addf %add3A_1404, %mul3A_1452 : vector<16xf32>
        %get3A_1454 = arith.index_cast %scan3A_1411 : i32 to index
        %get3A_1455 = arith.constant 112 : index
        %get3A_1456 = tpu.vector_load %arg11[%get3A_1454, %get3A_1455] {strides = array<i32>} : memref<50x128xf32, #tpu.memory_space<vmem>>, vector<16xf32>,
        %mul3A_1457 = arith.mulf %get3A_1456, %broadcast_in_dim3A_1369 : vector<16xf32>
        %add3A_1458 = arith.addf %add3A_1409, %mul3A_1457 : vector<16xf32>
        %scan3A_1459 = arith.constant 2 : i32
        %scan3A_1460 = arith.addi %scan3A_1353, %scan3A_1459 : i32
        %add3A_1461 = arith.constant 1 : i32
        %add3A_1462 = arith.addi %scan3A_1460, %add3A_1461 : i32
        %get3A_1463 = arith.index_cast %add3A_1462 : i32 to index
        %get3A_1464 = tpu.vector_load %arg14[%get3A_1463] {strides = array<i32>} : memref<80xf32, #tpu.memory_space<vmem>>, vector<16xf32>,
        %slice3A_1465 = vector.extract_strided_slice %get3A_1464 {offsets = [0], sizes = [1], strides = [1]} : vector<16xf32> to vector<1xf32>
        %squeeze3A_1466 = vector.extract %slice3A_1465[0] : f32 from vector<1xf32>
        %broadcast_in_dim3A_1467 = vector.broadcast %squeeze3A_1466 : f32 to vector<16xf32>
        %get3A_1468 = arith.index_cast %scan3A_1460 : i32 to index
        %get3A_1469 = arith.constant 0 : index
        %get3A_1470 = tpu.vector_load %arg11[%get3A_1468, %get3A_1469] {strides = array<i32>} : memref<50x128xf32, #tpu.memory_space<vmem>>, vector<16xf32>,
        %mul3A_1471 = arith.mulf %get3A_1470, %broadcast_in_dim3A_1418 : vector<16xf32>
        %add3A_1472 = arith.addf %add3A_1423, %mul3A_1471 : vector<16xf32>
        %get3A_1473 = arith.index_cast %scan3A_1460 : i32 to index
        %get3A_1474 = arith.constant 16 : index
        %get3A_1475 = tpu.vector_load %arg11[%get3A_1473, %get3A_1474] {strides = array<i32>} : memref<50x128xf32, #tpu.memory_space<vmem>>, vector<16xf32>,
        %mul3A_1476 = arith.mulf %get3A_1475, %broadcast_in_dim3A_1418 : vector<16xf32>
        %add3A_1477 = arith.addf %add3A_1428, %mul3A_1476 : vector<16xf32>
        %get3A_1478 = arith.index_cast %scan3A_1460 : i32 to index
        %get3A_1479 = arith.constant 32 : index
        %get3A_1480 = tpu.vector_load %arg11[%get3A_1478, %get3A_1479] {strides = array<i32>} : memref<50x128xf32, #tpu.memory_space<vmem>>, vector<16xf32>,
        %mul3A_1481 = arith.mulf %get3A_1480, %broadcast_in_dim3A_1418 : vector<16xf32>
        %add3A_1482 = arith.addf %add3A_1433, %mul3A_1481 : vector<16xf32>
        %get3A_1483 = arith.index_cast %scan3A_1460 : i32 to index
        %get3A_1484 = arith.constant 48 : index
        %get3A_1485 = tpu.vector_load %arg11[%get3A_1483, %get3A_1484] {strides = array<i32>} : memref<50x128xf32, #tpu.memory_space<vmem>>, vector<16xf32>,
        %mul3A_1486 = arith.mulf %get3A_1485, %broadcast_in_dim3A_1418 : vector<16xf32>
        %add3A_1487 = arith.addf %add3A_1438, %mul3A_1486 : vector<16xf32>
        %get3A_1488 = arith.index_cast %scan3A_1460 : i32 to index
        %get3A_1489 = arith.constant 64 : index
        %get3A_1490 = tpu.vector_load %arg11[%get3A_1488, %get3A_1489] {strides = array<i32>} : memref<50x128xf32, #tpu.memory_space<vmem>>, vector<16xf32>,
        %mul3A_1491 = arith.mulf %get3A_1490, %broadcast_in_dim3A_1418 : vector<16xf32>
        %add3A_1492 = arith.addf %add3A_1443, %mul3A_1491 : vector<16xf32>
        %get3A_1493 = arith.index_cast %scan3A_1460 : i32 to index
        %get3A_1494 = arith.constant 80 : index
        %get3A_1495 = tpu.vector_load %arg11[%get3A_1493, %get3A_1494] {strides = array<i32>} : memref<50x128xf32, #tpu.memory_space<vmem>>, vector<16xf32>,
        %mul3A_1496 = arith.mulf %get3A_1495, %broadcast_in_dim3A_1418 : vector<16xf32>
        %add3A_1497 = arith.addf %add3A_1448, %mul3A_1496 : vector<16xf32>
        %get3A_1498 = arith.index_cast %scan3A_1460 : i32 to index
        %get3A_1499 = arith.constant 96 : index
        %get3A_1500 = tpu.vector_load %arg11[%get3A_1498, %get3A_1499] {strides = array<i32>} : memref<50x128xf32, #tpu.memory_space<vmem>>, vector<16xf32>,
        %mul3A_1501 = arith.mulf %get3A_1500, %broadcast_in_dim3A_1418 : vector<16xf32>
        %add3A_1502 = arith.addf %add3A_1453, %mul3A_1501 : vector<16xf32>
        %get3A_1503 = arith.index_cast %scan3A_1460 : i32 to index
        %get3A_1504 = arith.constant 112 : index
        %get3A_1505 = tpu.vector_load %arg11[%get3A_1503, %get3A_1504] {strides = array<i32>} : memref<50x128xf32, #tpu.memory_space<vmem>>, vector<16xf32>,
        %mul3A_1506 = arith.mulf %get3A_1505, %broadcast_in_dim3A_1418 : vector<16xf32>
        %add3A_1507 = arith.addf %add3A_1458, %mul3A_1506 : vector<16xf32>
        %scan3A_1508 = arith.constant 3 : i32
        %scan3A_1509 = arith.addi %scan3A_1353, %scan3A_1508 : i32
        %add3A_1510 = arith.constant 1 : i32
        %add3A_1511 = arith.addi %scan3A_1509, %add3A_1510 : i32
        %get3A_1512 = arith.index_cast %add3A_1511 : i32 to index
        %get3A_1513 = tpu.vector_load %arg14[%get3A_1512] {strides = array<i32>} : memref<80xf32, #tpu.memory_space<vmem>>, vector<16xf32>,
        %slice3A_1514 = vector.extract_strided_slice %get3A_1513 {offsets = [0], sizes = [1], strides = [1]} : vector<16xf32> to vector<1xf32>
        %squeeze3A_1515 = vector.extract %slice3A_1514[0] : f32 from vector<1xf32>
        %broadcast_in_dim3A_1516 = vector.broadcast %squeeze3A_1515 : f32 to vector<16xf32>
        %get3A_1517 = arith.index_cast %scan3A_1509 : i32 to index
        %get3A_1518 = arith.constant 0 : index
        %get3A_1519 = tpu.vector_load %arg11[%get3A_1517, %get3A_1518] {strides = array<i32>} : memref<50x128xf32, #tpu.memory_space<vmem>>, vector<16xf32>,
        %mul3A_1520 = arith.mulf %get3A_1519, %broadcast_in_dim3A_1467 : vector<16xf32>
        %add3A_1521 = arith.addf %add3A_1472, %mul3A_1520 : vector<16xf32>
        %get3A_1522 = arith.index_cast %scan3A_1509 : i32 to index
        %get3A_1523 = arith.constant 16 : index
        %get3A_1524 = tpu.vector_load %arg11[%get3A_1522, %get3A_1523] {strides = array<i32>} : memref<50x128xf32, #tpu.memory_space<vmem>>, vector<16xf32>,
        %mul3A_1525 = arith.mulf %get3A_1524, %broadcast_in_dim3A_1467 : vector<16xf32>
        %add3A_1526 = arith.addf %add3A_1477, %mul3A_1525 : vector<16xf32>
        %get3A_1527 = arith.index_cast %scan3A_1509 : i32 to index
        %get3A_1528 = arith.constant 32 : index
        %get3A_1529 = tpu.vector_load %arg11[%get3A_1527, %get3A_1528] {strides = array<i32>} : memref<50x128xf32, #tpu.memory_space<vmem>>, vector<16xf32>,
        %mul3A_1530 = arith.mulf %get3A_1529, %broadcast_in_dim3A_1467 : vector<16xf32>
        %add3A_1531 = arith.addf %add3A_1482, %mul3A_1530 : vector<16xf32>
        %get3A_1532 = arith.index_cast %scan3A_1509 : i32 to index
        %get3A_1533 = arith.constant 48 : index
        %get3A_1534 = tpu.vector_load %arg11[%get3A_1532, %get3A_1533] {strides = array<i32>} : memref<50x128xf32, #tpu.memory_space<vmem>>, vector<16xf32>,
        %mul3A_1535 = arith.mulf %get3A_1534, %broadcast_in_dim3A_1467 : vector<16xf32>
        %add3A_1536 = arith.addf %add3A_1487, %mul3A_1535 : vector<16xf32>
        %get3A_1537 = arith.index_cast %scan3A_1509 : i32 to index
        %get3A_1538 = arith.constant 64 : index
        %get3A_1539 = tpu.vector_load %arg11[%get3A_1537, %get3A_1538] {strides = array<i32>} : memref<50x128xf32, #tpu.memory_space<vmem>>, vector<16xf32>,
        %mul3A_1540 = arith.mulf %get3A_1539, %broadcast_in_dim3A_1467 : vector<16xf32>
        %add3A_1541 = arith.addf %add3A_1492, %mul3A_1540 : vector<16xf32>
        %get3A_1542 = arith.index_cast %scan3A_1509 : i32 to index
        %get3A_1543 = arith.constant 80 : index
        %get3A_1544 = tpu.vector_load %arg11[%get3A_1542, %get3A_1543] {strides = array<i32>} : memref<50x128xf32, #tpu.memory_space<vmem>>, vector<16xf32>,
        %mul3A_1545 = arith.mulf %get3A_1544, %broadcast_in_dim3A_1467 : vector<16xf32>
        %add3A_1546 = arith.addf %add3A_1497, %mul3A_1545 : vector<16xf32>
        %get3A_1547 = arith.index_cast %scan3A_1509 : i32 to index
        %get3A_1548 = arith.constant 96 : index
        %get3A_1549 = tpu.vector_load %arg11[%get3A_1547, %get3A_1548] {strides = array<i32>} : memref<50x128xf32, #tpu.memory_space<vmem>>, vector<16xf32>,
        %mul3A_1550 = arith.mulf %get3A_1549, %broadcast_in_dim3A_1467 : vector<16xf32>
        %add3A_1551 = arith.addf %add3A_1502, %mul3A_1550 : vector<16xf32>
        %get3A_1552 = arith.index_cast %scan3A_1509 : i32 to index
        %get3A_1553 = arith.constant 112 : index
        %get3A_1554 = tpu.vector_load %arg11[%get3A_1552, %get3A_1553] {strides = array<i32>} : memref<50x128xf32, #tpu.memory_space<vmem>>, vector<16xf32>,
        %mul3A_1555 = arith.mulf %get3A_1554, %broadcast_in_dim3A_1467 : vector<16xf32>
        %add3A_1556 = arith.addf %add3A_1507, %mul3A_1555 : vector<16xf32>
        scf.yield %add3A_1521, %add3A_1526, %add3A_1531, %add3A_1536, %add3A_1541, %add3A_1546, %add3A_1551, %add3A_1556, %broadcast_in_dim3A_1516 : vector<16xf32>, vector<16xf32>, vector<16xf32>, vector<16xf32>, vector<16xf32>, vector<16xf32>, vector<16xf32>, vector<16xf32>, vector<16xf32>
      }
      %scan3A_1042 = arith.constant 48 : i32
      %scan3A_1043 = arith.addi %scan3A_1037, %scan3A_1042 : i32
      %add3A_1044 = arith.constant 1 : i32
      %add3A_1045 = arith.addi %scan3A_1043, %add3A_1044 : i32
      %get3A_1046 = arith.index_cast %add3A_1045 : i32 to index
      %get3A_1047 = tpu.vector_load %arg14[%get3A_1046] {strides = array<i32>} : memref<80xf32, #tpu.memory_space<vmem>>, vector<16xf32>,
      %slice3A_1048 = vector.extract_strided_slice %get3A_1047 {offsets = [0], sizes = [1], strides = [1]} : vector<16xf32> to vector<1xf32>
      %squeeze3A_1049 = vector.extract %slice3A_1048[0] : f32 from vector<1xf32>
      %broadcast_in_dim3A_1050 = vector.broadcast %squeeze3A_1049 : f32 to vector<16xf32>
      %get3A_1051 = arith.index_cast %scan3A_1043 : i32 to index
      %get3A_1052 = arith.constant 0 : index
      %get3A_1053 = tpu.vector_load %arg11[%get3A_1051, %get3A_1052] {strides = array<i32>} : memref<50x128xf32, #tpu.memory_space<vmem>>, vector<16xf32>,
      %mul3A_1054 = arith.mulf %get3A_1053, %scan3A_1041#8 : vector<16xf32>
      %add3A_1055 = arith.addf %scan3A_1041#0, %mul3A_1054 : vector<16xf32>
      %get3A_1056 = arith.index_cast %scan3A_1043 : i32 to index
      %get3A_1057 = arith.constant 16 : index
      %get3A_1058 = tpu.vector_load %arg11[%get3A_1056, %get3A_1057] {strides = array<i32>} : memref<50x128xf32, #tpu.memory_space<vmem>>, vector<16xf32>,
      %mul3A_1059 = arith.mulf %get3A_1058, %scan3A_1041#8 : vector<16xf32>
      %add3A_1060 = arith.addf %scan3A_1041#1, %mul3A_1059 : vector<16xf32>
      %get3A_1061 = arith.index_cast %scan3A_1043 : i32 to index
      %get3A_1062 = arith.constant 32 : index
      %get3A_1063 = tpu.vector_load %arg11[%get3A_1061, %get3A_1062] {strides = array<i32>} : memref<50x128xf32, #tpu.memory_space<vmem>>, vector<16xf32>,
      %mul3A_1064 = arith.mulf %get3A_1063, %scan3A_1041#8 : vector<16xf32>
      %add3A_1065 = arith.addf %scan3A_1041#2, %mul3A_1064 : vector<16xf32>
      %get3A_1066 = arith.index_cast %scan3A_1043 : i32 to index
      %get3A_1067 = arith.constant 48 : index
      %get3A_1068 = tpu.vector_load %arg11[%get3A_1066, %get3A_1067] {strides = array<i32>} : memref<50x128xf32, #tpu.memory_space<vmem>>, vector<16xf32>,
      %mul3A_1069 = arith.mulf %get3A_1068, %scan3A_1041#8 : vector<16xf32>
      %add3A_1070 = arith.addf %scan3A_1041#3, %mul3A_1069 : vector<16xf32>
      %get3A_1071 = arith.index_cast %scan3A_1043 : i32 to index
      %get3A_1072 = arith.constant 64 : index
      %get3A_1073 = tpu.vector_load %arg11[%get3A_1071, %get3A_1072] {strides = array<i32>} : memref<50x128xf32, #tpu.memory_space<vmem>>, vector<16xf32>,
      %mul3A_1074 = arith.mulf %get3A_1073, %scan3A_1041#8 : vector<16xf32>
      %add3A_1075 = arith.addf %scan3A_1041#4, %mul3A_1074 : vector<16xf32>
      %get3A_1076 = arith.index_cast %scan3A_1043 : i32 to index
      %get3A_1077 = arith.constant 80 : index
      %get3A_1078 = tpu.vector_load %arg11[%get3A_1076, %get3A_1077] {strides = array<i32>} : memref<50x128xf32, #tpu.memory_space<vmem>>, vector<16xf32>,
      %mul3A_1079 = arith.mulf %get3A_1078, %scan3A_1041#8 : vector<16xf32>
      %add3A_1080 = arith.addf %scan3A_1041#5, %mul3A_1079 : vector<16xf32>
      %get3A_1081 = arith.index_cast %scan3A_1043 : i32 to index
      %get3A_1082 = arith.constant 96 : index
      %get3A_1083 = tpu.vector_load %arg11[%get3A_1081, %get3A_1082] {strides = array<i32>} : memref<50x128xf32, #tpu.memory_space<vmem>>, vector<16xf32>,
      %mul3A_1084 = arith.mulf %get3A_1083, %scan3A_1041#8 : vector<16xf32>
      %add3A_1085 = arith.addf %scan3A_1041#6, %mul3A_1084 : vector<16xf32>
      %get3A_1086 = arith.index_cast %scan3A_1043 : i32 to index
      %get3A_1087 = arith.constant 112 : index
      %get3A_1088 = tpu.vector_load %arg11[%get3A_1086, %get3A_1087] {strides = array<i32>} : memref<50x128xf32, #tpu.memory_space<vmem>>, vector<16xf32>,
      %mul3A_1089 = arith.mulf %get3A_1088, %scan3A_1041#8 : vector<16xf32>
      %add3A_1090 = arith.addf %scan3A_1041#7, %mul3A_1089 : vector<16xf32>
      %scan3A_1091 = arith.constant 49 : i32
      %scan3A_1092 = arith.addi %scan3A_1037, %scan3A_1091 : i32
      %add3A_1093 = arith.constant 1 : i32
      %add3A_1094 = arith.addi %scan3A_1092, %add3A_1093 : i32
      %get3A_1095 = arith.index_cast %add3A_1094 : i32 to index
      %get3A_1096 = tpu.vector_load %arg14[%get3A_1095] {strides = array<i32>} : memref<80xf32, #tpu.memory_space<vmem>>, vector<16xf32>,
      %slice3A_1097 = vector.extract_strided_slice %get3A_1096 {offsets = [0], sizes = [1], strides = [1]} : vector<16xf32> to vector<1xf32>
      %squeeze3A_1098 = vector.extract %slice3A_1097[0] : f32 from vector<1xf32>
      %broadcast_in_dim3A_1099 = vector.broadcast %squeeze3A_1098 : f32 to vector<16xf32>
      %get3A_1100 = arith.index_cast %scan3A_1092 : i32 to index
      %get3A_1101 = arith.constant 0 : index
      %get3A_1102 = tpu.vector_load %arg11[%get3A_1100, %get3A_1101] {strides = array<i32>} : memref<50x128xf32, #tpu.memory_space<vmem>>, vector<16xf32>,
      %mul3A_1103 = arith.mulf %get3A_1102, %broadcast_in_dim3A_1050 : vector<16xf32>
      %add3A_1104 = arith.addf %add3A_1055, %mul3A_1103 : vector<16xf32>
      %get3A_1105 = arith.index_cast %scan3A_1092 : i32 to index
      %get3A_1106 = arith.constant 16 : index
      %get3A_1107 = tpu.vector_load %arg11[%get3A_1105, %get3A_1106] {strides = array<i32>} : memref<50x128xf32, #tpu.memory_space<vmem>>, vector<16xf32>,
      %mul3A_1108 = arith.mulf %get3A_1107, %broadcast_in_dim3A_1050 : vector<16xf32>
      %add3A_1109 = arith.addf %add3A_1060, %mul3A_1108 : vector<16xf32>
      %get3A_1110 = arith.index_cast %scan3A_1092 : i32 to index
      %get3A_1111 = arith.constant 32 : index
      %get3A_1112 = tpu.vector_load %arg11[%get3A_1110, %get3A_1111] {strides = array<i32>} : memref<50x128xf32, #tpu.memory_space<vmem>>, vector<16xf32>,
      %mul3A_1113 = arith.mulf %get3A_1112, %broadcast_in_dim3A_1050 : vector<16xf32>
      %add3A_1114 = arith.addf %add3A_1065, %mul3A_1113 : vector<16xf32>
      %get3A_1115 = arith.index_cast %scan3A_1092 : i32 to index
      %get3A_1116 = arith.constant 48 : index
      %get3A_1117 = tpu.vector_load %arg11[%get3A_1115, %get3A_1116] {strides = array<i32>} : memref<50x128xf32, #tpu.memory_space<vmem>>, vector<16xf32>,
      %mul3A_1118 = arith.mulf %get3A_1117, %broadcast_in_dim3A_1050 : vector<16xf32>
      %add3A_1119 = arith.addf %add3A_1070, %mul3A_1118 : vector<16xf32>
      %get3A_1120 = arith.index_cast %scan3A_1092 : i32 to index
      %get3A_1121 = arith.constant 64 : index
      %get3A_1122 = tpu.vector_load %arg11[%get3A_1120, %get3A_1121] {strides = array<i32>} : memref<50x128xf32, #tpu.memory_space<vmem>>, vector<16xf32>,
      %mul3A_1123 = arith.mulf %get3A_1122, %broadcast_in_dim3A_1050 : vector<16xf32>
      %add3A_1124 = arith.addf %add3A_1075, %mul3A_1123 : vector<16xf32>
      %get3A_1125 = arith.index_cast %scan3A_1092 : i32 to index
      %get3A_1126 = arith.constant 80 : index
      %get3A_1127 = tpu.vector_load %arg11[%get3A_1125, %get3A_1126] {strides = array<i32>} : memref<50x128xf32, #tpu.memory_space<vmem>>, vector<16xf32>,
      %mul3A_1128 = arith.mulf %get3A_1127, %broadcast_in_dim3A_1050 : vector<16xf32>
      %add3A_1129 = arith.addf %add3A_1080, %mul3A_1128 : vector<16xf32>
      %get3A_1130 = arith.index_cast %scan3A_1092 : i32 to index
      %get3A_1131 = arith.constant 96 : index
      %get3A_1132 = tpu.vector_load %arg11[%get3A_1130, %get3A_1131] {strides = array<i32>} : memref<50x128xf32, #tpu.memory_space<vmem>>, vector<16xf32>,
      %mul3A_1133 = arith.mulf %get3A_1132, %broadcast_in_dim3A_1050 : vector<16xf32>
      %add3A_1134 = arith.addf %add3A_1085, %mul3A_1133 : vector<16xf32>
      %get3A_1135 = arith.index_cast %scan3A_1092 : i32 to index
      %get3A_1136 = arith.constant 112 : index
      %get3A_1137 = tpu.vector_load %arg11[%get3A_1135, %get3A_1136] {strides = array<i32>} : memref<50x128xf32, #tpu.memory_space<vmem>>, vector<16xf32>,
      %mul3A_1138 = arith.mulf %get3A_1137, %broadcast_in_dim3A_1050 : vector<16xf32>
      %add3A_1139 = arith.addf %add3A_1090, %mul3A_1138 : vector<16xf32>
      %scan3A_1140 = arith.constant 50 : i32
      %add3A_1141 = arith.addf %mul3A_941, %add3A_1104 : vector<16xf32>
      %add3A_1142 = arith.addf %mul3A_944, %add3A_1109 : vector<16xf32>
      %add3A_1143 = arith.addf %mul3A_947, %add3A_1114 : vector<16xf32>
      %add3A_1144 = arith.addf %mul3A_950, %add3A_1119 : vector<16xf32>
      %add3A_1145 = arith.addf %mul3A_953, %add3A_1124 : vector<16xf32>
      %add3A_1146 = arith.addf %mul3A_956, %add3A_1129 : vector<16xf32>
      %add3A_1147 = arith.addf %mul3A_959, %add3A_1134 : vector<16xf32>
      %add3A_1148 = arith.addf %mul3A_962, %add3A_1139 : vector<16xf32>
      %add3A_1149 = arith.constant 0 : i32
      %add3A_1150 = vector.broadcast %add3A_1149 : i32 to vector<16xi32>
      %add3A_1151 = arith.addi %iota3A, %add3A_1150 : vector<16xi32>
      %add3A_1152 = arith.constant 16 : i32
      %add3A_1153 = vector.broadcast %add3A_1152 : i32 to vector<16xi32>
      %add3A_1154 = arith.addi %iota3A, %add3A_1153 : vector<16xi32>
      %add3A_1155 = arith.constant 32 : i32
      %add3A_1156 = vector.broadcast %add3A_1155 : i32 to vector<16xi32>
      %add3A_1157 = arith.addi %iota3A, %add3A_1156 : vector<16xi32>
      %add3A_1158 = arith.constant 48 : i32
      %add3A_1159 = vector.broadcast %add3A_1158 : i32 to vector<16xi32>
      %add3A_1160 = arith.addi %iota3A, %add3A_1159 : vector<16xi32>
      %scan3A_1161 = arith.constant 0 : i32
      %scan3A_1162 = arith.constant 50 : i32
      %scan3A_1163 = arith.addi %scan3A_1161, %scan3A_1162 : i32
      %scan3A_1164 = arith.constant 2 : i32
      %scan3A_1165:4 = scf.for %scan3A_1353 = %scan3A_1161 to %scan3A_1163 step %scan3A_1164 iter_args(%scan3A_1354 = %broadcast_in_dim3A_1, %scan3A_1355 = %broadcast_in_dim3A_1, %scan3A_1356 = %broadcast_in_dim3A_1, %scan3A_1357 = %broadcast_in_dim3A_1) -> (vector<16xf32>, vector<16xf32>, vector<16xf32>, vector<16xf32>)  : i32 {
        %get3A_1358 = arith.index_cast %scan3A_1353 : i32 to index
        %get3A_1359 = arith.constant 0 : index
        %get3A_1360 = tpu.vector_load %arg11[%get3A_1358, %get3A_1359] {strides = array<i32>} : memref<50x128xf32, #tpu.memory_space<vmem>>, vector<16xf32>,
        %mul3A_1361 = arith.mulf %get3A_1360, %add3A_1141 : vector<16xf32>
        %get3A_1362 = arith.index_cast %scan3A_1353 : i32 to index
        %get3A_1363 = arith.constant 16 : index
        %get3A_1364 = tpu.vector_load %arg11[%get3A_1362, %get3A_1363] {strides = array<i32>} : memref<50x128xf32, #tpu.memory_space<vmem>>, vector<16xf32>,
        %mul3A_1365 = arith.mulf %get3A_1364, %add3A_1142 : vector<16xf32>
        %add3A_1366 = arith.addf %mul3A_1361, %mul3A_1365 : vector<16xf32>
        %get3A_1367 = arith.index_cast %scan3A_1353 : i32 to index
        %get3A_1368 = arith.constant 32 : index
        %get3A_1369 = tpu.vector_load %arg11[%get3A_1367, %get3A_1368] {strides = array<i32>} : memref<50x128xf32, #tpu.memory_space<vmem>>, vector<16xf32>,
        %mul3A_1370 = arith.mulf %get3A_1369, %add3A_1143 : vector<16xf32>
        %add3A_1371 = arith.addf %add3A_1366, %mul3A_1370 : vector<16xf32>
        %get3A_1372 = arith.index_cast %scan3A_1353 : i32 to index
        %get3A_1373 = arith.constant 48 : index
        %get3A_1374 = tpu.vector_load %arg11[%get3A_1372, %get3A_1373] {strides = array<i32>} : memref<50x128xf32, #tpu.memory_space<vmem>>, vector<16xf32>,
        %mul3A_1375 = arith.mulf %get3A_1374, %add3A_1144 : vector<16xf32>
        %add3A_1376 = arith.addf %add3A_1371, %mul3A_1375 : vector<16xf32>
        %get3A_1377 = arith.index_cast %scan3A_1353 : i32 to index
        %get3A_1378 = arith.constant 64 : index
        %get3A_1379 = tpu.vector_load %arg11[%get3A_1377, %get3A_1378] {strides = array<i32>} : memref<50x128xf32, #tpu.memory_space<vmem>>, vector<16xf32>,
        %mul3A_1380 = arith.mulf %get3A_1379, %add3A_1145 : vector<16xf32>
        %add3A_1381 = arith.addf %add3A_1376, %mul3A_1380 : vector<16xf32>
        %get3A_1382 = arith.index_cast %scan3A_1353 : i32 to index
        %get3A_1383 = arith.constant 80 : index
        %get3A_1384 = tpu.vector_load %arg11[%get3A_1382, %get3A_1383] {strides = array<i32>} : memref<50x128xf32, #tpu.memory_space<vmem>>, vector<16xf32>,
        %mul3A_1385 = arith.mulf %get3A_1384, %add3A_1146 : vector<16xf32>
        %add3A_1386 = arith.addf %add3A_1381, %mul3A_1385 : vector<16xf32>
        %get3A_1387 = arith.index_cast %scan3A_1353 : i32 to index
        %get3A_1388 = arith.constant 96 : index
        %get3A_1389 = tpu.vector_load %arg11[%get3A_1387, %get3A_1388] {strides = array<i32>} : memref<50x128xf32, #tpu.memory_space<vmem>>, vector<16xf32>,
        %mul3A_1390 = arith.mulf %get3A_1389, %add3A_1147 : vector<16xf32>
        %add3A_1391 = arith.addf %add3A_1386, %mul3A_1390 : vector<16xf32>
        %get3A_1392 = arith.index_cast %scan3A_1353 : i32 to index
        %get3A_1393 = arith.constant 112 : index
        %get3A_1394 = tpu.vector_load %arg11[%get3A_1392, %get3A_1393] {strides = array<i32>} : memref<50x128xf32, #tpu.memory_space<vmem>>, vector<16xf32>,
        %mul3A_1395 = arith.mulf %get3A_1394, %add3A_1148 : vector<16xf32>
        %add3A_1396 = arith.addf %add3A_1391, %mul3A_1395 : vector<16xf32>
        %reduce_sum3A_1397 = arith.constant true
        %reduce_sum3A_1398 = vector.broadcast %reduce_sum3A_1397 : i1 to vector<16xi1>
        %reduce_sum3A_1399 = tpu.scan <sum>, %add3A_1396 masked %reduce_sum3A_1398 : vector<16xf32>, vector<16xi1> -> vector<16xf32>
        %reduce_sum3A_1400 = vector.extract %reduce_sum3A_1399[15] : f32 from vector<16xf32>
        %broadcast_in_dim3A_1401 = vector.broadcast %reduce_sum3A_1400 : f32 to vector<16xf32>
        %broadcast_in_dim3A_1402 = vector.broadcast %scan3A_1353 : i32 to vector<16xi32>
        %eq3A = arith.cmpi eq, %add3A_1151, %broadcast_in_dim3A_1402 : vector<16xi32>
        %select_n3A_1403 = arith.select %eq3A, %broadcast_in_dim3A_1401, %scan3A_1354 : vector<16xi1>, vector<16xf32>
        %eq3A_1404 = arith.cmpi eq, %add3A_1154, %broadcast_in_dim3A_1402 : vector<16xi32>
        %select_n3A_1405 = arith.select %eq3A_1404, %broadcast_in_dim3A_1401, %scan3A_1355 : vector<16xi1>, vector<16xf32>
        %eq3A_1406 = arith.cmpi eq, %add3A_1157, %broadcast_in_dim3A_1402 : vector<16xi32>
        %select_n3A_1407 = arith.select %eq3A_1406, %broadcast_in_dim3A_1401, %scan3A_1356 : vector<16xi1>, vector<16xf32>
        %eq3A_1408 = arith.cmpi eq, %add3A_1160, %broadcast_in_dim3A_1402 : vector<16xi32>
        %select_n3A_1409 = arith.select %eq3A_1408, %broadcast_in_dim3A_1401, %scan3A_1357 : vector<16xi1>, vector<16xf32>
        %scan3A_1410 = arith.constant 1 : i32
        %scan3A_1411 = arith.addi %scan3A_1353, %scan3A_1410 : i32
        %get3A_1412 = arith.index_cast %scan3A_1411 : i32 to index
        %get3A_1413 = arith.constant 0 : index
        %get3A_1414 = tpu.vector_load %arg11[%get3A_1412, %get3A_1413] {strides = array<i32>} : memref<50x128xf32, #tpu.memory_space<vmem>>, vector<16xf32>,
        %mul3A_1415 = arith.mulf %get3A_1414, %add3A_1141 : vector<16xf32>
        %get3A_1416 = arith.index_cast %scan3A_1411 : i32 to index
        %get3A_1417 = arith.constant 16 : index
        %get3A_1418 = tpu.vector_load %arg11[%get3A_1416, %get3A_1417] {strides = array<i32>} : memref<50x128xf32, #tpu.memory_space<vmem>>, vector<16xf32>,
        %mul3A_1419 = arith.mulf %get3A_1418, %add3A_1142 : vector<16xf32>
        %add3A_1420 = arith.addf %mul3A_1415, %mul3A_1419 : vector<16xf32>
        %get3A_1421 = arith.index_cast %scan3A_1411 : i32 to index
        %get3A_1422 = arith.constant 32 : index
        %get3A_1423 = tpu.vector_load %arg11[%get3A_1421, %get3A_1422] {strides = array<i32>} : memref<50x128xf32, #tpu.memory_space<vmem>>, vector<16xf32>,
        %mul3A_1424 = arith.mulf %get3A_1423, %add3A_1143 : vector<16xf32>
        %add3A_1425 = arith.addf %add3A_1420, %mul3A_1424 : vector<16xf32>
        %get3A_1426 = arith.index_cast %scan3A_1411 : i32 to index
        %get3A_1427 = arith.constant 48 : index
        %get3A_1428 = tpu.vector_load %arg11[%get3A_1426, %get3A_1427] {strides = array<i32>} : memref<50x128xf32, #tpu.memory_space<vmem>>, vector<16xf32>,
        %mul3A_1429 = arith.mulf %get3A_1428, %add3A_1144 : vector<16xf32>
        %add3A_1430 = arith.addf %add3A_1425, %mul3A_1429 : vector<16xf32>
        %get3A_1431 = arith.index_cast %scan3A_1411 : i32 to index
        %get3A_1432 = arith.constant 64 : index
        %get3A_1433 = tpu.vector_load %arg11[%get3A_1431, %get3A_1432] {strides = array<i32>} : memref<50x128xf32, #tpu.memory_space<vmem>>, vector<16xf32>,
        %mul3A_1434 = arith.mulf %get3A_1433, %add3A_1145 : vector<16xf32>
        %add3A_1435 = arith.addf %add3A_1430, %mul3A_1434 : vector<16xf32>
        %get3A_1436 = arith.index_cast %scan3A_1411 : i32 to index
        %get3A_1437 = arith.constant 80 : index
        %get3A_1438 = tpu.vector_load %arg11[%get3A_1436, %get3A_1437] {strides = array<i32>} : memref<50x128xf32, #tpu.memory_space<vmem>>, vector<16xf32>,
        %mul3A_1439 = arith.mulf %get3A_1438, %add3A_1146 : vector<16xf32>
        %add3A_1440 = arith.addf %add3A_1435, %mul3A_1439 : vector<16xf32>
        %get3A_1441 = arith.index_cast %scan3A_1411 : i32 to index
        %get3A_1442 = arith.constant 96 : index
        %get3A_1443 = tpu.vector_load %arg11[%get3A_1441, %get3A_1442] {strides = array<i32>} : memref<50x128xf32, #tpu.memory_space<vmem>>, vector<16xf32>,
        %mul3A_1444 = arith.mulf %get3A_1443, %add3A_1147 : vector<16xf32>
        %add3A_1445 = arith.addf %add3A_1440, %mul3A_1444 : vector<16xf32>
        %get3A_1446 = arith.index_cast %scan3A_1411 : i32 to index
        %get3A_1447 = arith.constant 112 : index
        %get3A_1448 = tpu.vector_load %arg11[%get3A_1446, %get3A_1447] {strides = array<i32>} : memref<50x128xf32, #tpu.memory_space<vmem>>, vector<16xf32>,
        %mul3A_1449 = arith.mulf %get3A_1448, %add3A_1148 : vector<16xf32>
        %add3A_1450 = arith.addf %add3A_1445, %mul3A_1449 : vector<16xf32>
        %reduce_sum3A_1451 = arith.constant true
        %reduce_sum3A_1452 = vector.broadcast %reduce_sum3A_1451 : i1 to vector<16xi1>
        %reduce_sum3A_1453 = tpu.scan <sum>, %add3A_1450 masked %reduce_sum3A_1452 : vector<16xf32>, vector<16xi1> -> vector<16xf32>
        %reduce_sum3A_1454 = vector.extract %reduce_sum3A_1453[15] : f32 from vector<16xf32>
        %broadcast_in_dim3A_1455 = vector.broadcast %reduce_sum3A_1454 : f32 to vector<16xf32>
        %broadcast_in_dim3A_1456 = vector.broadcast %scan3A_1411 : i32 to vector<16xi32>
        %eq3A_1457 = arith.cmpi eq, %add3A_1151, %broadcast_in_dim3A_1456 : vector<16xi32>
        %select_n3A_1458 = arith.select %eq3A_1457, %broadcast_in_dim3A_1455, %select_n3A_1403 : vector<16xi1>, vector<16xf32>
        %eq3A_1459 = arith.cmpi eq, %add3A_1154, %broadcast_in_dim3A_1456 : vector<16xi32>
        %select_n3A_1460 = arith.select %eq3A_1459, %broadcast_in_dim3A_1455, %select_n3A_1405 : vector<16xi1>, vector<16xf32>
        %eq3A_1461 = arith.cmpi eq, %add3A_1157, %broadcast_in_dim3A_1456 : vector<16xi32>
        %select_n3A_1462 = arith.select %eq3A_1461, %broadcast_in_dim3A_1455, %select_n3A_1407 : vector<16xi1>, vector<16xf32>
        %eq3A_1463 = arith.cmpi eq, %add3A_1160, %broadcast_in_dim3A_1456 : vector<16xi32>
        %select_n3A_1464 = arith.select %eq3A_1463, %broadcast_in_dim3A_1455, %select_n3A_1409 : vector<16xi1>, vector<16xf32>
        scf.yield %select_n3A_1458, %select_n3A_1460, %select_n3A_1462, %select_n3A_1464 : vector<16xf32>, vector<16xf32>, vector<16xf32>, vector<16xf32>
      }
      %scan3A_1166 = arith.constant 50 : i32
      %lt3A_1167 = arith.constant 2 : i32
      %lt3A_1168 = vector.broadcast %lt3A_1167 : i32 to vector<16xi32>
      %lt3A_1169 = arith.cmpi slt, %iota3A, %lt3A_1168 : vector<16xi32>
      %broadcast_in_dim3A_1170 = arith.constant -1.000000e+30 : f32
      %broadcast_in_dim3A_1171 = vector.broadcast %broadcast_in_dim3A_1170 : f32 to vector<16xf32>
      %select_n3A_1172 = arith.select %lt3A_1169, %scan3A_1165#3, %broadcast_in_dim3A_1171 : vector<16xi1>, vector<16xf32>
      %max3A_1173 = arith.maximumf %scan3A_1165#0, %scan3A_1165#1 : vector<16xf32>
      %max3A_1174 = arith.maximumf %max3A_1173, %scan3A_1165#2 : vector<16xf32>
      %max3A_1175 = arith.maximumf %max3A_1174, %select_n3A_1172 : vector<16xf32>
      %reduce_max3A_1176 = arith.constant true
      %reduce_max3A_1177 = vector.broadcast %reduce_max3A_1176 : i1 to vector<16xi1>
      %reduce_max3A_1178 = tpu.scan <max>, %max3A_1175 masked %reduce_max3A_1177 : vector<16xf32>, vector<16xi1> -> vector<16xf32>
      %reduce_max3A_1179 = vector.extract %reduce_max3A_1178[15] : f32 from vector<16xf32>
      %broadcast_in_dim3A_1180 = vector.broadcast %reduce_max3A_1179 : f32 to vector<16xf32>
      %sub3A_1181 = arith.subf %scan3A_1165#0, %broadcast_in_dim3A_1180 : vector<16xf32>
      %exp3A_1182 = math.exp %sub3A_1181 : vector<16xf32>
      %sub3A_1183 = arith.subf %scan3A_1165#1, %broadcast_in_dim3A_1180 : vector<16xf32>
      %exp3A_1184 = math.exp %sub3A_1183 : vector<16xf32>
      %sub3A_1185 = arith.subf %scan3A_1165#2, %broadcast_in_dim3A_1180 : vector<16xf32>
      %exp3A_1186 = math.exp %sub3A_1185 : vector<16xf32>
      %sub3A_1187 = arith.subf %select_n3A_1172, %broadcast_in_dim3A_1180 : vector<16xf32>
      %exp3A_1188 = math.exp %sub3A_1187 : vector<16xf32>
      %add3A_1189 = arith.addf %exp3A_1182, %exp3A_1184 : vector<16xf32>
      %add3A_1190 = arith.addf %add3A_1189, %exp3A_1186 : vector<16xf32>
      %add3A_1191 = arith.addf %add3A_1190, %exp3A_1188 : vector<16xf32>
      %reduce_sum3A_1192 = arith.constant true
      %reduce_sum3A_1193 = vector.broadcast %reduce_sum3A_1192 : i1 to vector<16xi1>
      %reduce_sum3A_1194 = tpu.scan <sum>, %add3A_1191 masked %reduce_sum3A_1193 : vector<16xf32>, vector<16xi1> -> vector<16xf32>
      %reduce_sum3A_1195 = vector.extract %reduce_sum3A_1194[15] : f32 from vector<16xf32>
      %broadcast_in_dim3A_1196 = vector.broadcast %reduce_sum3A_1195 : f32 to vector<16xf32>
      %broadcast_in_dim3A_1197 = arith.constant 1.000000e+00 : f32
      %broadcast_in_dim3A_1198 = vector.broadcast %broadcast_in_dim3A_1197 : f32 to vector<16xf32>
      %div3A_1199 = arith.divf %broadcast_in_dim3A_1198, %broadcast_in_dim3A_1196 : vector<16xf32>
      %mul3A_1200 = arith.mulf %exp3A_1182, %div3A_1199 : vector<16xf32>
      %mul3A_1201 = arith.mulf %exp3A_1184, %div3A_1199 : vector<16xf32>
      %mul3A_1202 = arith.mulf %exp3A_1186, %div3A_1199 : vector<16xf32>
      %mul3A_1203 = arith.mulf %exp3A_1188, %div3A_1199 : vector<16xf32>
      %swap3A_1204 = arith.constant 0 : index
      %swap3A_1205 = tpu.vector_load %arg14[%swap3A_1204] {strides = array<i32>} : memref<80xf32, #tpu.memory_space<vmem>>, vector<16xf32>,
      tpu.vector_store %arg14[%swap3A_1204], %mul3A_1200 {strides = array<i32>} : memref<80xf32, #tpu.memory_space<vmem>>, vector<16xf32>,
      %swap3A_1206 = arith.constant 16 : index
      %swap3A_1207 = tpu.vector_load %arg14[%swap3A_1206] {strides = array<i32>} : memref<80xf32, #tpu.memory_space<vmem>>, vector<16xf32>,
      tpu.vector_store %arg14[%swap3A_1206], %mul3A_1201 {strides = array<i32>} : memref<80xf32, #tpu.memory_space<vmem>>, vector<16xf32>,
      %swap3A_1208 = arith.constant 32 : index
      %swap3A_1209 = tpu.vector_load %arg14[%swap3A_1208] {strides = array<i32>} : memref<80xf32, #tpu.memory_space<vmem>>, vector<16xf32>,
      tpu.vector_store %arg14[%swap3A_1208], %mul3A_1202 {strides = array<i32>} : memref<80xf32, #tpu.memory_space<vmem>>, vector<16xf32>,
      %swap3A_1210 = arith.constant 48 : index
      %swap3A_1211 = tpu.vector_load %arg14[%swap3A_1210] {strides = array<i32>} : memref<80xf32, #tpu.memory_space<vmem>>, vector<16xf32>,
      tpu.vector_store %arg14[%swap3A_1210], %mul3A_1203 {strides = array<i32>} : memref<80xf32, #tpu.memory_space<vmem>>, vector<16xf32>,
      %get3A_1212 = arith.constant 0 : index
      %get3A_1213 = tpu.vector_load %arg14[%get3A_1212] {strides = array<i32>} : memref<80xf32, #tpu.memory_space<vmem>>, vector<16xf32>,
      %slice3A_1214 = vector.extract_strided_slice %get3A_1213 {offsets = [0], sizes = [1], strides = [1]} : vector<16xf32> to vector<1xf32>
      %squeeze3A_1215 = vector.extract %slice3A_1214[0] : f32 from vector<1xf32>
      %broadcast_in_dim3A_1216 = vector.broadcast %squeeze3A_1215 : f32 to vector<16xf32>
      %scan3A_1217 = arith.constant 0 : i32
      %scan3A_1218 = arith.constant 48 : i32
      %scan3A_1219 = arith.addi %scan3A_1217, %scan3A_1218 : i32
      %scan3A_1220 = arith.constant 4 : i32
      %scan3A_1221:9 = scf.for %scan3A_1353 = %scan3A_1217 to %scan3A_1219 step %scan3A_1220 iter_args(%scan3A_1354 = %broadcast_in_dim3A_1, %scan3A_1355 = %broadcast_in_dim3A_1, %scan3A_1356 = %broadcast_in_dim3A_1, %scan3A_1357 = %broadcast_in_dim3A_1, %scan3A_1358 = %broadcast_in_dim3A_1, %scan3A_1359 = %broadcast_in_dim3A_1, %scan3A_1360 = %broadcast_in_dim3A_1, %scan3A_1361 = %broadcast_in_dim3A_1, %scan3A_1362 = %broadcast_in_dim3A_1216) -> (vector<16xf32>, vector<16xf32>, vector<16xf32>, vector<16xf32>, vector<16xf32>, vector<16xf32>, vector<16xf32>, vector<16xf32>, vector<16xf32>)  : i32 {
        %add3A_1363 = arith.constant 1 : i32
        %add3A_1364 = arith.addi %scan3A_1353, %add3A_1363 : i32
        %get3A_1365 = arith.index_cast %add3A_1364 : i32 to index
        %get3A_1366 = tpu.vector_load %arg14[%get3A_1365] {strides = array<i32>} : memref<80xf32, #tpu.memory_space<vmem>>, vector<16xf32>,
        %slice3A_1367 = vector.extract_strided_slice %get3A_1366 {offsets = [0], sizes = [1], strides = [1]} : vector<16xf32> to vector<1xf32>
        %squeeze3A_1368 = vector.extract %slice3A_1367[0] : f32 from vector<1xf32>
        %broadcast_in_dim3A_1369 = vector.broadcast %squeeze3A_1368 : f32 to vector<16xf32>
        %get3A_1370 = arith.index_cast %scan3A_1353 : i32 to index
        %get3A_1371 = arith.constant 0 : index
        %get3A_1372 = tpu.vector_load %arg13[%get3A_1370, %get3A_1371] {strides = array<i32>} : memref<50x128xf32, #tpu.memory_space<vmem>>, vector<16xf32>,
        %mul3A_1373 = arith.mulf %get3A_1372, %scan3A_1362 : vector<16xf32>
        %add3A_1374 = arith.addf %scan3A_1354, %mul3A_1373 : vector<16xf32>
        %get3A_1375 = arith.index_cast %scan3A_1353 : i32 to index
        %get3A_1376 = arith.constant 16 : index
        %get3A_1377 = tpu.vector_load %arg13[%get3A_1375, %get3A_1376] {strides = array<i32>} : memref<50x128xf32, #tpu.memory_space<vmem>>, vector<16xf32>,
        %mul3A_1378 = arith.mulf %get3A_1377, %scan3A_1362 : vector<16xf32>
        %add3A_1379 = arith.addf %scan3A_1355, %mul3A_1378 : vector<16xf32>
        %get3A_1380 = arith.index_cast %scan3A_1353 : i32 to index
        %get3A_1381 = arith.constant 32 : index
        %get3A_1382 = tpu.vector_load %arg13[%get3A_1380, %get3A_1381] {strides = array<i32>} : memref<50x128xf32, #tpu.memory_space<vmem>>, vector<16xf32>,
        %mul3A_1383 = arith.mulf %get3A_1382, %scan3A_1362 : vector<16xf32>
        %add3A_1384 = arith.addf %scan3A_1356, %mul3A_1383 : vector<16xf32>
        %get3A_1385 = arith.index_cast %scan3A_1353 : i32 to index
        %get3A_1386 = arith.constant 48 : index
        %get3A_1387 = tpu.vector_load %arg13[%get3A_1385, %get3A_1386] {strides = array<i32>} : memref<50x128xf32, #tpu.memory_space<vmem>>, vector<16xf32>,
        %mul3A_1388 = arith.mulf %get3A_1387, %scan3A_1362 : vector<16xf32>
        %add3A_1389 = arith.addf %scan3A_1357, %mul3A_1388 : vector<16xf32>
        %get3A_1390 = arith.index_cast %scan3A_1353 : i32 to index
        %get3A_1391 = arith.constant 64 : index
        %get3A_1392 = tpu.vector_load %arg13[%get3A_1390, %get3A_1391] {strides = array<i32>} : memref<50x128xf32, #tpu.memory_space<vmem>>, vector<16xf32>,
        %mul3A_1393 = arith.mulf %get3A_1392, %scan3A_1362 : vector<16xf32>
        %add3A_1394 = arith.addf %scan3A_1358, %mul3A_1393 : vector<16xf32>
        %get3A_1395 = arith.index_cast %scan3A_1353 : i32 to index
        %get3A_1396 = arith.constant 80 : index
        %get3A_1397 = tpu.vector_load %arg13[%get3A_1395, %get3A_1396] {strides = array<i32>} : memref<50x128xf32, #tpu.memory_space<vmem>>, vector<16xf32>,
        %mul3A_1398 = arith.mulf %get3A_1397, %scan3A_1362 : vector<16xf32>
        %add3A_1399 = arith.addf %scan3A_1359, %mul3A_1398 : vector<16xf32>
        %get3A_1400 = arith.index_cast %scan3A_1353 : i32 to index
        %get3A_1401 = arith.constant 96 : index
        %get3A_1402 = tpu.vector_load %arg13[%get3A_1400, %get3A_1401] {strides = array<i32>} : memref<50x128xf32, #tpu.memory_space<vmem>>, vector<16xf32>,
        %mul3A_1403 = arith.mulf %get3A_1402, %scan3A_1362 : vector<16xf32>
        %add3A_1404 = arith.addf %scan3A_1360, %mul3A_1403 : vector<16xf32>
        %get3A_1405 = arith.index_cast %scan3A_1353 : i32 to index
        %get3A_1406 = arith.constant 112 : index
        %get3A_1407 = tpu.vector_load %arg13[%get3A_1405, %get3A_1406] {strides = array<i32>} : memref<50x128xf32, #tpu.memory_space<vmem>>, vector<16xf32>,
        %mul3A_1408 = arith.mulf %get3A_1407, %scan3A_1362 : vector<16xf32>
        %add3A_1409 = arith.addf %scan3A_1361, %mul3A_1408 : vector<16xf32>
        %scan3A_1410 = arith.constant 1 : i32
        %scan3A_1411 = arith.addi %scan3A_1353, %scan3A_1410 : i32
        %add3A_1412 = arith.constant 1 : i32
        %add3A_1413 = arith.addi %scan3A_1411, %add3A_1412 : i32
        %get3A_1414 = arith.index_cast %add3A_1413 : i32 to index
        %get3A_1415 = tpu.vector_load %arg14[%get3A_1414] {strides = array<i32>} : memref<80xf32, #tpu.memory_space<vmem>>, vector<16xf32>,
        %slice3A_1416 = vector.extract_strided_slice %get3A_1415 {offsets = [0], sizes = [1], strides = [1]} : vector<16xf32> to vector<1xf32>
        %squeeze3A_1417 = vector.extract %slice3A_1416[0] : f32 from vector<1xf32>
        %broadcast_in_dim3A_1418 = vector.broadcast %squeeze3A_1417 : f32 to vector<16xf32>
        %get3A_1419 = arith.index_cast %scan3A_1411 : i32 to index
        %get3A_1420 = arith.constant 0 : index
        %get3A_1421 = tpu.vector_load %arg13[%get3A_1419, %get3A_1420] {strides = array<i32>} : memref<50x128xf32, #tpu.memory_space<vmem>>, vector<16xf32>,
        %mul3A_1422 = arith.mulf %get3A_1421, %broadcast_in_dim3A_1369 : vector<16xf32>
        %add3A_1423 = arith.addf %add3A_1374, %mul3A_1422 : vector<16xf32>
        %get3A_1424 = arith.index_cast %scan3A_1411 : i32 to index
        %get3A_1425 = arith.constant 16 : index
        %get3A_1426 = tpu.vector_load %arg13[%get3A_1424, %get3A_1425] {strides = array<i32>} : memref<50x128xf32, #tpu.memory_space<vmem>>, vector<16xf32>,
        %mul3A_1427 = arith.mulf %get3A_1426, %broadcast_in_dim3A_1369 : vector<16xf32>
        %add3A_1428 = arith.addf %add3A_1379, %mul3A_1427 : vector<16xf32>
        %get3A_1429 = arith.index_cast %scan3A_1411 : i32 to index
        %get3A_1430 = arith.constant 32 : index
        %get3A_1431 = tpu.vector_load %arg13[%get3A_1429, %get3A_1430] {strides = array<i32>} : memref<50x128xf32, #tpu.memory_space<vmem>>, vector<16xf32>,
        %mul3A_1432 = arith.mulf %get3A_1431, %broadcast_in_dim3A_1369 : vector<16xf32>
        %add3A_1433 = arith.addf %add3A_1384, %mul3A_1432 : vector<16xf32>
        %get3A_1434 = arith.index_cast %scan3A_1411 : i32 to index
        %get3A_1435 = arith.constant 48 : index
        %get3A_1436 = tpu.vector_load %arg13[%get3A_1434, %get3A_1435] {strides = array<i32>} : memref<50x128xf32, #tpu.memory_space<vmem>>, vector<16xf32>,
        %mul3A_1437 = arith.mulf %get3A_1436, %broadcast_in_dim3A_1369 : vector<16xf32>
        %add3A_1438 = arith.addf %add3A_1389, %mul3A_1437 : vector<16xf32>
        %get3A_1439 = arith.index_cast %scan3A_1411 : i32 to index
        %get3A_1440 = arith.constant 64 : index
        %get3A_1441 = tpu.vector_load %arg13[%get3A_1439, %get3A_1440] {strides = array<i32>} : memref<50x128xf32, #tpu.memory_space<vmem>>, vector<16xf32>,
        %mul3A_1442 = arith.mulf %get3A_1441, %broadcast_in_dim3A_1369 : vector<16xf32>
        %add3A_1443 = arith.addf %add3A_1394, %mul3A_1442 : vector<16xf32>
        %get3A_1444 = arith.index_cast %scan3A_1411 : i32 to index
        %get3A_1445 = arith.constant 80 : index
        %get3A_1446 = tpu.vector_load %arg13[%get3A_1444, %get3A_1445] {strides = array<i32>} : memref<50x128xf32, #tpu.memory_space<vmem>>, vector<16xf32>,
        %mul3A_1447 = arith.mulf %get3A_1446, %broadcast_in_dim3A_1369 : vector<16xf32>
        %add3A_1448 = arith.addf %add3A_1399, %mul3A_1447 : vector<16xf32>
        %get3A_1449 = arith.index_cast %scan3A_1411 : i32 to index
        %get3A_1450 = arith.constant 96 : index
        %get3A_1451 = tpu.vector_load %arg13[%get3A_1449, %get3A_1450] {strides = array<i32>} : memref<50x128xf32, #tpu.memory_space<vmem>>, vector<16xf32>,
        %mul3A_1452 = arith.mulf %get3A_1451, %broadcast_in_dim3A_1369 : vector<16xf32>
        %add3A_1453 = arith.addf %add3A_1404, %mul3A_1452 : vector<16xf32>
        %get3A_1454 = arith.index_cast %scan3A_1411 : i32 to index
        %get3A_1455 = arith.constant 112 : index
        %get3A_1456 = tpu.vector_load %arg13[%get3A_1454, %get3A_1455] {strides = array<i32>} : memref<50x128xf32, #tpu.memory_space<vmem>>, vector<16xf32>,
        %mul3A_1457 = arith.mulf %get3A_1456, %broadcast_in_dim3A_1369 : vector<16xf32>
        %add3A_1458 = arith.addf %add3A_1409, %mul3A_1457 : vector<16xf32>
        %scan3A_1459 = arith.constant 2 : i32
        %scan3A_1460 = arith.addi %scan3A_1353, %scan3A_1459 : i32
        %add3A_1461 = arith.constant 1 : i32
        %add3A_1462 = arith.addi %scan3A_1460, %add3A_1461 : i32
        %get3A_1463 = arith.index_cast %add3A_1462 : i32 to index
        %get3A_1464 = tpu.vector_load %arg14[%get3A_1463] {strides = array<i32>} : memref<80xf32, #tpu.memory_space<vmem>>, vector<16xf32>,
        %slice3A_1465 = vector.extract_strided_slice %get3A_1464 {offsets = [0], sizes = [1], strides = [1]} : vector<16xf32> to vector<1xf32>
        %squeeze3A_1466 = vector.extract %slice3A_1465[0] : f32 from vector<1xf32>
        %broadcast_in_dim3A_1467 = vector.broadcast %squeeze3A_1466 : f32 to vector<16xf32>
        %get3A_1468 = arith.index_cast %scan3A_1460 : i32 to index
        %get3A_1469 = arith.constant 0 : index
        %get3A_1470 = tpu.vector_load %arg13[%get3A_1468, %get3A_1469] {strides = array<i32>} : memref<50x128xf32, #tpu.memory_space<vmem>>, vector<16xf32>,
        %mul3A_1471 = arith.mulf %get3A_1470, %broadcast_in_dim3A_1418 : vector<16xf32>
        %add3A_1472 = arith.addf %add3A_1423, %mul3A_1471 : vector<16xf32>
        %get3A_1473 = arith.index_cast %scan3A_1460 : i32 to index
        %get3A_1474 = arith.constant 16 : index
        %get3A_1475 = tpu.vector_load %arg13[%get3A_1473, %get3A_1474] {strides = array<i32>} : memref<50x128xf32, #tpu.memory_space<vmem>>, vector<16xf32>,
        %mul3A_1476 = arith.mulf %get3A_1475, %broadcast_in_dim3A_1418 : vector<16xf32>
        %add3A_1477 = arith.addf %add3A_1428, %mul3A_1476 : vector<16xf32>
        %get3A_1478 = arith.index_cast %scan3A_1460 : i32 to index
        %get3A_1479 = arith.constant 32 : index
        %get3A_1480 = tpu.vector_load %arg13[%get3A_1478, %get3A_1479] {strides = array<i32>} : memref<50x128xf32, #tpu.memory_space<vmem>>, vector<16xf32>,
        %mul3A_1481 = arith.mulf %get3A_1480, %broadcast_in_dim3A_1418 : vector<16xf32>
        %add3A_1482 = arith.addf %add3A_1433, %mul3A_1481 : vector<16xf32>
        %get3A_1483 = arith.index_cast %scan3A_1460 : i32 to index
        %get3A_1484 = arith.constant 48 : index
        %get3A_1485 = tpu.vector_load %arg13[%get3A_1483, %get3A_1484] {strides = array<i32>} : memref<50x128xf32, #tpu.memory_space<vmem>>, vector<16xf32>,
        %mul3A_1486 = arith.mulf %get3A_1485, %broadcast_in_dim3A_1418 : vector<16xf32>
        %add3A_1487 = arith.addf %add3A_1438, %mul3A_1486 : vector<16xf32>
        %get3A_1488 = arith.index_cast %scan3A_1460 : i32 to index
        %get3A_1489 = arith.constant 64 : index
        %get3A_1490 = tpu.vector_load %arg13[%get3A_1488, %get3A_1489] {strides = array<i32>} : memref<50x128xf32, #tpu.memory_space<vmem>>, vector<16xf32>,
        %mul3A_1491 = arith.mulf %get3A_1490, %broadcast_in_dim3A_1418 : vector<16xf32>
        %add3A_1492 = arith.addf %add3A_1443, %mul3A_1491 : vector<16xf32>
        %get3A_1493 = arith.index_cast %scan3A_1460 : i32 to index
        %get3A_1494 = arith.constant 80 : index
        %get3A_1495 = tpu.vector_load %arg13[%get3A_1493, %get3A_1494] {strides = array<i32>} : memref<50x128xf32, #tpu.memory_space<vmem>>, vector<16xf32>,
        %mul3A_1496 = arith.mulf %get3A_1495, %broadcast_in_dim3A_1418 : vector<16xf32>
        %add3A_1497 = arith.addf %add3A_1448, %mul3A_1496 : vector<16xf32>
        %get3A_1498 = arith.index_cast %scan3A_1460 : i32 to index
        %get3A_1499 = arith.constant 96 : index
        %get3A_1500 = tpu.vector_load %arg13[%get3A_1498, %get3A_1499] {strides = array<i32>} : memref<50x128xf32, #tpu.memory_space<vmem>>, vector<16xf32>,
        %mul3A_1501 = arith.mulf %get3A_1500, %broadcast_in_dim3A_1418 : vector<16xf32>
        %add3A_1502 = arith.addf %add3A_1453, %mul3A_1501 : vector<16xf32>
        %get3A_1503 = arith.index_cast %scan3A_1460 : i32 to index
        %get3A_1504 = arith.constant 112 : index
        %get3A_1505 = tpu.vector_load %arg13[%get3A_1503, %get3A_1504] {strides = array<i32>} : memref<50x128xf32, #tpu.memory_space<vmem>>, vector<16xf32>,
        %mul3A_1506 = arith.mulf %get3A_1505, %broadcast_in_dim3A_1418 : vector<16xf32>
        %add3A_1507 = arith.addf %add3A_1458, %mul3A_1506 : vector<16xf32>
        %scan3A_1508 = arith.constant 3 : i32
        %scan3A_1509 = arith.addi %scan3A_1353, %scan3A_1508 : i32
        %add3A_1510 = arith.constant 1 : i32
        %add3A_1511 = arith.addi %scan3A_1509, %add3A_1510 : i32
        %get3A_1512 = arith.index_cast %add3A_1511 : i32 to index
        %get3A_1513 = tpu.vector_load %arg14[%get3A_1512] {strides = array<i32>} : memref<80xf32, #tpu.memory_space<vmem>>, vector<16xf32>,
        %slice3A_1514 = vector.extract_strided_slice %get3A_1513 {offsets = [0], sizes = [1], strides = [1]} : vector<16xf32> to vector<1xf32>
        %squeeze3A_1515 = vector.extract %slice3A_1514[0] : f32 from vector<1xf32>
        %broadcast_in_dim3A_1516 = vector.broadcast %squeeze3A_1515 : f32 to vector<16xf32>
        %get3A_1517 = arith.index_cast %scan3A_1509 : i32 to index
        %get3A_1518 = arith.constant 0 : index
        %get3A_1519 = tpu.vector_load %arg13[%get3A_1517, %get3A_1518] {strides = array<i32>} : memref<50x128xf32, #tpu.memory_space<vmem>>, vector<16xf32>,
        %mul3A_1520 = arith.mulf %get3A_1519, %broadcast_in_dim3A_1467 : vector<16xf32>
        %add3A_1521 = arith.addf %add3A_1472, %mul3A_1520 : vector<16xf32>
        %get3A_1522 = arith.index_cast %scan3A_1509 : i32 to index
        %get3A_1523 = arith.constant 16 : index
        %get3A_1524 = tpu.vector_load %arg13[%get3A_1522, %get3A_1523] {strides = array<i32>} : memref<50x128xf32, #tpu.memory_space<vmem>>, vector<16xf32>,
        %mul3A_1525 = arith.mulf %get3A_1524, %broadcast_in_dim3A_1467 : vector<16xf32>
        %add3A_1526 = arith.addf %add3A_1477, %mul3A_1525 : vector<16xf32>
        %get3A_1527 = arith.index_cast %scan3A_1509 : i32 to index
        %get3A_1528 = arith.constant 32 : index
        %get3A_1529 = tpu.vector_load %arg13[%get3A_1527, %get3A_1528] {strides = array<i32>} : memref<50x128xf32, #tpu.memory_space<vmem>>, vector<16xf32>,
        %mul3A_1530 = arith.mulf %get3A_1529, %broadcast_in_dim3A_1467 : vector<16xf32>
        %add3A_1531 = arith.addf %add3A_1482, %mul3A_1530 : vector<16xf32>
        %get3A_1532 = arith.index_cast %scan3A_1509 : i32 to index
        %get3A_1533 = arith.constant 48 : index
        %get3A_1534 = tpu.vector_load %arg13[%get3A_1532, %get3A_1533] {strides = array<i32>} : memref<50x128xf32, #tpu.memory_space<vmem>>, vector<16xf32>,
        %mul3A_1535 = arith.mulf %get3A_1534, %broadcast_in_dim3A_1467 : vector<16xf32>
        %add3A_1536 = arith.addf %add3A_1487, %mul3A_1535 : vector<16xf32>
        %get3A_1537 = arith.index_cast %scan3A_1509 : i32 to index
        %get3A_1538 = arith.constant 64 : index
        %get3A_1539 = tpu.vector_load %arg13[%get3A_1537, %get3A_1538] {strides = array<i32>} : memref<50x128xf32, #tpu.memory_space<vmem>>, vector<16xf32>,
        %mul3A_1540 = arith.mulf %get3A_1539, %broadcast_in_dim3A_1467 : vector<16xf32>
        %add3A_1541 = arith.addf %add3A_1492, %mul3A_1540 : vector<16xf32>
        %get3A_1542 = arith.index_cast %scan3A_1509 : i32 to index
        %get3A_1543 = arith.constant 80 : index
        %get3A_1544 = tpu.vector_load %arg13[%get3A_1542, %get3A_1543] {strides = array<i32>} : memref<50x128xf32, #tpu.memory_space<vmem>>, vector<16xf32>,
        %mul3A_1545 = arith.mulf %get3A_1544, %broadcast_in_dim3A_1467 : vector<16xf32>
        %add3A_1546 = arith.addf %add3A_1497, %mul3A_1545 : vector<16xf32>
        %get3A_1547 = arith.index_cast %scan3A_1509 : i32 to index
        %get3A_1548 = arith.constant 96 : index
        %get3A_1549 = tpu.vector_load %arg13[%get3A_1547, %get3A_1548] {strides = array<i32>} : memref<50x128xf32, #tpu.memory_space<vmem>>, vector<16xf32>,
        %mul3A_1550 = arith.mulf %get3A_1549, %broadcast_in_dim3A_1467 : vector<16xf32>
        %add3A_1551 = arith.addf %add3A_1502, %mul3A_1550 : vector<16xf32>
        %get3A_1552 = arith.index_cast %scan3A_1509 : i32 to index
        %get3A_1553 = arith.constant 112 : index
        %get3A_1554 = tpu.vector_load %arg13[%get3A_1552, %get3A_1553] {strides = array<i32>} : memref<50x128xf32, #tpu.memory_space<vmem>>, vector<16xf32>,
        %mul3A_1555 = arith.mulf %get3A_1554, %broadcast_in_dim3A_1467 : vector<16xf32>
        %add3A_1556 = arith.addf %add3A_1507, %mul3A_1555 : vector<16xf32>
        scf.yield %add3A_1521, %add3A_1526, %add3A_1531, %add3A_1536, %add3A_1541, %add3A_1546, %add3A_1551, %add3A_1556, %broadcast_in_dim3A_1516 : vector<16xf32>, vector<16xf32>, vector<16xf32>, vector<16xf32>, vector<16xf32>, vector<16xf32>, vector<16xf32>, vector<16xf32>, vector<16xf32>
      }
      %scan3A_1222 = arith.constant 48 : i32
      %scan3A_1223 = arith.addi %scan3A_1217, %scan3A_1222 : i32
      %add3A_1224 = arith.constant 1 : i32
      %add3A_1225 = arith.addi %scan3A_1223, %add3A_1224 : i32
      %get3A_1226 = arith.index_cast %add3A_1225 : i32 to index
      %get3A_1227 = tpu.vector_load %arg14[%get3A_1226] {strides = array<i32>} : memref<80xf32, #tpu.memory_space<vmem>>, vector<16xf32>,
      %slice3A_1228 = vector.extract_strided_slice %get3A_1227 {offsets = [0], sizes = [1], strides = [1]} : vector<16xf32> to vector<1xf32>
      %squeeze3A_1229 = vector.extract %slice3A_1228[0] : f32 from vector<1xf32>
      %broadcast_in_dim3A_1230 = vector.broadcast %squeeze3A_1229 : f32 to vector<16xf32>
      %get3A_1231 = arith.index_cast %scan3A_1223 : i32 to index
      %get3A_1232 = arith.constant 0 : index
      %get3A_1233 = tpu.vector_load %arg13[%get3A_1231, %get3A_1232] {strides = array<i32>} : memref<50x128xf32, #tpu.memory_space<vmem>>, vector<16xf32>,
      %mul3A_1234 = arith.mulf %get3A_1233, %scan3A_1221#8 : vector<16xf32>
      %add3A_1235 = arith.addf %scan3A_1221#0, %mul3A_1234 : vector<16xf32>
      %get3A_1236 = arith.index_cast %scan3A_1223 : i32 to index
      %get3A_1237 = arith.constant 16 : index
      %get3A_1238 = tpu.vector_load %arg13[%get3A_1236, %get3A_1237] {strides = array<i32>} : memref<50x128xf32, #tpu.memory_space<vmem>>, vector<16xf32>,
      %mul3A_1239 = arith.mulf %get3A_1238, %scan3A_1221#8 : vector<16xf32>
      %add3A_1240 = arith.addf %scan3A_1221#1, %mul3A_1239 : vector<16xf32>
      %get3A_1241 = arith.index_cast %scan3A_1223 : i32 to index
      %get3A_1242 = arith.constant 32 : index
      %get3A_1243 = tpu.vector_load %arg13[%get3A_1241, %get3A_1242] {strides = array<i32>} : memref<50x128xf32, #tpu.memory_space<vmem>>, vector<16xf32>,
      %mul3A_1244 = arith.mulf %get3A_1243, %scan3A_1221#8 : vector<16xf32>
      %add3A_1245 = arith.addf %scan3A_1221#2, %mul3A_1244 : vector<16xf32>
      %get3A_1246 = arith.index_cast %scan3A_1223 : i32 to index
      %get3A_1247 = arith.constant 48 : index
      %get3A_1248 = tpu.vector_load %arg13[%get3A_1246, %get3A_1247] {strides = array<i32>} : memref<50x128xf32, #tpu.memory_space<vmem>>, vector<16xf32>,
      %mul3A_1249 = arith.mulf %get3A_1248, %scan3A_1221#8 : vector<16xf32>
      %add3A_1250 = arith.addf %scan3A_1221#3, %mul3A_1249 : vector<16xf32>
      %get3A_1251 = arith.index_cast %scan3A_1223 : i32 to index
      %get3A_1252 = arith.constant 64 : index
      %get3A_1253 = tpu.vector_load %arg13[%get3A_1251, %get3A_1252] {strides = array<i32>} : memref<50x128xf32, #tpu.memory_space<vmem>>, vector<16xf32>,
      %mul3A_1254 = arith.mulf %get3A_1253, %scan3A_1221#8 : vector<16xf32>
      %add3A_1255 = arith.addf %scan3A_1221#4, %mul3A_1254 : vector<16xf32>
      %get3A_1256 = arith.index_cast %scan3A_1223 : i32 to index
      %get3A_1257 = arith.constant 80 : index
      %get3A_1258 = tpu.vector_load %arg13[%get3A_1256, %get3A_1257] {strides = array<i32>} : memref<50x128xf32, #tpu.memory_space<vmem>>, vector<16xf32>,
      %mul3A_1259 = arith.mulf %get3A_1258, %scan3A_1221#8 : vector<16xf32>
      %add3A_1260 = arith.addf %scan3A_1221#5, %mul3A_1259 : vector<16xf32>
      %get3A_1261 = arith.index_cast %scan3A_1223 : i32 to index
      %get3A_1262 = arith.constant 96 : index
      %get3A_1263 = tpu.vector_load %arg13[%get3A_1261, %get3A_1262] {strides = array<i32>} : memref<50x128xf32, #tpu.memory_space<vmem>>, vector<16xf32>,
      %mul3A_1264 = arith.mulf %get3A_1263, %scan3A_1221#8 : vector<16xf32>
      %add3A_1265 = arith.addf %scan3A_1221#6, %mul3A_1264 : vector<16xf32>
      %get3A_1266 = arith.index_cast %scan3A_1223 : i32 to index
      %get3A_1267 = arith.constant 112 : index
      %get3A_1268 = tpu.vector_load %arg13[%get3A_1266, %get3A_1267] {strides = array<i32>} : memref<50x128xf32, #tpu.memory_space<vmem>>, vector<16xf32>,
      %mul3A_1269 = arith.mulf %get3A_1268, %scan3A_1221#8 : vector<16xf32>
      %add3A_1270 = arith.addf %scan3A_1221#7, %mul3A_1269 : vector<16xf32>
      %scan3A_1271 = arith.constant 49 : i32
      %scan3A_1272 = arith.addi %scan3A_1217, %scan3A_1271 : i32
      %add3A_1273 = arith.constant 1 : i32
      %add3A_1274 = arith.addi %scan3A_1272, %add3A_1273 : i32
      %get3A_1275 = arith.index_cast %add3A_1274 : i32 to index
      %get3A_1276 = tpu.vector_load %arg14[%get3A_1275] {strides = array<i32>} : memref<80xf32, #tpu.memory_space<vmem>>, vector<16xf32>,
      %slice3A_1277 = vector.extract_strided_slice %get3A_1276 {offsets = [0], sizes = [1], strides = [1]} : vector<16xf32> to vector<1xf32>
      %squeeze3A_1278 = vector.extract %slice3A_1277[0] : f32 from vector<1xf32>
      %broadcast_in_dim3A_1279 = vector.broadcast %squeeze3A_1278 : f32 to vector<16xf32>
      %get3A_1280 = arith.index_cast %scan3A_1272 : i32 to index
      %get3A_1281 = arith.constant 0 : index
      %get3A_1282 = tpu.vector_load %arg13[%get3A_1280, %get3A_1281] {strides = array<i32>} : memref<50x128xf32, #tpu.memory_space<vmem>>, vector<16xf32>,
      %mul3A_1283 = arith.mulf %get3A_1282, %broadcast_in_dim3A_1230 : vector<16xf32>
      %add3A_1284 = arith.addf %add3A_1235, %mul3A_1283 : vector<16xf32>
      %get3A_1285 = arith.index_cast %scan3A_1272 : i32 to index
      %get3A_1286 = arith.constant 16 : index
      %get3A_1287 = tpu.vector_load %arg13[%get3A_1285, %get3A_1286] {strides = array<i32>} : memref<50x128xf32, #tpu.memory_space<vmem>>, vector<16xf32>,
      %mul3A_1288 = arith.mulf %get3A_1287, %broadcast_in_dim3A_1230 : vector<16xf32>
      %add3A_1289 = arith.addf %add3A_1240, %mul3A_1288 : vector<16xf32>
      %get3A_1290 = arith.index_cast %scan3A_1272 : i32 to index
      %get3A_1291 = arith.constant 32 : index
      %get3A_1292 = tpu.vector_load %arg13[%get3A_1290, %get3A_1291] {strides = array<i32>} : memref<50x128xf32, #tpu.memory_space<vmem>>, vector<16xf32>,
      %mul3A_1293 = arith.mulf %get3A_1292, %broadcast_in_dim3A_1230 : vector<16xf32>
      %add3A_1294 = arith.addf %add3A_1245, %mul3A_1293 : vector<16xf32>
      %get3A_1295 = arith.index_cast %scan3A_1272 : i32 to index
      %get3A_1296 = arith.constant 48 : index
      %get3A_1297 = tpu.vector_load %arg13[%get3A_1295, %get3A_1296] {strides = array<i32>} : memref<50x128xf32, #tpu.memory_space<vmem>>, vector<16xf32>,
      %mul3A_1298 = arith.mulf %get3A_1297, %broadcast_in_dim3A_1230 : vector<16xf32>
      %add3A_1299 = arith.addf %add3A_1250, %mul3A_1298 : vector<16xf32>
      %get3A_1300 = arith.index_cast %scan3A_1272 : i32 to index
      %get3A_1301 = arith.constant 64 : index
      %get3A_1302 = tpu.vector_load %arg13[%get3A_1300, %get3A_1301] {strides = array<i32>} : memref<50x128xf32, #tpu.memory_space<vmem>>, vector<16xf32>,
      %mul3A_1303 = arith.mulf %get3A_1302, %broadcast_in_dim3A_1230 : vector<16xf32>
      %add3A_1304 = arith.addf %add3A_1255, %mul3A_1303 : vector<16xf32>
      %get3A_1305 = arith.index_cast %scan3A_1272 : i32 to index
      %get3A_1306 = arith.constant 80 : index
      %get3A_1307 = tpu.vector_load %arg13[%get3A_1305, %get3A_1306] {strides = array<i32>} : memref<50x128xf32, #tpu.memory_space<vmem>>, vector<16xf32>,
      %mul3A_1308 = arith.mulf %get3A_1307, %broadcast_in_dim3A_1230 : vector<16xf32>
      %add3A_1309 = arith.addf %add3A_1260, %mul3A_1308 : vector<16xf32>
      %get3A_1310 = arith.index_cast %scan3A_1272 : i32 to index
      %get3A_1311 = arith.constant 96 : index
      %get3A_1312 = tpu.vector_load %arg13[%get3A_1310, %get3A_1311] {strides = array<i32>} : memref<50x128xf32, #tpu.memory_space<vmem>>, vector<16xf32>,
      %mul3A_1313 = arith.mulf %get3A_1312, %broadcast_in_dim3A_1230 : vector<16xf32>
      %add3A_1314 = arith.addf %add3A_1265, %mul3A_1313 : vector<16xf32>
      %get3A_1315 = arith.index_cast %scan3A_1272 : i32 to index
      %get3A_1316 = arith.constant 112 : index
      %get3A_1317 = tpu.vector_load %arg13[%get3A_1315, %get3A_1316] {strides = array<i32>} : memref<50x128xf32, #tpu.memory_space<vmem>>, vector<16xf32>,
      %mul3A_1318 = arith.mulf %get3A_1317, %broadcast_in_dim3A_1230 : vector<16xf32>
      %add3A_1319 = arith.addf %add3A_1270, %mul3A_1318 : vector<16xf32>
      %scan3A_1320 = arith.constant 50 : i32
      %add3A_1321 = arith.addf %add3A_1141, %add3A_1284 : vector<16xf32>
      %swap3A_1322 = arith.index_cast %add3A_798 : i32 to index
      %swap3A_1323 = arith.constant 0 : index
      %swap3A_1324 = tpu.vector_load %arg15[%swap3A_1322, %swap3A_1323] {strides = array<i32>} : memref<32x128xf32, #tpu.memory_space<vmem>>, vector<16xf32>,
      tpu.vector_store %arg15[%swap3A_1322, %swap3A_1323], %add3A_1321 {strides = array<i32>} : memref<32x128xf32, #tpu.memory_space<vmem>>, vector<16xf32>,
      %add3A_1325 = arith.addf %add3A_1142, %add3A_1289 : vector<16xf32>
      %swap3A_1326 = arith.index_cast %add3A_798 : i32 to index
      %swap3A_1327 = arith.constant 16 : index
      %swap3A_1328 = tpu.vector_load %arg15[%swap3A_1326, %swap3A_1327] {strides = array<i32>} : memref<32x128xf32, #tpu.memory_space<vmem>>, vector<16xf32>,
      tpu.vector_store %arg15[%swap3A_1326, %swap3A_1327], %add3A_1325 {strides = array<i32>} : memref<32x128xf32, #tpu.memory_space<vmem>>, vector<16xf32>,
      %add3A_1329 = arith.addf %add3A_1143, %add3A_1294 : vector<16xf32>
      %swap3A_1330 = arith.index_cast %add3A_798 : i32 to index
      %swap3A_1331 = arith.constant 32 : index
      %swap3A_1332 = tpu.vector_load %arg15[%swap3A_1330, %swap3A_1331] {strides = array<i32>} : memref<32x128xf32, #tpu.memory_space<vmem>>, vector<16xf32>,
      tpu.vector_store %arg15[%swap3A_1330, %swap3A_1331], %add3A_1329 {strides = array<i32>} : memref<32x128xf32, #tpu.memory_space<vmem>>, vector<16xf32>,
      %add3A_1333 = arith.addf %add3A_1144, %add3A_1299 : vector<16xf32>
      %swap3A_1334 = arith.index_cast %add3A_798 : i32 to index
      %swap3A_1335 = arith.constant 48 : index
      %swap3A_1336 = tpu.vector_load %arg15[%swap3A_1334, %swap3A_1335] {strides = array<i32>} : memref<32x128xf32, #tpu.memory_space<vmem>>, vector<16xf32>,
      tpu.vector_store %arg15[%swap3A_1334, %swap3A_1335], %add3A_1333 {strides = array<i32>} : memref<32x128xf32, #tpu.memory_space<vmem>>, vector<16xf32>,
      %add3A_1337 = arith.addf %add3A_1145, %add3A_1304 : vector<16xf32>
      %swap3A_1338 = arith.index_cast %add3A_798 : i32 to index
      %swap3A_1339 = arith.constant 64 : index
      %swap3A_1340 = tpu.vector_load %arg15[%swap3A_1338, %swap3A_1339] {strides = array<i32>} : memref<32x128xf32, #tpu.memory_space<vmem>>, vector<16xf32>,
      tpu.vector_store %arg15[%swap3A_1338, %swap3A_1339], %add3A_1337 {strides = array<i32>} : memref<32x128xf32, #tpu.memory_space<vmem>>, vector<16xf32>,
      %add3A_1341 = arith.addf %add3A_1146, %add3A_1309 : vector<16xf32>
      %swap3A_1342 = arith.index_cast %add3A_798 : i32 to index
      %swap3A_1343 = arith.constant 80 : index
      %swap3A_1344 = tpu.vector_load %arg15[%swap3A_1342, %swap3A_1343] {strides = array<i32>} : memref<32x128xf32, #tpu.memory_space<vmem>>, vector<16xf32>,
      tpu.vector_store %arg15[%swap3A_1342, %swap3A_1343], %add3A_1341 {strides = array<i32>} : memref<32x128xf32, #tpu.memory_space<vmem>>, vector<16xf32>,
      %add3A_1345 = arith.addf %add3A_1147, %add3A_1314 : vector<16xf32>
      %swap3A_1346 = arith.index_cast %add3A_798 : i32 to index
      %swap3A_1347 = arith.constant 96 : index
      %swap3A_1348 = tpu.vector_load %arg15[%swap3A_1346, %swap3A_1347] {strides = array<i32>} : memref<32x128xf32, #tpu.memory_space<vmem>>, vector<16xf32>,
      tpu.vector_store %arg15[%swap3A_1346, %swap3A_1347], %add3A_1345 {strides = array<i32>} : memref<32x128xf32, #tpu.memory_space<vmem>>, vector<16xf32>,
      %add3A_1349 = arith.addf %add3A_1148, %add3A_1319 : vector<16xf32>
      %swap3A_1350 = arith.index_cast %add3A_798 : i32 to index
      %swap3A_1351 = arith.constant 112 : index
      %swap3A_1352 = tpu.vector_load %arg15[%swap3A_1350, %swap3A_1351] {strides = array<i32>} : memref<32x128xf32, #tpu.memory_space<vmem>>, vector<16xf32>,
      tpu.vector_store %arg15[%swap3A_1350, %swap3A_1351], %add3A_1349 {strides = array<i32>} : memref<32x128xf32, #tpu.memory_space<vmem>>, vector<16xf32>,
    }
    %scan3A_111 = arith.constant 16 : i32
    %mul3A_112 = arith.constant 32 : i32
    %mul3A_113 = arith.muli %add3A, %mul3A_112 : i32
    "tpu.region"() ({
      %run_scoped3A = tpu.sem_alloc : memref<!tpu.dma_semaphore, #tpu.memory_space<semaphore_mem>>
      %dma_start3A_114 = arith.constant 0 : i32
      %dma_start3A_115 = tpu.memref_slice %arg6[%mul3A_113, %dma_start3A_114] : memref<1024x128xf32, #tpu.memory_space<hbm>> -> memref<32x128xf32, #tpu.memory_space<hbm>>
      %dma_start3A_116 = arith.constant 0 : i32
      %dma_start3A_117 = tpu.memref_slice %arg6[%mul3A_113, %dma_start3A_116] : memref<1024x128xf32, #tpu.memory_space<hbm>> -> memref<32x128xf32, #tpu.memory_space<hbm>>
      tpu.enqueue_dma source(%arg15 : memref<32x128xf32, #tpu.memory_space<vmem>>) target(%dma_start3A_117 : memref<32x128xf32, #tpu.memory_space<hbm>>) target_semaphore(%run_scoped3A : memref<!tpu.dma_semaphore, #tpu.memory_space<semaphore_mem>>)
      %dma_wait3A_118 = arith.constant 0 : i32
      %dma_wait3A_119 = tpu.memref_slice %arg6[%mul3A_113, %dma_wait3A_118] : memref<1024x128xf32, #tpu.memory_space<hbm>> -> memref<32x128xf32, #tpu.memory_space<hbm>>
      %dma_wait3A_120 = arith.constant 0 : i32
      %dma_wait3A_121 = tpu.memref_slice %arg6[%mul3A_113, %dma_wait3A_120] : memref<1024x128xf32, #tpu.memory_space<hbm>> -> memref<32x128xf32, #tpu.memory_space<hbm>>
      tpu.wait_dma2 semaphore(%run_scoped3A : memref<!tpu.dma_semaphore, #tpu.memory_space<semaphore_mem>>) src(%arg15 : memref<32x128xf32, #tpu.memory_space<vmem>>) dst(%dma_wait3A_121 : memref<32x128xf32, #tpu.memory_space<hbm>>)
      tpu.yield
    }) : () -> ()
    return
  }
}

</mosaic_0001>

<sc_bundles>
// kernel: kernel.3.cloned.1.call-start
scs
__scs_entry_jumppad:
0x0: {  	(pc) =	sbr.rel $0x88, $3  }
0x1: {  	(tag) =	ssettag $0x0;
	lr =	simm.s32 $0x1  }
0x2: {  	[smem:$0x3F9D] =	sst lr;
	_ =	strace $0xD0000000  }
0x3: {  	_ = 	snop  }
0x4: {  	_ = 	snop  }
0x5: {  	_ = 	snop  }
0x6: {  	_ = 	snop  }
0x7: {  	_ = 	snop  }
__scs_overlays_trampoline_lowered:
0x8: {  	[smem:$0x3FAC] =	sst s0  }
0x9: {  	[smem:$0x3FAD] =	sst s1  }
0xa: {  	[smem:$0x3FAE] =	sst s2  }
0xb: {  	[smem:$0x3FAF] =	sst s3  }
0xc: {  	[smem:$0x3FB0] =	sst s4  }
0xd: {  	[smem:$0x3FB1] =	sst s5  }
0xe: {  	[smem:$0x3FB2] =	sst s6  }
0xf: {  	[smem:$0x3FB3] =	sst s7  }
0x10: {  	[smem:$0x3FB4] =	sst s8  }
0x11: {  	[smem:$0x3FB5] =	sst s9;
	s0 =	simm.s32 @!p0 $0x0  }
0x12: {  	s1 =	sld [smem:$0x3F9B];
	s0 =	simm.s32 @p0 $0x1  }
0x13: {  	[smem:$0x3FB6] =	sst s0;
	s0 =	simm.s32 @!p1 $0x0  }
0x14: {  	s2 =	sld [smem:$0x3F9A];
	s0 =	simm.s32 @p1 $0x1  }
0x15: {  	[smem:$0x3FB7] =	sst s0;
	s0 =	simm.s32 @!p2 $0x0  }
0x16: {  	s3 =	sld [smem:$0x3FDB];
	s0 =	simm.s32 @p2 $0x1  }
0x17: {  	s4 =	simm.s32 $0x1BF5;
	[smem:$0x3FB9] =	sst s0  }
0x18: {  	s0 =	sld [smem:$0x3F9C];
	_ =	swait.ge [sflag:s4], $0x0  }
0x19: {  	s7 =	sld [smem:$0x3F9D]  }
0x1a: {  	s8 =	sadd.s32 $0xFFFFE003, lr  }
0x1b: {  	s9 =	sadd.s32 $0xFFFFFEF7, lr;
	s5 =	simm.s32 $0xFFFFFFFF;
	p2 =	slt.u32 s8, $0xFFFFF086  }
0x1c: {  	p1 =	slt.u32 s9, $0xF7A;
	s5 =	simm.s32 @!p2 $0x0  }
0x1d: {  	s5 =	simm.s32 @p1 $0x1;
	p0 =	seq.s32 s7, s2  }
0x1e: {  	s7 =	smul.u32 @!p0 $0xF7A, s2;
	p2 =	seq.s32 @!p0 s5, $0x0  }
0x1f: {  	s9 =	smul.u32 $0xF7A, s1;
	s8 =	simm.s32 @!p0 $0x1BF5;
	p2 =	por !p2, p0  }
0x20: {  	[sflag:s8] =	ssyncset.s32 @!p0 $0xFFFFF086;
	s6 =	sadd.s32 @!p0 s3, s7;
	s7 =	simm.s32 @!p0 $0x108  }
0x21: {  	s3 =	sadd.s32 s3, s9;
	s6 =	sadd.s32 @!p0 $0x88, s6;
	s7 =	simm.s32 @p2 $0x1082  }
0x22: {  	[simem:s7], [sflag:s8] =	dma.local @!p0 [hbm:s6], $0xF7A  }
0x23: {  	s9 =	sor.u32 $0xD0000000, s2;
	s6 =	simm.s32 $0x108;
	_ =	swait.ge @!p0 [sflag:s8], $0x0  }
0x24: {  	s3 =	sadd.s32 $0x88, s3;
	s6 =	simm.s32 @!p1 $0x1082;
	[sflag:s4] =	ssyncset.s32 $0xFFFFF086  }
0x25: {  	[simem:s6], [sflag:s4] =	dma.local [hbm:s3], $0xF7A  }
0x26: {  	[smem:$0x3F9D] =	sst s1;
	(tag) =	ssettag s2;
	_ =	strace s9  }
0x27: {  	s1 =	sld [smem:$0x3FAD]  }
0x28: {  	s2 =	sld [smem:$0x3FAE]  }
0x29: {  	s4 =	sld [smem:$0x3FB0]  }
0x2a: {  	p0 =	seq.s32 s5, $0x0;
	s5 =	sld [smem:$0x3FB1]  }
0x2b: {  	s6 =	sld [smem:$0x3FB2]  }
0x2c: {  	s7 =	sld [smem:$0x3FB3]  }
0x2d: {  	s3 =	simm.s32 $0x108;
	s8 =	sld [smem:$0x3FB4]  }
0x2e: {  	s3 =	simm.s32 @!p0 $0x1082;
	s9 =	sld [smem:$0x3FB5]  }
0x2f: {  	lr =	sadd.s32 s0, s3;
	s0 =	sld [smem:$0x3FAC]  }
0x30: {  	s3 =	sld [smem:$0x3FAF]  }
0x31: {  	[smem:$0x3FB8] =	sst s10  }
0x32: {  	s10 =	sld [smem:$0x3FB6];
	_ =	sdelay $0x3  }
0x33: {  	p0 =	seq.s32 s10, $0x1;
	s10 =	sld [smem:$0x3FB8];
	_ =	sdelay $0x3  }
0x34: {  	[smem:$0x3FB8] =	sst s10  }
0x35: {  	s10 =	sld [smem:$0x3FB7];
	_ =	sdelay $0x3  }
0x36: {  	p1 =	seq.s32 s10, $0x1;
	s10 =	sld [smem:$0x3FB8];
	_ =	sdelay $0x3  }
0x37: {  	[smem:$0x3FB8] =	sst s10  }
0x38: {  	s10 =	sld [smem:$0x3FB9]  }
0x39: {  	_ = 	snop;
	(pc) =	sbr.ind lr, $3  }
0x3a: {  	_ = 	snop  }
0x3b: {  	_ = 	snop  }
0x3c: {  	p2 =	seq.s32 s10, $0x1;
	s10 =	sld [smem:$0x3FB8]  }
0x3d: {  	_ =	shalt  }
0x3e: {  	_ =	shalt  }
0x3f: {  	_ =	shalt  }
0x40: {  	_ =	shalt  }
0x41: {  	_ =	shalt  }
0x42: {  	_ =	shalt  }
0x43: {  	_ =	shalt  }
0x44: {  	_ =	shalt  }
0x45: {  	_ =	shalt  }
0x46: {  	_ =	shalt  }
0x47: {  	_ =	shalt  }
0x48: {  	_ =	shalt  }
0x49: {  	_ =	shalt  }
0x4a: {  	_ =	shalt  }
0x4b: {  	_ =	shalt  }
0x4c: {  	_ =	shalt  }
0x4d: {  	_ =	shalt  }
0x4e: {  	_ =	shalt  }
0x4f: {  	_ =	shalt  }
0x50: {  	_ =	shalt  }
0x51: {  	_ =	shalt  }
0x52: {  	_ =	shalt  }
0x53: {  	_ =	shalt  }
0x54: {  	_ =	shalt  }
0x55: {  	_ =	shalt  }
0x56: {  	_ =	shalt  }
0x57: {  	_ =	shalt  }
0x58: {  	_ =	shalt  }
0x59: {  	_ =	shalt  }
0x5a: {  	_ =	shalt  }
0x5b: {  	_ =	shalt  }
0x5c: {  	_ =	shalt  }
0x5d: {  	_ =	shalt  }
0x5e: {  	_ =	shalt  }
0x5f: {  	_ =	shalt  }
0x60: {  	_ =	shalt  }
0x61: {  	_ =	shalt  }
0x62: {  	_ =	shalt  }
0x63: {  	_ =	shalt  }
0x64: {  	_ =	shalt  }
0x65: {  	_ =	shalt  }
0x66: {  	_ =	shalt  }
0x67: {  	_ =	shalt  }
0x68: {  	_ =	shalt  }
0x69: {  	_ =	shalt  }
0x6a: {  	_ =	shalt  }
0x6b: {  	_ =	shalt  }
0x6c: {  	_ =	shalt  }
0x6d: {  	_ =	shalt  }
0x6e: {  	_ =	shalt  }
0x6f: {  	_ =	shalt  }
0x70: {  	_ =	shalt  }
0x71: {  	_ =	shalt  }
0x72: {  	_ =	shalt  }
0x73: {  	_ =	shalt  }
0x74: {  	_ =	shalt  }
0x75: {  	_ =	shalt  }
0x76: {  	_ =	shalt  }
0x77: {  	_ =	shalt  }
0x78: {  	_ =	shalt  }
0x79: {  	_ =	shalt  }
0x7a: {  	_ =	shalt  }
0x7b: {  	_ =	shalt  }
0x7c: {  	_ =	shalt  }
0x7d: {  	_ =	shalt  }
0x7e: {  	_ =	shalt  }
0x7f: {  	_ =	shalt  }
0x80: {  	_ =	shalt  }
0x81: {  	_ =	shalt  }
0x82: {  	_ =	shalt  }
0x83: {  	_ =	shalt  }
0x84: {  	_ =	shalt  }
0x85: {  	_ =	shalt  }
0x86: {  	_ =	shalt  }
0x87: {  	_ =	shalt  }
.Lfunc_end0:
.L_simem_size_0:
called_computation_lowered:
.L_overlay_start_0:
0x88: {  	s2 =	sld [smem:$0x3FD9]  }
0x89: {  	s3 =	sld [smem:$0x3FFE];
	_ =	sdelay $0x1  }
0x8a: {  	s1 =	srdreg.scid  }
0x8b: {  	s0 =	sand.u32 $0x1, s1  }
0x8c: {  	s17 =	sshll.u32 s0, $0xA;
	s2 =	sadd.s32 s3, s2  }
0x8d: {  	s2 =	sadd.s32 s2, s17  }
0x8e: {  	[smem:$0x3FC4] =	sst s2  }
0x8f: {  	_ = 	snop  }
0x90: {  	s2 =	sld [smem:$0x3FC8]  }
0x91: {  	s18 =	sld [smem:$0x3FC7]  }
0x92: {  	s4 =	sld [smem:$0x3FC6]  }
0x93: {  	s5 =	sld [smem:$0x3FD0];
	(tm) =	ssettm $0x1  }
0x94: {  	s6 =	sld [smem:$0x3FFB];
	_ =	sdelay $0x3  }
0x95: {  	_ =	strace s6  }
0x96: {  	s6 =	sld [smem:$0x3FFC];
	_ =	sdelay $0x3  }
0x97: {  	_ =	strace s6  }
0x98: {  	s6 =	sld [smem:$0x3FFD];
	_ =	sdelay $0x3  }
0x99: {  	_ =	strace s6  }
0x9a: {  	_ =	strace $0x8FFFFFFF  }
0x9b: {  	s19 =	sld [smem:$0x3FDB];
	_ =	sdelay $0x1  }
0x9c: {  	s7 =	simm.s32 $_scs_section_size  }
0x9d: {  	s8 =	simm.s32 $_size__tile_overlayer_lowered;
	s9 =	simm.s32 $_tile_overlayer_lowered  }
0x9e: {  	s22 =	simm.s32 $0x1BFF;
	s21 =	sshll.u32 s9, $0x1;
	s6 =	sadd.s32 s7, s19  }
0x9f: {  	s10 =	simm.s32 $0x0;
	s20 =	sshll.u32 s8, $0x1;
	s8 =	sadd.s32 s21, s6  }
0xa0: {  	[timem:s10], [sflag:s22] =	dma.local [hbm:s8], s20  }
0xa1: {  	_ =	swait.ge [sflag:s22], s20  }
0xa2: {  	s7 =	ssub.s32 $0x0, s20;
	[sflag:s22] =	ssyncset.done $0x0  }
0xa3: {  	[sflag:s22] =	ssyncadd.s32 s7;
	_ =	sdelay $0x1  }
0xa4: {  	s23 =	simm.s32 $0x1B8B  }
0xa5: {  	_ =	swait.ge [sflag:s23], $0x1  }
0xa6: {  	[sflag:s23] =	ssyncset.done $0x0  }
0xa7: {  	s25 =	simm.s32 $0x1B8E;
	s24 =	sld [smem:$0x3FFE];
	[sflag:s23] =	ssyncadd.s32 $0xFFFFFFFF  }
0xa8: {  	s26 =	simm.s32 $execute0_lowered;
	[smem:$0x3FD2] =	sst s25  }
0xa9: {  	s8 =	sshll.u32 s26, $0x1;
	_ =	strace $0x80000046;
	[dreg:$0x1] =	wrdreg $0xFFFFFFFF  }
0xaa: {  	s28 =	simm.s32 $_size_execute0_lowered;
	s6 =	sadd.s32 s6, s8;
	[dreg:$0x0] =	wrdreg $0x0  }
0xab: {  	s8 =	sshll.u32 s28, $0x1;
	[dreg:$0x2] =	wrdreg s6  }
0xac: {  	[dreg:$0x3] =	wrdreg s8  }
0xad: {  	[dreg:$0x4] =	wrdreg $0xC0  }
0xae: {  	_ =	task [dreg:s10], $0x5FFFF  }
0xaf: {  	[dreg:$0x1] =	wrdreg $0xFFFFFFFF  }
0xb0: {  	[dreg:$0x0] =	wrdreg $0x60  }
0xb1: {  	[dreg:$0x2] =	wrdreg s24  }
0xb2: {  	[dreg:$0x3] =	wrdreg s2  }
0xb3: {  	[dreg:$0x4] =	wrdreg s18  }
0xb4: {  	[dreg:$0x5] =	wrdreg s4  }
0xb5: {  	[dreg:$0x6] =	wrdreg s5  }
0xb6: {  	[dreg:$0x7] =	wrdreg $0x9  }
0xb7: {  	_ =	task.clear_ibuf [dreg:s10], $0x8FFFF;
	_ =	strace $0x90000046  }
0xb8: {  	s29 =	simm.s32 $0x9;
	_ =	strace $0x80000048  }
0xb9: {  	_ =	swait.ge [sflag:s29], $0x1  }
0xba: {  	[sflag:s29] =	ssyncadd.s32 $0xFFFFFFFF  }
0xbb: {  	_ =	strace $0x90000048  }
0xbc: {  	_ =	sfence  }
0xbd: {  	s30 =	sld [smem:$0x0];
	_ =	sdelay $0x2  }
0xbe: {  	s31 =	sshll.u32 s1, $0xD;
	s1 =	sshrl.u32 s1, $0x2  }
0xbf: {  	s3 =	sand.u32 $0x4000, s31;
	s1 =	sadd.s32 s1, s30  }
0xc0: {  	s0 =	sor.u32 s3, s0;
	s1 =	sshll.u32 s1, $0x11  }
0xc1: {  	s0 =	sor.u32 s1, s0  }
0xc2: {  	s0 =	sadd.s32 $0x8F2B, s0  }
0xc3: {  	[sflag:s0] =	ssyncadd.remote.s32 $0x1  }
0xc4: {  	_ =	sfence.sel $0xFFFF  }
0xc5: {  	[dreg:$0x0] =	wrdreg $0xFFFFFFFF;
	(pc) =	sbr.abs _section_cstart, $3  }
0xc6: {  	[dreg:$0x1] =	wrdreg $0xFFFFFFFF  }
0xc7: {  	_ =	task.clear_ibuf [dreg:s10], $0x2FFFF;
	_ =	strace $0x9FFFFFFF  }
0xc8: {  	(tm) =	ssettm $0x7FFFFFFF  }
0xc9: {  	_ =	shalt  }
tec
execute0_lowered:
.L_overlay_start_1:
0x0: {  	(tag) =	ssettag $0x1  }
0x1: {  	s3 =	rddreg [dreg:$0x0]  }
0x2: {  	s1 =	rddreg [dreg:$0x1]  }
0x3: {  	s2 =	rddreg [dreg:$0x2]  }
0x4: {  	s4 =	rddreg [dreg:$0x3];
	s5 =	srdreg.scid  }
0x5: {  	s0 =	stileid.u32;
	s7 =	rddreg [dreg:$0x4];
	s10 =	simm.s32 $0x32  }
0x6: {  	s11 =	simm.s32 $0x4000;
	s12 =	simm.s32 $0x7800;
	s13 =	simm.s32 $0xB000  }
0x7: {  	s14 =	simm.s32 $0x1;
	s15 =	simm.s32 $0x2;
	s16 =	simm.s32 $0x3  }
0x8: {  	s17 =	simm.s32 $0x80;
	s18 =	simm.s32 $0x100;
	s19 =	simm.s32 $0x180  }
0x9: {  	s20 =	simm.s32 $0x5C00;
	s21 =	simm.s32 $0x9400;
	s22 =	simm.s32 $0xCC00  }
0xa: {  	s23 =	simm.s32 $0xE880;
	s6 =	sand.u32 $0x1, s5;
	s8 =	sshll.u32 s0, $0x1  }
0xb: {  	s24 =	simm.s32 $0x0;
	s5 =	simm.s32 $0x0;
	s8 =	sor.u32 s6, s8  }
0xc: {  	[smem:$0x7FF] =	sst s5;
	s6 =	ssub.s32 $0x2, s6;
	s9 =	sshll.u32 s8, $0xB  }
0xd: {  	_ =	strace $0x80000047;
	s30 =	sshrl.u32 s6, $0x1;
	s31 =	sshll.u32 s8, $0x9  }
0xe: {  	v0 =	vlaneseq.u32;
	vm0 =	vmmov $0x3;
	s3 =	sadd.s32 s9, s3;
	s9 =	ssub.s32 s6, s30;
	s7 =	sadd.s32 s7, s31  }
0xf: {  	v1 =	vor.u32 $0x10, v0;
	v2 =	vor.u32 $0x20, v0;
	v3 =	vor.u32 $0x30, v0;
	s6 =	sadd.s32 $0x400, s3;
	s8 =	smax.u32 s9, $0x1;
	s9 =	simm.s32 $0x4  }
.LBB2_1:
0x10: {  	[tilespmem:s5], [sflag:$0x4] =	stream.linear.gather [hbm4b:s6+s5], $0x4000, $0x38;
	[tilespmem:$0xF880] =	vst v63  }
0x11: {  	_ =	swait.ge [sflag:s9], $0x4000  }
0x12: {  	[sflag:s9] =	ssyncset.done $0x0  }
0x13: {  	[sflag:s9] =	ssyncadd.s32 $0xFFFFC000  }
0x14: {  	[tilespmem:s11], [sflag:$0x1] =	stream.indirect.gather [hbm4b:s1+s10], $0x80, s5, s10, $0xb8;
	[tilespmem:$0xF880] =	vst v63  }
0x15: {  	_ = 	snop  }
0x16: {  	[tilespmem:s12], [sflag:$0x2] =	stream.indirect.gather [hbm4b:s2+s10], $0x80, s5, s10, $0xb8;
	[tilespmem:$0xF880] =	vst v63  }
0x17: {  	_ = 	snop  }
0x18: {  	[tilespmem:s13], [sflag:$0x3] =	stream.indirect.gather [hbm4b:s4+s10], $0x80, s5, s10, $0xb8;
	[tilespmem:$0xF880] =	vst v63  }
0x19: {  	_ =	swait.ge [sflag:s14], $0x1900  }
0x1a: {  	[sflag:s14] =	ssyncset.done $0x0  }
0x1b: {  	[sflag:s14] =	ssyncadd.s32 $0xFFFFE700  }
0x1c: {  	_ =	swait.ge [sflag:s15], $0x1900  }
0x1d: {  	[sflag:s15] =	ssyncset.done $0x0  }
0x1e: {  	[sflag:s15] =	ssyncadd.s32 $0xFFFFE700  }
0x1f: {  	_ =	swait.ge [sflag:s16], $0x1900  }
0x20: {  	[sflag:s16] =	ssyncset.done $0x0  }
0x21: {  	[sflag:s16] =	ssyncadd.s32 $0xFFFFE700  }
0x22: {  	[tilespmem:s11], [sflag:$0x1] =	stream.indirect.gather.add.f32 [hbm:s1], $0x80, s17, s10, $0xb8;
	[tilespmem:$0xF880] =	vst v63  }
0x23: {  	_ = 	snop  }
0x24: {  	[tilespmem:s12], [sflag:$0x2] =	stream.indirect.gather.add.f32 [hbm:s2], $0x80, s17, s10, $0xb8;
	[tilespmem:$0xF880] =	vst v63  }
0x25: {  	_ = 	snop  }
0x26: {  	[tilespmem:s13], [sflag:$0x3] =	stream.indirect.gather.add.f32 [hbm:s4], $0x80, s17, s10, $0xb8;
	[tilespmem:$0xF880] =	vst v63  }
0x27: {  	_ = 	snop  }
0x28: {  	[tilespmem:s11], [sflag:$0x1] =	stream.indirect.gather.add.f32 [hbm:s1], $0x80, s18, s10, $0xb8;
	[tilespmem:$0xF880] =	vst v63  }
0x29: {  	_ = 	snop  }
0x2a: {  	[tilespmem:s12], [sflag:$0x2] =	stream.indirect.gather.add.f32 [hbm:s2], $0x80, s18, s10, $0xb8;
	[tilespmem:$0xF880] =	vst v63  }
0x2b: {  	_ = 	snop  }
0x2c: {  	[tilespmem:s13], [sflag:$0x3] =	stream.indirect.gather.add.f32 [hbm:s4], $0x80, s18, s10, $0xb8;
	[tilespmem:$0xF880] =	vst v63  }
0x2d: {  	_ = 	snop  }
0x2e: {  	[tilespmem:s11], [sflag:$0x1] =	stream.indirect.gather.add.f32 [hbm:s1], $0x80, s19, s10, $0xb8;
	[tilespmem:$0xF880] =	vst v63  }
0x2f: {  	_ = 	snop  }
0x30: {  	[tilespmem:s12], [sflag:$0x2] =	stream.indirect.gather.add.f32 [hbm:s2], $0x80, s19, s10, $0xb8;
	[tilespmem:$0xF880] =	vst v63  }
0x31: {  	s25 =	simm.s32 $0x0  }
0x32: {  	[tilespmem:s13], [sflag:$0x3] =	stream.indirect.gather.add.f32 [hbm:s4], $0x80, s19, s10, $0xb8;
	[tilespmem:$0xF880] =	vst v63  }
.LBB2_2:
0x33: {  	_ =	swait.ge [sflag:s14], $0x1900  }
0x34: {  	[sflag:s14] =	ssyncset.done $0x0  }
0x35: {  	[sflag:s14] =	ssyncadd.s32 $0xFFFFE700  }
0x36: {  	_ =	swait.ge [sflag:s14], $0x1900  }
0x37: {  	[sflag:s14] =	ssyncset.done $0x0  }
0x38: {  	[sflag:s14] =	ssyncadd.s32 $0xFFFFE700  }
0x39: {  	_ =	swait.ge [sflag:s14], $0x1900  }
0x3a: {  	[sflag:s14] =	ssyncset.done $0x0  }
0x3b: {  	[sflag:s14] =	ssyncadd.s32 $0xFFFFE700  }
0x3c: {  	_ =	swait.ge [sflag:s15], $0x1900  }
0x3d: {  	[sflag:s15] =	ssyncset.done $0x0  }
0x3e: {  	[sflag:s15] =	ssyncadd.s32 $0xFFFFE700  }
0x3f: {  	_ =	swait.ge [sflag:s15], $0x1900  }
0x40: {  	[sflag:s15] =	ssyncset.done $0x0  }
0x41: {  	[sflag:s15] =	ssyncadd.s32 $0xFFFFE700  }
0x42: {  	_ =	swait.ge [sflag:s15], $0x1900  }
0x43: {  	[sflag:s15] =	ssyncset.done $0x0  }
0x44: {  	[sflag:s15] =	ssyncadd.s32 $0xFFFFE700  }
0x45: {  	_ =	swait.ge [sflag:s16], $0x1900  }
0x46: {  	[sflag:s16] =	ssyncset.done $0x0  }
0x47: {  	[sflag:s16] =	ssyncadd.s32 $0xFFFFE700  }
0x48: {  	_ =	swait.ge [sflag:s16], $0x1900  }
0x49: {  	[sflag:s16] =	ssyncset.done $0x0  }
0x4a: {  	[sflag:s16] =	ssyncadd.s32 $0xFFFFE700  }
0x4b: {  	s26 =	sshllo.u32 s25, $0x1;
	_ =	swait.ge [sflag:s16], $0x1900  }
0x4c: {  	s3 =	sshll.u32 s26, $0x9;
	[sflag:s16] =	ssyncset.done $0x0  }
0x4d: {  	s28 =	sand.u32 $0x3FFFFE00, s3;
	[sflag:s16] =	ssyncadd.s32 $0xFFFFE700  }
0x4e: {  	[tilespmem:s20], [sflag:$0x1] =	stream.indirect.gather [hbm4b:s1+s10], $0x80, s28, s10, $0xb8;
	[tilespmem:$0xF880] =	vst v63  }
0x4f: {  	_ = 	snop  }
0x50: {  	[tilespmem:s21], [sflag:$0x2] =	stream.indirect.gather [hbm4b:s2+s10], $0x80, s28, s10, $0xb8;
	[tilespmem:$0xF880] =	vst v63  }
0x51: {  	s31 =	simm.s32 $0x4100  }
0x52: {  	[tilespmem:s22], [sflag:$0x3] =	stream.indirect.gather [hbm4b:s4+s10], $0x80, s28, s10, $0xb8;
	[tilespmem:$0xF880] =	vst v63  }
0x53: {  	v8 =	vld [tilespmem:s31+$0x80]  }
0x54: {  	v9 =	vld [tilespmem:s31+$0x90]  }
0x55: {  	v10 =	vld [tilespmem:s31+$0xA0]  }
0x56: {  	v11 =	vld [tilespmem:s31+$0xB0]  }
0x57: {  	v4 =	vld [tilespmem:s31+$0xC0]  }
0x58: {  	v5 =	vld [tilespmem:s31+$0xD0]  }
0x59: {  	v12 =	vld [tilespmem:s31+$0x0]  }
0x5a: {  	v13 =	vld [tilespmem:s31+$0x10]  }
0x5b: {  	v14 =	vld [tilespmem:s31+$0x20]  }
0x5c: {  	v15 =	vld [tilespmem:s31+$0x30]  }
0x5d: {  	v6 =	vld [tilespmem:s31+$0x40]  }
0x5e: {  	v7 =	vld [tilespmem:s31+$0x50]  }
0x5f: {  	v16 =	vld [tilespmem:s31+$0xFFFFFF80]  }
0x60: {  	v17 =	vld [tilespmem:s31+$0xFFFFFF90]  }
0x61: {  	v18 =	vld [tilespmem:s31+$0xFFFFFF00]  }
0x62: {  	v19 =	vld [tilespmem:s31+$0xFFFFFF10]  }
0x63: {  	v20 =	vld [tilespmem:s31+$0xFFFFFF20]  }
0x64: {  	v21 =	vld [tilespmem:s31+$0xFFFFFF30]  }
0x65: {  	v22 =	vld [tilespmem:s31+$0xFFFFFFA0]  }
0x66: {  	v23 =	vld [tilespmem:s31+$0xFFFFFFB0]  }
0x67: {  	v24 =	vimm.f32 $0.0e+00;
	v28 =	vld [tilespmem:s31+$0xFFFFFF50]  }
0x68: {  	v25 =	vld [tilespmem:s31+$0xFFFFFFC0];
	v18 =	vadd.f32 v18, v24;
	v19 =	vadd.f32 v19, v24  }
0x69: {  	v26 =	vld [tilespmem:s31+$0xFFFFFFD0];
	v20 =	vadd.f32 v20, v24;
	v21 =	vadd.f32 v21, v24  }
0x6a: {  	v27 =	vld [tilespmem:s31+$0xFFFFFF40];
	v16 =	vadd.f32 v16, v18;
	v17 =	vadd.f32 v17, v19  }
0x6b: {  	v18 =	vld [tilespmem:s31+$0xFFFFFF60];
	v19 =	vadd.f32 v22, v20;
	v20 =	vadd.f32 v23, v21  }
0x6c: {  	v21 =	vld [tilespmem:s31+$0xFFFFFF70];
	v22 =	vadd.f32 v28, v24;
	v16 =	vadd.f32 v12, v16  }
0x6d: {  	v13 =	vadd.f32 v13, v17;
	v12 =	vld [tilespmem:s31+$0xFFFFFFE0];
	v14 =	vadd.f32 v14, v19  }
0x6e: {  	v17 =	vadd.f32 v15, v20;
	v15 =	vld [tilespmem:s31+$0xFFFFFFF0];
	v8 =	vadd.f32 v8, v16  }
0x6f: {  	v9 =	vadd.f32 v9, v13;
	v13 =	vld [tilespmem:s31+$0x60];
	v10 =	vadd.f32 v10, v14  }
0x70: {  	v11 =	vadd.f32 v11, v17;
	v17 =	vadd.f32 v27, v24;
	v16 =	vld [tilespmem:s31+$0x70]  }
0x71: {  	v14 =	vld [tilespmem:s31+$0xE0];
	v18 =	vadd.f32 v18, v24;
	v19 =	vadd.f32 v21, v24  }
0x72: {  	s29 =	simm.s32 $0x0;
	s30 =	simm.s32 $0x4300;
	v21 =	vadd.f32 v26, v22;
	v20 =	vadd.f32 v25, v17;
	v17 =	vld [tilespmem:s31+$0xF0]  }
.LBB2_3:
0x73: {  	v22 =	vld [tilespmem:s30+$0x80];
	v12 =	vadd.f32 v12, v18;
	v15 =	vadd.f32 v15, v19  }
0x74: {  	v18 =	vld [tilespmem:s30+$0x90];
	v6 =	vadd.f32 v6, v20;
	v7 =	vadd.f32 v7, v21  }
0x75: {  	v19 =	vld [tilespmem:s30+$0xA0];
	v12 =	vadd.f32 v13, v12;
	v13 =	vadd.f32 v16, v15  }
0x76: {  	v16 =	vld [tilespmem:s30+$0xB0];
	v20 =	vadd.f32 v4, v6;
	v21 =	vadd.f32 v5, v7  }
0x77: {  	v4 =	vld [tilespmem:s30+$0xC0];
	v14 =	vadd.f32 v14, v12;
	v17 =	vadd.f32 v17, v13  }
0x78: {  	v5 =	vld [tilespmem:s30+$0xD0]  }
0x79: {  	v12 =	vld [tilespmem:s30+$0x0]  }
0x7a: {  	v13 =	vld [tilespmem:s30+$0x10]  }
0x7b: {  	v15 =	vld [tilespmem:s30+$0x20]  }
0x7c: {  	v23 =	vld [tilespmem:s30+$0x30]  }
0x7d: {  	v6 =	vld [tilespmem:s30+$0x40]  }
0x7e: {  	v7 =	vld [tilespmem:s30+$0x50]  }
0x7f: {  	v24 =	vld [tilespmem:s30+$0xFFFFFF80]  }
0x80: {  	v25 =	vld [tilespmem:s30+$0xFFFFFF90]  }
0x81: {  	v26 =	vld [tilespmem:s30+$0xFFFFFF00]  }
0x82: {  	v27 =	vld [tilespmem:s30+$0xFFFFFF10]  }
0x83: {  	v28 =	vld [tilespmem:s30+$0xFFFFFF20]  }
0x84: {  	v29 =	vld [tilespmem:s30+$0xFFFFFF30]  }
0x85: {  	v30 =	vld [tilespmem:s30+$0xFFFFFFA0]  }
0x86: {  	v31 =	vld [tilespmem:s30+$0xFFFFFFB0]  }
0x87: {  	v32 =	vld [tilespmem:s30+$0xFFFFFFC0]  }
0x88: {  	v8 =	vadd.f32 v26, v8;
	v9 =	vadd.f32 v27, v9;
	v26 =	vld [tilespmem:s30+$0xFFFFFFD0]  }
0x89: {  	v10 =	vadd.f32 v28, v10;
	v11 =	vadd.f32 v29, v11;
	v27 =	vld [tilespmem:s30+$0xFFFFFF40]  }
0x8a: {  	v8 =	vadd.f32 v24, v8;
	v9 =	vadd.f32 v25, v9;
	v28 =	vld [tilespmem:s30+$0xFFFFFF50]  }
0x8b: {  	v10 =	vadd.f32 v30, v10;
	v24 =	vld [tilespmem:s30+$0xFFFFFF60];
	v11 =	vadd.f32 v31, v11  }
0x8c: {  	s29 =	sadd.s32 $0x4, s29;
	v8 =	vadd.f32 v12, v8;
	v9 =	vadd.f32 v13, v9;
	v25 =	vld [tilespmem:s30+$0xFFFFFF70]  }
0x8d: {  	p0 =	slt.u32 s29, $0x2C;
	v10 =	vadd.f32 v15, v10;
	v12 =	vld [tilespmem:s30+$0xFFFFFFE0];
	v11 =	vadd.f32 v23, v11  }
.Ltmp0:
0x8e: {  	v8 =	vadd.f32 v22, v8;
	v9 =	vadd.f32 v18, v9;
	v15 =	vld [tilespmem:s30+$0xFFFFFFF0];
	(pc) =	sbr.rel @p0 .LBB2_3-.Ltmp0, $4  }
0x8f: {  	v10 =	vadd.f32 v19, v10;
	v13 =	vld [tilespmem:s30+$0x60];
	v11 =	vadd.f32 v16, v11  }
0x90: {  	v20 =	vadd.f32 v27, v20;
	v21 =	vadd.f32 v28, v21;
	v16 =	vld [tilespmem:s30+$0x70]  }
0x91: {  	v18 =	vadd.f32 v24, v14;
	v19 =	vadd.f32 v25, v17;
	v14 =	vld [tilespmem:s30+$0xE0]  }
0x92: {  	v20 =	vadd.f32 v32, v20;
	v21 =	vadd.f32 v26, v21;
	v17 =	vld [tilespmem:s30+$0xF0];
	s30 =	sadd.s32 $0x200, s30  }
0x93: {  	v22 =	vld [tilespmem:$0x5800]  }
0x94: {  	v23 =	vld [tilespmem:$0x5810]  }
0x95: {  	v24 =	vld [tilespmem:$0x5820]  }
0x96: {  	v25 =	vld [tilespmem:$0x5830]  }
0x97: {  	v26 =	vld [tilespmem:$0x5840]  }
0x98: {  	v27 =	vld [tilespmem:$0x5850]  }
0x99: {  	v28 =	vld [tilespmem:$0x5860]  }
0x9a: {  	v29 =	vld [tilespmem:$0x5870]  }
0x9b: {  	v30 =	vld [tilespmem:$0x5880]  }
0x9c: {  	v31 =	vld [tilespmem:$0x5890]  }
0x9d: {  	v32 =	vld [tilespmem:$0x58A0]  }
0x9e: {  	v33 =	vld [tilespmem:$0x58B0]  }
0x9f: {  	v34 =	vld [tilespmem:$0x58C0]  }
0xa0: {  	v12 =	vadd.f32 v12, v18;
	v15 =	vadd.f32 v15, v19;
	v18 =	vld [tilespmem:$0x58D0]  }
0xa1: {  	v19 =	vld [tilespmem:$0x58E0];
	v6 =	vadd.f32 v6, v20;
	v7 =	vadd.f32 v7, v21  }
0xa2: {  	s3 =	simm.s32 $0x4080;
	v12 =	vadd.f32 v13, v12;
	v13 =	vadd.f32 v16, v15;
	v15 =	vld [tilespmem:$0x58F0]  }
0xa3: {  	v16 =	vld [tilespmem:s3+$0x20];
	v4 =	vadd.f32 v4, v6;
	v5 =	vadd.f32 v5, v7  }
0xa4: {  	v7 =	vadd.f32 v14, v12;
	v12 =	vadd.f32 v17, v13;
	v13 =	vld [tilespmem:s3+$0x0]  }
0xa5: {  	v14 =	vld [tilespmem:s3+$0xFFFFFF80];
	v6 =	vadd.f32 v22, v8;
	v8 =	vadd.f32 v23, v9  }
0xa6: {  	v9 =	vld [tilespmem:s3+$0x10];
	v10 =	vadd.f32 v24, v10;
	v11 =	vadd.f32 v25, v11  }
0xa7: {  	v17 =	vld [tilespmem:s3+$0xFFFFFF90];
	v6 =	vadd.f32 v30, v6;
	v8 =	vadd.f32 v31, v8  }
0xa8: {  	v20 =	vadd.f32 v26, v4;
	v23 =	vld [tilespmem:s3+$0x40];
	v4 =	vadd.f32 v32, v10  }
0xa9: {  	v21 =	vadd.f32 v27, v5;
	v5 =	vmul.f32 $1.999999960e-02, v6;
	v6 =	vmul.f32 $1.999999960e-02, v8;
	v8 =	vld [tilespmem:s3+$0xFFFFFFA0]  }
0xaa: {  	v22 =	vadd.f32 v28, v7;
	v12 =	vadd.f32 v29, v12;
	v10 =	vld [tilespmem:s3+$0x30];
	v4 =	vmul.f32 $1.999999960e-02, v4  }
0xab: {  	v7 =	vadd.f32 v33, v11;
	v11 =	vmul.f32 v13, v5;
	v9 =	vmul.f32 v9, v6;
	v13 =	vld [tilespmem:s3+$0xFFFFFFB0]  }
0xac: {  	v24 =	vld [tilespmem:s3+$0x50];
	v20 =	vadd.f32 v34, v20;
	v14 =	vmul.f32 v14, v5;
	v17 =	vmul.f32 v17, v6  }
0xad: {  	v7 =	vmul.f32 $1.999999960e-02, v7;
	v16 =	vmul.f32 v16, v4;
	v9 =	vadd.f32 v9, v11;
	v11 =	vld [tilespmem:s3+$0xFFFFFFC0]  }
0xae: {  	v18 =	vadd.f32 v18, v21;
	v21 =	vld [tilespmem:s3+$0x60];
	v14 =	vadd.f32 v17, v14;
	v17 =	vmul.f32 v8, v4  }
0xaf: {  	v10 =	vmul.f32 v10, v7;
	v8 =	vmul.f32 $1.999999960e-02, v20;
	v20 =	vld [tilespmem:s3+$0xFFFFFFD0];
	v16 =	vadd.f32 v16, v9  }
0xb0: {  	v19 =	vadd.f32 v19, v22;
	v22 =	vld [tilespmem:s3+$0xFFFFFFE0];
	v14 =	vadd.f32 v17, v14;
	v13 =	vmul.f32 v13, v7  }
0xb1: {  	s0 =	simm.s32 $0x4180;
	v9 =	vmul.f32 $1.999999960e-02, v18;
	v17 =	vld [tilespmem:s3+$0x70];
	v18 =	vmul.f32 v23, v8;
	v16 =	vadd.f32 v10, v16  }
0xb2: {  	v10 =	vmul.f32 $1.999999960e-02, v19;
	v19 =	vld [tilespmem:s0+$0x0];
	v13 =	vadd.f32 v13, v14;
	v11 =	vmul.f32 v11, v8  }
0xb3: {  	v12 =	vadd.f32 v15, v12;
	v15 =	vmul.f32 v24, v9;
	v14 =	vld [tilespmem:s3+$0xFFFFFFF0];
	v16 =	vadd.f32 v18, v16  }
0xb4: {  	v18 =	vld [tilespmem:s0+$0x20];
	v20 =	vmul.f32 v20, v9;
	v13 =	vadd.f32 v11, v13  }
0xb5: {  	v11 =	vmul.f32 $1.999999960e-02, v12;
	v12 =	vmul.f32 v21, v10;
	v15 =	vadd.f32 v15, v16;
	v16 =	vld [tilespmem:s0+$0x10]  }
0xb6: {  	v21 =	vld [tilespmem:s0+$0xFFFFFF80];
	v13 =	vadd.f32 v20, v13;
	v20 =	vmul.f32 v22, v10  }
0xb7: {  	v17 =	vmul.f32 v17, v11;
	v12 =	vadd.f32 v12, v15;
	v15 =	vld [tilespmem:s0+$0xFFFFFF90]  }
0xb8: {  	v14 =	vmul.f32 v14, v11;
	v13 =	vadd.f32 v20, v13;
	v20 =	vld [tilespmem:s0+$0x30]  }
0xb9: {  	v12 =	vadd.f32 v17, v12;
	v17 =	vld [tilespmem:s0+$0xFFFFFFA0]  }
0xba: {  	v19 =	vmul.f32 v19, v5;
	v16 =	vmul.f32 v16, v6;
	v13 =	vadd.f32 v14, v13;
	v14 =	vld [tilespmem:s0+$0x40]  }
0xbb: {  	v18 =	vmul.f32 v18, v4;
	(xrf2) =	vadd.scan.msk.f32 $0xffff, v12;
	v12 =	vld [tilespmem:s0+$0xFFFFFFB0]  }
0xbc: {  	s29 =	simm.s32 $0x0;
	v21 =	vmul.f32 v21, v5;
	v15 =	vmul.f32 v15, v6;
	v16 =	vadd.f32 v16, v19;
	v19 =	vld [tilespmem:s0+$0x50];
	(xrf2) =	vadd.scan.msk.f32 $0xffff, v13  }
0xbd: {  	v26 =	vimm.f32 $0.0e+00;
	v22 =	vmov s29;
	v13 =	vld [tilespmem:s0+$0xFFFFFFC0];
	v20 =	vmul.f32 v20, v7  }
0xbe: {  	v15 =	vadd.f32 v15, v21;
	v17 =	vmul.f32 v17, v4;
	v16 =	vadd.f32 v18, v16;
	v18 =	vld [tilespmem:s0+$0x60]  }
0xbf: {  	vm6 =	veq.s32 v22, v0;
	vm4 =	veq.s32 v22, v1;
	v21 =	vld [tilespmem:s0+$0xFFFFFFD0];
	v14 =	vmul.f32 v14, v8  }
0xc0: {  	s29 =	simm.s32 $0x1;
	v15 =	vadd.f32 v17, v15;
	v12 =	vmul.f32 v12, v7;
	v16 =	vadd.f32 v20, v16;
	v17 =	vld [tilespmem:s0+$0x70]  }
0xc1: {  	vm5 =	veq.s32 v22, v2;
	v23 =	vmov s29;
	v20 =	vld [tilespmem:s0+$0xFFFFFFE0];
	v19 =	vmul.f32 v19, v9  }
0xc2: {  	s30 =	simm.s32 $0x4280;
	v13 =	vmul.f32 v13, v8;
	v12 =	vadd.f32 v12, v15;
	v15 =	vld [tilespmem:s0+$0xFFFFFFF0];
	v14 =	vadd.f32 v14, v16  }
0xc3: {  	vm7 =	veq.s32 v22, v3;
	vm8 =	veq.s32 v23, v0;
	v16 =	vld [tilespmem:s30+$0x20];
	v18 =	vmul.f32 v18, v10  }
0xc4: {  	v22 =	vld [tilespmem:s30+$0x0];
	v12 =	vadd.f32 v13, v12;
	v13 =	vmul.f32 v21, v9;
	v14 =	vadd.f32 v19, v14  }
0xc5: {  	vm2 =	veq.s32 v23, v1;
	vm1 =	veq.s32 v23, v2;
	v21 =	vld [tilespmem:s30+$0x10];
	v19, _, _ =	vpop (xrf2);
	v24 =	vmul.f32 v17, v11  }
0xc6: {  	v12 =	vadd.f32 v13, v12;
	v13 =	vmul.f32 v20, v10;
	v18 =	vadd.f32 v18, v14;
	v17, _, _ =	vpop (xrf2)  }
0xc7: {  	vm3 =	veq.s32 v23, v3;
	v14 =	vld [tilespmem:s30+$0xFFFFFF80];
	v27 =	vmul.f32 v15, v11;
	v63 =	vbroadcast v17, $0xF  }
0xc8: {  	v17 =	vld [tilespmem:s30+$0xFFFFFF90];
	v15 =	vmul.f32 v16, v4;
	v12 =	vadd.f32 v13, v12;
	v18 =	vadd.f32 v24, v18  }
0xc9: {  	v20 =	vld [tilespmem:s30+$0x30];
	v13 =	vbroadcast v19, $0xF;
	v24 =	vmul.f32 v22, v5;
	v19 =	vsel vm6, v63, v26  }
0xca: {  	v22 =	vld [tilespmem:s30+$0xFFFFFFA0];
	v25 =	vmul.f32 v21, v6;
	v21 =	vsel vm4, v63, v26;
	v16 =	vadd.f32 v27, v12;
	(xrf2) =	vadd.scan.msk.f32 $0xffff, v18  }
0xcb: {  	s31 =	simm.s32 $0x2;
	s3 =	simm.s32 $0x6;
	s29 =	simm.s32 $0x4;
	v23 =	vld [tilespmem:s30+$0x40];
	v12 =	vsel vm8, v13, v19;
	v18 =	vsel vm5, v63, v26;
	v19 =	vsel vm7, v63, v26  }
.LBB2_5:
0xcc: {  	p0 =	slt.u32 s3, $0x30;
	v26 =	vld [tilespmem:s30+$0xFFFFFFB0];
	v21 =	vsel vm2, v13, v21;
	v18 =	vsel vm1, v13, v18;
	v19 =	vsel vm3, v13, v19  }
0xcd: {  	v13 =	vmul.f32 v14, v5;
	v14 =	vmul.f32 v17, v6;
	v17 =	vadd.f32 v25, v24;
	v24 =	vld [tilespmem:s30+$0x50];
	(xrf2) =	vadd.scan.msk.f32 $0xffff, v16  }
0xce: {  	v25 =	vmov s31;
	v16 =	vld [tilespmem:s30+$0xFFFFFFC0];
	v20 =	vmul.f32 v20, v7  }
0xcf: {  	v13 =	vadd.f32 v14, v13;
	v14 =	vmul.f32 v22, v4;
	v15 =	vadd.f32 v15, v17;
	v17 =	vld [tilespmem:s30+$0x60]  }
0xd0: {  	vm5 =	veq.s32 v25, v0;
	vm4 =	veq.s32 v25, v1;
	v22 =	vld [tilespmem:s30+$0xFFFFFFD0];
	v23 =	vmul.f32 v23, v8  }
0xd1: {  	s0 =	sadd.s32 $0x1, s31;
	s31 =	smov.u32 s29;
	s29 =	smov.u32 s3;
	v13 =	vadd.f32 v14, v13;
	v14 =	vmul.f32 v26, v7;
	v15 =	vadd.f32 v20, v15;
	v20 =	vld [tilespmem:s30+$0x70]  }
0xd2: {  	v27 =	vmov s0;
	vm6 =	veq.s32 v25, v2;
	v26 =	vld [tilespmem:s30+$0xFFFFFFE0];
	v24 =	vmul.f32 v24, v9  }
0xd3: {  	v13 =	vadd.f32 v14, v13;
	v14 =	vmul.f32 v16, v8;
	v16 =	vld [tilespmem:s30+$0xFFFFFFF0];
	v15 =	vadd.f32 v23, v15;
	s30 =	sadd.s32 $0x100, s30  }
0xd4: {  	vm7 =	veq.s32 v25, v3;
	vm8 =	veq.s32 v27, v0;
	v23 =	vld [tilespmem:s30+$0x20];
	v30 =	vmul.f32 v17, v10;
	v25, _, _ =	vpop (xrf2)  }
0xd5: {  	v28 =	vld [tilespmem:s30+$0x0];
	v13 =	vadd.f32 v14, v13;
	v14 =	vmul.f32 v22, v9;
	v15 =	vadd.f32 v24, v15  }
0xd6: {  	vm2 =	veq.s32 v27, v1;
	vm1 =	veq.s32 v27, v2;
	v29 =	vld [tilespmem:s30+$0x10];
	v20 =	vmul.f32 v20, v11  }
0xd7: {  	v13 =	vadd.f32 v14, v13;
	v22 =	vmul.f32 v26, v10;
	v15 =	vadd.f32 v30, v15;
	v17, _, _ =	vpop (xrf2)  }
.Ltmp1:
0xd8: {  	vm3 =	veq.s32 v27, v3;
	v14 =	vld [tilespmem:s30+$0xFFFFFF80];
	v16 =	vmul.f32 v16, v11;
	v26 =	vbroadcast v17, $0xF;
	(pc) =	sbr.rel @p0 .LBB2_5-.Ltmp1, $4  }
0xd9: {  	v17 =	vld [tilespmem:s30+$0xFFFFFF90];
	v27 =	vadd.f32 v22, v13;
	v30 =	vadd.f32 v20, v15;
	v13 =	vbroadcast v25, $0xF  }
0xda: {  	v15 =	vmul.f32 v23, v4;
	v24 =	vmul.f32 v28, v5;
	v20 =	vld [tilespmem:s30+$0x30];
	v12 =	vsel vm5, v26, v12  }
0xdb: {  	v22 =	vld [tilespmem:s30+$0xFFFFFFA0];
	v25 =	vmul.f32 v29, v6;
	v16 =	vadd.f32 v16, v27;
	(xrf2) =	vadd.scan.msk.f32 $0xffff, v30;
	v12 =	vsel vm8, v13, v12  }
0xdc: {  	s3 =	sadd.s32 $0x2, s3;
	v21 =	vsel vm4, v26, v21;
	v18 =	vsel vm6, v26, v18;
	v19 =	vsel vm7, v26, v19;
	v23 =	vld [tilespmem:s30+$0x40]  }
0xdd: {  	v26 =	vld [tilespmem:s30+$0xFFFFFFB0]  }
0xde: {  	v14 =	vmul.f32 v14, v5;
	v17 =	vmul.f32 v17, v6  }
0xdf: {  	v24 =	vadd.f32 v25, v24;
	v25 =	vld [tilespmem:s30+$0xFFFFFFC0]  }
0xe0: {  	v27 =	vld [tilespmem:s30+$0x50];
	v14 =	vadd.f32 v17, v14;
	v17 =	vmul.f32 v22, v4  }
0xe1: {  	v20 =	vmul.f32 v20, v7;
	v15 =	vadd.f32 v15, v24;
	v22 =	vld [tilespmem:s30+$0xFFFFFFD0]  }
0xe2: {  	v24 =	vld [tilespmem:s30+$0x60];
	v14 =	vadd.f32 v17, v14;
	v17 =	vmul.f32 v26, v7  }
0xe3: {  	v23 =	vmul.f32 v23, v8;
	v15 =	vadd.f32 v20, v15;
	v20 =	vld [tilespmem:s30+$0xFFFFFFE0]  }
0xe4: {  	v26 =	vld [tilespmem:s30+$0x70];
	v14 =	vadd.f32 v17, v14;
	v17 =	vmul.f32 v25, v8  }
0xe5: {  	v15 =	vadd.f32 v23, v15;
	v25 =	vmul.f32 v27, v9;
	v27 =	vld [tilespmem:s30+$0xFFFFFFF0]  }
0xe6: {  	v14 =	vadd.f32 v17, v14;
	v17 =	vmul.f32 v22, v9  }
0xe7: {  	(xrf2) =	vadd.scan.msk.f32 $0xffff, v16;
	v16 =	vmul.f32 v24, v10;
	v15 =	vadd.f32 v25, v15  }
0xe8: {  	v14 =	vadd.f32 v17, v14;
	v17 =	vmul.f32 v20, v10  }
0xe9: {  	v20 =	vmul.f32 v26, v11;
	v15 =	vadd.f32 v16, v15  }
0xea: {  	v16 =	vmul.f32 v27, v11;
	v14 =	vadd.f32 v17, v14  }
0xeb: {  	v15 =	vadd.f32 v20, v15  }
0xec: {  	v14 =	vadd.f32 v16, v14  }
0xed: {  	(xrf2) =	vadd.scan.msk.f32 $0xffff, v15  }
0xee: {  	(xrf2) =	vadd.scan.msk.f32 $0xffff, v14;
	_ =	sdelay $0x1  }
0xef: {  	v18 =	vsel vm1, v13, v18;
	s0 =	sadd.s32 $0x1, s31;
	v15 =	vsel vm2, v13, v21  }
0xf0: {  	v16 =	vmov s31;
	v13 =	vsel vm3, v13, v19;
	v19 =	vmov s0;
	v14, _, _ =	vpop (xrf2)  }
0xf1: {  	vm1 =	veq.s32 v16, v0;
	vm2 =	veq.s32 v16, v1;
	vm3 =	veq.s32 v16, v2;
	v17, _, _ =	vpop (xrf2)  }
0xf2: {  	vm4 =	veq.s32 v16, v3;
	vm5 =	veq.s32 v19, v0;
	v17 =	vbroadcast v17, $0xF  }
0xf3: {  	vm6 =	veq.s32 v19, v1;
	vm7 =	veq.s32 v19, v3;
	v14 =	vbroadcast v14, $0xF  }
0xf4: {  	v12 =	vsel vm1, v17, v12;
	vm1 =	veq.s32 v19, v2;
	v15 =	vsel vm2, v17, v15  }
0xf5: {  	s3 =	sadd.s32 $0x1, s29;
	v16 =	vsel vm3, v17, v18;
	v13 =	vsel vm4, v17, v13;
	v17 =	vmov s29  }
0xf6: {  	v19 =	vmov s3;
	v12 =	vsel vm5, v14, v12;
	v15 =	vsel vm6, v14, v15;
	v18, _, _ =	vpop (xrf2)  }
0xf7: {  	v16 =	vsel vm1, v14, v16;
	v13 =	vsel vm7, v14, v13;
	vm1 =	veq.s32 v17, v0;
	v14, _, _ =	vpop (xrf2)  }
0xf8: {  	vm2 =	veq.s32 v17, v1;
	vm3 =	veq.s32 v17, v2;
	v14 =	vbroadcast v14, $0xF  }
0xf9: {  	vm12 =	veq.s32 v17, v3;
	vm13 =	veq.s32 v19, v0;
	vm14 =	veq.s32 v19, v1  }
0xfa: {  	vm15 =	veq.s32 v19, v2;
	v17 =	vbroadcast v18, $0xF;
	v12 =	vsel vm1, v14, v12  }
0xfb: {  	vm1 =	veq.s32 v19, v3;
	v15 =	vsel vm2, v14, v15;
	v16 =	vsel vm3, v14, v16  }
0xfc: {  	v13 =	vsel vm12, v14, v13;
	v12 =	vsel vm13, v17, v12;
	v14 =	vsel vm14, v17, v15  }
0xfd: {  	v15 =	vsel vm15, v17, v16;
	v13 =	vsel vm1, v17, v13;
	v16 =	vmax.f32 v12, v14  }
0xfe: {  	v13 =	vnsel vm0, $0xF149F2CA, v13;
	v16 =	vmax.f32 v16, v15  }
0xff: {  	v16 =	vmax.f32 v16, v13  }
0x100: {  	(xrf0) =	vmax.scan.msk.f32 $0xffff, v16;
	_ =	sdelay $0x5  }
0x101: {  	v16, _, _ =	vpop (xrf0)  }
0x102: {  	v16 =	vbroadcast v16, $0xF;
	_ =	sdelay $0x1  }
0x103: {  	v12 =	vsub.f32 v12, v16  }
0x104: {  	v14 =	vsub.f32 v14, v16  }
0x105: {  	v12 =	vmul.f32 $1.442695020e+00, v12  }
0x106: {  	v15 =	vsub.f32 v15, v16;
	v14 =	vmul.f32 $1.442695020e+00, v14  }
0x107: {  	(erf) = vpow2.f32 v12  }
0x108: {  	v13 =	vsub.f32 v13, v16;
	v12 =	vmul.f32 $1.442695020e+00, v15;
	(erf) = vpow2.f32 v14;
	_ =	sdelay $0x1  }
0x109: {  	(erf) = vpow2.f32 v12;
	v12 =	vmul.f32 $1.442695020e+00, v13;
	_ =	sdelay $0x1  }
0x10a: {  	(erf) = vpow2.f32 v12;
	_ =	sdelay $0x3  }
0x10b: {  	v12 =	vpop (erf)  }
0x10c: {  	v13 =	vpop (erf)  }
0x10d: {  	v14 =	vadd.f32 v13, v12  }
0x10e: {  	v15 =	vpop (erf)  }
0x10f: {  	v14 =	vadd.f32 v14, v15  }
0x110: {  	v16 =	vpop (erf)  }
0x111: {  	v14 =	vadd.f32 v14, v16;
	_ =	sdelay $0x1  }
0x112: {  	(xrf2) =	vadd.scan.msk.f32 $0xffff, v14;
	_ =	sdelay $0x9  }
0x113: {  	v14, _, _ =	vpop (xrf2)  }
0x114: {  	v14 =	vbroadcast v14, $0xF;
	_ =	sdelay $0x1  }
0x115: {  	(erf) = vrcp.f32 v14;
	_ =	sdelay $0x8  }
0x116: {  	v14 =	vpop (erf)  }
0x117: {  	v12 =	vmul.f32 v14, v12  }
0x118: {  	v13 =	vmul.f32 v14, v13  }
0x119: {  	v15 =	vmul.f32 v14, v15;
	[tilespmem:$0xE800] =	vst v12  }
0x11a: {  	v12 =	vmul.f32 v14, v16;
	[tilespmem:$0xE810] =	vst v13  }
0x11b: {  	[tilespmem:$0xE820] =	vst v15  }
0x11c: {  	[tilespmem:$0xE830] =	vst v12  }
0x11d: {  	_ =	swait.ge [sflag:s14], $0x1900  }
0x11e: {  	[sflag:s14] =	ssyncset.done $0x0  }
0x11f: {  	[sflag:s14] =	ssyncadd.s32 $0xFFFFE700  }
0x120: {  	_ =	swait.ge [sflag:s15], $0x1900  }
0x121: {  	[sflag:s15] =	ssyncset.done $0x0  }
0x122: {  	[sflag:s15] =	ssyncadd.s32 $0xFFFFE700  }
0x123: {  	_ =	swait.ge [sflag:s16], $0x1900  }
0x124: {  	[sflag:s16] =	ssyncset.done $0x0  }
0x125: {  	s31 =	sadd.s32 $0x80, s28;
	[sflag:s16] =	ssyncadd.s32 $0xFFFFE700  }
0x126: {  	[tilespmem:s20], [sflag:$0x1] =	stream.indirect.gather.add.f32 [hbm:s1], $0x80, s31, s10, $0xb8;
	[tilespmem:$0xF880] =	vst v63  }
0x127: {  	_ = 	snop  }
0x128: {  	[tilespmem:s21], [sflag:$0x2] =	stream.indirect.gather.add.f32 [hbm:s2], $0x80, s31, s10, $0xb8;
	[tilespmem:$0xF880] =	vst v63  }
0x129: {  	_ = 	snop  }
0x12a: {  	[tilespmem:s22], [sflag:$0x3] =	stream.indirect.gather.add.f32 [hbm:s4], $0x80, s31, s10, $0xb8;
	[tilespmem:$0xF880] =	vst v63  }
0x12b: {  	s3 =	sadd.s32 $0x100, s28  }
0x12c: {  	[tilespmem:s20], [sflag:$0x1] =	stream.indirect.gather.add.f32 [hbm:s1], $0x80, s3, s10, $0xb8;
	[tilespmem:$0xF880] =	vst v63  }
0x12d: {  	_ = 	snop  }
0x12e: {  	[tilespmem:s21], [sflag:$0x2] =	stream.indirect.gather.add.f32 [hbm:s2], $0x80, s3, s10, $0xb8;
	[tilespmem:$0xF880] =	vst v63  }
0x12f: {  	_ = 	snop  }
0x130: {  	[tilespmem:s22], [sflag:$0x3] =	stream.indirect.gather.add.f32 [hbm:s4], $0x80, s3, s10, $0xb8;
	[tilespmem:$0xF880] =	vst v63  }
0x131: {  	s31 =	sadd.s32 $0x180, s28  }
0x132: {  	[tilespmem:s20], [sflag:$0x1] =	stream.indirect.gather.add.f32 [hbm:s1], $0x80, s31, s10, $0xb8;
	[tilespmem:$0xF880] =	vst v63  }
0x133: {  	_ = 	snop  }
0x134: {  	[tilespmem:s21], [sflag:$0x2] =	stream.indirect.gather.add.f32 [hbm:s2], $0x80, s31, s10, $0xb8;
	[tilespmem:$0xF880] =	vst v63  }
0x135: {  	_ = 	snop  }
0x136: {  	[tilespmem:s22], [sflag:$0x3] =	stream.indirect.gather.add.f32 [hbm:s4], $0x80, s31, s10, $0xb8;
	[tilespmem:$0xF880] =	vst v63  }
0x137: {  	s3 =	simm.s32 $0x7900;
	v14 =	vld.msk [tilespmem:$0xE800 ss:$0x0], $0xffff  }
0x138: {  	v15 =	vld [tilespmem:s3+$0x80]  }
0x139: {  	v16 =	vld [tilespmem:s3+$0x90]  }
0x13a: {  	v17 =	vld [tilespmem:s3+$0xA0]  }
0x13b: {  	v18 =	vld [tilespmem:s3+$0xB0]  }
0x13c: {  	v19 =	vld [tilespmem:s3+$0xC0]  }
0x13d: {  	s28 =	simm.s32 $0xE802;
	v20 =	vld [tilespmem:s3+$0xD0]  }
0x13e: {  	v12 =	vld.msk [tilespmem:s28+$0x1 ss:$0x0], $0xffff  }
0x13f: {  	v21 =	vld [tilespmem:s3+$0x0]  }
0x140: {  	v13 =	vld [tilespmem:s3+$0xFFFFFF00]  }
0x141: {  	v22 =	vld [tilespmem:s3+$0xFFFFFF10]  }
0x142: {  	v23 =	vld [tilespmem:s3+$0xFFFFFF20]  }
0x143: {  	v24 =	vld [tilespmem:s3+$0xFFFFFF30]  }
0x144: {  	v25 =	vld [tilespmem:s3+$0xFFFFFF40]  }
0x145: {  	v26 =	vld [tilespmem:s3+$0xFFFFFF50]  }
0x146: {  	v27 =	vld [tilespmem:s3+$0xFFFFFF60]  }
0x147: {  	v28 =	vld [tilespmem:s3+$0xFFFFFF70]  }
0x148: {  	v29 =	vld [tilespmem:s3+$0x10]  }
0x149: {  	v31 =	vld [tilespmem:s3+$0xFFFFFF80];
	v30 =	vmul.f32 v13, v14;
	v22 =	vmul.f32 v22, v14  }
0x14a: {  	v34 =	vld.msk [tilespmem:s28+$0xFFFFFFFF ss:$0x0], $0xffff;
	v23 =	vmul.f32 v23, v14;
	v24 =	vmul.f32 v24, v14  }
0x14b: {  	v13 =	vld.msk [tilespmem:s28+$0x0 ss:$0x0], $0xffff;
	v32 =	vmul.f32 v25, v14;
	v26 =	vmul.f32 v26, v14  }
0x14c: {  	v33 =	vmul.f32 v27, v14;
	v35 =	vmul.f32 v28, v14;
	v14 =	vld [tilespmem:s3+$0xFFFFFF90]  }
0x14d: {  	v25 =	vld [tilespmem:s3+$0xFFFFFFA0]  }
0x14e: {  	v28 =	vmul.f32 v16, v12;
	v27 =	vld [tilespmem:s3+$0xFFFFFFB0];
	v36 =	vmul.f32 v17, v12  }
0x14f: {  	v38 =	vimm.f32 $0.0e+00;
	v37 =	vmul.f32 v18, v12;
	v18 =	vld [tilespmem:s3+$0x20];
	v16 =	vmul.f32 v19, v12  }
0x150: {  	v17 =	vmul.f32 v20, v12;
	v30 =	vadd.f32 v30, v38;
	v19 =	vmul.f32 v21, v13;
	v21 =	vld [tilespmem:s3+$0x30]  }
0x151: {  	v39 =	vld [tilespmem:s3+$0x50];
	v22 =	vadd.f32 v22, v38;
	v23 =	vadd.f32 v23, v38;
	v20 =	vmul.f32 v29, v13  }
0x152: {  	v40 =	vld [tilespmem:s3+$0xFFFFFFC0];
	v24 =	vadd.f32 v24, v38;
	v29 =	vmul.f32 v31, v34;
	v14 =	vmul.f32 v14, v34  }
0x153: {  	v33 =	vadd.f32 v33, v38;
	v31 =	vld [tilespmem:s3+$0x40];
	v25 =	vmul.f32 v25, v34;
	v27 =	vmul.f32 v27, v34  }
0x154: {  	v41 =	vld [tilespmem:s3+$0xFFFFFFE0];
	v18 =	vmul.f32 v18, v13;
	v29 =	vadd.f32 v29, v30;
	v14 =	vadd.f32 v14, v22  }
0x155: {  	v30 =	vld [tilespmem:s3+$0xFFFFFFD0];
	v22 =	vadd.f32 v25, v23;
	v23 =	vadd.f32 v27, v24;
	v24 =	vmul.f32 v21, v13  }
0x156: {  	v42 =	vld [tilespmem:s3+$0xFFFFFFF0];
	v15 =	vmul.f32 v15, v12;
	v19 =	vadd.f32 v19, v29;
	v14 =	vadd.f32 v20, v14  }
0x157: {  	v25 =	vld [tilespmem:s3+$0x60];
	v27 =	vmul.f32 v40, v34;
	v20 =	vadd.f32 v18, v22;
	v24 =	vadd.f32 v24, v23  }
0x158: {  	v22 =	vmul.f32 v39, v13;
	v21 =	vmul.f32 v31, v13;
	v31 =	vadd.f32 v32, v38;
	v23 =	vld [tilespmem:s3+$0x70]  }
0x159: {  	v29 =	vmul.f32 v41, v34;
	v19 =	vadd.f32 v15, v19;
	v15 =	vadd.f32 v37, v24;
	v24 =	vld [tilespmem:s3+$0xE0]  }
0x15a: {  	v18 =	vadd.f32 v28, v14;
	v28 =	vmul.f32 v30, v34;
	v30 =	vadd.f32 v26, v38;
	v26 =	vld [tilespmem:s3+$0xF0]  }
0x15b: {  	s30 =	simm.s32 $0x7B00;
	s29 =	simm.s32 $0x0;
	v32 =	vadd.f32 v35, v38;
	v14 =	vadd.f32 v36, v20;
	v20 =	vld.msk [tilespmem:s28+$0x2 ss:$0x0], $0xffff;
	v34 =	vmul.f32 v42, v34  }
.LBB2_7:
0x15c: {  	v35 =	vld [tilespmem:s30+$0x80];
	v27 =	vadd.f32 v27, v31;
	v28 =	vadd.f32 v28, v30;
	v25 =	vmul.f32 v25, v13  }
0x15d: {  	v30 =	vld [tilespmem:s30+$0x90];
	v29 =	vadd.f32 v29, v33;
	v31 =	vadd.f32 v34, v32;
	v13 =	vmul.f32 v23, v13  }
0x15e: {  	v23 =	vld [tilespmem:s30+$0xA0];
	v21 =	vadd.f32 v21, v27;
	v22 =	vadd.f32 v22, v28;
	v24 =	vmul.f32 v24, v12  }
0x15f: {  	v27 =	vld [tilespmem:s30+$0xB0];
	v25 =	vadd.f32 v25, v29;
	v13 =	vadd.f32 v13, v31;
	v12 =	vmul.f32 v26, v12  }
0x160: {  	v26 =	vld [tilespmem:s30+$0xC0];
	v29 =	vadd.f32 v16, v21;
	v32 =	vadd.f32 v17, v22  }
0x161: {  	s28 =	sadd.s32 $0x4, s28;
	v17 =	vld [tilespmem:s30+$0xD0];
	v33 =	vadd.f32 v24, v25;
	v34 =	vadd.f32 v12, v13  }
0x162: {  	v12 =	vld.msk [tilespmem:s28+$0x1 ss:$0x0], $0xffff  }
0x163: {  	v21 =	vld [tilespmem:s30+$0x0]  }
0x164: {  	v13 =	vld [tilespmem:s30+$0xFFFFFF00]  }
0x165: {  	v16 =	vld [tilespmem:s30+$0xFFFFFF10]  }
0x166: {  	v22 =	vld [tilespmem:s30+$0xFFFFFF20]  }
0x167: {  	v24 =	vld [tilespmem:s30+$0xFFFFFF30]  }
0x168: {  	v25 =	vld [tilespmem:s30+$0xFFFFFF40]  }
0x169: {  	v28 =	vld [tilespmem:s30+$0xFFFFFF50]  }
0x16a: {  	v31 =	vld [tilespmem:s30+$0xFFFFFF60]  }
0x16b: {  	v36 =	vld [tilespmem:s30+$0xFFFFFF70]  }
0x16c: {  	v37 =	vld [tilespmem:s30+$0x10]  }
0x16d: {  	v38 =	vmul.f32 v13, v20;
	v39 =	vmul.f32 v16, v20;
	v13 =	vld.msk [tilespmem:s28+$0x0 ss:$0x0], $0xffff  }
0x16e: {  	v22 =	vmul.f32 v22, v20;
	v24 =	vmul.f32 v24, v20;
	v40 =	vld [tilespmem:s30+$0xFFFFFF80]  }
0x16f: {  	v42 =	vmul.f32 v25, v20;
	v43 =	vmul.f32 v28, v20;
	v41 =	vld.msk [tilespmem:s28+$0xFFFFFFFF ss:$0x0], $0xffff  }
0x170: {  	v44 =	vmul.f32 v31, v20;
	v20 =	vmul.f32 v36, v20;
	v25 =	vld [tilespmem:s30+$0xFFFFFF90]  }
0x171: {  	v30 =	vmul.f32 v30, v12;
	v31 =	vmul.f32 v35, v12;
	v28 =	vld [tilespmem:s30+$0xFFFFFFA0]  }
0x172: {  	v45 =	vmul.f32 v27, v12;
	v36 =	vmul.f32 v23, v12;
	v35 =	vld [tilespmem:s30+$0xFFFFFFB0]  }
0x173: {  	v17 =	vmul.f32 v17, v12;
	v16 =	vmul.f32 v26, v12;
	v23 =	vld [tilespmem:s30+$0x20]  }
0x174: {  	v21 =	vmul.f32 v21, v13;
	v26 =	vmul.f32 v37, v13;
	v27 =	vld [tilespmem:s30+$0x30]  }
0x175: {  	v37 =	vmul.f32 v40, v41;
	v25 =	vmul.f32 v25, v41;
	v40 =	vld [tilespmem:s30+$0x40]  }
0x176: {  	v19 =	vadd.f32 v38, v19;
	v18 =	vadd.f32 v39, v18;
	v28 =	vmul.f32 v28, v41;
	v38 =	vld [tilespmem:s30+$0x50]  }
0x177: {  	v14 =	vadd.f32 v22, v14;
	v15 =	vadd.f32 v24, v15;
	v22 =	vmul.f32 v35, v41;
	v24 =	vld [tilespmem:s30+$0xFFFFFFC0]  }
0x178: {  	s29 =	sadd.s32 $0x4, s29;
	v19 =	vadd.f32 v37, v19;
	v18 =	vadd.f32 v25, v18;
	v35 =	vld [tilespmem:s30+$0xFFFFFFD0];
	v23 =	vmul.f32 v23, v13  }
0x179: {  	p0 =	slt.u32 s29, $0x2C;
	v14 =	vadd.f32 v28, v14;
	v15 =	vadd.f32 v22, v15;
	v37 =	vld [tilespmem:s30+$0xFFFFFFE0];
	v22 =	vmul.f32 v27, v13  }
0x17a: {  	v19 =	vadd.f32 v21, v19;
	v18 =	vadd.f32 v26, v18;
	v39 =	vld [tilespmem:s30+$0xFFFFFFF0];
	v21 =	vmul.f32 v40, v13  }
.Ltmp2:
0x17b: {  	v14 =	vadd.f32 v23, v14;
	v15 =	vadd.f32 v22, v15;
	v22 =	vmul.f32 v38, v13;
	v25 =	vld [tilespmem:s30+$0x60];
	(pc) =	sbr.rel @p0 .LBB2_7-.Ltmp2, $4  }
0x17c: {  	v19 =	vadd.f32 v31, v19;
	v18 =	vadd.f32 v30, v18;
	v27 =	vmul.f32 v24, v41;
	v23 =	vld [tilespmem:s30+$0x70]  }
0x17d: {  	v14 =	vadd.f32 v36, v14;
	v28 =	vmul.f32 v35, v41;
	v15 =	vadd.f32 v45, v15;
	v24 =	vld [tilespmem:s30+$0xE0]  }
0x17e: {  	v31 =	vadd.f32 v42, v29;
	v30 =	vadd.f32 v43, v32;
	v29 =	vmul.f32 v37, v41;
	v26 =	vld [tilespmem:s30+$0xF0]  }
0x17f: {  	v33 =	vadd.f32 v44, v33;
	v32 =	vadd.f32 v20, v34;
	s30 =	sadd.s32 $0x200, s30;
	v34 =	vmul.f32 v39, v41;
	v20 =	vld.msk [tilespmem:s28+$0x2 ss:$0x0], $0xffff  }
0x180: {  	v35 =	vld.msk [tilespmem:$0xE831 ss:$0x0], $0xffff  }
0x181: {  	v36 =	vld [tilespmem:$0x9000]  }
0x182: {  	v37 =	vld [tilespmem:$0x9010]  }
0x183: {  	v38 =	vld [tilespmem:$0x9020]  }
0x184: {  	v39 =	vld [tilespmem:$0x9030]  }
0x185: {  	v40 =	vld [tilespmem:$0x9040]  }
0x186: {  	v41 =	vld [tilespmem:$0x9050]  }
0x187: {  	v42 =	vld [tilespmem:$0x9060]  }
0x188: {  	v55 =	vld [tilespmem:$0x9070]  }
0x189: {  	v27 =	vadd.f32 v27, v31;
	v28 =	vadd.f32 v28, v30;
	v25 =	vmul.f32 v25, v13;
	v56 =	vld [tilespmem:$0x9080]  }
0x18a: {  	v58 =	vld [tilespmem:$0x90E0];
	v29 =	vadd.f32 v29, v33;
	v32 =	vadd.f32 v34, v32;
	v13 =	vmul.f32 v23, v13  }
0x18b: {  	v60 =	vld [tilespmem:$0x90F0];
	v21 =	vadd.f32 v21, v27;
	v22 =	vadd.f32 v22, v28;
	v24 =	vmul.f32 v24, v12  }
0x18c: {  	s0 =	simm.s32 $0x7880;
	v23 =	vld [tilespmem:$0x9090];
	v25 =	vadd.f32 v25, v29;
	v13 =	vadd.f32 v13, v32;
	v12 =	vmul.f32 v26, v12  }
0x18d: {  	v61 =	vld [tilespmem:s0+$0x20];
	v16 =	vadd.f32 v16, v21;
	v17 =	vadd.f32 v17, v22;
	v21 =	vmul.f32 v36, v20  }
0x18e: {  	v27 =	vld [tilespmem:$0x90A0];
	v24 =	vadd.f32 v24, v25;
	v12 =	vadd.f32 v12, v13;
	v13 =	vmul.f32 v37, v20  }
0x18f: {  	v22 =	vld [tilespmem:$0x90C0];
	v57 =	vmul.f32 v39, v20;
	v19 =	vadd.f32 v21, v19;
	v21 =	vmul.f32 v38, v20  }
0x190: {  	v62 =	vld [tilespmem:s0+$0x10];
	v59 =	vmul.f32 v41, v20;
	v13 =	vadd.f32 v13, v18;
	v18 =	vmul.f32 v40, v20  }
0x191: {  	v26 =	vld [tilespmem:$0x90B0];
	v23 =	vmul.f32 v23, v35;
	v14 =	vadd.f32 v21, v14;
	v21 =	vmul.f32 v42, v20  }
0x192: {  	v25 =	vld [tilespmem:$0x90D0];
	v15 =	vadd.f32 v57, v15;
	v16 =	vadd.f32 v18, v16;
	v18 =	vmul.f32 v55, v20  }
0x193: {  	v20 =	vld [tilespmem:s0+$0x0];
	v13 =	vadd.f32 v23, v13;
	v21 =	vadd.f32 v21, v24;
	v24 =	vmul.f32 v56, v35  }
0x194: {  	v23 =	vld [tilespmem:s0+$0xFFFFFF90];
	v22 =	vmul.f32 v22, v35;
	v18 =	vadd.f32 v18, v12;
	v12 =	vmul.f32 v27, v35  }
0x195: {  	v17 =	vadd.f32 v59, v17;
	v27 =	vld [tilespmem:s0+$0xFFFFFF80];
	v19 =	vadd.f32 v24, v19  }
0x196: {  	v26 =	vmul.f32 v26, v35;
	v16 =	vadd.f32 v22, v16;
	v22 =	vld [tilespmem:s0+$0x40];
	v14 =	vadd.f32 v12, v14  }
0x197: {  	v12 =	vadd.f32 v19, v5;
	v5 =	vadd.f32 v13, v6;
	v13 =	vld [tilespmem:s0+$0xFFFFFFA0]  }
0x198: {  	v15 =	vadd.f32 v26, v15;
	v24 =	vld [tilespmem:s0+$0x30];
	v6 =	vmul.f32 v25, v35;
	v19 =	vmul.f32 v58, v35  }
0x199: {  	v4 =	vadd.f32 v14, v4;
	v25 =	vld [tilespmem:s0+$0xFFFFFFB0];
	v14 =	vmul.f32 v20, v12;
	v20 =	vmul.f32 v62, v5  }
0x19a: {  	v17 =	vadd.f32 v6, v17;
	v26 =	vmul.f32 v27, v12;
	v23 =	vmul.f32 v23, v5;
	v27 =	vld [tilespmem:s0+$0x50]  }
0x19b: {  	v6 =	vadd.f32 v15, v7;
	v15 =	vmul.f32 v61, v4;
	v14 =	vadd.f32 v20, v14;
	v20 =	vld [tilespmem:s0+$0xFFFFFFC0]  }
0x19c: {  	v19 =	vadd.f32 v19, v21;
	v21 =	vadd.f32 v23, v26;
	v23 =	vld [tilespmem:s0+$0x60];
	v13 =	vmul.f32 v13, v4  }
0x19d: {  	v7 =	vadd.f32 v16, v8;
	v16 =	vmul.f32 v24, v6;
	v14 =	vadd.f32 v15, v14;
	v15 =	vld [tilespmem:s0+$0xFFFFFFD0]  }
0x19e: {  	v24 =	vmul.f32 v60, v35;
	v13 =	vadd.f32 v13, v21;
	v21 =	vmul.f32 v25, v6;
	v25 =	vld [tilespmem:s0+$0x70]  }
0x19f: {  	v8 =	vadd.f32 v17, v9;
	v17 =	vmul.f32 v22, v7;
	v14 =	vadd.f32 v16, v14;
	v16 =	vld [tilespmem:s0+$0xFFFFFFE0]  }
0x1a0: {  	v13 =	vadd.f32 v21, v13;
	v21 =	vld [tilespmem:s0+$0xFFFFFFF0];
	s0 =	simm.s32 $0x7980  }
0x1a1: {  	v18 =	vadd.f32 v24, v18;
	v20 =	vmul.f32 v20, v7;
	v14 =	vadd.f32 v17, v14;
	v17 =	vld [tilespmem:s0+$0x20]  }
0x1a2: {  	v9 =	vadd.f32 v19, v10;
	v19 =	vmul.f32 v27, v8;
	v22 =	vld [tilespmem:s0+$0x0]  }
0x1a3: {  	v10 =	vadd.f32 v18, v11;
	v18 =	vld [tilespmem:s0+$0x10];
	v13 =	vadd.f32 v20, v13;
	v15 =	vmul.f32 v15, v8  }
0x1a4: {  	v11 =	vmul.f32 v23, v9;
	v24 =	vld [tilespmem:s0+$0xFFFFFFF0];
	v14 =	vadd.f32 v19, v14  }
0x1a5: {  	v13 =	vadd.f32 v15, v13;
	v15 =	vmul.f32 v16, v9;
	v16 =	vld [tilespmem:s0+$0xFFFFFF80]  }
0x1a6: {  	v19 =	vmul.f32 v25, v10;
	v11 =	vadd.f32 v11, v14;
	v14 =	vld [tilespmem:s0+$0xFFFFFF90]  }
0x1a7: {  	v20 =	vmul.f32 v21, v10;
	v13 =	vadd.f32 v15, v13;
	v15 =	vld [tilespmem:s0+$0x30]  }
0x1a8: {  	v21 =	vmul.f32 v22, v12;
	v18 =	vmul.f32 v18, v5;
	v11 =	vadd.f32 v19, v11;
	v19 =	vld [tilespmem:s0+$0xFFFFFFA0]  }
0x1a9: {  	v13 =	vadd.f32 v20, v13;
	v20 =	vld [tilespmem:s0+$0x40]  }
0x1aa: {  	v17 =	vmul.f32 v17, v4;
	v18 =	vadd.f32 v18, v21;
	(xrf2) =	vadd.scan.msk.f32 $0xffff, v11;
	v11 =	vld [tilespmem:s0+$0xFFFFFFB0]  }
0x1ab: {  	s31 =	simm.s32 $0x1;
	v21 =	vld [tilespmem:s0+$0x50];
	v16 =	vmul.f32 v16, v12;
	v14 =	vmul.f32 v14, v5;
	(xrf2) =	vadd.scan.msk.f32 $0xffff, v13  }
0x1ac: {  	v26 =	vimm.f32 $0.0e+00;
	v23 =	vmov s31;
	v13 =	vld [tilespmem:s0+$0xFFFFFFC0];
	v17 =	vadd.f32 v17, v18  }
0x1ad: {  	v18 =	vld [tilespmem:s0+$0x60];
	v15 =	vmul.f32 v15, v6;
	v14 =	vadd.f32 v14, v16;
	v16 =	vmul.f32 v19, v4  }
0x1ae: {  	vm8 =	veq.s32 v23, v0;
	vm2 =	veq.s32 v23, v1;
	v19 =	vld [tilespmem:s0+$0xFFFFFFD0];
	v20 =	vmul.f32 v20, v7  }
0x1af: {  	v15 =	vadd.f32 v15, v17;
	v14 =	vadd.f32 v16, v14;
	v11 =	vmul.f32 v11, v6;
	v16 =	vld [tilespmem:s0+$0x70]  }
0x1b0: {  	vm1 =	veq.s32 v23, v2;
	vm3 =	veq.s32 v23, v3;
	v17 =	vld [tilespmem:s0+$0xFFFFFFE0];
	v21 =	vmul.f32 v21, v8  }
0x1b1: {  	s3 =	simm.s32 $0x0;
	s29 =	simm.s32 $0x7A80;
	v13 =	vmul.f32 v13, v7;
	v11 =	vadd.f32 v11, v14;
	v14 =	vadd.f32 v20, v15  }
0x1b2: {  	v22 =	vmov s3;
	v27 =	vmul.f32 v24, v10;
	v18 =	vmul.f32 v18, v9;
	v20 =	vld [tilespmem:s29+$0x0]  }
0x1b3: {  	v15 =	vld [tilespmem:s29+$0x20];
	v11 =	vadd.f32 v13, v11;
	v13 =	vmul.f32 v19, v8;
	v14 =	vadd.f32 v21, v14  }
0x1b4: {  	vm6 =	veq.s32 v22, v0;
	vm4 =	veq.s32 v22, v1;
	v21 =	vld [tilespmem:s29+$0x10];
	v19, _, _ =	vpop (xrf2);
	v16 =	vmul.f32 v16, v10  }
0x1b5: {  	v11 =	vadd.f32 v13, v11;
	v13 =	vmul.f32 v17, v9;
	v18 =	vadd.f32 v18, v14;
	v17, _, _ =	vpop (xrf2)  }
0x1b6: {  	vm5 =	veq.s32 v22, v2;
	vm7 =	veq.s32 v22, v3;
	v14 =	vld [tilespmem:s29+$0xFFFFFF80];
	v63 =	vbroadcast v17, $0xF  }
0x1b7: {  	v17 =	vld [tilespmem:s29+$0xFFFFFF90];
	v24 =	vmul.f32 v20, v12;
	v11 =	vadd.f32 v13, v11;
	v18 =	vadd.f32 v16, v18  }
0x1b8: {  	v15 =	vmul.f32 v15, v4;
	v20 =	vld [tilespmem:s29+$0x30];
	v13 =	vbroadcast v19, $0xF;
	v19 =	vsel vm6, v63, v26  }
0x1b9: {  	v22 =	vld [tilespmem:s29+$0xFFFFFFA0];
	v25 =	vmul.f32 v21, v5;
	v21 =	vsel vm4, v63, v26;
	v16 =	vadd.f32 v27, v11;
	(xrf2) =	vadd.scan.msk.f32 $0xffff, v18  }
0x1ba: {  	s30 =	simm.s32 $0x2;
	s28 =	simm.s32 $0x4;
	v23 =	vld [tilespmem:s29+$0x40];
	s3 =	simm.s32 $0x6;
	v11 =	vsel vm8, v13, v19;
	v18 =	vsel vm5, v63, v26;
	v19 =	vsel vm7, v63, v26  }
.LBB2_9:
0x1bb: {  	p0 =	slt.u32 s3, $0x30;
	v26 =	vld [tilespmem:s29+$0xFFFFFFB0];
	v21 =	vsel vm2, v13, v21;
	v18 =	vsel vm1, v13, v18;
	v19 =	vsel vm3, v13, v19  }
0x1bc: {  	v13 =	vmul.f32 v14, v12;
	v14 =	vmul.f32 v17, v5;
	v17 =	vadd.f32 v25, v24;
	v24 =	vld [tilespmem:s29+$0x50];
	(xrf2) =	vadd.scan.msk.f32 $0xffff, v16  }
0x1bd: {  	v25 =	vmov s30;
	v16 =	vld [tilespmem:s29+$0xFFFFFFC0];
	v20 =	vmul.f32 v20, v6  }
0x1be: {  	v13 =	vadd.f32 v14, v13;
	v14 =	vmul.f32 v22, v4;
	v15 =	vadd.f32 v15, v17;
	v17 =	vld [tilespmem:s29+$0x60]  }
0x1bf: {  	vm5 =	veq.s32 v25, v0;
	vm4 =	veq.s32 v25, v1;
	v22 =	vld [tilespmem:s29+$0xFFFFFFD0];
	v23 =	vmul.f32 v23, v7  }
0x1c0: {  	s0 =	sadd.s32 $0x1, s30;
	s30 =	smov.u32 s28;
	s28 =	smov.u32 s3;
	v13 =	vadd.f32 v14, v13;
	v14 =	vmul.f32 v26, v6;
	v15 =	vadd.f32 v20, v15;
	v20 =	vld [tilespmem:s29+$0x70]  }
0x1c1: {  	v27 =	vmov s0;
	vm6 =	veq.s32 v25, v2;
	v26 =	vld [tilespmem:s29+$0xFFFFFFE0];
	v24 =	vmul.f32 v24, v8  }
0x1c2: {  	v13 =	vadd.f32 v14, v13;
	v14 =	vmul.f32 v16, v7;
	v16 =	vld [tilespmem:s29+$0xFFFFFFF0];
	v15 =	vadd.f32 v23, v15;
	s29 =	sadd.s32 $0x100, s29  }
0x1c3: {  	vm7 =	veq.s32 v25, v3;
	vm8 =	veq.s32 v27, v0;
	v23 =	vld [tilespmem:s29+$0x20];
	v30 =	vmul.f32 v17, v9;
	v25, _, _ =	vpop (xrf2)  }
0x1c4: {  	v28 =	vld [tilespmem:s29+$0x0];
	v13 =	vadd.f32 v14, v13;
	v14 =	vmul.f32 v22, v8;
	v15 =	vadd.f32 v24, v15  }
0x1c5: {  	vm2 =	veq.s32 v27, v1;
	vm1 =	veq.s32 v27, v2;
	v29 =	vld [tilespmem:s29+$0x10];
	v20 =	vmul.f32 v20, v10  }
0x1c6: {  	v13 =	vadd.f32 v14, v13;
	v22 =	vmul.f32 v26, v9;
	v15 =	vadd.f32 v30, v15;
	v17, _, _ =	vpop (xrf2)  }
.Ltmp3:
0x1c7: {  	vm3 =	veq.s32 v27, v3;
	v14 =	vld [tilespmem:s29+$0xFFFFFF80];
	v16 =	vmul.f32 v16, v10;
	v26 =	vbroadcast v17, $0xF;
	(pc) =	sbr.rel @p0 .LBB2_9-.Ltmp3, $4  }
0x1c8: {  	v17 =	vld [tilespmem:s29+$0xFFFFFF90];
	v27 =	vadd.f32 v22, v13;
	v30 =	vadd.f32 v20, v15;
	v13 =	vbroadcast v25, $0xF  }
0x1c9: {  	v15 =	vmul.f32 v23, v4;
	v24 =	vmul.f32 v28, v12;
	v20 =	vld [tilespmem:s29+$0x30];
	v11 =	vsel vm5, v26, v11  }
0x1ca: {  	v22 =	vld [tilespmem:s29+$0xFFFFFFA0];
	v25 =	vmul.f32 v29, v5;
	v16 =	vadd.f32 v16, v27;
	(xrf2) =	vadd.scan.msk.f32 $0xffff, v30;
	v11 =	vsel vm8, v13, v11  }
0x1cb: {  	s3 =	sadd.s32 $0x2, s3;
	v21 =	vsel vm4, v26, v21;
	v18 =	vsel vm6, v26, v18;
	v19 =	vsel vm7, v26, v19;
	v23 =	vld [tilespmem:s29+$0x40]  }
0x1cc: {  	v26 =	vld [tilespmem:s29+$0xFFFFFFB0]  }
0x1cd: {  	v14 =	vmul.f32 v14, v12;
	v17 =	vmul.f32 v17, v5  }
0x1ce: {  	v24 =	vadd.f32 v25, v24;
	v25 =	vld [tilespmem:s29+$0xFFFFFFC0]  }
0x1cf: {  	v27 =	vld [tilespmem:s29+$0x50];
	v14 =	vadd.f32 v17, v14;
	v17 =	vmul.f32 v22, v4  }
0x1d0: {  	v20 =	vmul.f32 v20, v6;
	v15 =	vadd.f32 v15, v24;
	v22 =	vld [tilespmem:s29+$0xFFFFFFD0]  }
0x1d1: {  	v24 =	vld [tilespmem:s29+$0x60];
	v14 =	vadd.f32 v17, v14;
	v17 =	vmul.f32 v26, v6  }
0x1d2: {  	v23 =	vmul.f32 v23, v7;
	v15 =	vadd.f32 v20, v15;
	v20 =	vld [tilespmem:s29+$0xFFFFFFE0]  }
0x1d3: {  	v26 =	vld [tilespmem:s29+$0x70];
	v14 =	vadd.f32 v17, v14;
	v17 =	vmul.f32 v25, v7  }
0x1d4: {  	v15 =	vadd.f32 v23, v15;
	v25 =	vmul.f32 v27, v8;
	v27 =	vld [tilespmem:s29+$0xFFFFFFF0]  }
0x1d5: {  	v14 =	vadd.f32 v17, v14;
	v17 =	vmul.f32 v22, v8  }
0x1d6: {  	(xrf2) =	vadd.scan.msk.f32 $0xffff, v16;
	v16 =	vmul.f32 v24, v9;
	v15 =	vadd.f32 v25, v15  }
0x1d7: {  	v14 =	vadd.f32 v17, v14;
	v17 =	vmul.f32 v20, v9  }
0x1d8: {  	v20 =	vmul.f32 v26, v10;
	v15 =	vadd.f32 v16, v15  }
0x1d9: {  	v16 =	vmul.f32 v27, v10;
	v14 =	vadd.f32 v17, v14  }
0x1da: {  	v15 =	vadd.f32 v20, v15  }
0x1db: {  	v14 =	vadd.f32 v16, v14  }
0x1dc: {  	(xrf2) =	vadd.scan.msk.f32 $0xffff, v15  }
0x1dd: {  	(xrf2) =	vadd.scan.msk.f32 $0xffff, v14;
	_ =	sdelay $0x1  }
0x1de: {  	v18 =	vsel vm1, v13, v18;
	s0 =	sadd.s32 $0x1, s30;
	v15 =	vsel vm2, v13, v21  }
0x1df: {  	v16 =	vmov s30;
	v13 =	vsel vm3, v13, v19;
	v19 =	vmov s0;
	v14, _, _ =	vpop (xrf2)  }
0x1e0: {  	vm1 =	veq.s32 v16, v0;
	vm2 =	veq.s32 v16, v1;
	vm3 =	veq.s32 v16, v2;
	v17, _, _ =	vpop (xrf2)  }
0x1e1: {  	vm4 =	veq.s32 v16, v3;
	vm5 =	veq.s32 v19, v0;
	v17 =	vbroadcast v17, $0xF  }
0x1e2: {  	vm6 =	veq.s32 v19, v1;
	vm7 =	veq.s32 v19, v3;
	v14 =	vbroadcast v14, $0xF  }
0x1e3: {  	v11 =	vsel vm1, v17, v11;
	vm1 =	veq.s32 v19, v2;
	v15 =	vsel vm2, v17, v15  }
0x1e4: {  	s31 =	sadd.s32 $0x1, s28;
	v16 =	vsel vm3, v17, v18;
	v13 =	vsel vm4, v17, v13;
	v17 =	vmov s28  }
0x1e5: {  	v19 =	vmov s31;
	v11 =	vsel vm5, v14, v11;
	v15 =	vsel vm6, v14, v15;
	v18, _, _ =	vpop (xrf2)  }
0x1e6: {  	v16 =	vsel vm1, v14, v16;
	v13 =	vsel vm7, v14, v13;
	vm1 =	veq.s32 v17, v0;
	v14, _, _ =	vpop (xrf2)  }
0x1e7: {  	vm2 =	veq.s32 v17, v1;
	vm3 =	veq.s32 v17, v2;
	v14 =	vbroadcast v14, $0xF  }
0x1e8: {  	vm12 =	veq.s32 v17, v3;
	vm13 =	veq.s32 v19, v0;
	vm14 =	veq.s32 v19, v1  }
0x1e9: {  	vm15 =	veq.s32 v19, v2;
	v17 =	vbroadcast v18, $0xF;
	v11 =	vsel vm1, v14, v11  }
0x1ea: {  	vm1 =	veq.s32 v19, v3;
	v15 =	vsel vm2, v14, v15;
	v16 =	vsel vm3, v14, v16  }
0x1eb: {  	v13 =	vsel vm12, v14, v13;
	v11 =	vsel vm13, v17, v11;
	v14 =	vsel vm14, v17, v15  }
0x1ec: {  	v15 =	vsel vm15, v17, v16;
	v13 =	vsel vm1, v17, v13;
	v16 =	vmax.f32 v11, v14  }
0x1ed: {  	v13 =	vnsel vm0, $0xF149F2CA, v13;
	v16 =	vmax.f32 v16, v15  }
0x1ee: {  	v16 =	vmax.f32 v16, v13  }
0x1ef: {  	(xrf0) =	vmax.scan.msk.f32 $0xffff, v16;
	_ =	sdelay $0x5  }
0x1f0: {  	v16, _, _ =	vpop (xrf0)  }
0x1f1: {  	v16 =	vbroadcast v16, $0xF;
	_ =	sdelay $0x1  }
0x1f2: {  	v11 =	vsub.f32 v11, v16  }
0x1f3: {  	v14 =	vsub.f32 v14, v16  }
0x1f4: {  	v11 =	vmul.f32 $1.442695020e+00, v11  }
0x1f5: {  	v15 =	vsub.f32 v15, v16;
	v14 =	vmul.f32 $1.442695020e+00, v14  }
0x1f6: {  	(erf) = vpow2.f32 v11  }
0x1f7: {  	v13 =	vsub.f32 v13, v16;
	v11 =	vmul.f32 $1.442695020e+00, v15;
	(erf) = vpow2.f32 v14;
	_ =	sdelay $0x1  }
0x1f8: {  	(erf) = vpow2.f32 v11;
	v11 =	vmul.f32 $1.442695020e+00, v13;
	_ =	sdelay $0x1  }
0x1f9: {  	(erf) = vpow2.f32 v11;
	_ =	sdelay $0x3  }
0x1fa: {  	v11 =	vpop (erf)  }
0x1fb: {  	v13 =	vpop (erf)  }
0x1fc: {  	v14 =	vadd.f32 v13, v11  }
0x1fd: {  	v15 =	vpop (erf)  }
0x1fe: {  	v14 =	vadd.f32 v14, v15  }
0x1ff: {  	v16 =	vpop (erf)  }
0x200: {  	v14 =	vadd.f32 v14, v16;
	_ =	sdelay $0x1  }
0x201: {  	(xrf2) =	vadd.scan.msk.f32 $0xffff, v14;
	_ =	sdelay $0x9  }
0x202: {  	v14, _, _ =	vpop (xrf2)  }
0x203: {  	v14 =	vbroadcast v14, $0xF;
	_ =	sdelay $0x1  }
0x204: {  	(erf) = vrcp.f32 v14;
	_ =	sdelay $0x8  }
0x205: {  	v14 =	vpop (erf)  }
0x206: {  	v17 =	vmul.f32 v14, v11  }
0x207: {  	v11 =	vmul.f32 v14, v13  }
0x208: {  	v13 =	vmul.f32 v14, v15;
	[tilespmem:$0xE800] =	vst v17  }
0x209: {  	v14 =	vmul.f32 v14, v16;
	[tilespmem:$0xE810] =	vst v11  }
0x20a: {  	[tilespmem:$0xE820] =	vst v13  }
0x20b: {  	s3 =	simm.s32 $0xB100;
	[tilespmem:$0xE830] =	vst v14  }
0x20c: {  	v14 =	vld [tilespmem:s3+$0x80]  }
0x20d: {  	v15 =	vld [tilespmem:s3+$0x90]  }
0x20e: {  	v16 =	vld [tilespmem:s3+$0xA0]  }
0x20f: {  	v18 =	vld [tilespmem:s3+$0xB0]  }
0x210: {  	v19 =	vld [tilespmem:s3+$0xC0]  }
0x211: {  	s28 =	simm.s32 $0xE802;
	v20 =	vld [tilespmem:s3+$0xD0]  }
0x212: {  	v11 =	vld.msk [tilespmem:s28+$0x1 ss:$0x0], $0xffff  }
0x213: {  	v21 =	vld [tilespmem:s3+$0x0]  }
0x214: {  	v13 =	vld [tilespmem:s3+$0xFFFFFF00]  }
0x215: {  	v22 =	vld [tilespmem:s3+$0xFFFFFF10]  }
0x216: {  	v23 =	vld [tilespmem:s3+$0xFFFFFF20]  }
0x217: {  	v24 =	vld [tilespmem:s3+$0xFFFFFF30]  }
0x218: {  	v25 =	vld [tilespmem:s3+$0xFFFFFF40]  }
0x219: {  	v26 =	vld [tilespmem:s3+$0xFFFFFF50]  }
0x21a: {  	v27 =	vld [tilespmem:s3+$0xFFFFFF60]  }
0x21b: {  	v17 =	vbroadcast v17, $0x0;
	v28 =	vld [tilespmem:s3+$0xFFFFFF70]  }
0x21c: {  	v29 =	vld [tilespmem:s3+$0x10]  }
0x21d: {  	v31 =	vld [tilespmem:s3+$0xFFFFFF80];
	v30 =	vmul.f32 v13, v17;
	v22 =	vmul.f32 v22, v17  }
0x21e: {  	v34 =	vld.msk [tilespmem:s28+$0xFFFFFFFF ss:$0x0], $0xffff;
	v23 =	vmul.f32 v23, v17;
	v24 =	vmul.f32 v24, v17  }
0x21f: {  	v13 =	vld.msk [tilespmem:s28+$0x0 ss:$0x0], $0xffff;
	v32 =	vmul.f32 v25, v17;
	v26 =	vmul.f32 v26, v17  }
0x220: {  	v33 =	vmul.f32 v27, v17;
	v35 =	vmul.f32 v28, v17;
	v17 =	vld [tilespmem:s3+$0xFFFFFF90]  }
0x221: {  	v25 =	vld [tilespmem:s3+$0xFFFFFFA0]  }
0x222: {  	v28 =	vmul.f32 v14, v11;
	v36 =	vmul.f32 v15, v11;
	v27 =	vld [tilespmem:s3+$0xFFFFFFB0]  }
0x223: {  	v38 =	vimm.f32 $0.0e+00;
	v37 =	vmul.f32 v18, v11;
	v18 =	vld [tilespmem:s3+$0x20];
	v14 =	vmul.f32 v19, v11  }
0x224: {  	v15 =	vmul.f32 v20, v11;
	v30 =	vadd.f32 v30, v38;
	v19 =	vmul.f32 v21, v13;
	v21 =	vld [tilespmem:s3+$0x30]  }
0x225: {  	v39 =	vld [tilespmem:s3+$0x50];
	v22 =	vadd.f32 v22, v38;
	v23 =	vadd.f32 v23, v38;
	v20 =	vmul.f32 v29, v13  }
0x226: {  	v40 =	vld [tilespmem:s3+$0xFFFFFFC0];
	v24 =	vadd.f32 v24, v38;
	v29 =	vmul.f32 v31, v34;
	v17 =	vmul.f32 v17, v34  }
0x227: {  	v41 =	vld [tilespmem:s3+$0xFFFFFFE0];
	v33 =	vadd.f32 v33, v38;
	v25 =	vmul.f32 v25, v34;
	v27 =	vmul.f32 v27, v34  }
0x228: {  	v31 =	vld [tilespmem:s3+$0x40];
	v18 =	vmul.f32 v18, v13;
	v29 =	vadd.f32 v29, v30;
	v17 =	vadd.f32 v17, v22  }
0x229: {  	v30 =	vld [tilespmem:s3+$0xFFFFFFD0];
	v22 =	vadd.f32 v25, v23;
	v23 =	vadd.f32 v27, v24;
	v24 =	vmul.f32 v21, v13  }
0x22a: {  	v42 =	vld [tilespmem:s3+$0xFFFFFFF0];
	v16 =	vmul.f32 v16, v11;
	v19 =	vadd.f32 v19, v29;
	v17 =	vadd.f32 v20, v17  }
0x22b: {  	v27 =	vmul.f32 v40, v34;
	v20 =	vadd.f32 v18, v22;
	v25 =	vadd.f32 v24, v23;
	v24 =	vld [tilespmem:s3+$0x60]  }
0x22c: {  	v22 =	vmul.f32 v39, v13;
	v29 =	vmul.f32 v41, v34;
	v18 =	vadd.f32 v28, v19;
	v23 =	vld [tilespmem:s3+$0x70]  }
0x22d: {  	v21 =	vmul.f32 v31, v13;
	v19 =	vadd.f32 v36, v17;
	v17 =	vadd.f32 v37, v25;
	v25 =	vld [tilespmem:s3+$0xE0]  }
0x22e: {  	v31 =	vadd.f32 v32, v38;
	v28 =	vmul.f32 v30, v34;
	v30 =	vadd.f32 v26, v38;
	v26 =	vld [tilespmem:s3+$0xF0]  }
0x22f: {  	s29 =	simm.s32 $0x0;
	s30 =	simm.s32 $0xB300;
	v32 =	vadd.f32 v35, v38;
	v16 =	vadd.f32 v16, v20;
	v20 =	vld.msk [tilespmem:s28+$0x2 ss:$0x0], $0xffff;
	v34 =	vmul.f32 v42, v34  }
.LBB2_11:
0x230: {  	v35 =	vld [tilespmem:s30+$0x80];
	v27 =	vadd.f32 v27, v31;
	v28 =	vadd.f32 v28, v30;
	v24 =	vmul.f32 v24, v13  }
0x231: {  	v30 =	vld [tilespmem:s30+$0x90];
	v29 =	vadd.f32 v29, v33;
	v31 =	vadd.f32 v34, v32;
	v13 =	vmul.f32 v23, v13  }
0x232: {  	v23 =	vld [tilespmem:s30+$0xA0];
	v21 =	vadd.f32 v21, v27;
	v22 =	vadd.f32 v22, v28;
	v25 =	vmul.f32 v25, v11  }
0x233: {  	v27 =	vld [tilespmem:s30+$0xB0];
	v24 =	vadd.f32 v24, v29;
	v13 =	vadd.f32 v13, v31;
	v11 =	vmul.f32 v26, v11  }
0x234: {  	v26 =	vld [tilespmem:s30+$0xC0];
	v29 =	vadd.f32 v14, v21;
	v32 =	vadd.f32 v15, v22  }
0x235: {  	s28 =	sadd.s32 $0x4, s28;
	v15 =	vld [tilespmem:s30+$0xD0];
	v33 =	vadd.f32 v25, v24;
	v34 =	vadd.f32 v11, v13  }
0x236: {  	v11 =	vld.msk [tilespmem:s28+$0x1 ss:$0x0], $0xffff  }
0x237: {  	v21 =	vld [tilespmem:s30+$0x0]  }
0x238: {  	v13 =	vld [tilespmem:s30+$0xFFFFFF00]  }
0x239: {  	v14 =	vld [tilespmem:s30+$0xFFFFFF10]  }
0x23a: {  	v22 =	vld [tilespmem:s30+$0xFFFFFF20]  }
0x23b: {  	v24 =	vld [tilespmem:s30+$0xFFFFFF30]  }
0x23c: {  	v25 =	vld [tilespmem:s30+$0xFFFFFF40]  }
0x23d: {  	v28 =	vld [tilespmem:s30+$0xFFFFFF50]  }
0x23e: {  	v31 =	vld [tilespmem:s30+$0xFFFFFF60]  }
0x23f: {  	v36 =	vld [tilespmem:s30+$0xFFFFFF70]  }
0x240: {  	v37 =	vld [tilespmem:s30+$0x10]  }
0x241: {  	v38 =	vmul.f32 v13, v20;
	v39 =	vmul.f32 v14, v20;
	v13 =	vld.msk [tilespmem:s28+$0x0 ss:$0x0], $0xffff  }
0x242: {  	v22 =	vmul.f32 v22, v20;
	v24 =	vmul.f32 v24, v20;
	v40 =	vld [tilespmem:s30+$0xFFFFFF80]  }
0x243: {  	v42 =	vmul.f32 v25, v20;
	v43 =	vmul.f32 v28, v20;
	v41 =	vld.msk [tilespmem:s28+$0xFFFFFFFF ss:$0x0], $0xffff  }
0x244: {  	v44 =	vmul.f32 v31, v20;
	v20 =	vmul.f32 v36, v20;
	v25 =	vld [tilespmem:s30+$0xFFFFFF90]  }
0x245: {  	v30 =	vmul.f32 v30, v11;
	v31 =	vmul.f32 v35, v11;
	v28 =	vld [tilespmem:s30+$0xFFFFFFA0]  }
0x246: {  	v45 =	vmul.f32 v27, v11;
	v36 =	vmul.f32 v23, v11;
	v35 =	vld [tilespmem:s30+$0xFFFFFFB0]  }
0x247: {  	v15 =	vmul.f32 v15, v11;
	v14 =	vmul.f32 v26, v11;
	v23 =	vld [tilespmem:s30+$0x20]  }
0x248: {  	v21 =	vmul.f32 v21, v13;
	v26 =	vmul.f32 v37, v13;
	v27 =	vld [tilespmem:s30+$0x30]  }
0x249: {  	v37 =	vmul.f32 v40, v41;
	v25 =	vmul.f32 v25, v41;
	v40 =	vld [tilespmem:s30+$0x40]  }
0x24a: {  	v18 =	vadd.f32 v38, v18;
	v19 =	vadd.f32 v39, v19;
	v28 =	vmul.f32 v28, v41;
	v38 =	vld [tilespmem:s30+$0x50]  }
0x24b: {  	v16 =	vadd.f32 v22, v16;
	v17 =	vadd.f32 v24, v17;
	v22 =	vmul.f32 v35, v41;
	v35 =	vld [tilespmem:s30+$0xFFFFFFC0]  }
0x24c: {  	s29 =	sadd.s32 $0x4, s29;
	v18 =	vadd.f32 v37, v18;
	v19 =	vadd.f32 v25, v19;
	v25 =	vld [tilespmem:s30+$0xFFFFFFD0];
	v23 =	vmul.f32 v23, v13  }
0x24d: {  	p0 =	slt.u32 s29, $0x2C;
	v16 =	vadd.f32 v28, v16;
	v17 =	vadd.f32 v22, v17;
	v37 =	vld [tilespmem:s30+$0xFFFFFFE0];
	v22 =	vmul.f32 v27, v13  }
0x24e: {  	v18 =	vadd.f32 v21, v18;
	v19 =	vadd.f32 v26, v19;
	v39 =	vld [tilespmem:s30+$0xFFFFFFF0];
	v21 =	vmul.f32 v40, v13  }
.Ltmp4:
0x24f: {  	v16 =	vadd.f32 v23, v16;
	v17 =	vadd.f32 v22, v17;
	v22 =	vmul.f32 v38, v13;
	v24 =	vld [tilespmem:s30+$0x60];
	(pc) =	sbr.rel @p0 .LBB2_11-.Ltmp4, $4  }
0x250: {  	v18 =	vadd.f32 v31, v18;
	v19 =	vadd.f32 v30, v19;
	v27 =	vmul.f32 v35, v41;
	v23 =	vld [tilespmem:s30+$0x70]  }
0x251: {  	v16 =	vadd.f32 v36, v16;
	v28 =	vmul.f32 v25, v41;
	v17 =	vadd.f32 v45, v17;
	v25 =	vld [tilespmem:s30+$0xE0]  }
0x252: {  	v31 =	vadd.f32 v42, v29;
	v30 =	vadd.f32 v43, v32;
	v29 =	vmul.f32 v37, v41;
	v26 =	vld [tilespmem:s30+$0xF0]  }
0x253: {  	v33 =	vadd.f32 v44, v33;
	v32 =	vadd.f32 v20, v34;
	s30 =	sadd.s32 $0x200, s30;
	v34 =	vmul.f32 v39, v41;
	v20 =	vld.msk [tilespmem:s28+$0x2 ss:$0x0], $0xffff  }
0x254: {  	v35 =	vld.msk [tilespmem:$0xE831 ss:$0x0], $0xffff  }
0x255: {  	v36 =	vld [tilespmem:$0xC800]  }
0x256: {  	v37 =	vld [tilespmem:$0xC810]  }
0x257: {  	v38 =	vld [tilespmem:$0xC820]  }
0x258: {  	v44 =	vld [tilespmem:$0xC830]  }
0x259: {  	v27 =	vadd.f32 v27, v31;
	v28 =	vadd.f32 v28, v30;
	v45 =	vld [tilespmem:$0xC840];
	v24 =	vmul.f32 v24, v13  }
0x25a: {  	v46 =	vld [tilespmem:$0xC860];
	v29 =	vadd.f32 v29, v33;
	v32 =	vadd.f32 v34, v32;
	v13 =	vmul.f32 v23, v13  }
0x25b: {  	v47 =	vld [tilespmem:$0xC870];
	v21 =	vadd.f32 v21, v27;
	v22 =	vadd.f32 v22, v28  }
0x25c: {  	v23 =	vld [tilespmem:$0xC850];
	v25 =	vmul.f32 v25, v11;
	v24 =	vadd.f32 v24, v29;
	v13 =	vadd.f32 v13, v32  }
0x25d: {  	v11 =	vmul.f32 v26, v11;
	v14 =	vadd.f32 v14, v21;
	v15 =	vadd.f32 v15, v22;
	v21 =	vld [tilespmem:$0xC880]  }
0x25e: {  	v50 =	vld [tilespmem:$0xC890];
	v22 =	vadd.f32 v25, v24;
	v48 =	vmul.f32 v36, v20;
	v49 =	vmul.f32 v37, v20  }
0x25f: {  	v52 =	vld [tilespmem:$0xC8A0];
	v11 =	vadd.f32 v11, v13;
	v13 =	vmul.f32 v38, v20;
	v51 =	vmul.f32 v44, v20  }
0x260: {  	v54 =	vld [tilespmem:$0xC8B0];
	v53 =	vmul.f32 v45, v20;
	v55 =	vmul.f32 v46, v20;
	v18 =	vadd.f32 v48, v18  }
0x261: {  	v13 =	vadd.f32 v13, v16;
	v16 =	vadd.f32 v51, v17;
	v17 =	vmul.f32 v23, v20;
	v23 =	vld [tilespmem:$0xC8C0]  }
0x262: {  	v56 =	vld [tilespmem:$0xC8D0];
	v19 =	vadd.f32 v49, v19;
	v14 =	vadd.f32 v53, v14;
	v21 =	vmul.f32 v21, v35  }
0x263: {  	v57 =	vld [tilespmem:$0xC8E0];
	v15 =	vadd.f32 v17, v15;
	v17 =	vmul.f32 v47, v20;
	v20 =	vmul.f32 v50, v35  }
0x264: {  	v58 =	vld [tilespmem:$0xC8F0];
	v22 =	vadd.f32 v55, v22;
	v18 =	vadd.f32 v21, v18;
	v21 =	vmul.f32 v52, v35  }
0x265: {  	v11 =	vadd.f32 v17, v11;
	v17 =	vadd.f32 v20, v19;
	v19 =	vmul.f32 v54, v35  }
0x266: {  	s0 =	sshll.u32 s25, $0x8;
	v20 =	vmul.f32 v23, v35;
	v13 =	vadd.f32 v21, v13;
	v12 =	vadd.f32 v18, v12  }
0x267: {  	s0 =	sand.u32 $0x3FFFFF00, s0;
	v16 =	vadd.f32 v19, v16;
	v18 =	vmul.f32 v56, v35;
	v5 =	vadd.f32 v17, v5  }
0x268: {  	v17 =	vmul.f32 v57, v35;
	v14 =	vadd.f32 v20, v14;
	[tilespmem:s0+$0xE880] =	vst v12;
	v4 =	vadd.f32 v13, v4  }
0x269: {  	v12 =	vadd.f32 v18, v15;
	v13 =	vmul.f32 v58, v35;
	[tilespmem:s0+$0xE890] =	vst v5;
	v5 =	vadd.f32 v16, v6  }
0x26a: {  	v6 =	vadd.f32 v17, v22;
	[tilespmem:s0+$0xE8A0] =	vst v4;
	v4 =	vadd.f32 v14, v7  }
0x26b: {  	v7 =	vadd.f32 v13, v11;
	[tilespmem:s0+$0xE8B0] =	vst v5;
	v5 =	vadd.f32 v12, v8  }
0x26c: {  	[tilespmem:s0+$0xE8C0] =	vst v4;
	v4 =	vadd.f32 v6, v9  }
0x26d: {  	[tilespmem:s0+$0xE8D0] =	vst v5;
	v5 =	vadd.f32 v7, v10  }
0x26e: {  	[tilespmem:s0+$0xE8E0] =	vst v4  }
0x26f: {  	[tilespmem:s0+$0xE8F0] =	vst v5  }
0x270: {  	_ =	swait.ge [sflag:s14], $0x1900  }
0x271: {  	[sflag:s14] =	ssyncset.done $0x0  }
0x272: {  	[sflag:s14] =	ssyncadd.s32 $0xFFFFE700  }
0x273: {  	_ =	swait.ge [sflag:s14], $0x1900  }
0x274: {  	[sflag:s14] =	ssyncset.done $0x0  }
0x275: {  	[sflag:s14] =	ssyncadd.s32 $0xFFFFE700  }
0x276: {  	_ =	swait.ge [sflag:s14], $0x1900  }
0x277: {  	[sflag:s14] =	ssyncset.done $0x0  }
0x278: {  	[sflag:s14] =	ssyncadd.s32 $0xFFFFE700  }
0x279: {  	_ =	swait.ge [sflag:s15], $0x1900  }
0x27a: {  	[sflag:s15] =	ssyncset.done $0x0  }
0x27b: {  	[sflag:s15] =	ssyncadd.s32 $0xFFFFE700  }
0x27c: {  	_ =	swait.ge [sflag:s15], $0x1900  }
0x27d: {  	[sflag:s15] =	ssyncset.done $0x0  }
0x27e: {  	[sflag:s15] =	ssyncadd.s32 $0xFFFFE700  }
0x27f: {  	_ =	swait.ge [sflag:s15], $0x1900  }
0x280: {  	[sflag:s15] =	ssyncset.done $0x0  }
0x281: {  	[sflag:s15] =	ssyncadd.s32 $0xFFFFE700  }
0x282: {  	_ =	swait.ge [sflag:s16], $0x1900  }
0x283: {  	[sflag:s16] =	ssyncset.done $0x0  }
0x284: {  	[sflag:s16] =	ssyncadd.s32 $0xFFFFE700  }
0x285: {  	_ =	swait.ge [sflag:s16], $0x1900  }
0x286: {  	[sflag:s16] =	ssyncset.done $0x0  }
0x287: {  	p0 =	seq.s32 s25, $0xF;
	[sflag:s16] =	ssyncadd.s32 $0xFFFFE700  }
0x288: {  	s0 =	sshll.u32 @!p0 s25, $0xA;
	_ =	swait.ge [sflag:s16], $0x1900  }
0x289: {  	s3 =	simm.s32 @!p0 $0x32;
	s28 =	sand.u32 @!p0 $0x3FFFFC00, s0;
	[sflag:s16] =	ssyncset.done $0x0  }
0x28a: {  	s29 =	simm.s32 @!p0 $0x4000;
	s0 =	sadd.s32 @!p0 $0x400, s28;
	[sflag:s16] =	ssyncadd.s32 $0xFFFFE700  }
0x28b: {  	[tilespmem:s29], [sflag:$0x1] =	stream.indirect.gather @!p0 [hbm4b:s1+s3], $0x80, s0, s3, $0xb8;
	[tilespmem:$0xF880] =	vst v63  }
0x28c: {  	s29 =	simm.s32 @!p0 $0x7800  }
0x28d: {  	[tilespmem:s29], [sflag:$0x2] =	stream.indirect.gather @!p0 [hbm4b:s2+s3], $0x80, s0, s3, $0xb8;
	[tilespmem:$0xF880] =	vst v63  }
0x28e: {  	s31 =	simm.s32 $0x5D00;
	s29 =	simm.s32 @!p0 $0xB000  }
0x28f: {  	[tilespmem:s29], [sflag:$0x3] =	stream.indirect.gather @!p0 [hbm4b:s4+s3], $0x80, s0, s3, $0xb8;
	[tilespmem:$0xF880] =	vst v63  }
0x290: {  	v8 =	vld [tilespmem:s31+$0x80]  }
0x291: {  	v9 =	vld [tilespmem:s31+$0x90]  }
0x292: {  	v10 =	vld [tilespmem:s31+$0xA0]  }
0x293: {  	v11 =	vld [tilespmem:s31+$0xB0]  }
0x294: {  	v4 =	vld [tilespmem:s31+$0xC0]  }
0x295: {  	v5 =	vld [tilespmem:s31+$0xD0]  }
0x296: {  	v12 =	vld [tilespmem:s31+$0x0]  }
0x297: {  	v13 =	vld [tilespmem:s31+$0x10]  }
0x298: {  	v14 =	vld [tilespmem:s31+$0x20]  }
0x299: {  	v15 =	vld [tilespmem:s31+$0x30]  }
0x29a: {  	v6 =	vld [tilespmem:s31+$0x40]  }
0x29b: {  	v7 =	vld [tilespmem:s31+$0x50]  }
0x29c: {  	v16 =	vld [tilespmem:s31+$0xFFFFFF80]  }
0x29d: {  	v17 =	vld [tilespmem:s31+$0xFFFFFF90]  }
0x29e: {  	v18 =	vld [tilespmem:s31+$0xFFFFFF00]  }
0x29f: {  	v19 =	vld [tilespmem:s31+$0xFFFFFF10]  }
0x2a0: {  	v20 =	vld [tilespmem:s31+$0xFFFFFF20]  }
0x2a1: {  	v21 =	vld [tilespmem:s31+$0xFFFFFF30]  }
0x2a2: {  	v22 =	vld [tilespmem:s31+$0xFFFFFFA0]  }
0x2a3: {  	v23 =	vld [tilespmem:s31+$0xFFFFFFB0]  }
0x2a4: {  	v59 =	vimm.f32 $0.0e+00;
	v63 =	vld [tilespmem:s31+$0xFFFFFF50]  }
0x2a5: {  	v60 =	vld [tilespmem:s31+$0xFFFFFFC0];
	v18 =	vadd.f32 v18, v59;
	v19 =	vadd.f32 v19, v59  }
0x2a6: {  	v61 =	vld [tilespmem:s31+$0xFFFFFFD0];
	v20 =	vadd.f32 v20, v59;
	v21 =	vadd.f32 v21, v59  }
0x2a7: {  	v62 =	vld [tilespmem:s31+$0xFFFFFF40];
	v16 =	vadd.f32 v16, v18;
	v17 =	vadd.f32 v17, v19  }
0x2a8: {  	v18 =	vld [tilespmem:s31+$0xFFFFFF60];
	v19 =	vadd.f32 v22, v20;
	v20 =	vadd.f32 v23, v21  }
0x2a9: {  	v21 =	vld [tilespmem:s31+$0xFFFFFF70];
	v22 =	vadd.f32 v63, v59;
	v16 =	vadd.f32 v12, v16  }
0x2aa: {  	v13 =	vadd.f32 v13, v17;
	v12 =	vld [tilespmem:s31+$0xFFFFFFE0];
	v14 =	vadd.f32 v14, v19  }
0x2ab: {  	v17 =	vadd.f32 v15, v20;
	v15 =	vld [tilespmem:s31+$0xFFFFFFF0];
	v8 =	vadd.f32 v8, v16  }
0x2ac: {  	v9 =	vadd.f32 v9, v13;
	v13 =	vld [tilespmem:s31+$0x60];
	v10 =	vadd.f32 v10, v14  }
0x2ad: {  	v11 =	vadd.f32 v11, v17;
	v17 =	vadd.f32 v62, v59;
	v16 =	vld [tilespmem:s31+$0x70]  }
0x2ae: {  	v14 =	vld [tilespmem:s31+$0xE0];
	v18 =	vadd.f32 v18, v59;
	v19 =	vadd.f32 v21, v59  }
0x2af: {  	s30 =	simm.s32 $0x5F00;
	s29 =	simm.s32 $0x0;
	v21 =	vadd.f32 v61, v22;
	v20 =	vadd.f32 v60, v17;
	v17 =	vld [tilespmem:s31+$0xF0]  }
.LBB2_13:
0x2b0: {  	v22 =	vld [tilespmem:s30+$0x80];
	v12 =	vadd.f32 v12, v18;
	v15 =	vadd.f32 v15, v19  }
0x2b1: {  	v18 =	vld [tilespmem:s30+$0x90];
	v6 =	vadd.f32 v6, v20;
	v7 =	vadd.f32 v7, v21  }
0x2b2: {  	v19 =	vld [tilespmem:s30+$0xA0];
	v12 =	vadd.f32 v13, v12;
	v13 =	vadd.f32 v16, v15  }
0x2b3: {  	v16 =	vld [tilespmem:s30+$0xB0];
	v20 =	vadd.f32 v4, v6;
	v21 =	vadd.f32 v5, v7  }
0x2b4: {  	v4 =	vld [tilespmem:s30+$0xC0];
	v14 =	vadd.f32 v14, v12;
	v17 =	vadd.f32 v17, v13  }
0x2b5: {  	v5 =	vld [tilespmem:s30+$0xD0]  }
0x2b6: {  	v12 =	vld [tilespmem:s30+$0x0]  }
0x2b7: {  	v13 =	vld [tilespmem:s30+$0x10]  }
0x2b8: {  	v15 =	vld [tilespmem:s30+$0x20]  }
0x2b9: {  	v23 =	vld [tilespmem:s30+$0x30]  }
0x2ba: {  	v6 =	vld [tilespmem:s30+$0x40]  }
0x2bb: {  	v7 =	vld [tilespmem:s30+$0x50]  }
0x2bc: {  	v24 =	vld [tilespmem:s30+$0xFFFFFF80]  }
0x2bd: {  	v25 =	vld [tilespmem:s30+$0xFFFFFF90]  }
0x2be: {  	v26 =	vld [tilespmem:s30+$0xFFFFFF00]  }
0x2bf: {  	v27 =	vld [tilespmem:s30+$0xFFFFFF10]  }
0x2c0: {  	v28 =	vld [tilespmem:s30+$0xFFFFFF20]  }
0x2c1: {  	v29 =	vld [tilespmem:s30+$0xFFFFFF30]  }
0x2c2: {  	v30 =	vld [tilespmem:s30+$0xFFFFFFA0]  }
0x2c3: {  	v31 =	vld [tilespmem:s30+$0xFFFFFFB0]  }
0x2c4: {  	v32 =	vld [tilespmem:s30+$0xFFFFFFC0]  }
0x2c5: {  	v8 =	vadd.f32 v26, v8;
	v9 =	vadd.f32 v27, v9;
	v26 =	vld [tilespmem:s30+$0xFFFFFFD0]  }
0x2c6: {  	v10 =	vadd.f32 v28, v10;
	v11 =	vadd.f32 v29, v11;
	v27 =	vld [tilespmem:s30+$0xFFFFFF40]  }
0x2c7: {  	v8 =	vadd.f32 v24, v8;
	v9 =	vadd.f32 v25, v9;
	v28 =	vld [tilespmem:s30+$0xFFFFFF50]  }
0x2c8: {  	v10 =	vadd.f32 v30, v10;
	v24 =	vld [tilespmem:s30+$0xFFFFFF60];
	v11 =	vadd.f32 v31, v11  }
0x2c9: {  	s29 =	sadd.s32 $0x4, s29;
	v8 =	vadd.f32 v12, v8;
	v9 =	vadd.f32 v13, v9;
	v25 =	vld [tilespmem:s30+$0xFFFFFF70]  }
0x2ca: {  	p1 =	slt.u32 s29, $0x2C;
	v10 =	vadd.f32 v15, v10;
	v12 =	vld [tilespmem:s30+$0xFFFFFFE0];
	v11 =	vadd.f32 v23, v11  }
.Ltmp5:
0x2cb: {  	v8 =	vadd.f32 v22, v8;
	v9 =	vadd.f32 v18, v9;
	v15 =	vld [tilespmem:s30+$0xFFFFFFF0];
	(pc) =	sbr.rel @p1 .LBB2_13-.Ltmp5, $4  }
0x2cc: {  	v10 =	vadd.f32 v19, v10;
	v13 =	vld [tilespmem:s30+$0x60];
	v11 =	vadd.f32 v16, v11  }
0x2cd: {  	v20 =	vadd.f32 v27, v20;
	v21 =	vadd.f32 v28, v21;
	v16 =	vld [tilespmem:s30+$0x70]  }
0x2ce: {  	v18 =	vadd.f32 v24, v14;
	v19 =	vadd.f32 v25, v17;
	v14 =	vld [tilespmem:s30+$0xE0]  }
0x2cf: {  	v20 =	vadd.f32 v32, v20;
	v21 =	vadd.f32 v26, v21;
	v17 =	vld [tilespmem:s30+$0xF0];
	s30 =	sadd.s32 $0x200, s30  }
0x2d0: {  	v22 =	vld [tilespmem:$0x7400]  }
0x2d1: {  	v23 =	vld [tilespmem:$0x7410]  }
0x2d2: {  	v24 =	vld [tilespmem:$0x7420]  }
0x2d3: {  	v25 =	vld [tilespmem:$0x7430]  }
0x2d4: {  	v26 =	vld [tilespmem:$0x7440]  }
0x2d5: {  	v27 =	vld [tilespmem:$0x7450]  }
0x2d6: {  	v28 =	vld [tilespmem:$0x7460]  }
0x2d7: {  	v29 =	vld [tilespmem:$0x7470]  }
0x2d8: {  	v30 =	vld [tilespmem:$0x7480]  }
0x2d9: {  	v31 =	vld [tilespmem:$0x7490]  }
0x2da: {  	v32 =	vld [tilespmem:$0x74A0]  }
0x2db: {  	v33 =	vld [tilespmem:$0x74B0]  }
0x2dc: {  	v34 =	vld [tilespmem:$0x74C0]  }
0x2dd: {  	v12 =	vadd.f32 v12, v18;
	v15 =	vadd.f32 v15, v19;
	v18 =	vld [tilespmem:$0x74D0]  }
0x2de: {  	v19 =	vld [tilespmem:$0x74E0];
	v6 =	vadd.f32 v6, v20;
	v7 =	vadd.f32 v7, v21  }
0x2df: {  	s0 =	simm.s32 $0x5C80;
	v12 =	vadd.f32 v13, v12;
	v13 =	vadd.f32 v16, v15;
	v15 =	vld [tilespmem:$0x74F0]  }
0x2e0: {  	v16 =	vld [tilespmem:s0+$0x20];
	v4 =	vadd.f32 v4, v6;
	v5 =	vadd.f32 v5, v7  }
0x2e1: {  	v7 =	vadd.f32 v14, v12;
	v12 =	vadd.f32 v17, v13;
	v13 =	vld [tilespmem:s0+$0x0]  }
0x2e2: {  	v14 =	vld [tilespmem:s0+$0xFFFFFF80];
	v6 =	vadd.f32 v22, v8;
	v8 =	vadd.f32 v23, v9  }
0x2e3: {  	v9 =	vld [tilespmem:s0+$0x10];
	v10 =	vadd.f32 v24, v10;
	v11 =	vadd.f32 v25, v11  }
0x2e4: {  	v17 =	vld [tilespmem:s0+$0xFFFFFF90];
	v6 =	vadd.f32 v30, v6;
	v8 =	vadd.f32 v31, v8  }
0x2e5: {  	v20 =	vadd.f32 v26, v4;
	v23 =	vld [tilespmem:s0+$0x40];
	v4 =	vadd.f32 v32, v10  }
0x2e6: {  	v21 =	vadd.f32 v27, v5;
	v5 =	vmul.f32 $1.999999960e-02, v6;
	v6 =	vmul.f32 $1.999999960e-02, v8;
	v8 =	vld [tilespmem:s0+$0xFFFFFFA0]  }
0x2e7: {  	v22 =	vadd.f32 v28, v7;
	v12 =	vadd.f32 v29, v12;
	v10 =	vld [tilespmem:s0+$0x30];
	v4 =	vmul.f32 $1.999999960e-02, v4  }
0x2e8: {  	v7 =	vadd.f32 v33, v11;
	v11 =	vmul.f32 v13, v5;
	v9 =	vmul.f32 v9, v6;
	v13 =	vld [tilespmem:s0+$0xFFFFFFB0]  }
0x2e9: {  	v24 =	vld [tilespmem:s0+$0x50];
	v20 =	vadd.f32 v34, v20;
	v14 =	vmul.f32 v14, v5;
	v17 =	vmul.f32 v17, v6  }
0x2ea: {  	v7 =	vmul.f32 $1.999999960e-02, v7;
	v16 =	vmul.f32 v16, v4;
	v9 =	vadd.f32 v9, v11;
	v11 =	vld [tilespmem:s0+$0xFFFFFFC0]  }
0x2eb: {  	v18 =	vadd.f32 v18, v21;
	v21 =	vld [tilespmem:s0+$0x60];
	v14 =	vadd.f32 v17, v14;
	v17 =	vmul.f32 v8, v4  }
0x2ec: {  	v10 =	vmul.f32 v10, v7;
	v8 =	vmul.f32 $1.999999960e-02, v20;
	v20 =	vld [tilespmem:s0+$0xFFFFFFD0];
	v16 =	vadd.f32 v16, v9  }
0x2ed: {  	v19 =	vadd.f32 v19, v22;
	v22 =	vld [tilespmem:s0+$0xFFFFFFE0];
	v14 =	vadd.f32 v17, v14;
	v13 =	vmul.f32 v13, v7  }
0x2ee: {  	v9 =	vmul.f32 $1.999999960e-02, v18;
	v17 =	vld [tilespmem:s0+$0x70];
	v18 =	vmul.f32 v23, v8;
	v16 =	vadd.f32 v10, v16  }
0x2ef: {  	v12 =	vadd.f32 v15, v12;
	v13 =	vadd.f32 v13, v14;
	v11 =	vmul.f32 v11, v8;
	v14 =	vld [tilespmem:s0+$0xFFFFFFF0];
	s0 =	simm.s32 $0x5D80  }
0x2f0: {  	v10 =	vmul.f32 $1.999999960e-02, v19;
	v15 =	vmul.f32 v24, v9;
	v16 =	vadd.f32 v18, v16;
	v18 =	vld [tilespmem:s0+$0x20]  }
0x2f1: {  	v19 =	vld [tilespmem:s0+$0x0];
	v20 =	vmul.f32 v20, v9;
	v13 =	vadd.f32 v11, v13  }
0x2f2: {  	v11 =	vmul.f32 $1.999999960e-02, v12;
	v12 =	vmul.f32 v21, v10;
	v15 =	vadd.f32 v15, v16;
	v16 =	vld [tilespmem:s0+$0x10]  }
0x2f3: {  	v21 =	vld [tilespmem:s0+$0xFFFFFF80];
	v13 =	vadd.f32 v20, v13;
	v20 =	vmul.f32 v22, v10  }
0x2f4: {  	v17 =	vmul.f32 v17, v11;
	v12 =	vadd.f32 v12, v15;
	v15 =	vld [tilespmem:s0+$0xFFFFFF90]  }
0x2f5: {  	v14 =	vmul.f32 v14, v11;
	v13 =	vadd.f32 v20, v13;
	v20 =	vld [tilespmem:s0+$0x30]  }
0x2f6: {  	v12 =	vadd.f32 v17, v12;
	v17 =	vld [tilespmem:s0+$0xFFFFFFA0]  }
0x2f7: {  	v19 =	vmul.f32 v19, v5;
	v16 =	vmul.f32 v16, v6;
	v13 =	vadd.f32 v14, v13;
	v14 =	vld [tilespmem:s0+$0x40]  }
0x2f8: {  	v18 =	vmul.f32 v18, v4;
	(xrf2) =	vadd.scan.msk.f32 $0xffff, v12;
	v12 =	vld [tilespmem:s0+$0xFFFFFFB0]  }
0x2f9: {  	s3 =	simm.s32 $0x0;
	v21 =	vmul.f32 v21, v5;
	v15 =	vmul.f32 v15, v6;
	v16 =	vadd.f32 v16, v19;
	v19 =	vld [tilespmem:s0+$0x50];
	(xrf2) =	vadd.scan.msk.f32 $0xffff, v13  }
0x2fa: {  	v26 =	vimm.f32 $0.0e+00;
	v22 =	vmov s3;
	v13 =	vld [tilespmem:s0+$0xFFFFFFC0];
	v20 =	vmul.f32 v20, v7  }
0x2fb: {  	v15 =	vadd.f32 v15, v21;
	v17 =	vmul.f32 v17, v4;
	v16 =	vadd.f32 v18, v16;
	v18 =	vld [tilespmem:s0+$0x60]  }
0x2fc: {  	vm6 =	veq.s32 v22, v0;
	vm4 =	veq.s32 v22, v1;
	v21 =	vld [tilespmem:s0+$0xFFFFFFD0];
	v14 =	vmul.f32 v14, v8  }
0x2fd: {  	s3 =	simm.s32 $0x1;
	v15 =	vadd.f32 v17, v15;
	v12 =	vmul.f32 v12, v7;
	v16 =	vadd.f32 v20, v16;
	v17 =	vld [tilespmem:s0+$0x70]  }
0x2fe: {  	vm5 =	veq.s32 v22, v2;
	v23 =	vmov s3;
	v20 =	vld [tilespmem:s0+$0xFFFFFFE0];
	v19 =	vmul.f32 v19, v9  }
0x2ff: {  	s30 =	simm.s32 $0x5E80;
	v13 =	vmul.f32 v13, v8;
	v12 =	vadd.f32 v12, v15;
	v15 =	vld [tilespmem:s0+$0xFFFFFFF0];
	v14 =	vadd.f32 v14, v16  }
0x300: {  	vm7 =	veq.s32 v22, v3;
	vm8 =	veq.s32 v23, v0;
	v16 =	vld [tilespmem:s30+$0x20];
	v18 =	vmul.f32 v18, v10  }
0x301: {  	v22 =	vld [tilespmem:s30+$0x0];
	v12 =	vadd.f32 v13, v12;
	v13 =	vmul.f32 v21, v9;
	v14 =	vadd.f32 v19, v14  }
0x302: {  	vm2 =	veq.s32 v23, v1;
	vm1 =	veq.s32 v23, v2;
	v21 =	vld [tilespmem:s30+$0x10];
	v19, _, _ =	vpop (xrf2);
	v24 =	vmul.f32 v17, v11  }
0x303: {  	v12 =	vadd.f32 v13, v12;
	v13 =	vmul.f32 v20, v10;
	v18 =	vadd.f32 v18, v14;
	v17, _, _ =	vpop (xrf2)  }
0x304: {  	vm3 =	veq.s32 v23, v3;
	v14 =	vld [tilespmem:s30+$0xFFFFFF80];
	v27 =	vmul.f32 v15, v11;
	v63 =	vbroadcast v17, $0xF  }
0x305: {  	v17 =	vld [tilespmem:s30+$0xFFFFFF90];
	v15 =	vmul.f32 v16, v4;
	v12 =	vadd.f32 v13, v12;
	v18 =	vadd.f32 v24, v18  }
0x306: {  	v20 =	vld [tilespmem:s30+$0x30];
	v13 =	vbroadcast v19, $0xF;
	v24 =	vmul.f32 v22, v5;
	v19 =	vsel vm6, v63, v26  }
0x307: {  	v22 =	vld [tilespmem:s30+$0xFFFFFFA0];
	v25 =	vmul.f32 v21, v6;
	v21 =	vsel vm4, v63, v26;
	v16 =	vadd.f32 v27, v12;
	(xrf2) =	vadd.scan.msk.f32 $0xffff, v18  }
0x308: {  	s31 =	simm.s32 $0x2;
	s29 =	simm.s32 $0x4;
	s3 =	simm.s32 $0x6;
	v23 =	vld [tilespmem:s30+$0x40];
	v12 =	vsel vm8, v13, v19;
	v18 =	vsel vm5, v63, v26;
	v19 =	vsel vm7, v63, v26  }
.LBB2_15:
0x309: {  	p1 =	slt.u32 s3, $0x30;
	v26 =	vld [tilespmem:s30+$0xFFFFFFB0];
	v21 =	vsel vm2, v13, v21;
	v18 =	vsel vm1, v13, v18;
	v19 =	vsel vm3, v13, v19  }
0x30a: {  	v13 =	vmul.f32 v14, v5;
	v14 =	vmul.f32 v17, v6;
	v17 =	vadd.f32 v25, v24;
	v24 =	vld [tilespmem:s30+$0x50];
	(xrf2) =	vadd.scan.msk.f32 $0xffff, v16  }
0x30b: {  	v25 =	vmov s31;
	v16 =	vld [tilespmem:s30+$0xFFFFFFC0];
	v20 =	vmul.f32 v20, v7  }
0x30c: {  	v13 =	vadd.f32 v14, v13;
	v14 =	vmul.f32 v22, v4;
	v15 =	vadd.f32 v15, v17;
	v17 =	vld [tilespmem:s30+$0x60]  }
0x30d: {  	vm5 =	veq.s32 v25, v0;
	vm4 =	veq.s32 v25, v1;
	v22 =	vld [tilespmem:s30+$0xFFFFFFD0];
	v23 =	vmul.f32 v23, v8  }
0x30e: {  	s0 =	sadd.s32 $0x1, s31;
	s31 =	smov.u32 s29;
	s29 =	smov.u32 s3;
	v13 =	vadd.f32 v14, v13;
	v14 =	vmul.f32 v26, v7;
	v15 =	vadd.f32 v20, v15;
	v20 =	vld [tilespmem:s30+$0x70]  }
0x30f: {  	v27 =	vmov s0;
	vm6 =	veq.s32 v25, v2;
	v26 =	vld [tilespmem:s30+$0xFFFFFFE0];
	v24 =	vmul.f32 v24, v9  }
0x310: {  	v13 =	vadd.f32 v14, v13;
	v14 =	vmul.f32 v16, v8;
	v16 =	vld [tilespmem:s30+$0xFFFFFFF0];
	v15 =	vadd.f32 v23, v15;
	s30 =	sadd.s32 $0x100, s30  }
0x311: {  	vm7 =	veq.s32 v25, v3;
	vm8 =	veq.s32 v27, v0;
	v23 =	vld [tilespmem:s30+$0x20];
	v30 =	vmul.f32 v17, v10;
	v25, _, _ =	vpop (xrf2)  }
0x312: {  	v28 =	vld [tilespmem:s30+$0x0];
	v13 =	vadd.f32 v14, v13;
	v14 =	vmul.f32 v22, v9;
	v15 =	vadd.f32 v24, v15  }
0x313: {  	vm2 =	veq.s32 v27, v1;
	vm1 =	veq.s32 v27, v2;
	v29 =	vld [tilespmem:s30+$0x10];
	v20 =	vmul.f32 v20, v11  }
0x314: {  	v13 =	vadd.f32 v14, v13;
	v22 =	vmul.f32 v26, v10;
	v15 =	vadd.f32 v30, v15;
	v17, _, _ =	vpop (xrf2)  }
.Ltmp6:
0x315: {  	vm3 =	veq.s32 v27, v3;
	v14 =	vld [tilespmem:s30+$0xFFFFFF80];
	v16 =	vmul.f32 v16, v11;
	v26 =	vbroadcast v17, $0xF;
	(pc) =	sbr.rel @p1 .LBB2_15-.Ltmp6, $4  }
0x316: {  	v17 =	vld [tilespmem:s30+$0xFFFFFF90];
	v27 =	vadd.f32 v22, v13;
	v30 =	vadd.f32 v20, v15;
	v13 =	vbroadcast v25, $0xF  }
0x317: {  	v15 =	vmul.f32 v23, v4;
	v24 =	vmul.f32 v28, v5;
	v20 =	vld [tilespmem:s30+$0x30];
	v12 =	vsel vm5, v26, v12  }
0x318: {  	v22 =	vld [tilespmem:s30+$0xFFFFFFA0];
	v25 =	vmul.f32 v29, v6;
	v16 =	vadd.f32 v16, v27;
	(xrf2) =	vadd.scan.msk.f32 $0xffff, v30;
	v12 =	vsel vm8, v13, v12  }
0x319: {  	s3 =	sadd.s32 $0x2, s3;
	v21 =	vsel vm4, v26, v21;
	v18 =	vsel vm6, v26, v18;
	v19 =	vsel vm7, v26, v19;
	v23 =	vld [tilespmem:s30+$0x40]  }
0x31a: {  	v26 =	vld [tilespmem:s30+$0xFFFFFFB0]  }
0x31b: {  	v14 =	vmul.f32 v14, v5;
	v17 =	vmul.f32 v17, v6  }
0x31c: {  	v24 =	vadd.f32 v25, v24;
	v25 =	vld [tilespmem:s30+$0xFFFFFFC0]  }
0x31d: {  	v27 =	vld [tilespmem:s30+$0x50];
	v14 =	vadd.f32 v17, v14;
	v17 =	vmul.f32 v22, v4  }
0x31e: {  	v20 =	vmul.f32 v20, v7;
	v15 =	vadd.f32 v15, v24;
	v22 =	vld [tilespmem:s30+$0xFFFFFFD0]  }
0x31f: {  	v24 =	vld [tilespmem:s30+$0x60];
	v14 =	vadd.f32 v17, v14;
	v17 =	vmul.f32 v26, v7  }
0x320: {  	v23 =	vmul.f32 v23, v8;
	v15 =	vadd.f32 v20, v15;
	v20 =	vld [tilespmem:s30+$0xFFFFFFE0]  }
0x321: {  	v26 =	vld [tilespmem:s30+$0x70];
	v14 =	vadd.f32 v17, v14;
	v17 =	vmul.f32 v25, v8  }
0x322: {  	v15 =	vadd.f32 v23, v15;
	v25 =	vmul.f32 v27, v9;
	v27 =	vld [tilespmem:s30+$0xFFFFFFF0]  }
0x323: {  	v14 =	vadd.f32 v17, v14;
	v17 =	vmul.f32 v22, v9  }
0x324: {  	(xrf2) =	vadd.scan.msk.f32 $0xffff, v16;
	v16 =	vmul.f32 v24, v10;
	v15 =	vadd.f32 v25, v15  }
0x325: {  	v14 =	vadd.f32 v17, v14;
	v17 =	vmul.f32 v20, v10  }
0x326: {  	v20 =	vmul.f32 v26, v11;
	v15 =	vadd.f32 v16, v15  }
0x327: {  	v16 =	vmul.f32 v27, v11;
	v14 =	vadd.f32 v17, v14  }
0x328: {  	v15 =	vadd.f32 v20, v15  }
0x329: {  	v14 =	vadd.f32 v16, v14  }
0x32a: {  	(xrf2) =	vadd.scan.msk.f32 $0xffff, v15  }
0x32b: {  	(xrf2) =	vadd.scan.msk.f32 $0xffff, v14;
	_ =	sdelay $0x1  }
0x32c: {  	v18 =	vsel vm1, v13, v18;
	s0 =	sadd.s32 $0x1, s31;
	v15 =	vsel vm2, v13, v21  }
0x32d: {  	v16 =	vmov s31;
	v13 =	vsel vm3, v13, v19;
	v19 =	vmov s0;
	v14, _, _ =	vpop (xrf2)  }
0x32e: {  	vm1 =	veq.s32 v16, v0;
	vm2 =	veq.s32 v16, v1;
	vm3 =	veq.s32 v16, v2;
	v17, _, _ =	vpop (xrf2)  }
0x32f: {  	vm4 =	veq.s32 v16, v3;
	vm5 =	veq.s32 v19, v0;
	v17 =	vbroadcast v17, $0xF  }
0x330: {  	vm6 =	veq.s32 v19, v1;
	vm7 =	veq.s32 v19, v3;
	v14 =	vbroadcast v14, $0xF  }
0x331: {  	v12 =	vsel vm1, v17, v12;
	vm1 =	veq.s32 v19, v2;
	v15 =	vsel vm2, v17, v15  }
0x332: {  	s3 =	sadd.s32 $0x1, s29;
	v16 =	vsel vm3, v17, v18;
	v13 =	vsel vm4, v17, v13;
	v17 =	vmov s29  }
0x333: {  	v19 =	vmov s3;
	v12 =	vsel vm5, v14, v12;
	v15 =	vsel vm6, v14, v15;
	v18, _, _ =	vpop (xrf2)  }
0x334: {  	v16 =	vsel vm1, v14, v16;
	v13 =	vsel vm7, v14, v13;
	vm1 =	veq.s32 v17, v0;
	v14, _, _ =	vpop (xrf2)  }
0x335: {  	vm2 =	veq.s32 v17, v1;
	vm3 =	veq.s32 v17, v2;
	v14 =	vbroadcast v14, $0xF  }
0x336: {  	vm12 =	veq.s32 v17, v3;
	vm13 =	veq.s32 v19, v0;
	vm14 =	veq.s32 v19, v1  }
0x337: {  	vm15 =	veq.s32 v19, v2;
	v17 =	vbroadcast v18, $0xF;
	v12 =	vsel vm1, v14, v12  }
0x338: {  	vm1 =	veq.s32 v19, v3;
	v15 =	vsel vm2, v14, v15;
	v16 =	vsel vm3, v14, v16  }
0x339: {  	v13 =	vsel vm12, v14, v13;
	v12 =	vsel vm13, v17, v12;
	v14 =	vsel vm14, v17, v15  }
0x33a: {  	v15 =	vsel vm15, v17, v16;
	v13 =	vsel vm1, v17, v13;
	v16 =	vmax.f32 v12, v14  }
0x33b: {  	v13 =	vnsel vm0, $0xF149F2CA, v13;
	v16 =	vmax.f32 v16, v15  }
0x33c: {  	v16 =	vmax.f32 v16, v13  }
0x33d: {  	(xrf0) =	vmax.scan.msk.f32 $0xffff, v16;
	_ =	sdelay $0x5  }
0x33e: {  	v16, _, _ =	vpop (xrf0)  }
0x33f: {  	v16 =	vbroadcast v16, $0xF;
	_ =	sdelay $0x1  }
0x340: {  	v12 =	vsub.f32 v12, v16  }
0x341: {  	v14 =	vsub.f32 v14, v16  }
0x342: {  	v12 =	vmul.f32 $1.442695020e+00, v12  }
0x343: {  	v15 =	vsub.f32 v15, v16;
	v14 =	vmul.f32 $1.442695020e+00, v14  }
0x344: {  	(erf) = vpow2.f32 v12  }
0x345: {  	v13 =	vsub.f32 v13, v16;
	v12 =	vmul.f32 $1.442695020e+00, v15;
	(erf) = vpow2.f32 v14;
	_ =	sdelay $0x1  }
0x346: {  	(erf) = vpow2.f32 v12;
	v12 =	vmul.f32 $1.442695020e+00, v13;
	_ =	sdelay $0x1  }
0x347: {  	(erf) = vpow2.f32 v12;
	_ =	sdelay $0x3  }
0x348: {  	v12 =	vpop (erf)  }
0x349: {  	v13 =	vpop (erf)  }
0x34a: {  	v14 =	vadd.f32 v13, v12  }
0x34b: {  	v15 =	vpop (erf)  }
0x34c: {  	v14 =	vadd.f32 v14, v15  }
0x34d: {  	v16 =	vpop (erf)  }
0x34e: {  	v14 =	vadd.f32 v14, v16;
	_ =	sdelay $0x1  }
0x34f: {  	(xrf2) =	vadd.scan.msk.f32 $0xffff, v14;
	_ =	sdelay $0x9  }
0x350: {  	v14, _, _ =	vpop (xrf2)  }
0x351: {  	v14 =	vbroadcast v14, $0xF;
	_ =	sdelay $0x1  }
0x352: {  	(erf) = vrcp.f32 v14;
	_ =	sdelay $0x8  }
0x353: {  	v14 =	vpop (erf)  }
0x354: {  	v12 =	vmul.f32 v14, v12  }
0x355: {  	v13 =	vmul.f32 v14, v13  }
0x356: {  	v15 =	vmul.f32 v14, v15;
	[tilespmem:$0xE800] =	vst v12  }
0x357: {  	v12 =	vmul.f32 v14, v16;
	[tilespmem:$0xE810] =	vst v13  }
0x358: {  	[tilespmem:$0xE820] =	vst v15  }
0x359: {  	s0 =	simm.s32 @!p0 $0x1;
	[tilespmem:$0xE830] =	vst v12  }
0x35a: {  	_ =	swait.ge @!p0 [sflag:s0], $0x1900  }
0x35b: {  	[sflag:s0] =	ssyncset.done @!p0 $0x0  }
0x35c: {  	[sflag:s0] =	ssyncadd.s32 @!p0 $0xFFFFE700;
	s0 =	simm.s32 @!p0 $0x2  }
0x35d: {  	_ =	swait.ge @!p0 [sflag:s0], $0x1900  }
0x35e: {  	[sflag:s0] =	ssyncset.done @!p0 $0x0  }
0x35f: {  	[sflag:s0] =	ssyncadd.s32 @!p0 $0xFFFFE700;
	s0 =	simm.s32 @!p0 $0x3  }
0x360: {  	_ =	swait.ge @!p0 [sflag:s0], $0x1900  }
0x361: {  	s3 =	simm.s32 @!p0 $0x32;
	[sflag:s0] =	ssyncset.done @!p0 $0x0  }
0x362: {  	s29 =	simm.s32 @!p0 $0x4000;
	[sflag:s0] =	ssyncadd.s32 @!p0 $0xFFFFE700;
	s0 =	sadd.s32 @!p0 $0x480, s28  }
0x363: {  	[tilespmem:s29], [sflag:$0x1] =	stream.indirect.gather.add.f32 @!p0 [hbm:s1], $0x80, s0, s3, $0xb8;
	[tilespmem:$0xF880] =	vst v63  }
0x364: {  	s30 =	simm.s32 @!p0 $0x7800  }
0x365: {  	[tilespmem:s30], [sflag:$0x2] =	stream.indirect.gather.add.f32 @!p0 [hbm:s2], $0x80, s0, s3, $0xb8;
	[tilespmem:$0xF880] =	vst v63  }
0x366: {  	s31 =	simm.s32 @!p0 $0xB000  }
0x367: {  	[tilespmem:s31], [sflag:$0x3] =	stream.indirect.gather.add.f32 @!p0 [hbm:s4], $0x80, s0, s3, $0xb8;
	[tilespmem:$0xF880] =	vst v63  }
0x368: {  	s0 =	sadd.s32 @!p0 $0x500, s28  }
0x369: {  	[tilespmem:s29], [sflag:$0x1] =	stream.indirect.gather.add.f32 @!p0 [hbm:s1], $0x80, s0, s3, $0xb8;
	[tilespmem:$0xF880] =	vst v63  }
0x36a: {  	_ = 	snop  }
0x36b: {  	[tilespmem:s30], [sflag:$0x2] =	stream.indirect.gather.add.f32 @!p0 [hbm:s2], $0x80, s0, s3, $0xb8;
	[tilespmem:$0xF880] =	vst v63  }
0x36c: {  	_ = 	snop  }
0x36d: {  	[tilespmem:s31], [sflag:$0x3] =	stream.indirect.gather.add.f32 @!p0 [hbm:s4], $0x80, s0, s3, $0xb8;
	[tilespmem:$0xF880] =	vst v63  }
0x36e: {  	s0 =	sadd.s32 @!p0 $0x580, s28  }
0x36f: {  	[tilespmem:s29], [sflag:$0x1] =	stream.indirect.gather.add.f32 @!p0 [hbm:s1], $0x80, s0, s3, $0xb8;
	[tilespmem:$0xF880] =	vst v63  }
0x370: {  	_ = 	snop  }
0x371: {  	[tilespmem:s30], [sflag:$0x2] =	stream.indirect.gather.add.f32 @!p0 [hbm:s2], $0x80, s0, s3, $0xb8;
	[tilespmem:$0xF880] =	vst v63  }
0x372: {  	_ = 	snop  }
0x373: {  	[tilespmem:s31], [sflag:$0x3] =	stream.indirect.gather.add.f32 @!p0 [hbm:s4], $0x80, s0, s3, $0xb8;
	[tilespmem:$0xF880] =	vst v63  }
0x374: {  	s31 =	simm.s32 $0x9500;
	v14 =	vld.msk [tilespmem:$0xE800 ss:$0x0], $0xffff  }
0x375: {  	v15 =	vld [tilespmem:s31+$0x80]  }
0x376: {  	v16 =	vld [tilespmem:s31+$0x90]  }
0x377: {  	v17 =	vld [tilespmem:s31+$0xA0]  }
0x378: {  	v18 =	vld [tilespmem:s31+$0xB0]  }
0x379: {  	v19 =	vld [tilespmem:s31+$0xC0]  }
0x37a: {  	s28 =	simm.s32 $0xE802;
	v20 =	vld [tilespmem:s31+$0xD0]  }
0x37b: {  	v12 =	vld.msk [tilespmem:s28+$0x1 ss:$0x0], $0xffff  }
0x37c: {  	v21 =	vld [tilespmem:s31+$0x0]  }
0x37d: {  	v13 =	vld [tilespmem:s31+$0xFFFFFF00]  }
0x37e: {  	v22 =	vld [tilespmem:s31+$0xFFFFFF10]  }
0x37f: {  	v23 =	vld [tilespmem:s31+$0xFFFFFF20]  }
0x380: {  	v24 =	vld [tilespmem:s31+$0xFFFFFF30]  }
0x381: {  	v25 =	vld [tilespmem:s31+$0xFFFFFF40]  }
0x382: {  	v26 =	vld [tilespmem:s31+$0xFFFFFF50]  }
0x383: {  	v27 =	vld [tilespmem:s31+$0xFFFFFF60]  }
0x384: {  	v28 =	vld [tilespmem:s31+$0xFFFFFF70]  }
0x385: {  	v29 =	vld [tilespmem:s31+$0x10]  }
0x386: {  	v31 =	vld [tilespmem:s31+$0xFFFFFF80];
	v30 =	vmul.f32 v13, v14;
	v22 =	vmul.f32 v22, v14  }
0x387: {  	v34 =	vld.msk [tilespmem:s28+$0xFFFFFFFF ss:$0x0], $0xffff;
	v23 =	vmul.f32 v23, v14;
	v24 =	vmul.f32 v24, v14  }
0x388: {  	v13 =	vld.msk [tilespmem:s28+$0x0 ss:$0x0], $0xffff;
	v32 =	vmul.f32 v25, v14;
	v26 =	vmul.f32 v26, v14  }
0x389: {  	v33 =	vmul.f32 v27, v14;
	v35 =	vmul.f32 v28, v14;
	v14 =	vld [tilespmem:s31+$0xFFFFFF90]  }
0x38a: {  	v25 =	vld [tilespmem:s31+$0xFFFFFFA0]  }
0x38b: {  	v28 =	vmul.f32 v16, v12;
	v27 =	vld [tilespmem:s31+$0xFFFFFFB0];
	v36 =	vmul.f32 v17, v12  }
0x38c: {  	v38 =	vimm.f32 $0.0e+00;
	v37 =	vmul.f32 v18, v12;
	v18 =	vld [tilespmem:s31+$0x20];
	v16 =	vmul.f32 v19, v12  }
0x38d: {  	v17 =	vmul.f32 v20, v12;
	v30 =	vadd.f32 v30, v38;
	v19 =	vmul.f32 v21, v13;
	v21 =	vld [tilespmem:s31+$0x30]  }
0x38e: {  	v39 =	vld [tilespmem:s31+$0x50];
	v22 =	vadd.f32 v22, v38;
	v23 =	vadd.f32 v23, v38;
	v20 =	vmul.f32 v29, v13  }
0x38f: {  	v40 =	vld [tilespmem:s31+$0xFFFFFFC0];
	v24 =	vadd.f32 v24, v38;
	v29 =	vmul.f32 v31, v34;
	v14 =	vmul.f32 v14, v34  }
0x390: {  	v33 =	vadd.f32 v33, v38;
	v31 =	vld [tilespmem:s31+$0x40];
	v25 =	vmul.f32 v25, v34;
	v27 =	vmul.f32 v27, v34  }
0x391: {  	v41 =	vld [tilespmem:s31+$0xFFFFFFE0];
	v18 =	vmul.f32 v18, v13;
	v29 =	vadd.f32 v29, v30;
	v14 =	vadd.f32 v14, v22  }
0x392: {  	v30 =	vld [tilespmem:s31+$0xFFFFFFD0];
	v22 =	vadd.f32 v25, v23;
	v23 =	vadd.f32 v27, v24;
	v24 =	vmul.f32 v21, v13  }
0x393: {  	v42 =	vld [tilespmem:s31+$0xFFFFFFF0];
	v15 =	vmul.f32 v15, v12;
	v19 =	vadd.f32 v19, v29;
	v14 =	vadd.f32 v20, v14  }
0x394: {  	v25 =	vld [tilespmem:s31+$0x60];
	v27 =	vmul.f32 v40, v34;
	v20 =	vadd.f32 v18, v22;
	v24 =	vadd.f32 v24, v23  }
0x395: {  	v22 =	vmul.f32 v39, v13;
	v21 =	vmul.f32 v31, v13;
	v31 =	vadd.f32 v32, v38;
	v23 =	vld [tilespmem:s31+$0x70]  }
0x396: {  	v29 =	vmul.f32 v41, v34;
	v19 =	vadd.f32 v15, v19;
	v15 =	vadd.f32 v37, v24;
	v24 =	vld [tilespmem:s31+$0xE0]  }
0x397: {  	v18 =	vadd.f32 v28, v14;
	v28 =	vmul.f32 v30, v34;
	v30 =	vadd.f32 v26, v38;
	v26 =	vld [tilespmem:s31+$0xF0]  }
0x398: {  	s29 =	simm.s32 $0x0;
	s30 =	simm.s32 $0x9700;
	v32 =	vadd.f32 v35, v38;
	v14 =	vadd.f32 v36, v20;
	v20 =	vld.msk [tilespmem:s28+$0x2 ss:$0x0], $0xffff;
	v34 =	vmul.f32 v42, v34  }
.LBB2_17:
0x399: {  	v35 =	vld [tilespmem:s30+$0x80];
	v27 =	vadd.f32 v27, v31;
	v28 =	vadd.f32 v28, v30;
	v25 =	vmul.f32 v25, v13  }
0x39a: {  	v30 =	vld [tilespmem:s30+$0x90];
	v29 =	vadd.f32 v29, v33;
	v31 =	vadd.f32 v34, v32;
	v13 =	vmul.f32 v23, v13  }
0x39b: {  	v23 =	vld [tilespmem:s30+$0xA0];
	v21 =	vadd.f32 v21, v27;
	v22 =	vadd.f32 v22, v28;
	v24 =	vmul.f32 v24, v12  }
0x39c: {  	v27 =	vld [tilespmem:s30+$0xB0];
	v25 =	vadd.f32 v25, v29;
	v13 =	vadd.f32 v13, v31;
	v12 =	vmul.f32 v26, v12  }
0x39d: {  	v26 =	vld [tilespmem:s30+$0xC0];
	v29 =	vadd.f32 v16, v21;
	v32 =	vadd.f32 v17, v22  }
0x39e: {  	s28 =	sadd.s32 $0x4, s28;
	v17 =	vld [tilespmem:s30+$0xD0];
	v33 =	vadd.f32 v24, v25;
	v34 =	vadd.f32 v12, v13  }
0x39f: {  	v12 =	vld.msk [tilespmem:s28+$0x1 ss:$0x0], $0xffff  }
0x3a0: {  	v21 =	vld [tilespmem:s30+$0x0]  }
0x3a1: {  	v13 =	vld [tilespmem:s30+$0xFFFFFF00]  }
0x3a2: {  	v16 =	vld [tilespmem:s30+$0xFFFFFF10]  }
0x3a3: {  	v22 =	vld [tilespmem:s30+$0xFFFFFF20]  }
0x3a4: {  	v24 =	vld [tilespmem:s30+$0xFFFFFF30]  }
0x3a5: {  	v25 =	vld [tilespmem:s30+$0xFFFFFF40]  }
0x3a6: {  	v28 =	vld [tilespmem:s30+$0xFFFFFF50]  }
0x3a7: {  	v31 =	vld [tilespmem:s30+$0xFFFFFF60]  }
0x3a8: {  	v36 =	vld [tilespmem:s30+$0xFFFFFF70]  }
0x3a9: {  	v37 =	vld [tilespmem:s30+$0x10]  }
0x3aa: {  	v38 =	vmul.f32 v13, v20;
	v39 =	vmul.f32 v16, v20;
	v13 =	vld.msk [tilespmem:s28+$0x0 ss:$0x0], $0xffff  }
0x3ab: {  	v22 =	vmul.f32 v22, v20;
	v24 =	vmul.f32 v24, v20;
	v40 =	vld [tilespmem:s30+$0xFFFFFF80]  }
0x3ac: {  	v42 =	vmul.f32 v25, v20;
	v43 =	vmul.f32 v28, v20;
	v41 =	vld.msk [tilespmem:s28+$0xFFFFFFFF ss:$0x0], $0xffff  }
0x3ad: {  	v44 =	vmul.f32 v31, v20;
	v20 =	vmul.f32 v36, v20;
	v25 =	vld [tilespmem:s30+$0xFFFFFF90]  }
0x3ae: {  	v30 =	vmul.f32 v30, v12;
	v31 =	vmul.f32 v35, v12;
	v28 =	vld [tilespmem:s30+$0xFFFFFFA0]  }
0x3af: {  	v45 =	vmul.f32 v27, v12;
	v36 =	vmul.f32 v23, v12;
	v35 =	vld [tilespmem:s30+$0xFFFFFFB0]  }
0x3b0: {  	v17 =	vmul.f32 v17, v12;
	v16 =	vmul.f32 v26, v12;
	v23 =	vld [tilespmem:s30+$0x20]  }
0x3b1: {  	v21 =	vmul.f32 v21, v13;
	v26 =	vmul.f32 v37, v13;
	v27 =	vld [tilespmem:s30+$0x30]  }
0x3b2: {  	v37 =	vmul.f32 v40, v41;
	v25 =	vmul.f32 v25, v41;
	v40 =	vld [tilespmem:s30+$0x40]  }
0x3b3: {  	v19 =	vadd.f32 v38, v19;
	v18 =	vadd.f32 v39, v18;
	v28 =	vmul.f32 v28, v41;
	v38 =	vld [tilespmem:s30+$0x50]  }
0x3b4: {  	v14 =	vadd.f32 v22, v14;
	v15 =	vadd.f32 v24, v15;
	v22 =	vmul.f32 v35, v41;
	v24 =	vld [tilespmem:s30+$0xFFFFFFC0]  }
0x3b5: {  	s29 =	sadd.s32 $0x4, s29;
	v19 =	vadd.f32 v37, v19;
	v18 =	vadd.f32 v25, v18;
	v35 =	vld [tilespmem:s30+$0xFFFFFFD0];
	v23 =	vmul.f32 v23, v13  }
0x3b6: {  	p0 =	slt.u32 s29, $0x2C;
	v14 =	vadd.f32 v28, v14;
	v15 =	vadd.f32 v22, v15;
	v37 =	vld [tilespmem:s30+$0xFFFFFFE0];
	v22 =	vmul.f32 v27, v13  }
0x3b7: {  	v19 =	vadd.f32 v21, v19;
	v18 =	vadd.f32 v26, v18;
	v39 =	vld [tilespmem:s30+$0xFFFFFFF0];
	v21 =	vmul.f32 v40, v13  }
.Ltmp7:
0x3b8: {  	v14 =	vadd.f32 v23, v14;
	v15 =	vadd.f32 v22, v15;
	v22 =	vmul.f32 v38, v13;
	v25 =	vld [tilespmem:s30+$0x60];
	(pc) =	sbr.rel @p0 .LBB2_17-.Ltmp7, $4  }
0x3b9: {  	v19 =	vadd.f32 v31, v19;
	v18 =	vadd.f32 v30, v18;
	v27 =	vmul.f32 v24, v41;
	v23 =	vld [tilespmem:s30+$0x70]  }
0x3ba: {  	v14 =	vadd.f32 v36, v14;
	v28 =	vmul.f32 v35, v41;
	v15 =	vadd.f32 v45, v15;
	v24 =	vld [tilespmem:s30+$0xE0]  }
0x3bb: {  	v31 =	vadd.f32 v42, v29;
	v30 =	vadd.f32 v43, v32;
	v29 =	vmul.f32 v37, v41;
	v26 =	vld [tilespmem:s30+$0xF0]  }
0x3bc: {  	v33 =	vadd.f32 v44, v33;
	v32 =	vadd.f32 v20, v34;
	s30 =	sadd.s32 $0x200, s30;
	v34 =	vmul.f32 v39, v41;
	v20 =	vld.msk [tilespmem:s28+$0x2 ss:$0x0], $0xffff  }
0x3bd: {  	v35 =	vld.msk [tilespmem:$0xE831 ss:$0x0], $0xffff  }
0x3be: {  	v36 =	vld [tilespmem:$0xAC00]  }
0x3bf: {  	v37 =	vld [tilespmem:$0xAC10]  }
0x3c0: {  	v38 =	vld [tilespmem:$0xAC20]  }
0x3c1: {  	v39 =	vld [tilespmem:$0xAC30]  }
0x3c2: {  	v40 =	vld [tilespmem:$0xAC40]  }
0x3c3: {  	v41 =	vld [tilespmem:$0xAC50]  }
0x3c4: {  	v42 =	vld [tilespmem:$0xAC60]  }
0x3c5: {  	v55 =	vld [tilespmem:$0xAC70]  }
0x3c6: {  	v27 =	vadd.f32 v27, v31;
	v28 =	vadd.f32 v28, v30;
	v25 =	vmul.f32 v25, v13;
	v56 =	vld [tilespmem:$0xAC80]  }
0x3c7: {  	v58 =	vld [tilespmem:$0xACE0];
	v29 =	vadd.f32 v29, v33;
	v32 =	vadd.f32 v34, v32;
	v13 =	vmul.f32 v23, v13  }
0x3c8: {  	v60 =	vld [tilespmem:$0xACF0];
	v21 =	vadd.f32 v21, v27;
	v22 =	vadd.f32 v22, v28;
	v24 =	vmul.f32 v24, v12  }
0x3c9: {  	s0 =	simm.s32 $0x9480;
	v23 =	vld [tilespmem:$0xAC90];
	v25 =	vadd.f32 v25, v29;
	v13 =	vadd.f32 v13, v32;
	v12 =	vmul.f32 v26, v12  }
0x3ca: {  	v61 =	vld [tilespmem:s0+$0x20];
	v16 =	vadd.f32 v16, v21;
	v17 =	vadd.f32 v17, v22;
	v21 =	vmul.f32 v36, v20  }
0x3cb: {  	v27 =	vld [tilespmem:$0xACA0];
	v24 =	vadd.f32 v24, v25;
	v12 =	vadd.f32 v12, v13;
	v13 =	vmul.f32 v37, v20  }
0x3cc: {  	v22 =	vld [tilespmem:$0xACC0];
	v57 =	vmul.f32 v39, v20;
	v19 =	vadd.f32 v21, v19;
	v21 =	vmul.f32 v38, v20  }
0x3cd: {  	v62 =	vld [tilespmem:s0+$0x10];
	v59 =	vmul.f32 v41, v20;
	v13 =	vadd.f32 v13, v18;
	v18 =	vmul.f32 v40, v20  }
0x3ce: {  	v26 =	vld [tilespmem:$0xACB0];
	v23 =	vmul.f32 v23, v35;
	v14 =	vadd.f32 v21, v14;
	v21 =	vmul.f32 v42, v20  }
0x3cf: {  	v25 =	vld [tilespmem:$0xACD0];
	v15 =	vadd.f32 v57, v15;
	v16 =	vadd.f32 v18, v16;
	v18 =	vmul.f32 v55, v20  }
0x3d0: {  	v20 =	vld [tilespmem:s0+$0x0];
	v13 =	vadd.f32 v23, v13;
	v21 =	vadd.f32 v21, v24;
	v24 =	vmul.f32 v56, v35  }
0x3d1: {  	v23 =	vld [tilespmem:s0+$0xFFFFFF90];
	v22 =	vmul.f32 v22, v35;
	v18 =	vadd.f32 v18, v12;
	v12 =	vmul.f32 v27, v35  }
0x3d2: {  	v17 =	vadd.f32 v59, v17;
	v27 =	vld [tilespmem:s0+$0xFFFFFF80];
	v19 =	vadd.f32 v24, v19  }
0x3d3: {  	v26 =	vmul.f32 v26, v35;
	v16 =	vadd.f32 v22, v16;
	v22 =	vld [tilespmem:s0+$0x40];
	v14 =	vadd.f32 v12, v14  }
0x3d4: {  	v12 =	vadd.f32 v19, v5;
	v5 =	vadd.f32 v13, v6;
	v13 =	vld [tilespmem:s0+$0xFFFFFFA0]  }
0x3d5: {  	v15 =	vadd.f32 v26, v15;
	v24 =	vld [tilespmem:s0+$0x30];
	v6 =	vmul.f32 v25, v35;
	v19 =	vmul.f32 v58, v35  }
0x3d6: {  	v4 =	vadd.f32 v14, v4;
	v25 =	vld [tilespmem:s0+$0xFFFFFFB0];
	v14 =	vmul.f32 v20, v12;
	v20 =	vmul.f32 v62, v5  }
0x3d7: {  	v17 =	vadd.f32 v6, v17;
	v26 =	vmul.f32 v27, v12;
	v23 =	vmul.f32 v23, v5;
	v27 =	vld [tilespmem:s0+$0x50]  }
0x3d8: {  	v6 =	vadd.f32 v15, v7;
	v15 =	vmul.f32 v61, v4;
	v14 =	vadd.f32 v20, v14;
	v20 =	vld [tilespmem:s0+$0xFFFFFFC0]  }
0x3d9: {  	v19 =	vadd.f32 v19, v21;
	v21 =	vadd.f32 v23, v26;
	v23 =	vld [tilespmem:s0+$0x60];
	v13 =	vmul.f32 v13, v4  }
0x3da: {  	v7 =	vadd.f32 v16, v8;
	v16 =	vmul.f32 v24, v6;
	v14 =	vadd.f32 v15, v14;
	v15 =	vld [tilespmem:s0+$0xFFFFFFD0]  }
0x3db: {  	v24 =	vmul.f32 v60, v35;
	v13 =	vadd.f32 v13, v21;
	v21 =	vmul.f32 v25, v6;
	v25 =	vld [tilespmem:s0+$0x70]  }
0x3dc: {  	v8 =	vadd.f32 v17, v9;
	v17 =	vmul.f32 v22, v7;
	v14 =	vadd.f32 v16, v14;
	v16 =	vld [tilespmem:s0+$0xFFFFFFE0]  }
0x3dd: {  	v13 =	vadd.f32 v21, v13;
	v21 =	vld [tilespmem:s0+$0xFFFFFFF0];
	s0 =	simm.s32 $0x9580  }
0x3de: {  	v18 =	vadd.f32 v24, v18;
	v20 =	vmul.f32 v20, v7;
	v14 =	vadd.f32 v17, v14;
	v17 =	vld [tilespmem:s0+$0x20]  }
0x3df: {  	v9 =	vadd.f32 v19, v10;
	v19 =	vmul.f32 v27, v8;
	v22 =	vld [tilespmem:s0+$0x0]  }
0x3e0: {  	v10 =	vadd.f32 v18, v11;
	v18 =	vld [tilespmem:s0+$0x10];
	v13 =	vadd.f32 v20, v13;
	v15 =	vmul.f32 v15, v8  }
0x3e1: {  	v11 =	vmul.f32 v23, v9;
	v24 =	vld [tilespmem:s0+$0xFFFFFFF0];
	v14 =	vadd.f32 v19, v14  }
0x3e2: {  	v13 =	vadd.f32 v15, v13;
	v15 =	vmul.f32 v16, v9;
	v16 =	vld [tilespmem:s0+$0xFFFFFF80]  }
0x3e3: {  	v19 =	vmul.f32 v25, v10;
	v11 =	vadd.f32 v11, v14;
	v14 =	vld [tilespmem:s0+$0xFFFFFF90]  }
0x3e4: {  	v20 =	vmul.f32 v21, v10;
	v13 =	vadd.f32 v15, v13;
	v15 =	vld [tilespmem:s0+$0x30]  }
0x3e5: {  	v21 =	vmul.f32 v22, v12;
	v18 =	vmul.f32 v18, v5;
	v11 =	vadd.f32 v19, v11;
	v19 =	vld [tilespmem:s0+$0xFFFFFFA0]  }
0x3e6: {  	v13 =	vadd.f32 v20, v13;
	v20 =	vld [tilespmem:s0+$0x40]  }
0x3e7: {  	v17 =	vmul.f32 v17, v4;
	v18 =	vadd.f32 v18, v21;
	(xrf2) =	vadd.scan.msk.f32 $0xffff, v11;
	v11 =	vld [tilespmem:s0+$0xFFFFFFB0]  }
0x3e8: {  	s31 =	simm.s32 $0x1;
	v21 =	vld [tilespmem:s0+$0x50];
	v16 =	vmul.f32 v16, v12;
	v14 =	vmul.f32 v14, v5;
	(xrf2) =	vadd.scan.msk.f32 $0xffff, v13  }
0x3e9: {  	v26 =	vimm.f32 $0.0e+00;
	v23 =	vmov s31;
	v13 =	vld [tilespmem:s0+$0xFFFFFFC0];
	v17 =	vadd.f32 v17, v18  }
0x3ea: {  	v18 =	vld [tilespmem:s0+$0x60];
	v15 =	vmul.f32 v15, v6;
	v14 =	vadd.f32 v14, v16;
	v16 =	vmul.f32 v19, v4  }
0x3eb: {  	vm8 =	veq.s32 v23, v0;
	vm2 =	veq.s32 v23, v1;
	v19 =	vld [tilespmem:s0+$0xFFFFFFD0];
	v20 =	vmul.f32 v20, v7  }
0x3ec: {  	v15 =	vadd.f32 v15, v17;
	v14 =	vadd.f32 v16, v14;
	v11 =	vmul.f32 v11, v6;
	v16 =	vld [tilespmem:s0+$0x70]  }
0x3ed: {  	vm1 =	veq.s32 v23, v2;
	vm3 =	veq.s32 v23, v3;
	v17 =	vld [tilespmem:s0+$0xFFFFFFE0];
	v21 =	vmul.f32 v21, v8  }
0x3ee: {  	s3 =	simm.s32 $0x0;
	s29 =	simm.s32 $0x9680;
	v13 =	vmul.f32 v13, v7;
	v11 =	vadd.f32 v11, v14;
	v14 =	vadd.f32 v20, v15  }
0x3ef: {  	v22 =	vmov s3;
	v27 =	vmul.f32 v24, v10;
	v18 =	vmul.f32 v18, v9;
	v20 =	vld [tilespmem:s29+$0x0]  }
0x3f0: {  	v15 =	vld [tilespmem:s29+$0x20];
	v11 =	vadd.f32 v13, v11;
	v13 =	vmul.f32 v19, v8;
	v14 =	vadd.f32 v21, v14  }
0x3f1: {  	vm6 =	veq.s32 v22, v0;
	vm4 =	veq.s32 v22, v1;
	v21 =	vld [tilespmem:s29+$0x10];
	v19, _, _ =	vpop (xrf2);
	v16 =	vmul.f32 v16, v10  }
0x3f2: {  	v11 =	vadd.f32 v13, v11;
	v13 =	vmul.f32 v17, v9;
	v18 =	vadd.f32 v18, v14;
	v17, _, _ =	vpop (xrf2)  }
0x3f3: {  	vm5 =	veq.s32 v22, v2;
	vm7 =	veq.s32 v22, v3;
	v14 =	vld [tilespmem:s29+$0xFFFFFF80];
	v63 =	vbroadcast v17, $0xF  }
0x3f4: {  	v17 =	vld [tilespmem:s29+$0xFFFFFF90];
	v24 =	vmul.f32 v20, v12;
	v11 =	vadd.f32 v13, v11;
	v18 =	vadd.f32 v16, v18  }
0x3f5: {  	v15 =	vmul.f32 v15, v4;
	v20 =	vld [tilespmem:s29+$0x30];
	v13 =	vbroadcast v19, $0xF;
	v19 =	vsel vm6, v63, v26  }
0x3f6: {  	v22 =	vld [tilespmem:s29+$0xFFFFFFA0];
	v25 =	vmul.f32 v21, v5;
	v21 =	vsel vm4, v63, v26;
	v16 =	vadd.f32 v27, v11;
	(xrf2) =	vadd.scan.msk.f32 $0xffff, v18  }
0x3f7: {  	s30 =	simm.s32 $0x2;
	s28 =	simm.s32 $0x4;
	v23 =	vld [tilespmem:s29+$0x40];
	s3 =	simm.s32 $0x6;
	v11 =	vsel vm8, v13, v19;
	v18 =	vsel vm5, v63, v26;
	v19 =	vsel vm7, v63, v26  }
.LBB2_19:
0x3f8: {  	p0 =	slt.u32 s3, $0x30;
	v26 =	vld [tilespmem:s29+$0xFFFFFFB0];
	v21 =	vsel vm2, v13, v21;
	v18 =	vsel vm1, v13, v18;
	v19 =	vsel vm3, v13, v19  }
0x3f9: {  	v13 =	vmul.f32 v14, v12;
	v14 =	vmul.f32 v17, v5;
	v17 =	vadd.f32 v25, v24;
	v24 =	vld [tilespmem:s29+$0x50];
	(xrf2) =	vadd.scan.msk.f32 $0xffff, v16  }
0x3fa: {  	v25 =	vmov s30;
	v16 =	vld [tilespmem:s29+$0xFFFFFFC0];
	v20 =	vmul.f32 v20, v6  }
0x3fb: {  	v13 =	vadd.f32 v14, v13;
	v14 =	vmul.f32 v22, v4;
	v15 =	vadd.f32 v15, v17;
	v17 =	vld [tilespmem:s29+$0x60]  }
0x3fc: {  	vm5 =	veq.s32 v25, v0;
	vm4 =	veq.s32 v25, v1;
	v22 =	vld [tilespmem:s29+$0xFFFFFFD0];
	v23 =	vmul.f32 v23, v7  }
0x3fd: {  	s0 =	sadd.s32 $0x1, s30;
	s30 =	smov.u32 s28;
	s28 =	smov.u32 s3;
	v13 =	vadd.f32 v14, v13;
	v14 =	vmul.f32 v26, v6;
	v15 =	vadd.f32 v20, v15;
	v20 =	vld [tilespmem:s29+$0x70]  }
0x3fe: {  	v27 =	vmov s0;
	vm6 =	veq.s32 v25, v2;
	v26 =	vld [tilespmem:s29+$0xFFFFFFE0];
	v24 =	vmul.f32 v24, v8  }
0x3ff: {  	v13 =	vadd.f32 v14, v13;
	v14 =	vmul.f32 v16, v7;
	v16 =	vld [tilespmem:s29+$0xFFFFFFF0];
	v15 =	vadd.f32 v23, v15;
	s29 =	sadd.s32 $0x100, s29  }
0x400: {  	vm7 =	veq.s32 v25, v3;
	vm8 =	veq.s32 v27, v0;
	v23 =	vld [tilespmem:s29+$0x20];
	v30 =	vmul.f32 v17, v9;
	v25, _, _ =	vpop (xrf2)  }
0x401: {  	v28 =	vld [tilespmem:s29+$0x0];
	v13 =	vadd.f32 v14, v13;
	v14 =	vmul.f32 v22, v8;
	v15 =	vadd.f32 v24, v15  }
0x402: {  	vm2 =	veq.s32 v27, v1;
	vm1 =	veq.s32 v27, v2;
	v29 =	vld [tilespmem:s29+$0x10];
	v20 =	vmul.f32 v20, v10  }
0x403: {  	v13 =	vadd.f32 v14, v13;
	v22 =	vmul.f32 v26, v9;
	v15 =	vadd.f32 v30, v15;
	v17, _, _ =	vpop (xrf2)  }
.Ltmp8:
0x404: {  	vm3 =	veq.s32 v27, v3;
	v14 =	vld [tilespmem:s29+$0xFFFFFF80];
	v16 =	vmul.f32 v16, v10;
	v26 =	vbroadcast v17, $0xF;
	(pc) =	sbr.rel @p0 .LBB2_19-.Ltmp8, $4  }
0x405: {  	v17 =	vld [tilespmem:s29+$0xFFFFFF90];
	v27 =	vadd.f32 v22, v13;
	v30 =	vadd.f32 v20, v15;
	v13 =	vbroadcast v25, $0xF  }
0x406: {  	v15 =	vmul.f32 v23, v4;
	v24 =	vmul.f32 v28, v12;
	v20 =	vld [tilespmem:s29+$0x30];
	v11 =	vsel vm5, v26, v11  }
0x407: {  	v22 =	vld [tilespmem:s29+$0xFFFFFFA0];
	v25 =	vmul.f32 v29, v5;
	v16 =	vadd.f32 v16, v27;
	(xrf2) =	vadd.scan.msk.f32 $0xffff, v30;
	v11 =	vsel vm8, v13, v11  }
0x408: {  	s3 =	sadd.s32 $0x2, s3;
	v21 =	vsel vm4, v26, v21;
	v18 =	vsel vm6, v26, v18;
	v19 =	vsel vm7, v26, v19;
	v23 =	vld [tilespmem:s29+$0x40]  }
0x409: {  	v26 =	vld [tilespmem:s29+$0xFFFFFFB0]  }
0x40a: {  	v14 =	vmul.f32 v14, v12;
	v17 =	vmul.f32 v17, v5  }
0x40b: {  	v24 =	vadd.f32 v25, v24;
	v25 =	vld [tilespmem:s29+$0xFFFFFFC0]  }
0x40c: {  	v27 =	vld [tilespmem:s29+$0x50];
	v14 =	vadd.f32 v17, v14;
	v17 =	vmul.f32 v22, v4  }
0x40d: {  	v20 =	vmul.f32 v20, v6;
	v15 =	vadd.f32 v15, v24;
	v22 =	vld [tilespmem:s29+$0xFFFFFFD0]  }
0x40e: {  	v24 =	vld [tilespmem:s29+$0x60];
	v14 =	vadd.f32 v17, v14;
	v17 =	vmul.f32 v26, v6  }
0x40f: {  	v23 =	vmul.f32 v23, v7;
	v15 =	vadd.f32 v20, v15;
	v20 =	vld [tilespmem:s29+$0xFFFFFFE0]  }
0x410: {  	v26 =	vld [tilespmem:s29+$0x70];
	v14 =	vadd.f32 v17, v14;
	v17 =	vmul.f32 v25, v7  }
0x411: {  	v15 =	vadd.f32 v23, v15;
	v25 =	vmul.f32 v27, v8;
	v27 =	vld [tilespmem:s29+$0xFFFFFFF0]  }
0x412: {  	v14 =	vadd.f32 v17, v14;
	v17 =	vmul.f32 v22, v8  }
0x413: {  	(xrf2) =	vadd.scan.msk.f32 $0xffff, v16;
	v16 =	vmul.f32 v24, v9;
	v15 =	vadd.f32 v25, v15  }
0x414: {  	v14 =	vadd.f32 v17, v14;
	v17 =	vmul.f32 v20, v9  }
0x415: {  	v20 =	vmul.f32 v26, v10;
	v15 =	vadd.f32 v16, v15  }
0x416: {  	v16 =	vmul.f32 v27, v10;
	v14 =	vadd.f32 v17, v14  }
0x417: {  	v15 =	vadd.f32 v20, v15  }
0x418: {  	v14 =	vadd.f32 v16, v14  }
0x419: {  	(xrf2) =	vadd.scan.msk.f32 $0xffff, v15  }
0x41a: {  	(xrf2) =	vadd.scan.msk.f32 $0xffff, v14;
	_ =	sdelay $0x1  }
0x41b: {  	v18 =	vsel vm1, v13, v18;
	s0 =	sadd.s32 $0x1, s30;
	v15 =	vsel vm2, v13, v21  }
0x41c: {  	v16 =	vmov s30;
	v13 =	vsel vm3, v13, v19;
	v19 =	vmov s0;
	v14, _, _ =	vpop (xrf2)  }
0x41d: {  	vm1 =	veq.s32 v16, v0;
	vm2 =	veq.s32 v16, v1;
	vm3 =	veq.s32 v16, v2;
	v17, _, _ =	vpop (xrf2)  }
0x41e: {  	vm4 =	veq.s32 v16, v3;
	vm5 =	veq.s32 v19, v0;
	v17 =	vbroadcast v17, $0xF  }
0x41f: {  	vm6 =	veq.s32 v19, v1;
	vm7 =	veq.s32 v19, v3;
	v14 =	vbroadcast v14, $0xF  }
0x420: {  	v11 =	vsel vm1, v17, v11;
	vm1 =	veq.s32 v19, v2;
	v15 =	vsel vm2, v17, v15  }
0x421: {  	s31 =	sadd.s32 $0x1, s28;
	v16 =	vsel vm3, v17, v18;
	v13 =	vsel vm4, v17, v13;
	v17 =	vmov s28  }
0x422: {  	v19 =	vmov s31;
	v11 =	vsel vm5, v14, v11;
	v15 =	vsel vm6, v14, v15;
	v18, _, _ =	vpop (xrf2)  }
0x423: {  	v16 =	vsel vm1, v14, v16;
	v13 =	vsel vm7, v14, v13;
	vm1 =	veq.s32 v17, v0;
	v14, _, _ =	vpop (xrf2)  }
0x424: {  	vm2 =	veq.s32 v17, v1;
	vm3 =	veq.s32 v17, v2;
	v14 =	vbroadcast v14, $0xF  }
0x425: {  	vm12 =	veq.s32 v17, v3;
	vm13 =	veq.s32 v19, v0;
	vm14 =	veq.s32 v19, v1  }
0x426: {  	vm15 =	veq.s32 v19, v2;
	v17 =	vbroadcast v18, $0xF;
	v11 =	vsel vm1, v14, v11  }
0x427: {  	vm1 =	veq.s32 v19, v3;
	v15 =	vsel vm2, v14, v15;
	v16 =	vsel vm3, v14, v16  }
0x428: {  	v13 =	vsel vm12, v14, v13;
	v11 =	vsel vm13, v17, v11;
	v14 =	vsel vm14, v17, v15  }
0x429: {  	v15 =	vsel vm15, v17, v16;
	v13 =	vsel vm1, v17, v13;
	v16 =	vmax.f32 v11, v14  }
0x42a: {  	v13 =	vnsel vm0, $0xF149F2CA, v13;
	v16 =	vmax.f32 v16, v15  }
0x42b: {  	v16 =	vmax.f32 v16, v13  }
0x42c: {  	(xrf0) =	vmax.scan.msk.f32 $0xffff, v16;
	_ =	sdelay $0x5  }
0x42d: {  	v16, _, _ =	vpop (xrf0)  }
0x42e: {  	v16 =	vbroadcast v16, $0xF;
	_ =	sdelay $0x1  }
0x42f: {  	v11 =	vsub.f32 v11, v16  }
0x430: {  	v14 =	vsub.f32 v14, v16  }
0x431: {  	v11 =	vmul.f32 $1.442695020e+00, v11  }
0x432: {  	v15 =	vsub.f32 v15, v16;
	v14 =	vmul.f32 $1.442695020e+00, v14  }
0x433: {  	(erf) = vpow2.f32 v11  }
0x434: {  	v13 =	vsub.f32 v13, v16;
	v11 =	vmul.f32 $1.442695020e+00, v15;
	(erf) = vpow2.f32 v14;
	_ =	sdelay $0x1  }
0x435: {  	(erf) = vpow2.f32 v11;
	v11 =	vmul.f32 $1.442695020e+00, v13;
	_ =	sdelay $0x1  }
0x436: {  	(erf) = vpow2.f32 v11;
	_ =	sdelay $0x3  }
0x437: {  	v11 =	vpop (erf)  }
0x438: {  	v13 =	vpop (erf)  }
0x439: {  	v14 =	vadd.f32 v13, v11  }
0x43a: {  	v15 =	vpop (erf)  }
0x43b: {  	v14 =	vadd.f32 v14, v15  }
0x43c: {  	v16 =	vpop (erf)  }
0x43d: {  	v14 =	vadd.f32 v14, v16;
	_ =	sdelay $0x1  }
0x43e: {  	(xrf2) =	vadd.scan.msk.f32 $0xffff, v14;
	_ =	sdelay $0x9  }
0x43f: {  	v14, _, _ =	vpop (xrf2)  }
0x440: {  	v14 =	vbroadcast v14, $0xF;
	_ =	sdelay $0x1  }
0x441: {  	(erf) = vrcp.f32 v14;
	_ =	sdelay $0x8  }
0x442: {  	v14 =	vpop (erf)  }
0x443: {  	v17 =	vmul.f32 v14, v11  }
0x444: {  	v11 =	vmul.f32 v14, v13  }
0x445: {  	v13 =	vmul.f32 v14, v15;
	[tilespmem:$0xE800] =	vst v17  }
0x446: {  	v14 =	vmul.f32 v14, v16;
	[tilespmem:$0xE810] =	vst v11  }
0x447: {  	[tilespmem:$0xE820] =	vst v13  }
0x448: {  	s3 =	simm.s32 $0xCD00;
	[tilespmem:$0xE830] =	vst v14  }
0x449: {  	v14 =	vld [tilespmem:s3+$0x80]  }
0x44a: {  	v15 =	vld [tilespmem:s3+$0x90]  }
0x44b: {  	v16 =	vld [tilespmem:s3+$0xA0]  }
0x44c: {  	v18 =	vld [tilespmem:s3+$0xB0]  }
0x44d: {  	v19 =	vld [tilespmem:s3+$0xC0]  }
0x44e: {  	s28 =	simm.s32 $0xE802;
	v20 =	vld [tilespmem:s3+$0xD0]  }
0x44f: {  	v11 =	vld.msk [tilespmem:s28+$0x1 ss:$0x0], $0xffff  }
0x450: {  	v21 =	vld [tilespmem:s3+$0x0]  }
0x451: {  	v13 =	vld [tilespmem:s3+$0xFFFFFF00]  }
0x452: {  	v22 =	vld [tilespmem:s3+$0xFFFFFF10]  }
0x453: {  	v23 =	vld [tilespmem:s3+$0xFFFFFF20]  }
0x454: {  	v24 =	vld [tilespmem:s3+$0xFFFFFF30]  }
0x455: {  	v25 =	vld [tilespmem:s3+$0xFFFFFF40]  }
0x456: {  	v26 =	vld [tilespmem:s3+$0xFFFFFF50]  }
0x457: {  	v27 =	vld [tilespmem:s3+$0xFFFFFF60]  }
0x458: {  	v17 =	vbroadcast v17, $0x0;
	v28 =	vld [tilespmem:s3+$0xFFFFFF70]  }
0x459: {  	v29 =	vld [tilespmem:s3+$0x10]  }
0x45a: {  	v31 =	vld [tilespmem:s3+$0xFFFFFF80];
	v30 =	vmul.f32 v13, v17;
	v22 =	vmul.f32 v22, v17  }
0x45b: {  	v34 =	vld.msk [tilespmem:s28+$0xFFFFFFFF ss:$0x0], $0xffff;
	v23 =	vmul.f32 v23, v17;
	v24 =	vmul.f32 v24, v17  }
0x45c: {  	v13 =	vld.msk [tilespmem:s28+$0x0 ss:$0x0], $0xffff;
	v32 =	vmul.f32 v25, v17;
	v26 =	vmul.f32 v26, v17  }
0x45d: {  	v33 =	vmul.f32 v27, v17;
	v35 =	vmul.f32 v28, v17;
	v17 =	vld [tilespmem:s3+$0xFFFFFF90]  }
0x45e: {  	v25 =	vld [tilespmem:s3+$0xFFFFFFA0]  }
0x45f: {  	v28 =	vmul.f32 v14, v11;
	v36 =	vmul.f32 v15, v11;
	v27 =	vld [tilespmem:s3+$0xFFFFFFB0]  }
0x460: {  	v38 =	vimm.f32 $0.0e+00;
	v37 =	vmul.f32 v18, v11;
	v18 =	vld [tilespmem:s3+$0x20];
	v14 =	vmul.f32 v19, v11  }
0x461: {  	v15 =	vmul.f32 v20, v11;
	v30 =	vadd.f32 v30, v38;
	v19 =	vmul.f32 v21, v13;
	v21 =	vld [tilespmem:s3+$0x30]  }
0x462: {  	v39 =	vld [tilespmem:s3+$0x50];
	v22 =	vadd.f32 v22, v38;
	v23 =	vadd.f32 v23, v38;
	v20 =	vmul.f32 v29, v13  }
0x463: {  	v40 =	vld [tilespmem:s3+$0xFFFFFFC0];
	v24 =	vadd.f32 v24, v38;
	v29 =	vmul.f32 v31, v34;
	v17 =	vmul.f32 v17, v34  }
0x464: {  	v41 =	vld [tilespmem:s3+$0xFFFFFFE0];
	v33 =	vadd.f32 v33, v38;
	v25 =	vmul.f32 v25, v34;
	v27 =	vmul.f32 v27, v34  }
0x465: {  	v31 =	vld [tilespmem:s3+$0x40];
	v18 =	vmul.f32 v18, v13;
	v29 =	vadd.f32 v29, v30;
	v17 =	vadd.f32 v17, v22  }
0x466: {  	v30 =	vld [tilespmem:s3+$0xFFFFFFD0];
	v22 =	vadd.f32 v25, v23;
	v23 =	vadd.f32 v27, v24;
	v24 =	vmul.f32 v21, v13  }
0x467: {  	v42 =	vld [tilespmem:s3+$0xFFFFFFF0];
	v16 =	vmul.f32 v16, v11;
	v19 =	vadd.f32 v19, v29;
	v17 =	vadd.f32 v20, v17  }
0x468: {  	v27 =	vmul.f32 v40, v34;
	v20 =	vadd.f32 v18, v22;
	v25 =	vadd.f32 v24, v23;
	v24 =	vld [tilespmem:s3+$0x60]  }
0x469: {  	v22 =	vmul.f32 v39, v13;
	v29 =	vmul.f32 v41, v34;
	v18 =	vadd.f32 v28, v19;
	v23 =	vld [tilespmem:s3+$0x70]  }
0x46a: {  	v21 =	vmul.f32 v31, v13;
	v19 =	vadd.f32 v36, v17;
	v17 =	vadd.f32 v37, v25;
	v25 =	vld [tilespmem:s3+$0xE0]  }
0x46b: {  	v31 =	vadd.f32 v32, v38;
	v28 =	vmul.f32 v30, v34;
	v30 =	vadd.f32 v26, v38;
	v26 =	vld [tilespmem:s3+$0xF0]  }
0x46c: {  	s29 =	simm.s32 $0x0;
	s30 =	simm.s32 $0xCF00;
	v32 =	vadd.f32 v35, v38;
	v16 =	vadd.f32 v16, v20;
	v20 =	vld.msk [tilespmem:s28+$0x2 ss:$0x0], $0xffff;
	v34 =	vmul.f32 v42, v34  }
.LBB2_21:
0x46d: {  	v35 =	vld [tilespmem:s30+$0x80];
	v27 =	vadd.f32 v27, v31;
	v28 =	vadd.f32 v28, v30;
	v24 =	vmul.f32 v24, v13  }
0x46e: {  	v30 =	vld [tilespmem:s30+$0x90];
	v29 =	vadd.f32 v29, v33;
	v31 =	vadd.f32 v34, v32;
	v13 =	vmul.f32 v23, v13  }
0x46f: {  	v23 =	vld [tilespmem:s30+$0xA0];
	v21 =	vadd.f32 v21, v27;
	v22 =	vadd.f32 v22, v28;
	v25 =	vmul.f32 v25, v11  }
0x470: {  	v27 =	vld [tilespmem:s30+$0xB0];
	v24 =	vadd.f32 v24, v29;
	v13 =	vadd.f32 v13, v31;
	v11 =	vmul.f32 v26, v11  }
0x471: {  	v26 =	vld [tilespmem:s30+$0xC0];
	v29 =	vadd.f32 v14, v21;
	v32 =	vadd.f32 v15, v22  }
0x472: {  	s28 =	sadd.s32 $0x4, s28;
	v15 =	vld [tilespmem:s30+$0xD0];
	v33 =	vadd.f32 v25, v24;
	v34 =	vadd.f32 v11, v13  }
0x473: {  	v11 =	vld.msk [tilespmem:s28+$0x1 ss:$0x0], $0xffff  }
0x474: {  	v21 =	vld [tilespmem:s30+$0x0]  }
0x475: {  	v13 =	vld [tilespmem:s30+$0xFFFFFF00]  }
0x476: {  	v14 =	vld [tilespmem:s30+$0xFFFFFF10]  }
0x477: {  	v22 =	vld [tilespmem:s30+$0xFFFFFF20]  }
0x478: {  	v24 =	vld [tilespmem:s30+$0xFFFFFF30]  }
0x479: {  	v25 =	vld [tilespmem:s30+$0xFFFFFF40]  }
0x47a: {  	v28 =	vld [tilespmem:s30+$0xFFFFFF50]  }
0x47b: {  	v31 =	vld [tilespmem:s30+$0xFFFFFF60]  }
0x47c: {  	v36 =	vld [tilespmem:s30+$0xFFFFFF70]  }
0x47d: {  	v37 =	vld [tilespmem:s30+$0x10]  }
0x47e: {  	v38 =	vmul.f32 v13, v20;
	v39 =	vmul.f32 v14, v20;
	v13 =	vld.msk [tilespmem:s28+$0x0 ss:$0x0], $0xffff  }
0x47f: {  	v22 =	vmul.f32 v22, v20;
	v24 =	vmul.f32 v24, v20;
	v40 =	vld [tilespmem:s30+$0xFFFFFF80]  }
0x480: {  	v42 =	vmul.f32 v25, v20;
	v43 =	vmul.f32 v28, v20;
	v41 =	vld.msk [tilespmem:s28+$0xFFFFFFFF ss:$0x0], $0xffff  }
0x481: {  	v44 =	vmul.f32 v31, v20;
	v20 =	vmul.f32 v36, v20;
	v25 =	vld [tilespmem:s30+$0xFFFFFF90]  }
0x482: {  	v30 =	vmul.f32 v30, v11;
	v31 =	vmul.f32 v35, v11;
	v28 =	vld [tilespmem:s30+$0xFFFFFFA0]  }
0x483: {  	v45 =	vmul.f32 v27, v11;
	v36 =	vmul.f32 v23, v11;
	v35 =	vld [tilespmem:s30+$0xFFFFFFB0]  }
0x484: {  	v15 =	vmul.f32 v15, v11;
	v14 =	vmul.f32 v26, v11;
	v23 =	vld [tilespmem:s30+$0x20]  }
0x485: {  	v21 =	vmul.f32 v21, v13;
	v26 =	vmul.f32 v37, v13;
	v27 =	vld [tilespmem:s30+$0x30]  }
0x486: {  	v37 =	vmul.f32 v40, v41;
	v25 =	vmul.f32 v25, v41;
	v40 =	vld [tilespmem:s30+$0x40]  }
0x487: {  	v18 =	vadd.f32 v38, v18;
	v19 =	vadd.f32 v39, v19;
	v28 =	vmul.f32 v28, v41;
	v38 =	vld [tilespmem:s30+$0x50]  }
0x488: {  	v16 =	vadd.f32 v22, v16;
	v17 =	vadd.f32 v24, v17;
	v22 =	vmul.f32 v35, v41;
	v35 =	vld [tilespmem:s30+$0xFFFFFFC0]  }
0x489: {  	s29 =	sadd.s32 $0x4, s29;
	v18 =	vadd.f32 v37, v18;
	v19 =	vadd.f32 v25, v19;
	v25 =	vld [tilespmem:s30+$0xFFFFFFD0];
	v23 =	vmul.f32 v23, v13  }
0x48a: {  	p0 =	slt.u32 s29, $0x2C;
	v16 =	vadd.f32 v28, v16;
	v17 =	vadd.f32 v22, v17;
	v37 =	vld [tilespmem:s30+$0xFFFFFFE0];
	v22 =	vmul.f32 v27, v13  }
0x48b: {  	v18 =	vadd.f32 v21, v18;
	v19 =	vadd.f32 v26, v19;
	v39 =	vld [tilespmem:s30+$0xFFFFFFF0];
	v21 =	vmul.f32 v40, v13  }
.Ltmp9:
0x48c: {  	v16 =	vadd.f32 v23, v16;
	v17 =	vadd.f32 v22, v17;
	v22 =	vmul.f32 v38, v13;
	v24 =	vld [tilespmem:s30+$0x60];
	(pc) =	sbr.rel @p0 .LBB2_21-.Ltmp9, $4  }
0x48d: {  	v18 =	vadd.f32 v31, v18;
	v19 =	vadd.f32 v30, v19;
	v27 =	vmul.f32 v35, v41;
	v23 =	vld [tilespmem:s30+$0x70]  }
0x48e: {  	v16 =	vadd.f32 v36, v16;
	v28 =	vmul.f32 v25, v41;
	v17 =	vadd.f32 v45, v17;
	v25 =	vld [tilespmem:s30+$0xE0]  }
0x48f: {  	v31 =	vadd.f32 v42, v29;
	v30 =	vadd.f32 v43, v32;
	v29 =	vmul.f32 v37, v41;
	v26 =	vld [tilespmem:s30+$0xF0]  }
0x490: {  	v33 =	vadd.f32 v44, v33;
	v32 =	vadd.f32 v20, v34;
	s30 =	sadd.s32 $0x200, s30;
	v34 =	vmul.f32 v39, v41;
	v20 =	vld.msk [tilespmem:s28+$0x2 ss:$0x0], $0xffff  }
0x491: {  	v35 =	vld.msk [tilespmem:$0xE831 ss:$0x0], $0xffff  }
0x492: {  	v36 =	vld [tilespmem:$0xE400]  }
0x493: {  	v37 =	vld [tilespmem:$0xE410]  }
0x494: {  	v38 =	vld [tilespmem:$0xE420]  }
0x495: {  	v58 =	vld [tilespmem:$0xE430]  }
0x496: {  	v27 =	vadd.f32 v27, v31;
	v28 =	vadd.f32 v28, v30;
	v59 =	vld [tilespmem:$0xE440];
	v24 =	vmul.f32 v24, v13  }
0x497: {  	v61 =	vld [tilespmem:$0xE450];
	v29 =	vadd.f32 v29, v33;
	v32 =	vadd.f32 v34, v32;
	v60 =	vmul.f32 v23, v13  }
0x498: {  	v62 =	vld [tilespmem:$0xE460];
	v21 =	vadd.f32 v21, v27;
	v22 =	vadd.f32 v22, v28  }
0x499: {  	v63 =	vld [tilespmem:$0xE470];
	v25 =	vmul.f32 v25, v11;
	v24 =	vadd.f32 v24, v29;
	v13 =	vadd.f32 v60, v32  }
0x49a: {  	v33 =	vld [tilespmem:$0xE480];
	v32 =	vmul.f32 v26, v11;
	v14 =	vadd.f32 v14, v21;
	v36 =	vmul.f32 v36, v20  }
0x49b: {  	v39 =	vld [tilespmem:$0xE490];
	v15 =	vadd.f32 v15, v22;
	v37 =	vmul.f32 v37, v20;
	v40 =	vmul.f32 v38, v20  }
0x49c: {  	v42 =	vld [tilespmem:$0xE4A0];
	v34 =	vadd.f32 v25, v24;
	v41 =	vmul.f32 v58, v20;
	v43 =	vmul.f32 v59, v20  }
0x49d: {  	v44 =	vld [tilespmem:$0xE4B0];
	v11 =	vadd.f32 v32, v13;
	v46 =	vmul.f32 v61, v20;
	v48 =	vmul.f32 v62, v20  }
0x49e: {  	v47 =	vld [tilespmem:$0xE4C0];
	v50 =	vmul.f32 v63, v20;
	v18 =	vadd.f32 v36, v18;
	v19 =	vadd.f32 v37, v19  }
0x49f: {  	v49 =	vld [tilespmem:$0xE4D0];
	v21 =	vmul.f32 v33, v35;
	v13 =	vadd.f32 v40, v16;
	v45 =	vadd.f32 v41, v17  }
0x4a0: {  	v52 =	vld [tilespmem:$0xE4E0];
	v51 =	vmul.f32 v39, v35;
	v14 =	vadd.f32 v43, v14;
	v15 =	vadd.f32 v46, v15  }
0x4a1: {  	v54 =	vld [tilespmem:$0xE4F0];
	v53 =	vmul.f32 v42, v35;
	v22 =	vadd.f32 v48, v34;
	v18 =	vadd.f32 v21, v18  }
0x4a2: {  	v56 =	vmul.f32 v44, v35;
	v11 =	vadd.f32 v50, v11;
	v55 =	vadd.f32 v51, v19  }
0x4a3: {  	s0 =	sshll.u32 s26, $0x7;
	v57 =	vmul.f32 v47, v35;
	v13 =	vadd.f32 v53, v13;
	v12 =	vadd.f32 v18, v12  }
0x4a4: {  	s0 =	sand.u32 $0x3FFFFF80, s0;
	v58 =	vmul.f32 v49, v35;
	v16 =	vadd.f32 v56, v45;
	v5 =	vadd.f32 v55, v5  }
0x4a5: {  	v59 =	vmul.f32 v52, v35;
	v14 =	vadd.f32 v57, v14;
	v4 =	vadd.f32 v13, v4;
	[tilespmem:s0+$0xE880] =	vst v12  }
0x4a6: {  	s25 =	sadd.s32 $0x1, s25;
	v61 =	vmul.f32 v54, v35;
	v60 =	vadd.f32 v58, v15;
	[tilespmem:s0+$0xE890] =	vst v5;
	v5 =	vadd.f32 v16, v6  }
0x4a7: {  	p0 =	sne.s32 s25, $0x10;
	v62 =	vadd.f32 v59, v22;
	[tilespmem:s0+$0xE8A0] =	vst v4;
	v4 =	vadd.f32 v14, v7  }
.Ltmp10:
0x4a8: {  	v63 =	vadd.f32 v61, v11;
	[tilespmem:s0+$0xE8B0] =	vst v5;
	v5 =	vadd.f32 v60, v8;
	(pc) =	sbr.rel @p0 .LBB2_2-.Ltmp10, $4  }
0x4a9: {  	[tilespmem:s0+$0xE8C0] =	vst v4;
	v4 =	vadd.f32 v62, v9  }
0x4aa: {  	[tilespmem:s0+$0xE8D0] =	vst v5;
	v5 =	vadd.f32 v63, v10  }
0x4ab: {  	[tilespmem:s0+$0xE8E0] =	vst v4  }
0x4ac: {  	[tilespmem:s0+$0xE8F0] =	vst v5  }
0x4ad: {  	s24 =	sadd.s32 $0x1, s24  }
0x4ae: {  	p0 =	sne.s32 s24, s8  }
.Ltmp11:
0x4af: {  	_ = 	snop;
	(pc) =	sbr.rel @p0 .LBB2_1-.Ltmp11, $4  }
0x4b0: {  	[hbm4b:s7+s5] =	stream.linear.scatter [tilespmem:s23], [sflag:$0x4], $0x1000, $0x38;
	[tilespmem:$0xF880] =	vst v63  }
0x4b1: {  	_ =	swait.ge [sflag:s9], $0x1000  }
0x4b2: {  	[sflag:s9] =	ssyncset.done $0x0  }
0x4b3: {  	[sflag:s9] =	ssyncadd.s32 $0xFFFFF000  }
0x4b4: {  	_ =	sfence.sel $0x180000  }
0x4b5: {  	[bflag:$0x0] =	sbarrier.arrive $0xFFFF  }
0x4b6: {  	_ =	strace $0x90000047  }
0x4b7: {  	s0 =	stileid.u32;
	[bflag:$0x2] =	sbarrier.arrive $0xFFFF  }
0x4b8: {  	p0 =	sne.s32 s0, $0x0;
	s0 =	rddreg [dreg:$0x5]  }
0x4b9: {  	s0 =	sadd.s32 @!p0 $0x100000, s0  }
0x4ba: {  	[sflag:s0] =	ssyncadd.tile.s32 @!p0 $0x1;
	_ =	shalt  }
.Lfunc_end2:
_tile_overlayer_lowered:
.L_overlay_start_2:
0x4bb: {  	(tag) =	ssettag $0x2  }
0x4bc: {  	s0 =	rddreg [dreg:$0x0];
	s2 =	stileid.u32  }
0x4bd: {  	s1 =	rddreg [dreg:$0x1];
	p0 =	sne.s32 s2, $0x0  }
0x4be: {  	s3 =	rddreg [dreg:$0x2];
	[bflag:$0x3] =	sbarrier.arrive $0xFFFF;
	s2 =	simm.s32 @!p0 $0x1C04  }
0x4bf: {  	[timem:s3], [sflag:s2] =	dma.local @!p0 [hbm:s0], s1  }
0x4c0: {  	s0 =	simm.s32 @!p0 $0x4  }
0x4c1: {  	_ =	swait.ge @!p0 [sflag:s0], s1  }
0x4c2: {  	s1 =	ssub.s32 @!p0 $0x0, s1;
	[sflag:s0] =	ssyncset.done @!p0 $0x0  }
0x4c3: {  	[sflag:s0] =	ssyncadd.s32 @!p0 s1  }
0x4c4: {  	[bflag:$0x3] =	sbarrier.arrive $0xFFFF  }
0x4c5: {  	_ =	shalt  }

</sc_bundles>
